<compile_context>
chip_gen: v7x
topology: tpu7x:2x2x1
jax: 0.10.2.dev20260603
libtpu: 0.0.44.dev20260713+nightly
codegen_flags: <defaults>
</compile_context>

<pallas_src>
import functools

import jax
import jax.numpy as jnp
from jax import lax
from jax.experimental import pallas as pl
from jax.experimental.pallas import tpu as pltpu
from jax.experimental.pallas import tpu_sc as plsc

EMBED_D = 128
N_LAYERS = 2
N_TYPES = 3
NODE_COUNT = 100000
MIN_SIZE = 10
BATCH = 1024
N_TRIPLE = 3
N_CHAIN = N_LAYERS * N_TYPES
N_PAIR = N_CHAIN // 2
D2 = 2 * EMBED_D

NEIGH_ROWS = N_CHAIN * BATCH * MIN_SIZE
CENT_ROWS = BATCH

NC = 2
NS = 16
NW = NC * NS
CHUNK = 128
N_PER_W = NEIGH_ROWS // NW
NCH = N_PER_W // CHUNK
C_PER_W = CENT_ROWS // NW


def _sc_gather(tab_flat, idx_c, idx_n):
    mesh = plsc.VectorSubcoreMesh(core_axis_name="c", subcore_axis_name="s")

    @functools.partial(
        pl.kernel,
        mesh=mesh,
        out_type=(
            jax.ShapeDtypeStruct((CENT_ROWS, EMBED_D), jnp.float32),
            jax.ShapeDtypeStruct((NEIGH_ROWS, EMBED_D), jnp.float32),
        ),
        scratch_types=[
            pltpu.VMEM((C_PER_W,), jnp.int32),
            pltpu.VMEM((C_PER_W, EMBED_D), jnp.float32),
            pltpu.VMEM((CHUNK,), jnp.int32),
            pltpu.VMEM((CHUNK,), jnp.int32),
            pltpu.VMEM((CHUNK, EMBED_D), jnp.float32),
            pltpu.VMEM((CHUNK, EMBED_D), jnp.float32),
            pltpu.SemaphoreType.DMA,
            pltpu.SemaphoreType.DMA,
            pltpu.SemaphoreType.DMA,
        ],
    )
    def k(tab, ic, inn, oc, on, civ, crv, iv0, iv1, rv0, rv1, sem_c, sem0, sem1):
        wid = lax.axis_index("s") * NC + lax.axis_index("c")
        cbase = wid * C_PER_W
        pltpu.sync_copy(ic.at[pl.ds(cbase, C_PER_W)], civ)
        ccp = pltpu.async_copy(tab.at[civ], crv, sem_c)

        nbase = wid * N_PER_W
        ivs = (iv0, iv1)
        rvs = (rv0, rv1)
        sems = (sem0, sem1)
        pltpu.sync_copy(inn.at[pl.ds(nbase, CHUNK)], ivs[0])
        cps = [pltpu.async_copy(tab.at[ivs[0]], rvs[0], sems[0]), None]
        for i in range(NCH):
            b = i % 2
            nb = (i + 1) % 2
            if i + 1 < NCH:
                pltpu.sync_copy(inn.at[pl.ds(nbase + (i + 1) * CHUNK, CHUNK)], ivs[nb])
                cps[nb] = pltpu.async_copy(tab.at[ivs[nb]], rvs[nb], sems[nb])
            cps[b].wait()
            pltpu.sync_copy(rvs[b], on.at[pl.ds(nbase + i * CHUNK, CHUNK)])
        ccp.wait()
        pltpu.sync_copy(crv, oc.at[pl.ds(cbase, C_PER_W)])

    return k(tab_flat, idx_c, idx_n)


_DN = (((1,), (1,)), ((), ()))
_PREC = lax.Precision.DEFAULT


def _tc_body(nref, cref, wibd, whbd, bbd, sw, oref):
    bb = cref.shape[0]
    cur = cref[...]

    pres = []
    for p in range(N_PAIR):
        x2 = nref[p].reshape(MIN_SIZE * bb, D2)
        pre = lax.dot_general(x2, wibd[p], _DN,
                              preferred_element_type=jnp.float32,
                              precision=_PREC)
        pre = pre + bbd[p][None, :]
        pres.append(pre.reshape(MIN_SIZE, bb, D2))

    hs = [jnp.zeros((bb, D2), jnp.float32) for _ in range(N_PAIR)]
    accs = [jnp.zeros((bb, D2), jnp.float32) for _ in range(N_PAIR)]
    for s in range(MIN_SIZE):
        for p in range(N_PAIR):
            hp = jnp.tanh(pres[p][s]
                          + lax.dot_general(hs[p], whbd[p], _DN,
                                            preferred_element_type=jnp.float32,
                                            precision=_PREC))
            hs[p] = hp
            accs[p] = accs[p] + hp

    inv = jnp.float32(1.0 / MIN_SIZE)
    for l in range(N_LAYERS):
        w1 = sw[0, l:l + 1, 0:EMBED_D]
        w2 = sw[0, l:l + 1, EMBED_D:2 * EMBED_D]
        base = jnp.sum(cur * w1, axis=1, keepdims=True)
        aggs = []
        for t in range(N_TYPES):
            k = l * N_TYPES + t
            ph, hh = divmod(k, 2)
            aggs.append(accs[ph][:, hh * EMBED_D:(hh + 1) * EMBED_D] * inv)
        logits = [base + jnp.sum(cur * w2, axis=1, keepdims=True)]
        logits += [base + jnp.sum(a * w2, axis=1, keepdims=True) for a in aggs]
        m = jnp.maximum(jnp.maximum(logits[0], logits[1]),
                        jnp.maximum(logits[2], logits[3]))
        es = [jnp.exp(x - m) for x in logits]
        den = es[0] + es[1] + es[2] + es[3]
        new = es[0] * cur
        for t in range(N_TYPES):
            new = new + es[1 + t] * aggs[t]
        new = new / den
        cur = jnp.where(new >= 0, new, jnp.float32(0.01) * new)

    oref[...] = cur


def _tc_compute(neigh, cent, W_ibd, W_hbd, b_bd, sem_t, bb=256):
    nb = BATCH // bb
    return pl.pallas_call(
        _tc_body,
        grid=(nb,),
        in_specs=[
            pl.BlockSpec((N_PAIR, MIN_SIZE, bb, D2), lambda j: (0, 0, j, 0)),
            pl.BlockSpec((bb, EMBED_D), lambda j: (j, 0)),
            pl.BlockSpec(W_ibd.shape, lambda j: (0, 0, 0)),
            pl.BlockSpec(W_hbd.shape, lambda j: (0, 0, 0)),
            pl.BlockSpec(b_bd.shape, lambda j: (0, 0)),
            pl.BlockSpec(sem_t.shape, lambda j: (0, 0, 0)),
        ],
        out_specs=pl.BlockSpec((bb, EMBED_D), lambda j: (j, 0)),
        out_shape=jax.ShapeDtypeStruct((BATCH, EMBED_D), jnp.float32),
        compiler_params=pltpu.CompilerParams(
            dimension_semantics=("parallel",)),
    )(neigh, cent, W_ibd, W_hbd, b_bd, sem_t)


def _block_diag_pairs(W):
    out = jnp.zeros((N_PAIR, D2, D2), jnp.float32)
    out = out.at[:, :EMBED_D, :EMBED_D].set(W[0::2])
    out = out.at[:, EMBED_D:, EMBED_D:].set(W[1::2])
    return out


def kernel(c_idx, pos_idx, neg_idx, neigh_c, neigh_pos, neigh_neg,
           tables, W_ih, W_hh, b_ih, b_hh, sem_w):
    tab_flat = tables.reshape(N_TYPES * NODE_COUNT, EMBED_D)
    toff = (jnp.arange(N_TYPES, dtype=jnp.int32) * NODE_COUNT)[None, :, None, None]

    def flat_n(n):
        x = (n.astype(jnp.int32) + toff).reshape(N_PAIR, 2, BATCH, MIN_SIZE)
        return x.transpose(0, 3, 2, 1).reshape(-1)

    W_ibd = _block_diag_pairs(W_ih.reshape(N_CHAIN, EMBED_D, EMBED_D))
    W_hbd = _block_diag_pairs(W_hh.reshape(N_CHAIN, EMBED_D, EMBED_D))
    b_bd = (b_ih + b_hh).reshape(N_PAIR, D2)

    triples = (
        (c_idx.astype(jnp.int32), flat_n(neigh_c), 0),
        (pos_idx.astype(jnp.int32) + NODE_COUNT, flat_n(neigh_pos), 1),
        (neg_idx.astype(jnp.int32) + NODE_COUNT, flat_n(neigh_neg), 1),
    )

    outs = []
    for idx_c, idx_n, ntype in triples:
        cent, neigh = _sc_gather(tab_flat, idx_c, idx_n)
        neigh = neigh.reshape(N_PAIR, MIN_SIZE, BATCH, D2)
        sem_t = sem_w[:, ntype][None]
        outs.append(_tc_compute(neigh, cent, W_ibd, W_hbd, b_bd, sem_t))
    return tuple(outs)

# --- scband reference (transcript-rebuilt; emitter-appended) ---
"""Pipeline reference for scband-het-agg-2576980377820 (READ-ONLY COPY).

The authoritative reference and input builder live on the scoring server;
editing this copy changes nothing except your own understanding.
"""

import jax, jax.numpy as jnp
import numpy as np

EMBED_D = 128
N_LAYERS = 2
N_TYPES = 3
NODE_COUNT = 100000
MIN_SIZE = 10
BATCH = 1024


def setup_inputs(seed: int = 0) -> dict:
    key = jax.random.key(seed)
    ks = jax.random.split(key, 12)
    inp = {}
    inp["c_idx"] = jax.random.randint(ks[0], (BATCH,), 0, NODE_COUNT)
    inp["pos_idx"] = jax.random.randint(ks[1], (BATCH,), 0, NODE_COUNT)
    inp["neg_idx"] = jax.random.randint(ks[2], (BATCH,), 0, NODE_COUNT)
    inp["neigh_c"] = jax.random.randint(ks[3], (N_LAYERS, N_TYPES, BATCH, MIN_SIZE), 0, NODE_COUNT)
    inp["neigh_pos"] = jax.random.randint(ks[4], (N_LAYERS, N_TYPES, BATCH, MIN_SIZE), 0, NODE_COUNT)
    inp["neigh_neg"] = jax.random.randint(ks[5], (N_LAYERS, N_TYPES, BATCH, MIN_SIZE), 0, NODE_COUNT)
    # learned parameters
    inp["tables"] = jax.random.normal(ks[6], (N_TYPES, NODE_COUNT, EMBED_D), dtype=jnp.float32) * 0.02
    inp["W_ih"] = jax.random.normal(ks[7], (N_LAYERS, N_TYPES, EMBED_D, EMBED_D), dtype=jnp.float32) * (1.0 / np.sqrt(EMBED_D))
    inp["W_hh"] = jax.random.normal(ks[8], (N_LAYERS, N_TYPES, EMBED_D, EMBED_D), dtype=jnp.float32) * (1.0 / np.sqrt(EMBED_D))
    inp["b_ih"] = jnp.full((N_LAYERS, N_TYPES, EMBED_D), 0.1, dtype=jnp.float32)
    inp["b_hh"] = jnp.full((N_LAYERS, N_TYPES, EMBED_D), 0.1, dtype=jnp.float32)
    inp["sem_w"] = jax.random.normal(ks[9], (N_LAYERS, N_TYPES, 2 * EMBED_D), dtype=jnp.float32) * 0.05
    return inp


def _node_het_agg(idx, node_type, neigh_idx, tables, W_ih, W_hh, b_ih, b_hh, sem_w):
    # content aggregation: embedding lookup of the batch nodes (conteng_agg)
    cur = jnp.take(tables[node_type], idx, axis=0)  # [B, d]
    for l in range(N_LAYERS):
        aggs = []
        for t in range(N_TYPES):
            # gather sampled neighbor embeddings of type t from the type-t table
            flat = neigh_idx[l, t].reshape(-1)
            ne = jnp.take(tables[t], flat, axis=0).reshape(BATCH, MIN_SIZE, EMBED_D)
            x = jnp.transpose(ne, (1, 0, 2))  # [S, B, d] as torch RNN expects
            h = jnp.zeros((BATCH, EMBED_D), dtype=jnp.float32)
            acc = jnp.zeros((BATCH, EMBED_D), dtype=jnp.float32)
            for s in range(MIN_SIZE):
                h = jnp.tanh(x[s] @ W_ih[l, t].T + b_ih[l, t] + h @ W_hh[l, t].T + b_hh[l, t])
                acc = acc + h
            aggs.append(acc / MIN_SIZE)  # mean over all RNN states
        # semantic attention over [self||self] and [self||agg_t]
        concat = jnp.stack([jnp.concatenate([cur, cur], axis=1)] + [jnp.concatenate([cur, a], axis=1) for a in aggs], axis=1)  # [B, 1+T, 2d]
        att = jax.nn.softmax(concat @ sem_w[l, node_type], axis=1)[..., None]  # [B, 1+T, 1]
        emb = jnp.stack([cur] + aggs, axis=1)  # [B, 1+T, d]
        cur = jax.nn.leaky_relu(jnp.sum(att * emb, axis=1), negative_slope=0.01)
    return cur


def reference(c_idx, pos_idx, neg_idx, neigh_c, neigh_pos, neigh_neg, tables, W_ih, W_hh, b_ih, b_hh, sem_w):
    # het_agg(triple_pair=(0,1), ...): center uses node type 0, pos/neg use node type 1
    c_agg = _node_het_agg(c_idx, 0, neigh_c, tables, W_ih, W_hh, b_ih, b_hh, sem_w)
    p_agg = _node_het_agg(pos_idx, 1, neigh_pos, tables, W_ih, W_hh, b_ih, b_hh, sem_w)
    n_agg = _node_het_agg(neg_idx, 1, neigh_neg, tables, W_ih, W_hh, b_ih, b_hh, sem_w)
    return (c_agg, p_agg, n_agg)

if __name__ == "__main__":
    import jax
    _d = setup_inputs()
    print(jax.jit(kernel)(*tuple(_d.values())))

</pallas_src>

<mosaic_0001>
#map = affine_map<(d0, d1) -> (0, 0)>
#map1 = affine_map<(d0, d1) -> (0)>
module attributes {stable_mosaic.version = 14 : i64} {
  func.func @k(%arg0: i32, %arg1: i32, %arg2: memref<300000x128xf32, #tpu.memory_space<hbm>>, %arg3: memref<1024xi32, #tpu.memory_space<hbm>>, %arg4: memref<61440xi32, #tpu.memory_space<hbm>>, %arg5: memref<1024x128xf32, #tpu.memory_space<hbm>>, %arg6: memref<61440x128xf32, #tpu.memory_space<hbm>>, %arg7: memref<32xi32, #tpu.memory_space<vmem>>, %arg8: memref<32x128xf32, #tpu.memory_space<vmem>>, %arg9: memref<128xi32, #tpu.memory_space<vmem>>, %arg10: memref<128xi32, #tpu.memory_space<vmem>>, %arg11: memref<128x128xf32, #tpu.memory_space<vmem>>, %arg12: memref<128x128xf32, #tpu.memory_space<vmem>>, %arg13: memref<!tpu.dma_semaphore, #tpu.memory_space<semaphore_mem>>, %arg14: memref<!tpu.dma_semaphore, #tpu.memory_space<semaphore_mem>>, %arg15: memref<!tpu.dma_semaphore, #tpu.memory_space<semaphore_mem>>) attributes {dimension_semantics = [#tpu.dimension_semantics<core_parallel>, #tpu.dimension_semantics<subcore_parallel>], iteration_bounds = array<i64: 2, 16>, scalar_prefetch = 0 : i64, scratch_operands = 9 : i64, tpu.core_type = #tpu.core_type<sc_vector_subcore>, window_params = [{transform_indices = #map}, {transform_indices = #map1}, {transform_indices = #map1}, {transform_indices = #map}, {transform_indices = #map}]} {
    %mul3A = arith.constant 2 : i32
    %mul3A_0 = arith.muli %arg1, %mul3A : i32
    %add3A = arith.addi %mul3A_0, %arg0 : i32
    %mul3A_1 = arith.constant 32 : i32
    %mul3A_2 = arith.muli %add3A, %mul3A_1 : i32
    "tpu.region"() ({
      %run_scoped3A = tpu.sem_alloc : memref<!tpu.dma_semaphore, #tpu.memory_space<semaphore_mem>>
      %dma_start3A_157 = tpu.memref_slice %arg3[%mul3A_2] : memref<1024xi32, #tpu.memory_space<hbm>> -> memref<32xi32, #tpu.memory_space<hbm>>
      %dma_start3A_158 = tpu.memref_slice %arg3[%mul3A_2] : memref<1024xi32, #tpu.memory_space<hbm>> -> memref<32xi32, #tpu.memory_space<hbm>>
      tpu.enqueue_dma source(%dma_start3A_158 : memref<32xi32, #tpu.memory_space<hbm>>) target(%arg7 : memref<32xi32, #tpu.memory_space<vmem>>) target_semaphore(%run_scoped3A : memref<!tpu.dma_semaphore, #tpu.memory_space<semaphore_mem>>)
      %dma_wait3A_159 = tpu.memref_slice %arg3[%mul3A_2] : memref<1024xi32, #tpu.memory_space<hbm>> -> memref<32xi32, #tpu.memory_space<hbm>>
      %dma_wait3A_160 = tpu.memref_slice %arg3[%mul3A_2] : memref<1024xi32, #tpu.memory_space<hbm>> -> memref<32xi32, #tpu.memory_space<hbm>>
      tpu.wait_dma2 semaphore(%run_scoped3A : memref<!tpu.dma_semaphore, #tpu.memory_space<semaphore_mem>>) src(%dma_wait3A_160 : memref<32xi32, #tpu.memory_space<hbm>>) dst(%arg7 : memref<32xi32, #tpu.memory_space<vmem>>)
      tpu.yield
    }) : () -> ()
    %dma_start3A = arith.constant 0 : i32
    %dma_start3A_3 = arith.constant 0 : i32
    %dma_start3A_4 = tpu.memref_slice %arg2[%dma_start3A, %dma_start3A_3] : memref<300000x128xf32, #tpu.memory_space<hbm>> -> memref<300000x128xf32, #tpu.memory_space<hbm>>
    tpu.enqueue_indirect_dma source(%dma_start3A_4 : memref<300000x128xf32, #tpu.memory_space<hbm>>) target(%arg8 : memref<32x128xf32, #tpu.memory_space<vmem>>) offsets(%arg7 : memref<32xi32, #tpu.memory_space<vmem>>) semaphore(%arg13 : memref<!tpu.dma_semaphore, #tpu.memory_space<semaphore_mem>>)
    %mul3A_5 = arith.constant 1920 : i32
    %mul3A_6 = arith.muli %add3A, %mul3A_5 : i32
    "tpu.region"() ({
      %run_scoped3A = tpu.sem_alloc : memref<!tpu.dma_semaphore, #tpu.memory_space<semaphore_mem>>
      %dma_start3A_157 = tpu.memref_slice %arg4[%mul3A_6] : memref<61440xi32, #tpu.memory_space<hbm>> -> memref<128xi32, #tpu.memory_space<hbm>>
      %dma_start3A_158 = tpu.memref_slice %arg4[%mul3A_6] : memref<61440xi32, #tpu.memory_space<hbm>> -> memref<128xi32, #tpu.memory_space<hbm>>
      tpu.enqueue_dma source(%dma_start3A_158 : memref<128xi32, #tpu.memory_space<hbm>>) target(%arg9 : memref<128xi32, #tpu.memory_space<vmem>>) target_semaphore(%run_scoped3A : memref<!tpu.dma_semaphore, #tpu.memory_space<semaphore_mem>>)
      %dma_wait3A_159 = tpu.memref_slice %arg4[%mul3A_6] : memref<61440xi32, #tpu.memory_space<hbm>> -> memref<128xi32, #tpu.memory_space<hbm>>
      %dma_wait3A_160 = tpu.memref_slice %arg4[%mul3A_6] : memref<61440xi32, #tpu.memory_space<hbm>> -> memref<128xi32, #tpu.memory_space<hbm>>
      tpu.wait_dma2 semaphore(%run_scoped3A : memref<!tpu.dma_semaphore, #tpu.memory_space<semaphore_mem>>) src(%dma_wait3A_160 : memref<128xi32, #tpu.memory_space<hbm>>) dst(%arg9 : memref<128xi32, #tpu.memory_space<vmem>>)
      tpu.yield
    }) : () -> ()
    %dma_start3A_7 = arith.constant 0 : i32
    %dma_start3A_8 = arith.constant 0 : i32
    %dma_start3A_9 = tpu.memref_slice %arg2[%dma_start3A_7, %dma_start3A_8] : memref<300000x128xf32, #tpu.memory_space<hbm>> -> memref<300000x128xf32, #tpu.memory_space<hbm>>
    tpu.enqueue_indirect_dma source(%dma_start3A_9 : memref<300000x128xf32, #tpu.memory_space<hbm>>) target(%arg11 : memref<128x128xf32, #tpu.memory_space<vmem>>) offsets(%arg9 : memref<128xi32, #tpu.memory_space<vmem>>) semaphore(%arg14 : memref<!tpu.dma_semaphore, #tpu.memory_space<semaphore_mem>>)
    %add3A_10 = arith.constant 128 : i32
    %add3A_11 = arith.addi %mul3A_6, %add3A_10 : i32
    "tpu.region"() ({
      %run_scoped3A = tpu.sem_alloc : memref<!tpu.dma_semaphore, #tpu.memory_space<semaphore_mem>>
      %dma_start3A_157 = tpu.memref_slice %arg4[%add3A_11] : memref<61440xi32, #tpu.memory_space<hbm>> -> memref<128xi32, #tpu.memory_space<hbm>>
      %dma_start3A_158 = tpu.memref_slice %arg4[%add3A_11] : memref<61440xi32, #tpu.memory_space<hbm>> -> memref<128xi32, #tpu.memory_space<hbm>>
      tpu.enqueue_dma source(%dma_start3A_158 : memref<128xi32, #tpu.memory_space<hbm>>) target(%arg10 : memref<128xi32, #tpu.memory_space<vmem>>) target_semaphore(%run_scoped3A : memref<!tpu.dma_semaphore, #tpu.memory_space<semaphore_mem>>)
      %dma_wait3A_159 = tpu.memref_slice %arg4[%add3A_11] : memref<61440xi32, #tpu.memory_space<hbm>> -> memref<128xi32, #tpu.memory_space<hbm>>
      %dma_wait3A_160 = tpu.memref_slice %arg4[%add3A_11] : memref<61440xi32, #tpu.memory_space<hbm>> -> memref<128xi32, #tpu.memory_space<hbm>>
      tpu.wait_dma2 semaphore(%run_scoped3A : memref<!tpu.dma_semaphore, #tpu.memory_space<semaphore_mem>>) src(%dma_wait3A_160 : memref<128xi32, #tpu.memory_space<hbm>>) dst(%arg10 : memref<128xi32, #tpu.memory_space<vmem>>)
      tpu.yield
    }) : () -> ()
    %dma_start3A_12 = arith.constant 0 : i32
    %dma_start3A_13 = arith.constant 0 : i32
    %dma_start3A_14 = tpu.memref_slice %arg2[%dma_start3A_12, %dma_start3A_13] : memref<300000x128xf32, #tpu.memory_space<hbm>> -> memref<300000x128xf32, #tpu.memory_space<hbm>>
    tpu.enqueue_indirect_dma source(%dma_start3A_14 : memref<300000x128xf32, #tpu.memory_space<hbm>>) target(%arg12 : memref<128x128xf32, #tpu.memory_space<vmem>>) offsets(%arg10 : memref<128xi32, #tpu.memory_space<vmem>>) semaphore(%arg15 : memref<!tpu.dma_semaphore, #tpu.memory_space<semaphore_mem>>)
    %dma_wait3A = arith.constant 0 : i32
    %dma_wait3A_15 = arith.constant 0 : i32
    %dma_wait3A_16 = tpu.memref_slice %arg2[%dma_wait3A, %dma_wait3A_15] : memref<300000x128xf32, #tpu.memory_space<hbm>> -> memref<300000x128xf32, #tpu.memory_space<hbm>>
    tpu.wait_indirect_dma semaphore(%arg14 : memref<!tpu.dma_semaphore, #tpu.memory_space<semaphore_mem>>) src(%dma_wait3A_16 : memref<300000x128xf32, #tpu.memory_space<hbm>>) dst(%arg11 : memref<128x128xf32, #tpu.memory_space<vmem>>)
    %add3A_17 = arith.constant 0 : i32
    %add3A_18 = arith.addi %mul3A_6, %add3A_17 : i32
    "tpu.region"() ({
      %run_scoped3A = tpu.sem_alloc : memref<!tpu.dma_semaphore, #tpu.memory_space<semaphore_mem>>
      %dma_start3A_157 = arith.constant 0 : i32
      %dma_start3A_158 = tpu.memref_slice %arg6[%add3A_18, %dma_start3A_157] : memref<61440x128xf32, #tpu.memory_space<hbm>> -> memref<128x128xf32, #tpu.memory_space<hbm>>
      %dma_start3A_159 = arith.constant 0 : i32
      %dma_start3A_160 = tpu.memref_slice %arg6[%add3A_18, %dma_start3A_159] : memref<61440x128xf32, #tpu.memory_space<hbm>> -> memref<128x128xf32, #tpu.memory_space<hbm>>
      tpu.enqueue_dma source(%arg11 : memref<128x128xf32, #tpu.memory_space<vmem>>) target(%dma_start3A_160 : memref<128x128xf32, #tpu.memory_space<hbm>>) target_semaphore(%run_scoped3A : memref<!tpu.dma_semaphore, #tpu.memory_space<semaphore_mem>>)
      %dma_wait3A_161 = arith.constant 0 : i32
      %dma_wait3A_162 = tpu.memref_slice %arg6[%add3A_18, %dma_wait3A_161] : memref<61440x128xf32, #tpu.memory_space<hbm>> -> memref<128x128xf32, #tpu.memory_space<hbm>>
      %dma_wait3A_163 = arith.constant 0 : i32
      %dma_wait3A_164 = tpu.memref_slice %arg6[%add3A_18, %dma_wait3A_163] : memref<61440x128xf32, #tpu.memory_space<hbm>> -> memref<128x128xf32, #tpu.memory_space<hbm>>
      tpu.wait_dma2 semaphore(%run_scoped3A : memref<!tpu.dma_semaphore, #tpu.memory_space<semaphore_mem>>) src(%arg11 : memref<128x128xf32, #tpu.memory_space<vmem>>) dst(%dma_wait3A_164 : memref<128x128xf32, #tpu.memory_space<hbm>>)
      tpu.yield
    }) : () -> ()
    %add3A_19 = arith.constant 256 : i32
    %add3A_20 = arith.addi %mul3A_6, %add3A_19 : i32
    "tpu.region"() ({
      %run_scoped3A = tpu.sem_alloc : memref<!tpu.dma_semaphore, #tpu.memory_space<semaphore_mem>>
      %dma_start3A_157 = tpu.memref_slice %arg4[%add3A_20] : memref<61440xi32, #tpu.memory_space<hbm>> -> memref<128xi32, #tpu.memory_space<hbm>>
      %dma_start3A_158 = tpu.memref_slice %arg4[%add3A_20] : memref<61440xi32, #tpu.memory_space<hbm>> -> memref<128xi32, #tpu.memory_space<hbm>>
      tpu.enqueue_dma source(%dma_start3A_158 : memref<128xi32, #tpu.memory_space<hbm>>) target(%arg9 : memref<128xi32, #tpu.memory_space<vmem>>) target_semaphore(%run_scoped3A : memref<!tpu.dma_semaphore, #tpu.memory_space<semaphore_mem>>)
      %dma_wait3A_159 = tpu.memref_slice %arg4[%add3A_20] : memref<61440xi32, #tpu.memory_space<hbm>> -> memref<128xi32, #tpu.memory_space<hbm>>
      %dma_wait3A_160 = tpu.memref_slice %arg4[%add3A_20] : memref<61440xi32, #tpu.memory_space<hbm>> -> memref<128xi32, #tpu.memory_space<hbm>>
      tpu.wait_dma2 semaphore(%run_scoped3A : memref<!tpu.dma_semaphore, #tpu.memory_space<semaphore_mem>>) src(%dma_wait3A_160 : memref<128xi32, #tpu.memory_space<hbm>>) dst(%arg9 : memref<128xi32, #tpu.memory_space<vmem>>)
      tpu.yield
    }) : () -> ()
    %dma_start3A_21 = arith.constant 0 : i32
    %dma_start3A_22 = arith.constant 0 : i32
    %dma_start3A_23 = tpu.memref_slice %arg2[%dma_start3A_21, %dma_start3A_22] : memref<300000x128xf32, #tpu.memory_space<hbm>> -> memref<300000x128xf32, #tpu.memory_space<hbm>>
    tpu.enqueue_indirect_dma source(%dma_start3A_23 : memref<300000x128xf32, #tpu.memory_space<hbm>>) target(%arg11 : memref<128x128xf32, #tpu.memory_space<vmem>>) offsets(%arg9 : memref<128xi32, #tpu.memory_space<vmem>>) semaphore(%arg14 : memref<!tpu.dma_semaphore, #tpu.memory_space<semaphore_mem>>)
    %dma_wait3A_24 = arith.constant 0 : i32
    %dma_wait3A_25 = arith.constant 0 : i32
    %dma_wait3A_26 = tpu.memref_slice %arg2[%dma_wait3A_24, %dma_wait3A_25] : memref<300000x128xf32, #tpu.memory_space<hbm>> -> memref<300000x128xf32, #tpu.memory_space<hbm>>
    tpu.wait_indirect_dma semaphore(%arg15 : memref<!tpu.dma_semaphore, #tpu.memory_space<semaphore_mem>>) src(%dma_wait3A_26 : memref<300000x128xf32, #tpu.memory_space<hbm>>) dst(%arg12 : memref<128x128xf32, #tpu.memory_space<vmem>>)
    %add3A_27 = arith.constant 128 : i32
    %add3A_28 = arith.addi %mul3A_6, %add3A_27 : i32
    "tpu.region"() ({
      %run_scoped3A = tpu.sem_alloc : memref<!tpu.dma_semaphore, #tpu.memory_space<semaphore_mem>>
      %dma_start3A_157 = arith.constant 0 : i32
      %dma_start3A_158 = tpu.memref_slice %arg6[%add3A_28, %dma_start3A_157] : memref<61440x128xf32, #tpu.memory_space<hbm>> -> memref<128x128xf32, #tpu.memory_space<hbm>>
      %dma_start3A_159 = arith.constant 0 : i32
      %dma_start3A_160 = tpu.memref_slice %arg6[%add3A_28, %dma_start3A_159] : memref<61440x128xf32, #tpu.memory_space<hbm>> -> memref<128x128xf32, #tpu.memory_space<hbm>>
      tpu.enqueue_dma source(%arg12 : memref<128x128xf32, #tpu.memory_space<vmem>>) target(%dma_start3A_160 : memref<128x128xf32, #tpu.memory_space<hbm>>) target_semaphore(%run_scoped3A : memref<!tpu.dma_semaphore, #tpu.memory_space<semaphore_mem>>)
      %dma_wait3A_161 = arith.constant 0 : i32
      %dma_wait3A_162 = tpu.memref_slice %arg6[%add3A_28, %dma_wait3A_161] : memref<61440x128xf32, #tpu.memory_space<hbm>> -> memref<128x128xf32, #tpu.memory_space<hbm>>
      %dma_wait3A_163 = arith.constant 0 : i32
      %dma_wait3A_164 = tpu.memref_slice %arg6[%add3A_28, %dma_wait3A_163] : memref<61440x128xf32, #tpu.memory_space<hbm>> -> memref<128x128xf32, #tpu.memory_space<hbm>>
      tpu.wait_dma2 semaphore(%run_scoped3A : memref<!tpu.dma_semaphore, #tpu.memory_space<semaphore_mem>>) src(%arg12 : memref<128x128xf32, #tpu.memory_space<vmem>>) dst(%dma_wait3A_164 : memref<128x128xf32, #tpu.memory_space<hbm>>)
      tpu.yield
    }) : () -> ()
    %add3A_29 = arith.constant 384 : i32
    %add3A_30 = arith.addi %mul3A_6, %add3A_29 : i32
    "tpu.region"() ({
      %run_scoped3A = tpu.sem_alloc : memref<!tpu.dma_semaphore, #tpu.memory_space<semaphore_mem>>
      %dma_start3A_157 = tpu.memref_slice %arg4[%add3A_30] : memref<61440xi32, #tpu.memory_space<hbm>> -> memref<128xi32, #tpu.memory_space<hbm>>
      %dma_start3A_158 = tpu.memref_slice %arg4[%add3A_30] : memref<61440xi32, #tpu.memory_space<hbm>> -> memref<128xi32, #tpu.memory_space<hbm>>
      tpu.enqueue_dma source(%dma_start3A_158 : memref<128xi32, #tpu.memory_space<hbm>>) target(%arg10 : memref<128xi32, #tpu.memory_space<vmem>>) target_semaphore(%run_scoped3A : memref<!tpu.dma_semaphore, #tpu.memory_space<semaphore_mem>>)
      %dma_wait3A_159 = tpu.memref_slice %arg4[%add3A_30] : memref<61440xi32, #tpu.memory_space<hbm>> -> memref<128xi32, #tpu.memory_space<hbm>>
      %dma_wait3A_160 = tpu.memref_slice %arg4[%add3A_30] : memref<61440xi32, #tpu.memory_space<hbm>> -> memref<128xi32, #tpu.memory_space<hbm>>
      tpu.wait_dma2 semaphore(%run_scoped3A : memref<!tpu.dma_semaphore, #tpu.memory_space<semaphore_mem>>) src(%dma_wait3A_160 : memref<128xi32, #tpu.memory_space<hbm>>) dst(%arg10 : memref<128xi32, #tpu.memory_space<vmem>>)
      tpu.yield
    }) : () -> ()
    %dma_start3A_31 = arith.constant 0 : i32
    %dma_start3A_32 = arith.constant 0 : i32
    %dma_start3A_33 = tpu.memref_slice %arg2[%dma_start3A_31, %dma_start3A_32] : memref<300000x128xf32, #tpu.memory_space<hbm>> -> memref<300000x128xf32, #tpu.memory_space<hbm>>
    tpu.enqueue_indirect_dma source(%dma_start3A_33 : memref<300000x128xf32, #tpu.memory_space<hbm>>) target(%arg12 : memref<128x128xf32, #tpu.memory_space<vmem>>) offsets(%arg10 : memref<128xi32, #tpu.memory_space<vmem>>) semaphore(%arg15 : memref<!tpu.dma_semaphore, #tpu.memory_space<semaphore_mem>>)
    %dma_wait3A_34 = arith.constant 0 : i32
    %dma_wait3A_35 = arith.constant 0 : i32
    %dma_wait3A_36 = tpu.memref_slice %arg2[%dma_wait3A_34, %dma_wait3A_35] : memref<300000x128xf32, #tpu.memory_space<hbm>> -> memref<300000x128xf32, #tpu.memory_space<hbm>>
    tpu.wait_indirect_dma semaphore(%arg14 : memref<!tpu.dma_semaphore, #tpu.memory_space<semaphore_mem>>) src(%dma_wait3A_36 : memref<300000x128xf32, #tpu.memory_space<hbm>>) dst(%arg11 : memref<128x128xf32, #tpu.memory_space<vmem>>)
    %add3A_37 = arith.constant 256 : i32
    %add3A_38 = arith.addi %mul3A_6, %add3A_37 : i32
    "tpu.region"() ({
      %run_scoped3A = tpu.sem_alloc : memref<!tpu.dma_semaphore, #tpu.memory_space<semaphore_mem>>
      %dma_start3A_157 = arith.constant 0 : i32
      %dma_start3A_158 = tpu.memref_slice %arg6[%add3A_38, %dma_start3A_157] : memref<61440x128xf32, #tpu.memory_space<hbm>> -> memref<128x128xf32, #tpu.memory_space<hbm>>
      %dma_start3A_159 = arith.constant 0 : i32
      %dma_start3A_160 = tpu.memref_slice %arg6[%add3A_38, %dma_start3A_159] : memref<61440x128xf32, #tpu.memory_space<hbm>> -> memref<128x128xf32, #tpu.memory_space<hbm>>
      tpu.enqueue_dma source(%arg11 : memref<128x128xf32, #tpu.memory_space<vmem>>) target(%dma_start3A_160 : memref<128x128xf32, #tpu.memory_space<hbm>>) target_semaphore(%run_scoped3A : memref<!tpu.dma_semaphore, #tpu.memory_space<semaphore_mem>>)
      %dma_wait3A_161 = arith.constant 0 : i32
      %dma_wait3A_162 = tpu.memref_slice %arg6[%add3A_38, %dma_wait3A_161] : memref<61440x128xf32, #tpu.memory_space<hbm>> -> memref<128x128xf32, #tpu.memory_space<hbm>>
      %dma_wait3A_163 = arith.constant 0 : i32
      %dma_wait3A_164 = tpu.memref_slice %arg6[%add3A_38, %dma_wait3A_163] : memref<61440x128xf32, #tpu.memory_space<hbm>> -> memref<128x128xf32, #tpu.memory_space<hbm>>
      tpu.wait_dma2 semaphore(%run_scoped3A : memref<!tpu.dma_semaphore, #tpu.memory_space<semaphore_mem>>) src(%arg11 : memref<128x128xf32, #tpu.memory_space<vmem>>) dst(%dma_wait3A_164 : memref<128x128xf32, #tpu.memory_space<hbm>>)
      tpu.yield
    }) : () -> ()
    %add3A_39 = arith.constant 512 : i32
    %add3A_40 = arith.addi %mul3A_6, %add3A_39 : i32
    "tpu.region"() ({
      %run_scoped3A = tpu.sem_alloc : memref<!tpu.dma_semaphore, #tpu.memory_space<semaphore_mem>>
      %dma_start3A_157 = tpu.memref_slice %arg4[%add3A_40] : memref<61440xi32, #tpu.memory_space<hbm>> -> memref<128xi32, #tpu.memory_space<hbm>>
      %dma_start3A_158 = tpu.memref_slice %arg4[%add3A_40] : memref<61440xi32, #tpu.memory_space<hbm>> -> memref<128xi32, #tpu.memory_space<hbm>>
      tpu.enqueue_dma source(%dma_start3A_158 : memref<128xi32, #tpu.memory_space<hbm>>) target(%arg9 : memref<128xi32, #tpu.memory_space<vmem>>) target_semaphore(%run_scoped3A : memref<!tpu.dma_semaphore, #tpu.memory_space<semaphore_mem>>)
      %dma_wait3A_159 = tpu.memref_slice %arg4[%add3A_40] : memref<61440xi32, #tpu.memory_space<hbm>> -> memref<128xi32, #tpu.memory_space<hbm>>
      %dma_wait3A_160 = tpu.memref_slice %arg4[%add3A_40] : memref<61440xi32, #tpu.memory_space<hbm>> -> memref<128xi32, #tpu.memory_space<hbm>>
      tpu.wait_dma2 semaphore(%run_scoped3A : memref<!tpu.dma_semaphore, #tpu.memory_space<semaphore_mem>>) src(%dma_wait3A_160 : memref<128xi32, #tpu.memory_space<hbm>>) dst(%arg9 : memref<128xi32, #tpu.memory_space<vmem>>)
      tpu.yield
    }) : () -> ()
    %dma_start3A_41 = arith.constant 0 : i32
    %dma_start3A_42 = arith.constant 0 : i32
    %dma_start3A_43 = tpu.memref_slice %arg2[%dma_start3A_41, %dma_start3A_42] : memref<300000x128xf32, #tpu.memory_space<hbm>> -> memref<300000x128xf32, #tpu.memory_space<hbm>>
    tpu.enqueue_indirect_dma source(%dma_start3A_43 : memref<300000x128xf32, #tpu.memory_space<hbm>>) target(%arg11 : memref<128x128xf32, #tpu.memory_space<vmem>>) offsets(%arg9 : memref<128xi32, #tpu.memory_space<vmem>>) semaphore(%arg14 : memref<!tpu.dma_semaphore, #tpu.memory_space<semaphore_mem>>)
    %dma_wait3A_44 = arith.constant 0 : i32
    %dma_wait3A_45 = arith.constant 0 : i32
    %dma_wait3A_46 = tpu.memref_slice %arg2[%dma_wait3A_44, %dma_wait3A_45] : memref<300000x128xf32, #tpu.memory_space<hbm>> -> memref<300000x128xf32, #tpu.memory_space<hbm>>
    tpu.wait_indirect_dma semaphore(%arg15 : memref<!tpu.dma_semaphore, #tpu.memory_space<semaphore_mem>>) src(%dma_wait3A_46 : memref<300000x128xf32, #tpu.memory_space<hbm>>) dst(%arg12 : memref<128x128xf32, #tpu.memory_space<vmem>>)
    %add3A_47 = arith.constant 384 : i32
    %add3A_48 = arith.addi %mul3A_6, %add3A_47 : i32
    "tpu.region"() ({
      %run_scoped3A = tpu.sem_alloc : memref<!tpu.dma_semaphore, #tpu.memory_space<semaphore_mem>>
      %dma_start3A_157 = arith.constant 0 : i32
      %dma_start3A_158 = tpu.memref_slice %arg6[%add3A_48, %dma_start3A_157] : memref<61440x128xf32, #tpu.memory_space<hbm>> -> memref<128x128xf32, #tpu.memory_space<hbm>>
      %dma_start3A_159 = arith.constant 0 : i32
      %dma_start3A_160 = tpu.memref_slice %arg6[%add3A_48, %dma_start3A_159] : memref<61440x128xf32, #tpu.memory_space<hbm>> -> memref<128x128xf32, #tpu.memory_space<hbm>>
      tpu.enqueue_dma source(%arg12 : memref<128x128xf32, #tpu.memory_space<vmem>>) target(%dma_start3A_160 : memref<128x128xf32, #tpu.memory_space<hbm>>) target_semaphore(%run_scoped3A : memref<!tpu.dma_semaphore, #tpu.memory_space<semaphore_mem>>)
      %dma_wait3A_161 = arith.constant 0 : i32
      %dma_wait3A_162 = tpu.memref_slice %arg6[%add3A_48, %dma_wait3A_161] : memref<61440x128xf32, #tpu.memory_space<hbm>> -> memref<128x128xf32, #tpu.memory_space<hbm>>
      %dma_wait3A_163 = arith.constant 0 : i32
      %dma_wait3A_164 = tpu.memref_slice %arg6[%add3A_48, %dma_wait3A_163] : memref<61440x128xf32, #tpu.memory_space<hbm>> -> memref<128x128xf32, #tpu.memory_space<hbm>>
      tpu.wait_dma2 semaphore(%run_scoped3A : memref<!tpu.dma_semaphore, #tpu.memory_space<semaphore_mem>>) src(%arg12 : memref<128x128xf32, #tpu.memory_space<vmem>>) dst(%dma_wait3A_164 : memref<128x128xf32, #tpu.memory_space<hbm>>)
      tpu.yield
    }) : () -> ()
    %add3A_49 = arith.constant 640 : i32
    %add3A_50 = arith.addi %mul3A_6, %add3A_49 : i32
    "tpu.region"() ({
      %run_scoped3A = tpu.sem_alloc : memref<!tpu.dma_semaphore, #tpu.memory_space<semaphore_mem>>
      %dma_start3A_157 = tpu.memref_slice %arg4[%add3A_50] : memref<61440xi32, #tpu.memory_space<hbm>> -> memref<128xi32, #tpu.memory_space<hbm>>
      %dma_start3A_158 = tpu.memref_slice %arg4[%add3A_50] : memref<61440xi32, #tpu.memory_space<hbm>> -> memref<128xi32, #tpu.memory_space<hbm>>
      tpu.enqueue_dma source(%dma_start3A_158 : memref<128xi32, #tpu.memory_space<hbm>>) target(%arg10 : memref<128xi32, #tpu.memory_space<vmem>>) target_semaphore(%run_scoped3A : memref<!tpu.dma_semaphore, #tpu.memory_space<semaphore_mem>>)
      %dma_wait3A_159 = tpu.memref_slice %arg4[%add3A_50] : memref<61440xi32, #tpu.memory_space<hbm>> -> memref<128xi32, #tpu.memory_space<hbm>>
      %dma_wait3A_160 = tpu.memref_slice %arg4[%add3A_50] : memref<61440xi32, #tpu.memory_space<hbm>> -> memref<128xi32, #tpu.memory_space<hbm>>
      tpu.wait_dma2 semaphore(%run_scoped3A : memref<!tpu.dma_semaphore, #tpu.memory_space<semaphore_mem>>) src(%dma_wait3A_160 : memref<128xi32, #tpu.memory_space<hbm>>) dst(%arg10 : memref<128xi32, #tpu.memory_space<vmem>>)
      tpu.yield
    }) : () -> ()
    %dma_start3A_51 = arith.constant 0 : i32
    %dma_start3A_52 = arith.constant 0 : i32
    %dma_start3A_53 = tpu.memref_slice %arg2[%dma_start3A_51, %dma_start3A_52] : memref<300000x128xf32, #tpu.memory_space<hbm>> -> memref<300000x128xf32, #tpu.memory_space<hbm>>
    tpu.enqueue_indirect_dma source(%dma_start3A_53 : memref<300000x128xf32, #tpu.memory_space<hbm>>) target(%arg12 : memref<128x128xf32, #tpu.memory_space<vmem>>) offsets(%arg10 : memref<128xi32, #tpu.memory_space<vmem>>) semaphore(%arg15 : memref<!tpu.dma_semaphore, #tpu.memory_space<semaphore_mem>>)
    %dma_wait3A_54 = arith.constant 0 : i32
    %dma_wait3A_55 = arith.constant 0 : i32
    %dma_wait3A_56 = tpu.memref_slice %arg2[%dma_wait3A_54, %dma_wait3A_55] : memref<300000x128xf32, #tpu.memory_space<hbm>> -> memref<300000x128xf32, #tpu.memory_space<hbm>>
    tpu.wait_indirect_dma semaphore(%arg14 : memref<!tpu.dma_semaphore, #tpu.memory_space<semaphore_mem>>) src(%dma_wait3A_56 : memref<300000x128xf32, #tpu.memory_space<hbm>>) dst(%arg11 : memref<128x128xf32, #tpu.memory_space<vmem>>)
    %add3A_57 = arith.constant 512 : i32
    %add3A_58 = arith.addi %mul3A_6, %add3A_57 : i32
    "tpu.region"() ({
      %run_scoped3A = tpu.sem_alloc : memref<!tpu.dma_semaphore, #tpu.memory_space<semaphore_mem>>
      %dma_start3A_157 = arith.constant 0 : i32
      %dma_start3A_158 = tpu.memref_slice %arg6[%add3A_58, %dma_start3A_157] : memref<61440x128xf32, #tpu.memory_space<hbm>> -> memref<128x128xf32, #tpu.memory_space<hbm>>
      %dma_start3A_159 = arith.constant 0 : i32
      %dma_start3A_160 = tpu.memref_slice %arg6[%add3A_58, %dma_start3A_159] : memref<61440x128xf32, #tpu.memory_space<hbm>> -> memref<128x128xf32, #tpu.memory_space<hbm>>
      tpu.enqueue_dma source(%arg11 : memref<128x128xf32, #tpu.memory_space<vmem>>) target(%dma_start3A_160 : memref<128x128xf32, #tpu.memory_space<hbm>>) target_semaphore(%run_scoped3A : memref<!tpu.dma_semaphore, #tpu.memory_space<semaphore_mem>>)
      %dma_wait3A_161 = arith.constant 0 : i32
      %dma_wait3A_162 = tpu.memref_slice %arg6[%add3A_58, %dma_wait3A_161] : memref<61440x128xf32, #tpu.memory_space<hbm>> -> memref<128x128xf32, #tpu.memory_space<hbm>>
      %dma_wait3A_163 = arith.constant 0 : i32
      %dma_wait3A_164 = tpu.memref_slice %arg6[%add3A_58, %dma_wait3A_163] : memref<61440x128xf32, #tpu.memory_space<hbm>> -> memref<128x128xf32, #tpu.memory_space<hbm>>
      tpu.wait_dma2 semaphore(%run_scoped3A : memref<!tpu.dma_semaphore, #tpu.memory_space<semaphore_mem>>) src(%arg11 : memref<128x128xf32, #tpu.memory_space<vmem>>) dst(%dma_wait3A_164 : memref<128x128xf32, #tpu.memory_space<hbm>>)
      tpu.yield
    }) : () -> ()
    %add3A_59 = arith.constant 768 : i32
    %add3A_60 = arith.addi %mul3A_6, %add3A_59 : i32
    "tpu.region"() ({
      %run_scoped3A = tpu.sem_alloc : memref<!tpu.dma_semaphore, #tpu.memory_space<semaphore_mem>>
      %dma_start3A_157 = tpu.memref_slice %arg4[%add3A_60] : memref<61440xi32, #tpu.memory_space<hbm>> -> memref<128xi32, #tpu.memory_space<hbm>>
      %dma_start3A_158 = tpu.memref_slice %arg4[%add3A_60] : memref<61440xi32, #tpu.memory_space<hbm>> -> memref<128xi32, #tpu.memory_space<hbm>>
      tpu.enqueue_dma source(%dma_start3A_158 : memref<128xi32, #tpu.memory_space<hbm>>) target(%arg9 : memref<128xi32, #tpu.memory_space<vmem>>) target_semaphore(%run_scoped3A : memref<!tpu.dma_semaphore, #tpu.memory_space<semaphore_mem>>)
      %dma_wait3A_159 = tpu.memref_slice %arg4[%add3A_60] : memref<61440xi32, #tpu.memory_space<hbm>> -> memref<128xi32, #tpu.memory_space<hbm>>
      %dma_wait3A_160 = tpu.memref_slice %arg4[%add3A_60] : memref<61440xi32, #tpu.memory_space<hbm>> -> memref<128xi32, #tpu.memory_space<hbm>>
      tpu.wait_dma2 semaphore(%run_scoped3A : memref<!tpu.dma_semaphore, #tpu.memory_space<semaphore_mem>>) src(%dma_wait3A_160 : memref<128xi32, #tpu.memory_space<hbm>>) dst(%arg9 : memref<128xi32, #tpu.memory_space<vmem>>)
      tpu.yield
    }) : () -> ()
    %dma_start3A_61 = arith.constant 0 : i32
    %dma_start3A_62 = arith.constant 0 : i32
    %dma_start3A_63 = tpu.memref_slice %arg2[%dma_start3A_61, %dma_start3A_62] : memref<300000x128xf32, #tpu.memory_space<hbm>> -> memref<300000x128xf32, #tpu.memory_space<hbm>>
    tpu.enqueue_indirect_dma source(%dma_start3A_63 : memref<300000x128xf32, #tpu.memory_space<hbm>>) target(%arg11 : memref<128x128xf32, #tpu.memory_space<vmem>>) offsets(%arg9 : memref<128xi32, #tpu.memory_space<vmem>>) semaphore(%arg14 : memref<!tpu.dma_semaphore, #tpu.memory_space<semaphore_mem>>)
    %dma_wait3A_64 = arith.constant 0 : i32
    %dma_wait3A_65 = arith.constant 0 : i32
    %dma_wait3A_66 = tpu.memref_slice %arg2[%dma_wait3A_64, %dma_wait3A_65] : memref<300000x128xf32, #tpu.memory_space<hbm>> -> memref<300000x128xf32, #tpu.memory_space<hbm>>
    tpu.wait_indirect_dma semaphore(%arg15 : memref<!tpu.dma_semaphore, #tpu.memory_space<semaphore_mem>>) src(%dma_wait3A_66 : memref<300000x128xf32, #tpu.memory_space<hbm>>) dst(%arg12 : memref<128x128xf32, #tpu.memory_space<vmem>>)
    %add3A_67 = arith.constant 640 : i32
    %add3A_68 = arith.addi %mul3A_6, %add3A_67 : i32
    "tpu.region"() ({
      %run_scoped3A = tpu.sem_alloc : memref<!tpu.dma_semaphore, #tpu.memory_space<semaphore_mem>>
      %dma_start3A_157 = arith.constant 0 : i32
      %dma_start3A_158 = tpu.memref_slice %arg6[%add3A_68, %dma_start3A_157] : memref<61440x128xf32, #tpu.memory_space<hbm>> -> memref<128x128xf32, #tpu.memory_space<hbm>>
      %dma_start3A_159 = arith.constant 0 : i32
      %dma_start3A_160 = tpu.memref_slice %arg6[%add3A_68, %dma_start3A_159] : memref<61440x128xf32, #tpu.memory_space<hbm>> -> memref<128x128xf32, #tpu.memory_space<hbm>>
      tpu.enqueue_dma source(%arg12 : memref<128x128xf32, #tpu.memory_space<vmem>>) target(%dma_start3A_160 : memref<128x128xf32, #tpu.memory_space<hbm>>) target_semaphore(%run_scoped3A : memref<!tpu.dma_semaphore, #tpu.memory_space<semaphore_mem>>)
      %dma_wait3A_161 = arith.constant 0 : i32
      %dma_wait3A_162 = tpu.memref_slice %arg6[%add3A_68, %dma_wait3A_161] : memref<61440x128xf32, #tpu.memory_space<hbm>> -> memref<128x128xf32, #tpu.memory_space<hbm>>
      %dma_wait3A_163 = arith.constant 0 : i32
      %dma_wait3A_164 = tpu.memref_slice %arg6[%add3A_68, %dma_wait3A_163] : memref<61440x128xf32, #tpu.memory_space<hbm>> -> memref<128x128xf32, #tpu.memory_space<hbm>>
      tpu.wait_dma2 semaphore(%run_scoped3A : memref<!tpu.dma_semaphore, #tpu.memory_space<semaphore_mem>>) src(%arg12 : memref<128x128xf32, #tpu.memory_space<vmem>>) dst(%dma_wait3A_164 : memref<128x128xf32, #tpu.memory_space<hbm>>)
      tpu.yield
    }) : () -> ()
    %add3A_69 = arith.constant 896 : i32
    %add3A_70 = arith.addi %mul3A_6, %add3A_69 : i32
    "tpu.region"() ({
      %run_scoped3A = tpu.sem_alloc : memref<!tpu.dma_semaphore, #tpu.memory_space<semaphore_mem>>
      %dma_start3A_157 = tpu.memref_slice %arg4[%add3A_70] : memref<61440xi32, #tpu.memory_space<hbm>> -> memref<128xi32, #tpu.memory_space<hbm>>
      %dma_start3A_158 = tpu.memref_slice %arg4[%add3A_70] : memref<61440xi32, #tpu.memory_space<hbm>> -> memref<128xi32, #tpu.memory_space<hbm>>
      tpu.enqueue_dma source(%dma_start3A_158 : memref<128xi32, #tpu.memory_space<hbm>>) target(%arg10 : memref<128xi32, #tpu.memory_space<vmem>>) target_semaphore(%run_scoped3A : memref<!tpu.dma_semaphore, #tpu.memory_space<semaphore_mem>>)
      %dma_wait3A_159 = tpu.memref_slice %arg4[%add3A_70] : memref<61440xi32, #tpu.memory_space<hbm>> -> memref<128xi32, #tpu.memory_space<hbm>>
      %dma_wait3A_160 = tpu.memref_slice %arg4[%add3A_70] : memref<61440xi32, #tpu.memory_space<hbm>> -> memref<128xi32, #tpu.memory_space<hbm>>
      tpu.wait_dma2 semaphore(%run_scoped3A : memref<!tpu.dma_semaphore, #tpu.memory_space<semaphore_mem>>) src(%dma_wait3A_160 : memref<128xi32, #tpu.memory_space<hbm>>) dst(%arg10 : memref<128xi32, #tpu.memory_space<vmem>>)
      tpu.yield
    }) : () -> ()
    %dma_start3A_71 = arith.constant 0 : i32
    %dma_start3A_72 = arith.constant 0 : i32
    %dma_start3A_73 = tpu.memref_slice %arg2[%dma_start3A_71, %dma_start3A_72] : memref<300000x128xf32, #tpu.memory_space<hbm>> -> memref<300000x128xf32, #tpu.memory_space<hbm>>
    tpu.enqueue_indirect_dma source(%dma_start3A_73 : memref<300000x128xf32, #tpu.memory_space<hbm>>) target(%arg12 : memref<128x128xf32, #tpu.memory_space<vmem>>) offsets(%arg10 : memref<128xi32, #tpu.memory_space<vmem>>) semaphore(%arg15 : memref<!tpu.dma_semaphore, #tpu.memory_space<semaphore_mem>>)
    %dma_wait3A_74 = arith.constant 0 : i32
    %dma_wait3A_75 = arith.constant 0 : i32
    %dma_wait3A_76 = tpu.memref_slice %arg2[%dma_wait3A_74, %dma_wait3A_75] : memref<300000x128xf32, #tpu.memory_space<hbm>> -> memref<300000x128xf32, #tpu.memory_space<hbm>>
    tpu.wait_indirect_dma semaphore(%arg14 : memref<!tpu.dma_semaphore, #tpu.memory_space<semaphore_mem>>) src(%dma_wait3A_76 : memref<300000x128xf32, #tpu.memory_space<hbm>>) dst(%arg11 : memref<128x128xf32, #tpu.memory_space<vmem>>)
    %add3A_77 = arith.constant 768 : i32
    %add3A_78 = arith.addi %mul3A_6, %add3A_77 : i32
    "tpu.region"() ({
      %run_scoped3A = tpu.sem_alloc : memref<!tpu.dma_semaphore, #tpu.memory_space<semaphore_mem>>
      %dma_start3A_157 = arith.constant 0 : i32
      %dma_start3A_158 = tpu.memref_slice %arg6[%add3A_78, %dma_start3A_157] : memref<61440x128xf32, #tpu.memory_space<hbm>> -> memref<128x128xf32, #tpu.memory_space<hbm>>
      %dma_start3A_159 = arith.constant 0 : i32
      %dma_start3A_160 = tpu.memref_slice %arg6[%add3A_78, %dma_start3A_159] : memref<61440x128xf32, #tpu.memory_space<hbm>> -> memref<128x128xf32, #tpu.memory_space<hbm>>
      tpu.enqueue_dma source(%arg11 : memref<128x128xf32, #tpu.memory_space<vmem>>) target(%dma_start3A_160 : memref<128x128xf32, #tpu.memory_space<hbm>>) target_semaphore(%run_scoped3A : memref<!tpu.dma_semaphore, #tpu.memory_space<semaphore_mem>>)
      %dma_wait3A_161 = arith.constant 0 : i32
      %dma_wait3A_162 = tpu.memref_slice %arg6[%add3A_78, %dma_wait3A_161] : memref<61440x128xf32, #tpu.memory_space<hbm>> -> memref<128x128xf32, #tpu.memory_space<hbm>>
      %dma_wait3A_163 = arith.constant 0 : i32
      %dma_wait3A_164 = tpu.memref_slice %arg6[%add3A_78, %dma_wait3A_163] : memref<61440x128xf32, #tpu.memory_space<hbm>> -> memref<128x128xf32, #tpu.memory_space<hbm>>
      tpu.wait_dma2 semaphore(%run_scoped3A : memref<!tpu.dma_semaphore, #tpu.memory_space<semaphore_mem>>) src(%arg11 : memref<128x128xf32, #tpu.memory_space<vmem>>) dst(%dma_wait3A_164 : memref<128x128xf32, #tpu.memory_space<hbm>>)
      tpu.yield
    }) : () -> ()
    %add3A_79 = arith.constant 1024 : i32
    %add3A_80 = arith.addi %mul3A_6, %add3A_79 : i32
    "tpu.region"() ({
      %run_scoped3A = tpu.sem_alloc : memref<!tpu.dma_semaphore, #tpu.memory_space<semaphore_mem>>
      %dma_start3A_157 = tpu.memref_slice %arg4[%add3A_80] : memref<61440xi32, #tpu.memory_space<hbm>> -> memref<128xi32, #tpu.memory_space<hbm>>
      %dma_start3A_158 = tpu.memref_slice %arg4[%add3A_80] : memref<61440xi32, #tpu.memory_space<hbm>> -> memref<128xi32, #tpu.memory_space<hbm>>
      tpu.enqueue_dma source(%dma_start3A_158 : memref<128xi32, #tpu.memory_space<hbm>>) target(%arg9 : memref<128xi32, #tpu.memory_space<vmem>>) target_semaphore(%run_scoped3A : memref<!tpu.dma_semaphore, #tpu.memory_space<semaphore_mem>>)
      %dma_wait3A_159 = tpu.memref_slice %arg4[%add3A_80] : memref<61440xi32, #tpu.memory_space<hbm>> -> memref<128xi32, #tpu.memory_space<hbm>>
      %dma_wait3A_160 = tpu.memref_slice %arg4[%add3A_80] : memref<61440xi32, #tpu.memory_space<hbm>> -> memref<128xi32, #tpu.memory_space<hbm>>
      tpu.wait_dma2 semaphore(%run_scoped3A : memref<!tpu.dma_semaphore, #tpu.memory_space<semaphore_mem>>) src(%dma_wait3A_160 : memref<128xi32, #tpu.memory_space<hbm>>) dst(%arg9 : memref<128xi32, #tpu.memory_space<vmem>>)
      tpu.yield
    }) : () -> ()
    %dma_start3A_81 = arith.constant 0 : i32
    %dma_start3A_82 = arith.constant 0 : i32
    %dma_start3A_83 = tpu.memref_slice %arg2[%dma_start3A_81, %dma_start3A_82] : memref<300000x128xf32, #tpu.memory_space<hbm>> -> memref<300000x128xf32, #tpu.memory_space<hbm>>
    tpu.enqueue_indirect_dma source(%dma_start3A_83 : memref<300000x128xf32, #tpu.memory_space<hbm>>) target(%arg11 : memref<128x128xf32, #tpu.memory_space<vmem>>) offsets(%arg9 : memref<128xi32, #tpu.memory_space<vmem>>) semaphore(%arg14 : memref<!tpu.dma_semaphore, #tpu.memory_space<semaphore_mem>>)
    %dma_wait3A_84 = arith.constant 0 : i32
    %dma_wait3A_85 = arith.constant 0 : i32
    %dma_wait3A_86 = tpu.memref_slice %arg2[%dma_wait3A_84, %dma_wait3A_85] : memref<300000x128xf32, #tpu.memory_space<hbm>> -> memref<300000x128xf32, #tpu.memory_space<hbm>>
    tpu.wait_indirect_dma semaphore(%arg15 : memref<!tpu.dma_semaphore, #tpu.memory_space<semaphore_mem>>) src(%dma_wait3A_86 : memref<300000x128xf32, #tpu.memory_space<hbm>>) dst(%arg12 : memref<128x128xf32, #tpu.memory_space<vmem>>)
    %add3A_87 = arith.constant 896 : i32
    %add3A_88 = arith.addi %mul3A_6, %add3A_87 : i32
    "tpu.region"() ({
      %run_scoped3A = tpu.sem_alloc : memref<!tpu.dma_semaphore, #tpu.memory_space<semaphore_mem>>
      %dma_start3A_157 = arith.constant 0 : i32
      %dma_start3A_158 = tpu.memref_slice %arg6[%add3A_88, %dma_start3A_157] : memref<61440x128xf32, #tpu.memory_space<hbm>> -> memref<128x128xf32, #tpu.memory_space<hbm>>
      %dma_start3A_159 = arith.constant 0 : i32
      %dma_start3A_160 = tpu.memref_slice %arg6[%add3A_88, %dma_start3A_159] : memref<61440x128xf32, #tpu.memory_space<hbm>> -> memref<128x128xf32, #tpu.memory_space<hbm>>
      tpu.enqueue_dma source(%arg12 : memref<128x128xf32, #tpu.memory_space<vmem>>) target(%dma_start3A_160 : memref<128x128xf32, #tpu.memory_space<hbm>>) target_semaphore(%run_scoped3A : memref<!tpu.dma_semaphore, #tpu.memory_space<semaphore_mem>>)
      %dma_wait3A_161 = arith.constant 0 : i32
      %dma_wait3A_162 = tpu.memref_slice %arg6[%add3A_88, %dma_wait3A_161] : memref<61440x128xf32, #tpu.memory_space<hbm>> -> memref<128x128xf32, #tpu.memory_space<hbm>>
      %dma_wait3A_163 = arith.constant 0 : i32
      %dma_wait3A_164 = tpu.memref_slice %arg6[%add3A_88, %dma_wait3A_163] : memref<61440x128xf32, #tpu.memory_space<hbm>> -> memref<128x128xf32, #tpu.memory_space<hbm>>
      tpu.wait_dma2 semaphore(%run_scoped3A : memref<!tpu.dma_semaphore, #tpu.memory_space<semaphore_mem>>) src(%arg12 : memref<128x128xf32, #tpu.memory_space<vmem>>) dst(%dma_wait3A_164 : memref<128x128xf32, #tpu.memory_space<hbm>>)
      tpu.yield
    }) : () -> ()
    %add3A_89 = arith.constant 1152 : i32
    %add3A_90 = arith.addi %mul3A_6, %add3A_89 : i32
    "tpu.region"() ({
      %run_scoped3A = tpu.sem_alloc : memref<!tpu.dma_semaphore, #tpu.memory_space<semaphore_mem>>
      %dma_start3A_157 = tpu.memref_slice %arg4[%add3A_90] : memref<61440xi32, #tpu.memory_space<hbm>> -> memref<128xi32, #tpu.memory_space<hbm>>
      %dma_start3A_158 = tpu.memref_slice %arg4[%add3A_90] : memref<61440xi32, #tpu.memory_space<hbm>> -> memref<128xi32, #tpu.memory_space<hbm>>
      tpu.enqueue_dma source(%dma_start3A_158 : memref<128xi32, #tpu.memory_space<hbm>>) target(%arg10 : memref<128xi32, #tpu.memory_space<vmem>>) target_semaphore(%run_scoped3A : memref<!tpu.dma_semaphore, #tpu.memory_space<semaphore_mem>>)
      %dma_wait3A_159 = tpu.memref_slice %arg4[%add3A_90] : memref<61440xi32, #tpu.memory_space<hbm>> -> memref<128xi32, #tpu.memory_space<hbm>>
      %dma_wait3A_160 = tpu.memref_slice %arg4[%add3A_90] : memref<61440xi32, #tpu.memory_space<hbm>> -> memref<128xi32, #tpu.memory_space<hbm>>
      tpu.wait_dma2 semaphore(%run_scoped3A : memref<!tpu.dma_semaphore, #tpu.memory_space<semaphore_mem>>) src(%dma_wait3A_160 : memref<128xi32, #tpu.memory_space<hbm>>) dst(%arg10 : memref<128xi32, #tpu.memory_space<vmem>>)
      tpu.yield
    }) : () -> ()
    %dma_start3A_91 = arith.constant 0 : i32
    %dma_start3A_92 = arith.constant 0 : i32
    %dma_start3A_93 = tpu.memref_slice %arg2[%dma_start3A_91, %dma_start3A_92] : memref<300000x128xf32, #tpu.memory_space<hbm>> -> memref<300000x128xf32, #tpu.memory_space<hbm>>
    tpu.enqueue_indirect_dma source(%dma_start3A_93 : memref<300000x128xf32, #tpu.memory_space<hbm>>) target(%arg12 : memref<128x128xf32, #tpu.memory_space<vmem>>) offsets(%arg10 : memref<128xi32, #tpu.memory_space<vmem>>) semaphore(%arg15 : memref<!tpu.dma_semaphore, #tpu.memory_space<semaphore_mem>>)
    %dma_wait3A_94 = arith.constant 0 : i32
    %dma_wait3A_95 = arith.constant 0 : i32
    %dma_wait3A_96 = tpu.memref_slice %arg2[%dma_wait3A_94, %dma_wait3A_95] : memref<300000x128xf32, #tpu.memory_space<hbm>> -> memref<300000x128xf32, #tpu.memory_space<hbm>>
    tpu.wait_indirect_dma semaphore(%arg14 : memref<!tpu.dma_semaphore, #tpu.memory_space<semaphore_mem>>) src(%dma_wait3A_96 : memref<300000x128xf32, #tpu.memory_space<hbm>>) dst(%arg11 : memref<128x128xf32, #tpu.memory_space<vmem>>)
    %add3A_97 = arith.constant 1024 : i32
    %add3A_98 = arith.addi %mul3A_6, %add3A_97 : i32
    "tpu.region"() ({
      %run_scoped3A = tpu.sem_alloc : memref<!tpu.dma_semaphore, #tpu.memory_space<semaphore_mem>>
      %dma_start3A_157 = arith.constant 0 : i32
      %dma_start3A_158 = tpu.memref_slice %arg6[%add3A_98, %dma_start3A_157] : memref<61440x128xf32, #tpu.memory_space<hbm>> -> memref<128x128xf32, #tpu.memory_space<hbm>>
      %dma_start3A_159 = arith.constant 0 : i32
      %dma_start3A_160 = tpu.memref_slice %arg6[%add3A_98, %dma_start3A_159] : memref<61440x128xf32, #tpu.memory_space<hbm>> -> memref<128x128xf32, #tpu.memory_space<hbm>>
      tpu.enqueue_dma source(%arg11 : memref<128x128xf32, #tpu.memory_space<vmem>>) target(%dma_start3A_160 : memref<128x128xf32, #tpu.memory_space<hbm>>) target_semaphore(%run_scoped3A : memref<!tpu.dma_semaphore, #tpu.memory_space<semaphore_mem>>)
      %dma_wait3A_161 = arith.constant 0 : i32
      %dma_wait3A_162 = tpu.memref_slice %arg6[%add3A_98, %dma_wait3A_161] : memref<61440x128xf32, #tpu.memory_space<hbm>> -> memref<128x128xf32, #tpu.memory_space<hbm>>
      %dma_wait3A_163 = arith.constant 0 : i32
      %dma_wait3A_164 = tpu.memref_slice %arg6[%add3A_98, %dma_wait3A_163] : memref<61440x128xf32, #tpu.memory_space<hbm>> -> memref<128x128xf32, #tpu.memory_space<hbm>>
      tpu.wait_dma2 semaphore(%run_scoped3A : memref<!tpu.dma_semaphore, #tpu.memory_space<semaphore_mem>>) src(%arg11 : memref<128x128xf32, #tpu.memory_space<vmem>>) dst(%dma_wait3A_164 : memref<128x128xf32, #tpu.memory_space<hbm>>)
      tpu.yield
    }) : () -> ()
    %add3A_99 = arith.constant 1280 : i32
    %add3A_100 = arith.addi %mul3A_6, %add3A_99 : i32
    "tpu.region"() ({
      %run_scoped3A = tpu.sem_alloc : memref<!tpu.dma_semaphore, #tpu.memory_space<semaphore_mem>>
      %dma_start3A_157 = tpu.memref_slice %arg4[%add3A_100] : memref<61440xi32, #tpu.memory_space<hbm>> -> memref<128xi32, #tpu.memory_space<hbm>>
      %dma_start3A_158 = tpu.memref_slice %arg4[%add3A_100] : memref<61440xi32, #tpu.memory_space<hbm>> -> memref<128xi32, #tpu.memory_space<hbm>>
      tpu.enqueue_dma source(%dma_start3A_158 : memref<128xi32, #tpu.memory_space<hbm>>) target(%arg9 : memref<128xi32, #tpu.memory_space<vmem>>) target_semaphore(%run_scoped3A : memref<!tpu.dma_semaphore, #tpu.memory_space<semaphore_mem>>)
      %dma_wait3A_159 = tpu.memref_slice %arg4[%add3A_100] : memref<61440xi32, #tpu.memory_space<hbm>> -> memref<128xi32, #tpu.memory_space<hbm>>
      %dma_wait3A_160 = tpu.memref_slice %arg4[%add3A_100] : memref<61440xi32, #tpu.memory_space<hbm>> -> memref<128xi32, #tpu.memory_space<hbm>>
      tpu.wait_dma2 semaphore(%run_scoped3A : memref<!tpu.dma_semaphore, #tpu.memory_space<semaphore_mem>>) src(%dma_wait3A_160 : memref<128xi32, #tpu.memory_space<hbm>>) dst(%arg9 : memref<128xi32, #tpu.memory_space<vmem>>)
      tpu.yield
    }) : () -> ()
    %dma_start3A_101 = arith.constant 0 : i32
    %dma_start3A_102 = arith.constant 0 : i32
    %dma_start3A_103 = tpu.memref_slice %arg2[%dma_start3A_101, %dma_start3A_102] : memref<300000x128xf32, #tpu.memory_space<hbm>> -> memref<300000x128xf32, #tpu.memory_space<hbm>>
    tpu.enqueue_indirect_dma source(%dma_start3A_103 : memref<300000x128xf32, #tpu.memory_space<hbm>>) target(%arg11 : memref<128x128xf32, #tpu.memory_space<vmem>>) offsets(%arg9 : memref<128xi32, #tpu.memory_space<vmem>>) semaphore(%arg14 : memref<!tpu.dma_semaphore, #tpu.memory_space<semaphore_mem>>)
    %dma_wait3A_104 = arith.constant 0 : i32
    %dma_wait3A_105 = arith.constant 0 : i32
    %dma_wait3A_106 = tpu.memref_slice %arg2[%dma_wait3A_104, %dma_wait3A_105] : memref<300000x128xf32, #tpu.memory_space<hbm>> -> memref<300000x128xf32, #tpu.memory_space<hbm>>
    tpu.wait_indirect_dma semaphore(%arg15 : memref<!tpu.dma_semaphore, #tpu.memory_space<semaphore_mem>>) src(%dma_wait3A_106 : memref<300000x128xf32, #tpu.memory_space<hbm>>) dst(%arg12 : memref<128x128xf32, #tpu.memory_space<vmem>>)
    %add3A_107 = arith.constant 1152 : i32
    %add3A_108 = arith.addi %mul3A_6, %add3A_107 : i32
    "tpu.region"() ({
      %run_scoped3A = tpu.sem_alloc : memref<!tpu.dma_semaphore, #tpu.memory_space<semaphore_mem>>
      %dma_start3A_157 = arith.constant 0 : i32
      %dma_start3A_158 = tpu.memref_slice %arg6[%add3A_108, %dma_start3A_157] : memref<61440x128xf32, #tpu.memory_space<hbm>> -> memref<128x128xf32, #tpu.memory_space<hbm>>
      %dma_start3A_159 = arith.constant 0 : i32
      %dma_start3A_160 = tpu.memref_slice %arg6[%add3A_108, %dma_start3A_159] : memref<61440x128xf32, #tpu.memory_space<hbm>> -> memref<128x128xf32, #tpu.memory_space<hbm>>
      tpu.enqueue_dma source(%arg12 : memref<128x128xf32, #tpu.memory_space<vmem>>) target(%dma_start3A_160 : memref<128x128xf32, #tpu.memory_space<hbm>>) target_semaphore(%run_scoped3A : memref<!tpu.dma_semaphore, #tpu.memory_space<semaphore_mem>>)
      %dma_wait3A_161 = arith.constant 0 : i32
      %dma_wait3A_162 = tpu.memref_slice %arg6[%add3A_108, %dma_wait3A_161] : memref<61440x128xf32, #tpu.memory_space<hbm>> -> memref<128x128xf32, #tpu.memory_space<hbm>>
      %dma_wait3A_163 = arith.constant 0 : i32
      %dma_wait3A_164 = tpu.memref_slice %arg6[%add3A_108, %dma_wait3A_163] : memref<61440x128xf32, #tpu.memory_space<hbm>> -> memref<128x128xf32, #tpu.memory_space<hbm>>
      tpu.wait_dma2 semaphore(%run_scoped3A : memref<!tpu.dma_semaphore, #tpu.memory_space<semaphore_mem>>) src(%arg12 : memref<128x128xf32, #tpu.memory_space<vmem>>) dst(%dma_wait3A_164 : memref<128x128xf32, #tpu.memory_space<hbm>>)
      tpu.yield
    }) : () -> ()
    %add3A_109 = arith.constant 1408 : i32
    %add3A_110 = arith.addi %mul3A_6, %add3A_109 : i32
    "tpu.region"() ({
      %run_scoped3A = tpu.sem_alloc : memref<!tpu.dma_semaphore, #tpu.memory_space<semaphore_mem>>
      %dma_start3A_157 = tpu.memref_slice %arg4[%add3A_110] : memref<61440xi32, #tpu.memory_space<hbm>> -> memref<128xi32, #tpu.memory_space<hbm>>
      %dma_start3A_158 = tpu.memref_slice %arg4[%add3A_110] : memref<61440xi32, #tpu.memory_space<hbm>> -> memref<128xi32, #tpu.memory_space<hbm>>
      tpu.enqueue_dma source(%dma_start3A_158 : memref<128xi32, #tpu.memory_space<hbm>>) target(%arg10 : memref<128xi32, #tpu.memory_space<vmem>>) target_semaphore(%run_scoped3A : memref<!tpu.dma_semaphore, #tpu.memory_space<semaphore_mem>>)
      %dma_wait3A_159 = tpu.memref_slice %arg4[%add3A_110] : memref<61440xi32, #tpu.memory_space<hbm>> -> memref<128xi32, #tpu.memory_space<hbm>>
      %dma_wait3A_160 = tpu.memref_slice %arg4[%add3A_110] : memref<61440xi32, #tpu.memory_space<hbm>> -> memref<128xi32, #tpu.memory_space<hbm>>
      tpu.wait_dma2 semaphore(%run_scoped3A : memref<!tpu.dma_semaphore, #tpu.memory_space<semaphore_mem>>) src(%dma_wait3A_160 : memref<128xi32, #tpu.memory_space<hbm>>) dst(%arg10 : memref<128xi32, #tpu.memory_space<vmem>>)
      tpu.yield
    }) : () -> ()
    %dma_start3A_111 = arith.constant 0 : i32
    %dma_start3A_112 = arith.constant 0 : i32
    %dma_start3A_113 = tpu.memref_slice %arg2[%dma_start3A_111, %dma_start3A_112] : memref<300000x128xf32, #tpu.memory_space<hbm>> -> memref<300000x128xf32, #tpu.memory_space<hbm>>
    tpu.enqueue_indirect_dma source(%dma_start3A_113 : memref<300000x128xf32, #tpu.memory_space<hbm>>) target(%arg12 : memref<128x128xf32, #tpu.memory_space<vmem>>) offsets(%arg10 : memref<128xi32, #tpu.memory_space<vmem>>) semaphore(%arg15 : memref<!tpu.dma_semaphore, #tpu.memory_space<semaphore_mem>>)
    %dma_wait3A_114 = arith.constant 0 : i32
    %dma_wait3A_115 = arith.constant 0 : i32
    %dma_wait3A_116 = tpu.memref_slice %arg2[%dma_wait3A_114, %dma_wait3A_115] : memref<300000x128xf32, #tpu.memory_space<hbm>> -> memref<300000x128xf32, #tpu.memory_space<hbm>>
    tpu.wait_indirect_dma semaphore(%arg14 : memref<!tpu.dma_semaphore, #tpu.memory_space<semaphore_mem>>) src(%dma_wait3A_116 : memref<300000x128xf32, #tpu.memory_space<hbm>>) dst(%arg11 : memref<128x128xf32, #tpu.memory_space<vmem>>)
    %add3A_117 = arith.constant 1280 : i32
    %add3A_118 = arith.addi %mul3A_6, %add3A_117 : i32
    "tpu.region"() ({
      %run_scoped3A = tpu.sem_alloc : memref<!tpu.dma_semaphore, #tpu.memory_space<semaphore_mem>>
      %dma_start3A_157 = arith.constant 0 : i32
      %dma_start3A_158 = tpu.memref_slice %arg6[%add3A_118, %dma_start3A_157] : memref<61440x128xf32, #tpu.memory_space<hbm>> -> memref<128x128xf32, #tpu.memory_space<hbm>>
      %dma_start3A_159 = arith.constant 0 : i32
      %dma_start3A_160 = tpu.memref_slice %arg6[%add3A_118, %dma_start3A_159] : memref<61440x128xf32, #tpu.memory_space<hbm>> -> memref<128x128xf32, #tpu.memory_space<hbm>>
      tpu.enqueue_dma source(%arg11 : memref<128x128xf32, #tpu.memory_space<vmem>>) target(%dma_start3A_160 : memref<128x128xf32, #tpu.memory_space<hbm>>) target_semaphore(%run_scoped3A : memref<!tpu.dma_semaphore, #tpu.memory_space<semaphore_mem>>)
      %dma_wait3A_161 = arith.constant 0 : i32
      %dma_wait3A_162 = tpu.memref_slice %arg6[%add3A_118, %dma_wait3A_161] : memref<61440x128xf32, #tpu.memory_space<hbm>> -> memref<128x128xf32, #tpu.memory_space<hbm>>
      %dma_wait3A_163 = arith.constant 0 : i32
      %dma_wait3A_164 = tpu.memref_slice %arg6[%add3A_118, %dma_wait3A_163] : memref<61440x128xf32, #tpu.memory_space<hbm>> -> memref<128x128xf32, #tpu.memory_space<hbm>>
      tpu.wait_dma2 semaphore(%run_scoped3A : memref<!tpu.dma_semaphore, #tpu.memory_space<semaphore_mem>>) src(%arg11 : memref<128x128xf32, #tpu.memory_space<vmem>>) dst(%dma_wait3A_164 : memref<128x128xf32, #tpu.memory_space<hbm>>)
      tpu.yield
    }) : () -> ()
    %add3A_119 = arith.constant 1536 : i32
    %add3A_120 = arith.addi %mul3A_6, %add3A_119 : i32
    "tpu.region"() ({
      %run_scoped3A = tpu.sem_alloc : memref<!tpu.dma_semaphore, #tpu.memory_space<semaphore_mem>>
      %dma_start3A_157 = tpu.memref_slice %arg4[%add3A_120] : memref<61440xi32, #tpu.memory_space<hbm>> -> memref<128xi32, #tpu.memory_space<hbm>>
      %dma_start3A_158 = tpu.memref_slice %arg4[%add3A_120] : memref<61440xi32, #tpu.memory_space<hbm>> -> memref<128xi32, #tpu.memory_space<hbm>>
      tpu.enqueue_dma source(%dma_start3A_158 : memref<128xi32, #tpu.memory_space<hbm>>) target(%arg9 : memref<128xi32, #tpu.memory_space<vmem>>) target_semaphore(%run_scoped3A : memref<!tpu.dma_semaphore, #tpu.memory_space<semaphore_mem>>)
      %dma_wait3A_159 = tpu.memref_slice %arg4[%add3A_120] : memref<61440xi32, #tpu.memory_space<hbm>> -> memref<128xi32, #tpu.memory_space<hbm>>
      %dma_wait3A_160 = tpu.memref_slice %arg4[%add3A_120] : memref<61440xi32, #tpu.memory_space<hbm>> -> memref<128xi32, #tpu.memory_space<hbm>>
      tpu.wait_dma2 semaphore(%run_scoped3A : memref<!tpu.dma_semaphore, #tpu.memory_space<semaphore_mem>>) src(%dma_wait3A_160 : memref<128xi32, #tpu.memory_space<hbm>>) dst(%arg9 : memref<128xi32, #tpu.memory_space<vmem>>)
      tpu.yield
    }) : () -> ()
    %dma_start3A_121 = arith.constant 0 : i32
    %dma_start3A_122 = arith.constant 0 : i32
    %dma_start3A_123 = tpu.memref_slice %arg2[%dma_start3A_121, %dma_start3A_122] : memref<300000x128xf32, #tpu.memory_space<hbm>> -> memref<300000x128xf32, #tpu.memory_space<hbm>>
    tpu.enqueue_indirect_dma source(%dma_start3A_123 : memref<300000x128xf32, #tpu.memory_space<hbm>>) target(%arg11 : memref<128x128xf32, #tpu.memory_space<vmem>>) offsets(%arg9 : memref<128xi32, #tpu.memory_space<vmem>>) semaphore(%arg14 : memref<!tpu.dma_semaphore, #tpu.memory_space<semaphore_mem>>)
    %dma_wait3A_124 = arith.constant 0 : i32
    %dma_wait3A_125 = arith.constant 0 : i32
    %dma_wait3A_126 = tpu.memref_slice %arg2[%dma_wait3A_124, %dma_wait3A_125] : memref<300000x128xf32, #tpu.memory_space<hbm>> -> memref<300000x128xf32, #tpu.memory_space<hbm>>
    tpu.wait_indirect_dma semaphore(%arg15 : memref<!tpu.dma_semaphore, #tpu.memory_space<semaphore_mem>>) src(%dma_wait3A_126 : memref<300000x128xf32, #tpu.memory_space<hbm>>) dst(%arg12 : memref<128x128xf32, #tpu.memory_space<vmem>>)
    %add3A_127 = arith.constant 1408 : i32
    %add3A_128 = arith.addi %mul3A_6, %add3A_127 : i32
    "tpu.region"() ({
      %run_scoped3A = tpu.sem_alloc : memref<!tpu.dma_semaphore, #tpu.memory_space<semaphore_mem>>
      %dma_start3A_157 = arith.constant 0 : i32
      %dma_start3A_158 = tpu.memref_slice %arg6[%add3A_128, %dma_start3A_157] : memref<61440x128xf32, #tpu.memory_space<hbm>> -> memref<128x128xf32, #tpu.memory_space<hbm>>
      %dma_start3A_159 = arith.constant 0 : i32
      %dma_start3A_160 = tpu.memref_slice %arg6[%add3A_128, %dma_start3A_159] : memref<61440x128xf32, #tpu.memory_space<hbm>> -> memref<128x128xf32, #tpu.memory_space<hbm>>
      tpu.enqueue_dma source(%arg12 : memref<128x128xf32, #tpu.memory_space<vmem>>) target(%dma_start3A_160 : memref<128x128xf32, #tpu.memory_space<hbm>>) target_semaphore(%run_scoped3A : memref<!tpu.dma_semaphore, #tpu.memory_space<semaphore_mem>>)
      %dma_wait3A_161 = arith.constant 0 : i32
      %dma_wait3A_162 = tpu.memref_slice %arg6[%add3A_128, %dma_wait3A_161] : memref<61440x128xf32, #tpu.memory_space<hbm>> -> memref<128x128xf32, #tpu.memory_space<hbm>>
      %dma_wait3A_163 = arith.constant 0 : i32
      %dma_wait3A_164 = tpu.memref_slice %arg6[%add3A_128, %dma_wait3A_163] : memref<61440x128xf32, #tpu.memory_space<hbm>> -> memref<128x128xf32, #tpu.memory_space<hbm>>
      tpu.wait_dma2 semaphore(%run_scoped3A : memref<!tpu.dma_semaphore, #tpu.memory_space<semaphore_mem>>) src(%arg12 : memref<128x128xf32, #tpu.memory_space<vmem>>) dst(%dma_wait3A_164 : memref<128x128xf32, #tpu.memory_space<hbm>>)
      tpu.yield
    }) : () -> ()
    %add3A_129 = arith.constant 1664 : i32
    %add3A_130 = arith.addi %mul3A_6, %add3A_129 : i32
    "tpu.region"() ({
      %run_scoped3A = tpu.sem_alloc : memref<!tpu.dma_semaphore, #tpu.memory_space<semaphore_mem>>
      %dma_start3A_157 = tpu.memref_slice %arg4[%add3A_130] : memref<61440xi32, #tpu.memory_space<hbm>> -> memref<128xi32, #tpu.memory_space<hbm>>
      %dma_start3A_158 = tpu.memref_slice %arg4[%add3A_130] : memref<61440xi32, #tpu.memory_space<hbm>> -> memref<128xi32, #tpu.memory_space<hbm>>
      tpu.enqueue_dma source(%dma_start3A_158 : memref<128xi32, #tpu.memory_space<hbm>>) target(%arg10 : memref<128xi32, #tpu.memory_space<vmem>>) target_semaphore(%run_scoped3A : memref<!tpu.dma_semaphore, #tpu.memory_space<semaphore_mem>>)
      %dma_wait3A_159 = tpu.memref_slice %arg4[%add3A_130] : memref<61440xi32, #tpu.memory_space<hbm>> -> memref<128xi32, #tpu.memory_space<hbm>>
      %dma_wait3A_160 = tpu.memref_slice %arg4[%add3A_130] : memref<61440xi32, #tpu.memory_space<hbm>> -> memref<128xi32, #tpu.memory_space<hbm>>
      tpu.wait_dma2 semaphore(%run_scoped3A : memref<!tpu.dma_semaphore, #tpu.memory_space<semaphore_mem>>) src(%dma_wait3A_160 : memref<128xi32, #tpu.memory_space<hbm>>) dst(%arg10 : memref<128xi32, #tpu.memory_space<vmem>>)
      tpu.yield
    }) : () -> ()
    %dma_start3A_131 = arith.constant 0 : i32
    %dma_start3A_132 = arith.constant 0 : i32
    %dma_start3A_133 = tpu.memref_slice %arg2[%dma_start3A_131, %dma_start3A_132] : memref<300000x128xf32, #tpu.memory_space<hbm>> -> memref<300000x128xf32, #tpu.memory_space<hbm>>
    tpu.enqueue_indirect_dma source(%dma_start3A_133 : memref<300000x128xf32, #tpu.memory_space<hbm>>) target(%arg12 : memref<128x128xf32, #tpu.memory_space<vmem>>) offsets(%arg10 : memref<128xi32, #tpu.memory_space<vmem>>) semaphore(%arg15 : memref<!tpu.dma_semaphore, #tpu.memory_space<semaphore_mem>>)
    %dma_wait3A_134 = arith.constant 0 : i32
    %dma_wait3A_135 = arith.constant 0 : i32
    %dma_wait3A_136 = tpu.memref_slice %arg2[%dma_wait3A_134, %dma_wait3A_135] : memref<300000x128xf32, #tpu.memory_space<hbm>> -> memref<300000x128xf32, #tpu.memory_space<hbm>>
    tpu.wait_indirect_dma semaphore(%arg14 : memref<!tpu.dma_semaphore, #tpu.memory_space<semaphore_mem>>) src(%dma_wait3A_136 : memref<300000x128xf32, #tpu.memory_space<hbm>>) dst(%arg11 : memref<128x128xf32, #tpu.memory_space<vmem>>)
    %add3A_137 = arith.constant 1536 : i32
    %add3A_138 = arith.addi %mul3A_6, %add3A_137 : i32
    "tpu.region"() ({
      %run_scoped3A = tpu.sem_alloc : memref<!tpu.dma_semaphore, #tpu.memory_space<semaphore_mem>>
      %dma_start3A_157 = arith.constant 0 : i32
      %dma_start3A_158 = tpu.memref_slice %arg6[%add3A_138, %dma_start3A_157] : memref<61440x128xf32, #tpu.memory_space<hbm>> -> memref<128x128xf32, #tpu.memory_space<hbm>>
      %dma_start3A_159 = arith.constant 0 : i32
      %dma_start3A_160 = tpu.memref_slice %arg6[%add3A_138, %dma_start3A_159] : memref<61440x128xf32, #tpu.memory_space<hbm>> -> memref<128x128xf32, #tpu.memory_space<hbm>>
      tpu.enqueue_dma source(%arg11 : memref<128x128xf32, #tpu.memory_space<vmem>>) target(%dma_start3A_160 : memref<128x128xf32, #tpu.memory_space<hbm>>) target_semaphore(%run_scoped3A : memref<!tpu.dma_semaphore, #tpu.memory_space<semaphore_mem>>)
      %dma_wait3A_161 = arith.constant 0 : i32
      %dma_wait3A_162 = tpu.memref_slice %arg6[%add3A_138, %dma_wait3A_161] : memref<61440x128xf32, #tpu.memory_space<hbm>> -> memref<128x128xf32, #tpu.memory_space<hbm>>
      %dma_wait3A_163 = arith.constant 0 : i32
      %dma_wait3A_164 = tpu.memref_slice %arg6[%add3A_138, %dma_wait3A_163] : memref<61440x128xf32, #tpu.memory_space<hbm>> -> memref<128x128xf32, #tpu.memory_space<hbm>>
      tpu.wait_dma2 semaphore(%run_scoped3A : memref<!tpu.dma_semaphore, #tpu.memory_space<semaphore_mem>>) src(%arg11 : memref<128x128xf32, #tpu.memory_space<vmem>>) dst(%dma_wait3A_164 : memref<128x128xf32, #tpu.memory_space<hbm>>)
      tpu.yield
    }) : () -> ()
    %add3A_139 = arith.constant 1792 : i32
    %add3A_140 = arith.addi %mul3A_6, %add3A_139 : i32
    "tpu.region"() ({
      %run_scoped3A = tpu.sem_alloc : memref<!tpu.dma_semaphore, #tpu.memory_space<semaphore_mem>>
      %dma_start3A_157 = tpu.memref_slice %arg4[%add3A_140] : memref<61440xi32, #tpu.memory_space<hbm>> -> memref<128xi32, #tpu.memory_space<hbm>>
      %dma_start3A_158 = tpu.memref_slice %arg4[%add3A_140] : memref<61440xi32, #tpu.memory_space<hbm>> -> memref<128xi32, #tpu.memory_space<hbm>>
      tpu.enqueue_dma source(%dma_start3A_158 : memref<128xi32, #tpu.memory_space<hbm>>) target(%arg9 : memref<128xi32, #tpu.memory_space<vmem>>) target_semaphore(%run_scoped3A : memref<!tpu.dma_semaphore, #tpu.memory_space<semaphore_mem>>)
      %dma_wait3A_159 = tpu.memref_slice %arg4[%add3A_140] : memref<61440xi32, #tpu.memory_space<hbm>> -> memref<128xi32, #tpu.memory_space<hbm>>
      %dma_wait3A_160 = tpu.memref_slice %arg4[%add3A_140] : memref<61440xi32, #tpu.memory_space<hbm>> -> memref<128xi32, #tpu.memory_space<hbm>>
      tpu.wait_dma2 semaphore(%run_scoped3A : memref<!tpu.dma_semaphore, #tpu.memory_space<semaphore_mem>>) src(%dma_wait3A_160 : memref<128xi32, #tpu.memory_space<hbm>>) dst(%arg9 : memref<128xi32, #tpu.memory_space<vmem>>)
      tpu.yield
    }) : () -> ()
    %dma_start3A_141 = arith.constant 0 : i32
    %dma_start3A_142 = arith.constant 0 : i32
    %dma_start3A_143 = tpu.memref_slice %arg2[%dma_start3A_141, %dma_start3A_142] : memref<300000x128xf32, #tpu.memory_space<hbm>> -> memref<300000x128xf32, #tpu.memory_space<hbm>>
    tpu.enqueue_indirect_dma source(%dma_start3A_143 : memref<300000x128xf32, #tpu.memory_space<hbm>>) target(%arg11 : memref<128x128xf32, #tpu.memory_space<vmem>>) offsets(%arg9 : memref<128xi32, #tpu.memory_space<vmem>>) semaphore(%arg14 : memref<!tpu.dma_semaphore, #tpu.memory_space<semaphore_mem>>)
    %dma_wait3A_144 = arith.constant 0 : i32
    %dma_wait3A_145 = arith.constant 0 : i32
    %dma_wait3A_146 = tpu.memref_slice %arg2[%dma_wait3A_144, %dma_wait3A_145] : memref<300000x128xf32, #tpu.memory_space<hbm>> -> memref<300000x128xf32, #tpu.memory_space<hbm>>
    tpu.wait_indirect_dma semaphore(%arg15 : memref<!tpu.dma_semaphore, #tpu.memory_space<semaphore_mem>>) src(%dma_wait3A_146 : memref<300000x128xf32, #tpu.memory_space<hbm>>) dst(%arg12 : memref<128x128xf32, #tpu.memory_space<vmem>>)
    %add3A_147 = arith.constant 1664 : i32
    %add3A_148 = arith.addi %mul3A_6, %add3A_147 : i32
    "tpu.region"() ({
      %run_scoped3A = tpu.sem_alloc : memref<!tpu.dma_semaphore, #tpu.memory_space<semaphore_mem>>
      %dma_start3A_157 = arith.constant 0 : i32
      %dma_start3A_158 = tpu.memref_slice %arg6[%add3A_148, %dma_start3A_157] : memref<61440x128xf32, #tpu.memory_space<hbm>> -> memref<128x128xf32, #tpu.memory_space<hbm>>
      %dma_start3A_159 = arith.constant 0 : i32
      %dma_start3A_160 = tpu.memref_slice %arg6[%add3A_148, %dma_start3A_159] : memref<61440x128xf32, #tpu.memory_space<hbm>> -> memref<128x128xf32, #tpu.memory_space<hbm>>
      tpu.enqueue_dma source(%arg12 : memref<128x128xf32, #tpu.memory_space<vmem>>) target(%dma_start3A_160 : memref<128x128xf32, #tpu.memory_space<hbm>>) target_semaphore(%run_scoped3A : memref<!tpu.dma_semaphore, #tpu.memory_space<semaphore_mem>>)
      %dma_wait3A_161 = arith.constant 0 : i32
      %dma_wait3A_162 = tpu.memref_slice %arg6[%add3A_148, %dma_wait3A_161] : memref<61440x128xf32, #tpu.memory_space<hbm>> -> memref<128x128xf32, #tpu.memory_space<hbm>>
      %dma_wait3A_163 = arith.constant 0 : i32
      %dma_wait3A_164 = tpu.memref_slice %arg6[%add3A_148, %dma_wait3A_163] : memref<61440x128xf32, #tpu.memory_space<hbm>> -> memref<128x128xf32, #tpu.memory_space<hbm>>
      tpu.wait_dma2 semaphore(%run_scoped3A : memref<!tpu.dma_semaphore, #tpu.memory_space<semaphore_mem>>) src(%arg12 : memref<128x128xf32, #tpu.memory_space<vmem>>) dst(%dma_wait3A_164 : memref<128x128xf32, #tpu.memory_space<hbm>>)
      tpu.yield
    }) : () -> ()
    %dma_wait3A_149 = arith.constant 0 : i32
    %dma_wait3A_150 = arith.constant 0 : i32
    %dma_wait3A_151 = tpu.memref_slice %arg2[%dma_wait3A_149, %dma_wait3A_150] : memref<300000x128xf32, #tpu.memory_space<hbm>> -> memref<300000x128xf32, #tpu.memory_space<hbm>>
    tpu.wait_indirect_dma semaphore(%arg14 : memref<!tpu.dma_semaphore, #tpu.memory_space<semaphore_mem>>) src(%dma_wait3A_151 : memref<300000x128xf32, #tpu.memory_space<hbm>>) dst(%arg11 : memref<128x128xf32, #tpu.memory_space<vmem>>)
    %add3A_152 = arith.constant 1792 : i32
    %add3A_153 = arith.addi %mul3A_6, %add3A_152 : i32
    "tpu.region"() ({
      %run_scoped3A = tpu.sem_alloc : memref<!tpu.dma_semaphore, #tpu.memory_space<semaphore_mem>>
      %dma_start3A_157 = arith.constant 0 : i32
      %dma_start3A_158 = tpu.memref_slice %arg6[%add3A_153, %dma_start3A_157] : memref<61440x128xf32, #tpu.memory_space<hbm>> -> memref<128x128xf32, #tpu.memory_space<hbm>>
      %dma_start3A_159 = arith.constant 0 : i32
      %dma_start3A_160 = tpu.memref_slice %arg6[%add3A_153, %dma_start3A_159] : memref<61440x128xf32, #tpu.memory_space<hbm>> -> memref<128x128xf32, #tpu.memory_space<hbm>>
      tpu.enqueue_dma source(%arg11 : memref<128x128xf32, #tpu.memory_space<vmem>>) target(%dma_start3A_160 : memref<128x128xf32, #tpu.memory_space<hbm>>) target_semaphore(%run_scoped3A : memref<!tpu.dma_semaphore, #tpu.memory_space<semaphore_mem>>)
      %dma_wait3A_161 = arith.constant 0 : i32
      %dma_wait3A_162 = tpu.memref_slice %arg6[%add3A_153, %dma_wait3A_161] : memref<61440x128xf32, #tpu.memory_space<hbm>> -> memref<128x128xf32, #tpu.memory_space<hbm>>
      %dma_wait3A_163 = arith.constant 0 : i32
      %dma_wait3A_164 = tpu.memref_slice %arg6[%add3A_153, %dma_wait3A_163] : memref<61440x128xf32, #tpu.memory_space<hbm>> -> memref<128x128xf32, #tpu.memory_space<hbm>>
      tpu.wait_dma2 semaphore(%run_scoped3A : memref<!tpu.dma_semaphore, #tpu.memory_space<semaphore_mem>>) src(%arg11 : memref<128x128xf32, #tpu.memory_space<vmem>>) dst(%dma_wait3A_164 : memref<128x128xf32, #tpu.memory_space<hbm>>)
      tpu.yield
    }) : () -> ()
    %dma_wait3A_154 = arith.constant 0 : i32
    %dma_wait3A_155 = arith.constant 0 : i32
    %dma_wait3A_156 = tpu.memref_slice %arg2[%dma_wait3A_154, %dma_wait3A_155] : memref<300000x128xf32, #tpu.memory_space<hbm>> -> memref<300000x128xf32, #tpu.memory_space<hbm>>
    tpu.wait_indirect_dma semaphore(%arg13 : memref<!tpu.dma_semaphore, #tpu.memory_space<semaphore_mem>>) src(%dma_wait3A_156 : memref<300000x128xf32, #tpu.memory_space<hbm>>) dst(%arg8 : memref<32x128xf32, #tpu.memory_space<vmem>>)
    "tpu.region"() ({
      %run_scoped3A = tpu.sem_alloc : memref<!tpu.dma_semaphore, #tpu.memory_space<semaphore_mem>>
      %dma_start3A_157 = arith.constant 0 : i32
      %dma_start3A_158 = tpu.memref_slice %arg5[%mul3A_2, %dma_start3A_157] : memref<1024x128xf32, #tpu.memory_space<hbm>> -> memref<32x128xf32, #tpu.memory_space<hbm>>
      %dma_start3A_159 = arith.constant 0 : i32
      %dma_start3A_160 = tpu.memref_slice %arg5[%mul3A_2, %dma_start3A_159] : memref<1024x128xf32, #tpu.memory_space<hbm>> -> memref<32x128xf32, #tpu.memory_space<hbm>>
      tpu.enqueue_dma source(%arg8 : memref<32x128xf32, #tpu.memory_space<vmem>>) target(%dma_start3A_160 : memref<32x128xf32, #tpu.memory_space<hbm>>) target_semaphore(%run_scoped3A : memref<!tpu.dma_semaphore, #tpu.memory_space<semaphore_mem>>)
      %dma_wait3A_161 = arith.constant 0 : i32
      %dma_wait3A_162 = tpu.memref_slice %arg5[%mul3A_2, %dma_wait3A_161] : memref<1024x128xf32, #tpu.memory_space<hbm>> -> memref<32x128xf32, #tpu.memory_space<hbm>>
      %dma_wait3A_163 = arith.constant 0 : i32
      %dma_wait3A_164 = tpu.memref_slice %arg5[%mul3A_2, %dma_wait3A_163] : memref<1024x128xf32, #tpu.memory_space<hbm>> -> memref<32x128xf32, #tpu.memory_space<hbm>>
      tpu.wait_dma2 semaphore(%run_scoped3A : memref<!tpu.dma_semaphore, #tpu.memory_space<semaphore_mem>>) src(%arg8 : memref<32x128xf32, #tpu.memory_space<vmem>>) dst(%dma_wait3A_164 : memref<32x128xf32, #tpu.memory_space<hbm>>)
      tpu.yield
    }) : () -> ()
    return
  }
}

#map = affine_map<(d0, d1) -> (0, 0)>
#map1 = affine_map<(d0, d1) -> (0)>
module attributes {stable_mosaic.version = 14 : i64} {
  func.func @k(%arg0: i32, %arg1: i32, %arg2: memref<300000x128xf32, #tpu.memory_space<hbm>>, %arg3: memref<1024xi32, #tpu.memory_space<hbm>>, %arg4: memref<61440xi32, #tpu.memory_space<hbm>>, %arg5: memref<1024x128xf32, #tpu.memory_space<hbm>>, %arg6: memref<61440x128xf32, #tpu.memory_space<hbm>>, %arg7: memref<32xi32, #tpu.memory_space<vmem>>, %arg8: memref<32x128xf32, #tpu.memory_space<vmem>>, %arg9: memref<128xi32, #tpu.memory_space<vmem>>, %arg10: memref<128xi32, #tpu.memory_space<vmem>>, %arg11: memref<128x128xf32, #tpu.memory_space<vmem>>, %arg12: memref<128x128xf32, #tpu.memory_space<vmem>>, %arg13: memref<!tpu.dma_semaphore, #tpu.memory_space<semaphore_mem>>, %arg14: memref<!tpu.dma_semaphore, #tpu.memory_space<semaphore_mem>>, %arg15: memref<!tpu.dma_semaphore, #tpu.memory_space<semaphore_mem>>) attributes {dimension_semantics = [#tpu.dimension_semantics<core_parallel>, #tpu.dimension_semantics<subcore_parallel>], iteration_bounds = array<i64: 2, 16>, scalar_prefetch = 0 : i64, scratch_operands = 9 : i64, tpu.core_type = #tpu.core_type<sc_vector_subcore>, window_params = [{transform_indices = #map}, {transform_indices = #map1}, {transform_indices = #map1}, {transform_indices = #map}, {transform_indices = #map}]} {
    %mul3A = arith.constant 2 : i32
    %mul3A_0 = arith.muli %arg1, %mul3A : i32
    %add3A = arith.addi %mul3A_0, %arg0 : i32
    %mul3A_1 = arith.constant 32 : i32
    %mul3A_2 = arith.muli %add3A, %mul3A_1 : i32
    "tpu.region"() ({
      %run_scoped3A = tpu.sem_alloc : memref<!tpu.dma_semaphore, #tpu.memory_space<semaphore_mem>>
      %dma_start3A_157 = tpu.memref_slice %arg3[%mul3A_2] : memref<1024xi32, #tpu.memory_space<hbm>> -> memref<32xi32, #tpu.memory_space<hbm>>
      %dma_start3A_158 = tpu.memref_slice %arg3[%mul3A_2] : memref<1024xi32, #tpu.memory_space<hbm>> -> memref<32xi32, #tpu.memory_space<hbm>>
      tpu.enqueue_dma source(%dma_start3A_158 : memref<32xi32, #tpu.memory_space<hbm>>) target(%arg7 : memref<32xi32, #tpu.memory_space<vmem>>) target_semaphore(%run_scoped3A : memref<!tpu.dma_semaphore, #tpu.memory_space<semaphore_mem>>)
      %dma_wait3A_159 = tpu.memref_slice %arg3[%mul3A_2] : memref<1024xi32, #tpu.memory_space<hbm>> -> memref<32xi32, #tpu.memory_space<hbm>>
      %dma_wait3A_160 = tpu.memref_slice %arg3[%mul3A_2] : memref<1024xi32, #tpu.memory_space<hbm>> -> memref<32xi32, #tpu.memory_space<hbm>>
      tpu.wait_dma2 semaphore(%run_scoped3A : memref<!tpu.dma_semaphore, #tpu.memory_space<semaphore_mem>>) src(%dma_wait3A_160 : memref<32xi32, #tpu.memory_space<hbm>>) dst(%arg7 : memref<32xi32, #tpu.memory_space<vmem>>)
      tpu.yield
    }) : () -> ()
    %dma_start3A = arith.constant 0 : i32
    %dma_start3A_3 = arith.constant 0 : i32
    %dma_start3A_4 = tpu.memref_slice %arg2[%dma_start3A, %dma_start3A_3] : memref<300000x128xf32, #tpu.memory_space<hbm>> -> memref<300000x128xf32, #tpu.memory_space<hbm>>
    tpu.enqueue_indirect_dma source(%dma_start3A_4 : memref<300000x128xf32, #tpu.memory_space<hbm>>) target(%arg8 : memref<32x128xf32, #tpu.memory_space<vmem>>) offsets(%arg7 : memref<32xi32, #tpu.memory_space<vmem>>) semaphore(%arg13 : memref<!tpu.dma_semaphore, #tpu.memory_space<semaphore_mem>>)
    %mul3A_5 = arith.constant 1920 : i32
    %mul3A_6 = arith.muli %add3A, %mul3A_5 : i32
    "tpu.region"() ({
      %run_scoped3A = tpu.sem_alloc : memref<!tpu.dma_semaphore, #tpu.memory_space<semaphore_mem>>
      %dma_start3A_157 = tpu.memref_slice %arg4[%mul3A_6] : memref<61440xi32, #tpu.memory_space<hbm>> -> memref<128xi32, #tpu.memory_space<hbm>>
      %dma_start3A_158 = tpu.memref_slice %arg4[%mul3A_6] : memref<61440xi32, #tpu.memory_space<hbm>> -> memref<128xi32, #tpu.memory_space<hbm>>
      tpu.enqueue_dma source(%dma_start3A_158 : memref<128xi32, #tpu.memory_space<hbm>>) target(%arg9 : memref<128xi32, #tpu.memory_space<vmem>>) target_semaphore(%run_scoped3A : memref<!tpu.dma_semaphore, #tpu.memory_space<semaphore_mem>>)
      %dma_wait3A_159 = tpu.memref_slice %arg4[%mul3A_6] : memref<61440xi32, #tpu.memory_space<hbm>> -> memref<128xi32, #tpu.memory_space<hbm>>
      %dma_wait3A_160 = tpu.memref_slice %arg4[%mul3A_6] : memref<61440xi32, #tpu.memory_space<hbm>> -> memref<128xi32, #tpu.memory_space<hbm>>
      tpu.wait_dma2 semaphore(%run_scoped3A : memref<!tpu.dma_semaphore, #tpu.memory_space<semaphore_mem>>) src(%dma_wait3A_160 : memref<128xi32, #tpu.memory_space<hbm>>) dst(%arg9 : memref<128xi32, #tpu.memory_space<vmem>>)
      tpu.yield
    }) : () -> ()
    %dma_start3A_7 = arith.constant 0 : i32
    %dma_start3A_8 = arith.constant 0 : i32
    %dma_start3A_9 = tpu.memref_slice %arg2[%dma_start3A_7, %dma_start3A_8] : memref<300000x128xf32, #tpu.memory_space<hbm>> -> memref<300000x128xf32, #tpu.memory_space<hbm>>
    tpu.enqueue_indirect_dma source(%dma_start3A_9 : memref<300000x128xf32, #tpu.memory_space<hbm>>) target(%arg11 : memref<128x128xf32, #tpu.memory_space<vmem>>) offsets(%arg9 : memref<128xi32, #tpu.memory_space<vmem>>) semaphore(%arg14 : memref<!tpu.dma_semaphore, #tpu.memory_space<semaphore_mem>>)
    %add3A_10 = arith.constant 128 : i32
    %add3A_11 = arith.addi %mul3A_6, %add3A_10 : i32
    "tpu.region"() ({
      %run_scoped3A = tpu.sem_alloc : memref<!tpu.dma_semaphore, #tpu.memory_space<semaphore_mem>>
      %dma_start3A_157 = tpu.memref_slice %arg4[%add3A_11] : memref<61440xi32, #tpu.memory_space<hbm>> -> memref<128xi32, #tpu.memory_space<hbm>>
      %dma_start3A_158 = tpu.memref_slice %arg4[%add3A_11] : memref<61440xi32, #tpu.memory_space<hbm>> -> memref<128xi32, #tpu.memory_space<hbm>>
      tpu.enqueue_dma source(%dma_start3A_158 : memref<128xi32, #tpu.memory_space<hbm>>) target(%arg10 : memref<128xi32, #tpu.memory_space<vmem>>) target_semaphore(%run_scoped3A : memref<!tpu.dma_semaphore, #tpu.memory_space<semaphore_mem>>)
      %dma_wait3A_159 = tpu.memref_slice %arg4[%add3A_11] : memref<61440xi32, #tpu.memory_space<hbm>> -> memref<128xi32, #tpu.memory_space<hbm>>
      %dma_wait3A_160 = tpu.memref_slice %arg4[%add3A_11] : memref<61440xi32, #tpu.memory_space<hbm>> -> memref<128xi32, #tpu.memory_space<hbm>>
      tpu.wait_dma2 semaphore(%run_scoped3A : memref<!tpu.dma_semaphore, #tpu.memory_space<semaphore_mem>>) src(%dma_wait3A_160 : memref<128xi32, #tpu.memory_space<hbm>>) dst(%arg10 : memref<128xi32, #tpu.memory_space<vmem>>)
      tpu.yield
    }) : () -> ()
    %dma_start3A_12 = arith.constant 0 : i32
    %dma_start3A_13 = arith.constant 0 : i32
    %dma_start3A_14 = tpu.memref_slice %arg2[%dma_start3A_12, %dma_start3A_13] : memref<300000x128xf32, #tpu.memory_space<hbm>> -> memref<300000x128xf32, #tpu.memory_space<hbm>>
    tpu.enqueue_indirect_dma source(%dma_start3A_14 : memref<300000x128xf32, #tpu.memory_space<hbm>>) target(%arg12 : memref<128x128xf32, #tpu.memory_space<vmem>>) offsets(%arg10 : memref<128xi32, #tpu.memory_space<vmem>>) semaphore(%arg15 : memref<!tpu.dma_semaphore, #tpu.memory_space<semaphore_mem>>)
    %dma_wait3A = arith.constant 0 : i32
    %dma_wait3A_15 = arith.constant 0 : i32
    %dma_wait3A_16 = tpu.memref_slice %arg2[%dma_wait3A, %dma_wait3A_15] : memref<300000x128xf32, #tpu.memory_space<hbm>> -> memref<300000x128xf32, #tpu.memory_space<hbm>>
    tpu.wait_indirect_dma semaphore(%arg14 : memref<!tpu.dma_semaphore, #tpu.memory_space<semaphore_mem>>) src(%dma_wait3A_16 : memref<300000x128xf32, #tpu.memory_space<hbm>>) dst(%arg11 : memref<128x128xf32, #tpu.memory_space<vmem>>)
    %add3A_17 = arith.constant 0 : i32
    %add3A_18 = arith.addi %mul3A_6, %add3A_17 : i32
    "tpu.region"() ({
      %run_scoped3A = tpu.sem_alloc : memref<!tpu.dma_semaphore, #tpu.memory_space<semaphore_mem>>
      %dma_start3A_157 = arith.constant 0 : i32
      %dma_start3A_158 = tpu.memref_slice %arg6[%add3A_18, %dma_start3A_157] : memref<61440x128xf32, #tpu.memory_space<hbm>> -> memref<128x128xf32, #tpu.memory_space<hbm>>
      %dma_start3A_159 = arith.constant 0 : i32
      %dma_start3A_160 = tpu.memref_slice %arg6[%add3A_18, %dma_start3A_159] : memref<61440x128xf32, #tpu.memory_space<hbm>> -> memref<128x128xf32, #tpu.memory_space<hbm>>
      tpu.enqueue_dma source(%arg11 : memref<128x128xf32, #tpu.memory_space<vmem>>) target(%dma_start3A_160 : memref<128x128xf32, #tpu.memory_space<hbm>>) target_semaphore(%run_scoped3A : memref<!tpu.dma_semaphore, #tpu.memory_space<semaphore_mem>>)
      %dma_wait3A_161 = arith.constant 0 : i32
      %dma_wait3A_162 = tpu.memref_slice %arg6[%add3A_18, %dma_wait3A_161] : memref<61440x128xf32, #tpu.memory_space<hbm>> -> memref<128x128xf32, #tpu.memory_space<hbm>>
      %dma_wait3A_163 = arith.constant 0 : i32
      %dma_wait3A_164 = tpu.memref_slice %arg6[%add3A_18, %dma_wait3A_163] : memref<61440x128xf32, #tpu.memory_space<hbm>> -> memref<128x128xf32, #tpu.memory_space<hbm>>
      tpu.wait_dma2 semaphore(%run_scoped3A : memref<!tpu.dma_semaphore, #tpu.memory_space<semaphore_mem>>) src(%arg11 : memref<128x128xf32, #tpu.memory_space<vmem>>) dst(%dma_wait3A_164 : memref<128x128xf32, #tpu.memory_space<hbm>>)
      tpu.yield
    }) : () -> ()
    %add3A_19 = arith.constant 256 : i32
    %add3A_20 = arith.addi %mul3A_6, %add3A_19 : i32
    "tpu.region"() ({
      %run_scoped3A = tpu.sem_alloc : memref<!tpu.dma_semaphore, #tpu.memory_space<semaphore_mem>>
      %dma_start3A_157 = tpu.memref_slice %arg4[%add3A_20] : memref<61440xi32, #tpu.memory_space<hbm>> -> memref<128xi32, #tpu.memory_space<hbm>>
      %dma_start3A_158 = tpu.memref_slice %arg4[%add3A_20] : memref<61440xi32, #tpu.memory_space<hbm>> -> memref<128xi32, #tpu.memory_space<hbm>>
      tpu.enqueue_dma source(%dma_start3A_158 : memref<128xi32, #tpu.memory_space<hbm>>) target(%arg9 : memref<128xi32, #tpu.memory_space<vmem>>) target_semaphore(%run_scoped3A : memref<!tpu.dma_semaphore, #tpu.memory_space<semaphore_mem>>)
      %dma_wait3A_159 = tpu.memref_slice %arg4[%add3A_20] : memref<61440xi32, #tpu.memory_space<hbm>> -> memref<128xi32, #tpu.memory_space<hbm>>
      %dma_wait3A_160 = tpu.memref_slice %arg4[%add3A_20] : memref<61440xi32, #tpu.memory_space<hbm>> -> memref<128xi32, #tpu.memory_space<hbm>>
      tpu.wait_dma2 semaphore(%run_scoped3A : memref<!tpu.dma_semaphore, #tpu.memory_space<semaphore_mem>>) src(%dma_wait3A_160 : memref<128xi32, #tpu.memory_space<hbm>>) dst(%arg9 : memref<128xi32, #tpu.memory_space<vmem>>)
      tpu.yield
    }) : () -> ()
    %dma_start3A_21 = arith.constant 0 : i32
    %dma_start3A_22 = arith.constant 0 : i32
    %dma_start3A_23 = tpu.memref_slice %arg2[%dma_start3A_21, %dma_start3A_22] : memref<300000x128xf32, #tpu.memory_space<hbm>> -> memref<300000x128xf32, #tpu.memory_space<hbm>>
    tpu.enqueue_indirect_dma source(%dma_start3A_23 : memref<300000x128xf32, #tpu.memory_space<hbm>>) target(%arg11 : memref<128x128xf32, #tpu.memory_space<vmem>>) offsets(%arg9 : memref<128xi32, #tpu.memory_space<vmem>>) semaphore(%arg14 : memref<!tpu.dma_semaphore, #tpu.memory_space<semaphore_mem>>)
    %dma_wait3A_24 = arith.constant 0 : i32
    %dma_wait3A_25 = arith.constant 0 : i32
    %dma_wait3A_26 = tpu.memref_slice %arg2[%dma_wait3A_24, %dma_wait3A_25] : memref<300000x128xf32, #tpu.memory_space<hbm>> -> memref<300000x128xf32, #tpu.memory_space<hbm>>
    tpu.wait_indirect_dma semaphore(%arg15 : memref<!tpu.dma_semaphore, #tpu.memory_space<semaphore_mem>>) src(%dma_wait3A_26 : memref<300000x128xf32, #tpu.memory_space<hbm>>) dst(%arg12 : memref<128x128xf32, #tpu.memory_space<vmem>>)
    %add3A_27 = arith.constant 128 : i32
    %add3A_28 = arith.addi %mul3A_6, %add3A_27 : i32
    "tpu.region"() ({
      %run_scoped3A = tpu.sem_alloc : memref<!tpu.dma_semaphore, #tpu.memory_space<semaphore_mem>>
      %dma_start3A_157 = arith.constant 0 : i32
      %dma_start3A_158 = tpu.memref_slice %arg6[%add3A_28, %dma_start3A_157] : memref<61440x128xf32, #tpu.memory_space<hbm>> -> memref<128x128xf32, #tpu.memory_space<hbm>>
      %dma_start3A_159 = arith.constant 0 : i32
      %dma_start3A_160 = tpu.memref_slice %arg6[%add3A_28, %dma_start3A_159] : memref<61440x128xf32, #tpu.memory_space<hbm>> -> memref<128x128xf32, #tpu.memory_space<hbm>>
      tpu.enqueue_dma source(%arg12 : memref<128x128xf32, #tpu.memory_space<vmem>>) target(%dma_start3A_160 : memref<128x128xf32, #tpu.memory_space<hbm>>) target_semaphore(%run_scoped3A : memref<!tpu.dma_semaphore, #tpu.memory_space<semaphore_mem>>)
      %dma_wait3A_161 = arith.constant 0 : i32
      %dma_wait3A_162 = tpu.memref_slice %arg6[%add3A_28, %dma_wait3A_161] : memref<61440x128xf32, #tpu.memory_space<hbm>> -> memref<128x128xf32, #tpu.memory_space<hbm>>
      %dma_wait3A_163 = arith.constant 0 : i32
      %dma_wait3A_164 = tpu.memref_slice %arg6[%add3A_28, %dma_wait3A_163] : memref<61440x128xf32, #tpu.memory_space<hbm>> -> memref<128x128xf32, #tpu.memory_space<hbm>>
      tpu.wait_dma2 semaphore(%run_scoped3A : memref<!tpu.dma_semaphore, #tpu.memory_space<semaphore_mem>>) src(%arg12 : memref<128x128xf32, #tpu.memory_space<vmem>>) dst(%dma_wait3A_164 : memref<128x128xf32, #tpu.memory_space<hbm>>)
      tpu.yield
    }) : () -> ()
    %add3A_29 = arith.constant 384 : i32
    %add3A_30 = arith.addi %mul3A_6, %add3A_29 : i32
    "tpu.region"() ({
      %run_scoped3A = tpu.sem_alloc : memref<!tpu.dma_semaphore, #tpu.memory_space<semaphore_mem>>
      %dma_start3A_157 = tpu.memref_slice %arg4[%add3A_30] : memref<61440xi32, #tpu.memory_space<hbm>> -> memref<128xi32, #tpu.memory_space<hbm>>
      %dma_start3A_158 = tpu.memref_slice %arg4[%add3A_30] : memref<61440xi32, #tpu.memory_space<hbm>> -> memref<128xi32, #tpu.memory_space<hbm>>
      tpu.enqueue_dma source(%dma_start3A_158 : memref<128xi32, #tpu.memory_space<hbm>>) target(%arg10 : memref<128xi32, #tpu.memory_space<vmem>>) target_semaphore(%run_scoped3A : memref<!tpu.dma_semaphore, #tpu.memory_space<semaphore_mem>>)
      %dma_wait3A_159 = tpu.memref_slice %arg4[%add3A_30] : memref<61440xi32, #tpu.memory_space<hbm>> -> memref<128xi32, #tpu.memory_space<hbm>>
      %dma_wait3A_160 = tpu.memref_slice %arg4[%add3A_30] : memref<61440xi32, #tpu.memory_space<hbm>> -> memref<128xi32, #tpu.memory_space<hbm>>
      tpu.wait_dma2 semaphore(%run_scoped3A : memref<!tpu.dma_semaphore, #tpu.memory_space<semaphore_mem>>) src(%dma_wait3A_160 : memref<128xi32, #tpu.memory_space<hbm>>) dst(%arg10 : memref<128xi32, #tpu.memory_space<vmem>>)
      tpu.yield
    }) : () -> ()
    %dma_start3A_31 = arith.constant 0 : i32
    %dma_start3A_32 = arith.constant 0 : i32
    %dma_start3A_33 = tpu.memref_slice %arg2[%dma_start3A_31, %dma_start3A_32] : memref<300000x128xf32, #tpu.memory_space<hbm>> -> memref<300000x128xf32, #tpu.memory_space<hbm>>
    tpu.enqueue_indirect_dma source(%dma_start3A_33 : memref<300000x128xf32, #tpu.memory_space<hbm>>) target(%arg12 : memref<128x128xf32, #tpu.memory_space<vmem>>) offsets(%arg10 : memref<128xi32, #tpu.memory_space<vmem>>) semaphore(%arg15 : memref<!tpu.dma_semaphore, #tpu.memory_space<semaphore_mem>>)
    %dma_wait3A_34 = arith.constant 0 : i32
    %dma_wait3A_35 = arith.constant 0 : i32
    %dma_wait3A_36 = tpu.memref_slice %arg2[%dma_wait3A_34, %dma_wait3A_35] : memref<300000x128xf32, #tpu.memory_space<hbm>> -> memref<300000x128xf32, #tpu.memory_space<hbm>>
    tpu.wait_indirect_dma semaphore(%arg14 : memref<!tpu.dma_semaphore, #tpu.memory_space<semaphore_mem>>) src(%dma_wait3A_36 : memref<300000x128xf32, #tpu.memory_space<hbm>>) dst(%arg11 : memref<128x128xf32, #tpu.memory_space<vmem>>)
    %add3A_37 = arith.constant 256 : i32
    %add3A_38 = arith.addi %mul3A_6, %add3A_37 : i32
    "tpu.region"() ({
      %run_scoped3A = tpu.sem_alloc : memref<!tpu.dma_semaphore, #tpu.memory_space<semaphore_mem>>
      %dma_start3A_157 = arith.constant 0 : i32
      %dma_start3A_158 = tpu.memref_slice %arg6[%add3A_38, %dma_start3A_157] : memref<61440x128xf32, #tpu.memory_space<hbm>> -> memref<128x128xf32, #tpu.memory_space<hbm>>
      %dma_start3A_159 = arith.constant 0 : i32
      %dma_start3A_160 = tpu.memref_slice %arg6[%add3A_38, %dma_start3A_159] : memref<61440x128xf32, #tpu.memory_space<hbm>> -> memref<128x128xf32, #tpu.memory_space<hbm>>
      tpu.enqueue_dma source(%arg11 : memref<128x128xf32, #tpu.memory_space<vmem>>) target(%dma_start3A_160 : memref<128x128xf32, #tpu.memory_space<hbm>>) target_semaphore(%run_scoped3A : memref<!tpu.dma_semaphore, #tpu.memory_space<semaphore_mem>>)
      %dma_wait3A_161 = arith.constant 0 : i32
      %dma_wait3A_162 = tpu.memref_slice %arg6[%add3A_38, %dma_wait3A_161] : memref<61440x128xf32, #tpu.memory_space<hbm>> -> memref<128x128xf32, #tpu.memory_space<hbm>>
      %dma_wait3A_163 = arith.constant 0 : i32
      %dma_wait3A_164 = tpu.memref_slice %arg6[%add3A_38, %dma_wait3A_163] : memref<61440x128xf32, #tpu.memory_space<hbm>> -> memref<128x128xf32, #tpu.memory_space<hbm>>
      tpu.wait_dma2 semaphore(%run_scoped3A : memref<!tpu.dma_semaphore, #tpu.memory_space<semaphore_mem>>) src(%arg11 : memref<128x128xf32, #tpu.memory_space<vmem>>) dst(%dma_wait3A_164 : memref<128x128xf32, #tpu.memory_space<hbm>>)
      tpu.yield
    }) : () -> ()
    %add3A_39 = arith.constant 512 : i32
    %add3A_40 = arith.addi %mul3A_6, %add3A_39 : i32
    "tpu.region"() ({
      %run_scoped3A = tpu.sem_alloc : memref<!tpu.dma_semaphore, #tpu.memory_space<semaphore_mem>>
      %dma_start3A_157 = tpu.memref_slice %arg4[%add3A_40] : memref<61440xi32, #tpu.memory_space<hbm>> -> memref<128xi32, #tpu.memory_space<hbm>>
      %dma_start3A_158 = tpu.memref_slice %arg4[%add3A_40] : memref<61440xi32, #tpu.memory_space<hbm>> -> memref<128xi32, #tpu.memory_space<hbm>>
      tpu.enqueue_dma source(%dma_start3A_158 : memref<128xi32, #tpu.memory_space<hbm>>) target(%arg9 : memref<128xi32, #tpu.memory_space<vmem>>) target_semaphore(%run_scoped3A : memref<!tpu.dma_semaphore, #tpu.memory_space<semaphore_mem>>)
      %dma_wait3A_159 = tpu.memref_slice %arg4[%add3A_40] : memref<61440xi32, #tpu.memory_space<hbm>> -> memref<128xi32, #tpu.memory_space<hbm>>
      %dma_wait3A_160 = tpu.memref_slice %arg4[%add3A_40] : memref<61440xi32, #tpu.memory_space<hbm>> -> memref<128xi32, #tpu.memory_space<hbm>>
      tpu.wait_dma2 semaphore(%run_scoped3A : memref<!tpu.dma_semaphore, #tpu.memory_space<semaphore_mem>>) src(%dma_wait3A_160 : memref<128xi32, #tpu.memory_space<hbm>>) dst(%arg9 : memref<128xi32, #tpu.memory_space<vmem>>)
      tpu.yield
    }) : () -> ()
    %dma_start3A_41 = arith.constant 0 : i32
    %dma_start3A_42 = arith.constant 0 : i32
    %dma_start3A_43 = tpu.memref_slice %arg2[%dma_start3A_41, %dma_start3A_42] : memref<300000x128xf32, #tpu.memory_space<hbm>> -> memref<300000x128xf32, #tpu.memory_space<hbm>>
    tpu.enqueue_indirect_dma source(%dma_start3A_43 : memref<300000x128xf32, #tpu.memory_space<hbm>>) target(%arg11 : memref<128x128xf32, #tpu.memory_space<vmem>>) offsets(%arg9 : memref<128xi32, #tpu.memory_space<vmem>>) semaphore(%arg14 : memref<!tpu.dma_semaphore, #tpu.memory_space<semaphore_mem>>)
    %dma_wait3A_44 = arith.constant 0 : i32
    %dma_wait3A_45 = arith.constant 0 : i32
    %dma_wait3A_46 = tpu.memref_slice %arg2[%dma_wait3A_44, %dma_wait3A_45] : memref<300000x128xf32, #tpu.memory_space<hbm>> -> memref<300000x128xf32, #tpu.memory_space<hbm>>
    tpu.wait_indirect_dma semaphore(%arg15 : memref<!tpu.dma_semaphore, #tpu.memory_space<semaphore_mem>>) src(%dma_wait3A_46 : memref<300000x128xf32, #tpu.memory_space<hbm>>) dst(%arg12 : memref<128x128xf32, #tpu.memory_space<vmem>>)
    %add3A_47 = arith.constant 384 : i32
    %add3A_48 = arith.addi %mul3A_6, %add3A_47 : i32
    "tpu.region"() ({
      %run_scoped3A = tpu.sem_alloc : memref<!tpu.dma_semaphore, #tpu.memory_space<semaphore_mem>>
      %dma_start3A_157 = arith.constant 0 : i32
      %dma_start3A_158 = tpu.memref_slice %arg6[%add3A_48, %dma_start3A_157] : memref<61440x128xf32, #tpu.memory_space<hbm>> -> memref<128x128xf32, #tpu.memory_space<hbm>>
      %dma_start3A_159 = arith.constant 0 : i32
      %dma_start3A_160 = tpu.memref_slice %arg6[%add3A_48, %dma_start3A_159] : memref<61440x128xf32, #tpu.memory_space<hbm>> -> memref<128x128xf32, #tpu.memory_space<hbm>>
      tpu.enqueue_dma source(%arg12 : memref<128x128xf32, #tpu.memory_space<vmem>>) target(%dma_start3A_160 : memref<128x128xf32, #tpu.memory_space<hbm>>) target_semaphore(%run_scoped3A : memref<!tpu.dma_semaphore, #tpu.memory_space<semaphore_mem>>)
      %dma_wait3A_161 = arith.constant 0 : i32
      %dma_wait3A_162 = tpu.memref_slice %arg6[%add3A_48, %dma_wait3A_161] : memref<61440x128xf32, #tpu.memory_space<hbm>> -> memref<128x128xf32, #tpu.memory_space<hbm>>
      %dma_wait3A_163 = arith.constant 0 : i32
      %dma_wait3A_164 = tpu.memref_slice %arg6[%add3A_48, %dma_wait3A_163] : memref<61440x128xf32, #tpu.memory_space<hbm>> -> memref<128x128xf32, #tpu.memory_space<hbm>>
      tpu.wait_dma2 semaphore(%run_scoped3A : memref<!tpu.dma_semaphore, #tpu.memory_space<semaphore_mem>>) src(%arg12 : memref<128x128xf32, #tpu.memory_space<vmem>>) dst(%dma_wait3A_164 : memref<128x128xf32, #tpu.memory_space<hbm>>)
      tpu.yield
    }) : () -> ()
    %add3A_49 = arith.constant 640 : i32
    %add3A_50 = arith.addi %mul3A_6, %add3A_49 : i32
    "tpu.region"() ({
      %run_scoped3A = tpu.sem_alloc : memref<!tpu.dma_semaphore, #tpu.memory_space<semaphore_mem>>
      %dma_start3A_157 = tpu.memref_slice %arg4[%add3A_50] : memref<61440xi32, #tpu.memory_space<hbm>> -> memref<128xi32, #tpu.memory_space<hbm>>
      %dma_start3A_158 = tpu.memref_slice %arg4[%add3A_50] : memref<61440xi32, #tpu.memory_space<hbm>> -> memref<128xi32, #tpu.memory_space<hbm>>
      tpu.enqueue_dma source(%dma_start3A_158 : memref<128xi32, #tpu.memory_space<hbm>>) target(%arg10 : memref<128xi32, #tpu.memory_space<vmem>>) target_semaphore(%run_scoped3A : memref<!tpu.dma_semaphore, #tpu.memory_space<semaphore_mem>>)
      %dma_wait3A_159 = tpu.memref_slice %arg4[%add3A_50] : memref<61440xi32, #tpu.memory_space<hbm>> -> memref<128xi32, #tpu.memory_space<hbm>>
      %dma_wait3A_160 = tpu.memref_slice %arg4[%add3A_50] : memref<61440xi32, #tpu.memory_space<hbm>> -> memref<128xi32, #tpu.memory_space<hbm>>
      tpu.wait_dma2 semaphore(%run_scoped3A : memref<!tpu.dma_semaphore, #tpu.memory_space<semaphore_mem>>) src(%dma_wait3A_160 : memref<128xi32, #tpu.memory_space<hbm>>) dst(%arg10 : memref<128xi32, #tpu.memory_space<vmem>>)
      tpu.yield
    }) : () -> ()
    %dma_start3A_51 = arith.constant 0 : i32
    %dma_start3A_52 = arith.constant 0 : i32
    %dma_start3A_53 = tpu.memref_slice %arg2[%dma_start3A_51, %dma_start3A_52] : memref<300000x128xf32, #tpu.memory_space<hbm>> -> memref<300000x128xf32, #tpu.memory_space<hbm>>
    tpu.enqueue_indirect_dma source(%dma_start3A_53 : memref<300000x128xf32, #tpu.memory_space<hbm>>) target(%arg12 : memref<128x128xf32, #tpu.memory_space<vmem>>) offsets(%arg10 : memref<128xi32, #tpu.memory_space<vmem>>) semaphore(%arg15 : memref<!tpu.dma_semaphore, #tpu.memory_space<semaphore_mem>>)
    %dma_wait3A_54 = arith.constant 0 : i32
    %dma_wait3A_55 = arith.constant 0 : i32
    %dma_wait3A_56 = tpu.memref_slice %arg2[%dma_wait3A_54, %dma_wait3A_55] : memref<300000x128xf32, #tpu.memory_space<hbm>> -> memref<300000x128xf32, #tpu.memory_space<hbm>>
    tpu.wait_indirect_dma semaphore(%arg14 : memref<!tpu.dma_semaphore, #tpu.memory_space<semaphore_mem>>) src(%dma_wait3A_56 : memref<300000x128xf32, #tpu.memory_space<hbm>>) dst(%arg11 : memref<128x128xf32, #tpu.memory_space<vmem>>)
    %add3A_57 = arith.constant 512 : i32
    %add3A_58 = arith.addi %mul3A_6, %add3A_57 : i32
    "tpu.region"() ({
      %run_scoped3A = tpu.sem_alloc : memref<!tpu.dma_semaphore, #tpu.memory_space<semaphore_mem>>
      %dma_start3A_157 = arith.constant 0 : i32
      %dma_start3A_158 = tpu.memref_slice %arg6[%add3A_58, %dma_start3A_157] : memref<61440x128xf32, #tpu.memory_space<hbm>> -> memref<128x128xf32, #tpu.memory_space<hbm>>
      %dma_start3A_159 = arith.constant 0 : i32
      %dma_start3A_160 = tpu.memref_slice %arg6[%add3A_58, %dma_start3A_159] : memref<61440x128xf32, #tpu.memory_space<hbm>> -> memref<128x128xf32, #tpu.memory_space<hbm>>
      tpu.enqueue_dma source(%arg11 : memref<128x128xf32, #tpu.memory_space<vmem>>) target(%dma_start3A_160 : memref<128x128xf32, #tpu.memory_space<hbm>>) target_semaphore(%run_scoped3A : memref<!tpu.dma_semaphore, #tpu.memory_space<semaphore_mem>>)
      %dma_wait3A_161 = arith.constant 0 : i32
      %dma_wait3A_162 = tpu.memref_slice %arg6[%add3A_58, %dma_wait3A_161] : memref<61440x128xf32, #tpu.memory_space<hbm>> -> memref<128x128xf32, #tpu.memory_space<hbm>>
      %dma_wait3A_163 = arith.constant 0 : i32
      %dma_wait3A_164 = tpu.memref_slice %arg6[%add3A_58, %dma_wait3A_163] : memref<61440x128xf32, #tpu.memory_space<hbm>> -> memref<128x128xf32, #tpu.memory_space<hbm>>
      tpu.wait_dma2 semaphore(%run_scoped3A : memref<!tpu.dma_semaphore, #tpu.memory_space<semaphore_mem>>) src(%arg11 : memref<128x128xf32, #tpu.memory_space<vmem>>) dst(%dma_wait3A_164 : memref<128x128xf32, #tpu.memory_space<hbm>>)
      tpu.yield
    }) : () -> ()
    %add3A_59 = arith.constant 768 : i32
    %add3A_60 = arith.addi %mul3A_6, %add3A_59 : i32
    "tpu.region"() ({
      %run_scoped3A = tpu.sem_alloc : memref<!tpu.dma_semaphore, #tpu.memory_space<semaphore_mem>>
      %dma_start3A_157 = tpu.memref_slice %arg4[%add3A_60] : memref<61440xi32, #tpu.memory_space<hbm>> -> memref<128xi32, #tpu.memory_space<hbm>>
      %dma_start3A_158 = tpu.memref_slice %arg4[%add3A_60] : memref<61440xi32, #tpu.memory_space<hbm>> -> memref<128xi32, #tpu.memory_space<hbm>>
      tpu.enqueue_dma source(%dma_start3A_158 : memref<128xi32, #tpu.memory_space<hbm>>) target(%arg9 : memref<128xi32, #tpu.memory_space<vmem>>) target_semaphore(%run_scoped3A : memref<!tpu.dma_semaphore, #tpu.memory_space<semaphore_mem>>)
      %dma_wait3A_159 = tpu.memref_slice %arg4[%add3A_60] : memref<61440xi32, #tpu.memory_space<hbm>> -> memref<128xi32, #tpu.memory_space<hbm>>
      %dma_wait3A_160 = tpu.memref_slice %arg4[%add3A_60] : memref<61440xi32, #tpu.memory_space<hbm>> -> memref<128xi32, #tpu.memory_space<hbm>>
      tpu.wait_dma2 semaphore(%run_scoped3A : memref<!tpu.dma_semaphore, #tpu.memory_space<semaphore_mem>>) src(%dma_wait3A_160 : memref<128xi32, #tpu.memory_space<hbm>>) dst(%arg9 : memref<128xi32, #tpu.memory_space<vmem>>)
      tpu.yield
    }) : () -> ()
    %dma_start3A_61 = arith.constant 0 : i32
    %dma_start3A_62 = arith.constant 0 : i32
    %dma_start3A_63 = tpu.memref_slice %arg2[%dma_start3A_61, %dma_start3A_62] : memref<300000x128xf32, #tpu.memory_space<hbm>> -> memref<300000x128xf32, #tpu.memory_space<hbm>>
    tpu.enqueue_indirect_dma source(%dma_start3A_63 : memref<300000x128xf32, #tpu.memory_space<hbm>>) target(%arg11 : memref<128x128xf32, #tpu.memory_space<vmem>>) offsets(%arg9 : memref<128xi32, #tpu.memory_space<vmem>>) semaphore(%arg14 : memref<!tpu.dma_semaphore, #tpu.memory_space<semaphore_mem>>)
    %dma_wait3A_64 = arith.constant 0 : i32
    %dma_wait3A_65 = arith.constant 0 : i32
    %dma_wait3A_66 = tpu.memref_slice %arg2[%dma_wait3A_64, %dma_wait3A_65] : memref<300000x128xf32, #tpu.memory_space<hbm>> -> memref<300000x128xf32, #tpu.memory_space<hbm>>
    tpu.wait_indirect_dma semaphore(%arg15 : memref<!tpu.dma_semaphore, #tpu.memory_space<semaphore_mem>>) src(%dma_wait3A_66 : memref<300000x128xf32, #tpu.memory_space<hbm>>) dst(%arg12 : memref<128x128xf32, #tpu.memory_space<vmem>>)
    %add3A_67 = arith.constant 640 : i32
    %add3A_68 = arith.addi %mul3A_6, %add3A_67 : i32
    "tpu.region"() ({
      %run_scoped3A = tpu.sem_alloc : memref<!tpu.dma_semaphore, #tpu.memory_space<semaphore_mem>>
      %dma_start3A_157 = arith.constant 0 : i32
      %dma_start3A_158 = tpu.memref_slice %arg6[%add3A_68, %dma_start3A_157] : memref<61440x128xf32, #tpu.memory_space<hbm>> -> memref<128x128xf32, #tpu.memory_space<hbm>>
      %dma_start3A_159 = arith.constant 0 : i32
      %dma_start3A_160 = tpu.memref_slice %arg6[%add3A_68, %dma_start3A_159] : memref<61440x128xf32, #tpu.memory_space<hbm>> -> memref<128x128xf32, #tpu.memory_space<hbm>>
      tpu.enqueue_dma source(%arg12 : memref<128x128xf32, #tpu.memory_space<vmem>>) target(%dma_start3A_160 : memref<128x128xf32, #tpu.memory_space<hbm>>) target_semaphore(%run_scoped3A : memref<!tpu.dma_semaphore, #tpu.memory_space<semaphore_mem>>)
      %dma_wait3A_161 = arith.constant 0 : i32
      %dma_wait3A_162 = tpu.memref_slice %arg6[%add3A_68, %dma_wait3A_161] : memref<61440x128xf32, #tpu.memory_space<hbm>> -> memref<128x128xf32, #tpu.memory_space<hbm>>
      %dma_wait3A_163 = arith.constant 0 : i32
      %dma_wait3A_164 = tpu.memref_slice %arg6[%add3A_68, %dma_wait3A_163] : memref<61440x128xf32, #tpu.memory_space<hbm>> -> memref<128x128xf32, #tpu.memory_space<hbm>>
      tpu.wait_dma2 semaphore(%run_scoped3A : memref<!tpu.dma_semaphore, #tpu.memory_space<semaphore_mem>>) src(%arg12 : memref<128x128xf32, #tpu.memory_space<vmem>>) dst(%dma_wait3A_164 : memref<128x128xf32, #tpu.memory_space<hbm>>)
      tpu.yield
    }) : () -> ()
    %add3A_69 = arith.constant 896 : i32
    %add3A_70 = arith.addi %mul3A_6, %add3A_69 : i32
    "tpu.region"() ({
      %run_scoped3A = tpu.sem_alloc : memref<!tpu.dma_semaphore, #tpu.memory_space<semaphore_mem>>
      %dma_start3A_157 = tpu.memref_slice %arg4[%add3A_70] : memref<61440xi32, #tpu.memory_space<hbm>> -> memref<128xi32, #tpu.memory_space<hbm>>
      %dma_start3A_158 = tpu.memref_slice %arg4[%add3A_70] : memref<61440xi32, #tpu.memory_space<hbm>> -> memref<128xi32, #tpu.memory_space<hbm>>
      tpu.enqueue_dma source(%dma_start3A_158 : memref<128xi32, #tpu.memory_space<hbm>>) target(%arg10 : memref<128xi32, #tpu.memory_space<vmem>>) target_semaphore(%run_scoped3A : memref<!tpu.dma_semaphore, #tpu.memory_space<semaphore_mem>>)
      %dma_wait3A_159 = tpu.memref_slice %arg4[%add3A_70] : memref<61440xi32, #tpu.memory_space<hbm>> -> memref<128xi32, #tpu.memory_space<hbm>>
      %dma_wait3A_160 = tpu.memref_slice %arg4[%add3A_70] : memref<61440xi32, #tpu.memory_space<hbm>> -> memref<128xi32, #tpu.memory_space<hbm>>
      tpu.wait_dma2 semaphore(%run_scoped3A : memref<!tpu.dma_semaphore, #tpu.memory_space<semaphore_mem>>) src(%dma_wait3A_160 : memref<128xi32, #tpu.memory_space<hbm>>) dst(%arg10 : memref<128xi32, #tpu.memory_space<vmem>>)
      tpu.yield
    }) : () -> ()
    %dma_start3A_71 = arith.constant 0 : i32
    %dma_start3A_72 = arith.constant 0 : i32
    %dma_start3A_73 = tpu.memref_slice %arg2[%dma_start3A_71, %dma_start3A_72] : memref<300000x128xf32, #tpu.memory_space<hbm>> -> memref<300000x128xf32, #tpu.memory_space<hbm>>
    tpu.enqueue_indirect_dma source(%dma_start3A_73 : memref<300000x128xf32, #tpu.memory_space<hbm>>) target(%arg12 : memref<128x128xf32, #tpu.memory_space<vmem>>) offsets(%arg10 : memref<128xi32, #tpu.memory_space<vmem>>) semaphore(%arg15 : memref<!tpu.dma_semaphore, #tpu.memory_space<semaphore_mem>>)
    %dma_wait3A_74 = arith.constant 0 : i32
    %dma_wait3A_75 = arith.constant 0 : i32
    %dma_wait3A_76 = tpu.memref_slice %arg2[%dma_wait3A_74, %dma_wait3A_75] : memref<300000x128xf32, #tpu.memory_space<hbm>> -> memref<300000x128xf32, #tpu.memory_space<hbm>>
    tpu.wait_indirect_dma semaphore(%arg14 : memref<!tpu.dma_semaphore, #tpu.memory_space<semaphore_mem>>) src(%dma_wait3A_76 : memref<300000x128xf32, #tpu.memory_space<hbm>>) dst(%arg11 : memref<128x128xf32, #tpu.memory_space<vmem>>)
    %add3A_77 = arith.constant 768 : i32
    %add3A_78 = arith.addi %mul3A_6, %add3A_77 : i32
    "tpu.region"() ({
      %run_scoped3A = tpu.sem_alloc : memref<!tpu.dma_semaphore, #tpu.memory_space<semaphore_mem>>
      %dma_start3A_157 = arith.constant 0 : i32
      %dma_start3A_158 = tpu.memref_slice %arg6[%add3A_78, %dma_start3A_157] : memref<61440x128xf32, #tpu.memory_space<hbm>> -> memref<128x128xf32, #tpu.memory_space<hbm>>
      %dma_start3A_159 = arith.constant 0 : i32
      %dma_start3A_160 = tpu.memref_slice %arg6[%add3A_78, %dma_start3A_159] : memref<61440x128xf32, #tpu.memory_space<hbm>> -> memref<128x128xf32, #tpu.memory_space<hbm>>
      tpu.enqueue_dma source(%arg11 : memref<128x128xf32, #tpu.memory_space<vmem>>) target(%dma_start3A_160 : memref<128x128xf32, #tpu.memory_space<hbm>>) target_semaphore(%run_scoped3A : memref<!tpu.dma_semaphore, #tpu.memory_space<semaphore_mem>>)
      %dma_wait3A_161 = arith.constant 0 : i32
      %dma_wait3A_162 = tpu.memref_slice %arg6[%add3A_78, %dma_wait3A_161] : memref<61440x128xf32, #tpu.memory_space<hbm>> -> memref<128x128xf32, #tpu.memory_space<hbm>>
      %dma_wait3A_163 = arith.constant 0 : i32
      %dma_wait3A_164 = tpu.memref_slice %arg6[%add3A_78, %dma_wait3A_163] : memref<61440x128xf32, #tpu.memory_space<hbm>> -> memref<128x128xf32, #tpu.memory_space<hbm>>
      tpu.wait_dma2 semaphore(%run_scoped3A : memref<!tpu.dma_semaphore, #tpu.memory_space<semaphore_mem>>) src(%arg11 : memref<128x128xf32, #tpu.memory_space<vmem>>) dst(%dma_wait3A_164 : memref<128x128xf32, #tpu.memory_space<hbm>>)
      tpu.yield
    }) : () -> ()
    %add3A_79 = arith.constant 1024 : i32
    %add3A_80 = arith.addi %mul3A_6, %add3A_79 : i32
    "tpu.region"() ({
      %run_scoped3A = tpu.sem_alloc : memref<!tpu.dma_semaphore, #tpu.memory_space<semaphore_mem>>
      %dma_start3A_157 = tpu.memref_slice %arg4[%add3A_80] : memref<61440xi32, #tpu.memory_space<hbm>> -> memref<128xi32, #tpu.memory_space<hbm>>
      %dma_start3A_158 = tpu.memref_slice %arg4[%add3A_80] : memref<61440xi32, #tpu.memory_space<hbm>> -> memref<128xi32, #tpu.memory_space<hbm>>
      tpu.enqueue_dma source(%dma_start3A_158 : memref<128xi32, #tpu.memory_space<hbm>>) target(%arg9 : memref<128xi32, #tpu.memory_space<vmem>>) target_semaphore(%run_scoped3A : memref<!tpu.dma_semaphore, #tpu.memory_space<semaphore_mem>>)
      %dma_wait3A_159 = tpu.memref_slice %arg4[%add3A_80] : memref<61440xi32, #tpu.memory_space<hbm>> -> memref<128xi32, #tpu.memory_space<hbm>>
      %dma_wait3A_160 = tpu.memref_slice %arg4[%add3A_80] : memref<61440xi32, #tpu.memory_space<hbm>> -> memref<128xi32, #tpu.memory_space<hbm>>
      tpu.wait_dma2 semaphore(%run_scoped3A : memref<!tpu.dma_semaphore, #tpu.memory_space<semaphore_mem>>) src(%dma_wait3A_160 : memref<128xi32, #tpu.memory_space<hbm>>) dst(%arg9 : memref<128xi32, #tpu.memory_space<vmem>>)
      tpu.yield
    }) : () -> ()
    %dma_start3A_81 = arith.constant 0 : i32
    %dma_start3A_82 = arith.constant 0 : i32
    %dma_start3A_83 = tpu.memref_slice %arg2[%dma_start3A_81, %dma_start3A_82] : memref<300000x128xf32, #tpu.memory_space<hbm>> -> memref<300000x128xf32, #tpu.memory_space<hbm>>
    tpu.enqueue_indirect_dma source(%dma_start3A_83 : memref<300000x128xf32, #tpu.memory_space<hbm>>) target(%arg11 : memref<128x128xf32, #tpu.memory_space<vmem>>) offsets(%arg9 : memref<128xi32, #tpu.memory_space<vmem>>) semaphore(%arg14 : memref<!tpu.dma_semaphore, #tpu.memory_space<semaphore_mem>>)
    %dma_wait3A_84 = arith.constant 0 : i32
    %dma_wait3A_85 = arith.constant 0 : i32
    %dma_wait3A_86 = tpu.memref_slice %arg2[%dma_wait3A_84, %dma_wait3A_85] : memref<300000x128xf32, #tpu.memory_space<hbm>> -> memref<300000x128xf32, #tpu.memory_space<hbm>>
    tpu.wait_indirect_dma semaphore(%arg15 : memref<!tpu.dma_semaphore, #tpu.memory_space<semaphore_mem>>) src(%dma_wait3A_86 : memref<300000x128xf32, #tpu.memory_space<hbm>>) dst(%arg12 : memref<128x128xf32, #tpu.memory_space<vmem>>)
    %add3A_87 = arith.constant 896 : i32
    %add3A_88 = arith.addi %mul3A_6, %add3A_87 : i32
    "tpu.region"() ({
      %run_scoped3A = tpu.sem_alloc : memref<!tpu.dma_semaphore, #tpu.memory_space<semaphore_mem>>
      %dma_start3A_157 = arith.constant 0 : i32
      %dma_start3A_158 = tpu.memref_slice %arg6[%add3A_88, %dma_start3A_157] : memref<61440x128xf32, #tpu.memory_space<hbm>> -> memref<128x128xf32, #tpu.memory_space<hbm>>
      %dma_start3A_159 = arith.constant 0 : i32
      %dma_start3A_160 = tpu.memref_slice %arg6[%add3A_88, %dma_start3A_159] : memref<61440x128xf32, #tpu.memory_space<hbm>> -> memref<128x128xf32, #tpu.memory_space<hbm>>
      tpu.enqueue_dma source(%arg12 : memref<128x128xf32, #tpu.memory_space<vmem>>) target(%dma_start3A_160 : memref<128x128xf32, #tpu.memory_space<hbm>>) target_semaphore(%run_scoped3A : memref<!tpu.dma_semaphore, #tpu.memory_space<semaphore_mem>>)
      %dma_wait3A_161 = arith.constant 0 : i32
      %dma_wait3A_162 = tpu.memref_slice %arg6[%add3A_88, %dma_wait3A_161] : memref<61440x128xf32, #tpu.memory_space<hbm>> -> memref<128x128xf32, #tpu.memory_space<hbm>>
      %dma_wait3A_163 = arith.constant 0 : i32
      %dma_wait3A_164 = tpu.memref_slice %arg6[%add3A_88, %dma_wait3A_163] : memref<61440x128xf32, #tpu.memory_space<hbm>> -> memref<128x128xf32, #tpu.memory_space<hbm>>
      tpu.wait_dma2 semaphore(%run_scoped3A : memref<!tpu.dma_semaphore, #tpu.memory_space<semaphore_mem>>) src(%arg12 : memref<128x128xf32, #tpu.memory_space<vmem>>) dst(%dma_wait3A_164 : memref<128x128xf32, #tpu.memory_space<hbm>>)
      tpu.yield
    }) : () -> ()
    %add3A_89 = arith.constant 1152 : i32
    %add3A_90 = arith.addi %mul3A_6, %add3A_89 : i32
    "tpu.region"() ({
      %run_scoped3A = tpu.sem_alloc : memref<!tpu.dma_semaphore, #tpu.memory_space<semaphore_mem>>
      %dma_start3A_157 = tpu.memref_slice %arg4[%add3A_90] : memref<61440xi32, #tpu.memory_space<hbm>> -> memref<128xi32, #tpu.memory_space<hbm>>
      %dma_start3A_158 = tpu.memref_slice %arg4[%add3A_90] : memref<61440xi32, #tpu.memory_space<hbm>> -> memref<128xi32, #tpu.memory_space<hbm>>
      tpu.enqueue_dma source(%dma_start3A_158 : memref<128xi32, #tpu.memory_space<hbm>>) target(%arg10 : memref<128xi32, #tpu.memory_space<vmem>>) target_semaphore(%run_scoped3A : memref<!tpu.dma_semaphore, #tpu.memory_space<semaphore_mem>>)
      %dma_wait3A_159 = tpu.memref_slice %arg4[%add3A_90] : memref<61440xi32, #tpu.memory_space<hbm>> -> memref<128xi32, #tpu.memory_space<hbm>>
      %dma_wait3A_160 = tpu.memref_slice %arg4[%add3A_90] : memref<61440xi32, #tpu.memory_space<hbm>> -> memref<128xi32, #tpu.memory_space<hbm>>
      tpu.wait_dma2 semaphore(%run_scoped3A : memref<!tpu.dma_semaphore, #tpu.memory_space<semaphore_mem>>) src(%dma_wait3A_160 : memref<128xi32, #tpu.memory_space<hbm>>) dst(%arg10 : memref<128xi32, #tpu.memory_space<vmem>>)
      tpu.yield
    }) : () -> ()
    %dma_start3A_91 = arith.constant 0 : i32
    %dma_start3A_92 = arith.constant 0 : i32
    %dma_start3A_93 = tpu.memref_slice %arg2[%dma_start3A_91, %dma_start3A_92] : memref<300000x128xf32, #tpu.memory_space<hbm>> -> memref<300000x128xf32, #tpu.memory_space<hbm>>
    tpu.enqueue_indirect_dma source(%dma_start3A_93 : memref<300000x128xf32, #tpu.memory_space<hbm>>) target(%arg12 : memref<128x128xf32, #tpu.memory_space<vmem>>) offsets(%arg10 : memref<128xi32, #tpu.memory_space<vmem>>) semaphore(%arg15 : memref<!tpu.dma_semaphore, #tpu.memory_space<semaphore_mem>>)
    %dma_wait3A_94 = arith.constant 0 : i32
    %dma_wait3A_95 = arith.constant 0 : i32
    %dma_wait3A_96 = tpu.memref_slice %arg2[%dma_wait3A_94, %dma_wait3A_95] : memref<300000x128xf32, #tpu.memory_space<hbm>> -> memref<300000x128xf32, #tpu.memory_space<hbm>>
    tpu.wait_indirect_dma semaphore(%arg14 : memref<!tpu.dma_semaphore, #tpu.memory_space<semaphore_mem>>) src(%dma_wait3A_96 : memref<300000x128xf32, #tpu.memory_space<hbm>>) dst(%arg11 : memref<128x128xf32, #tpu.memory_space<vmem>>)
    %add3A_97 = arith.constant 1024 : i32
    %add3A_98 = arith.addi %mul3A_6, %add3A_97 : i32
    "tpu.region"() ({
      %run_scoped3A = tpu.sem_alloc : memref<!tpu.dma_semaphore, #tpu.memory_space<semaphore_mem>>
      %dma_start3A_157 = arith.constant 0 : i32
      %dma_start3A_158 = tpu.memref_slice %arg6[%add3A_98, %dma_start3A_157] : memref<61440x128xf32, #tpu.memory_space<hbm>> -> memref<128x128xf32, #tpu.memory_space<hbm>>
      %dma_start3A_159 = arith.constant 0 : i32
      %dma_start3A_160 = tpu.memref_slice %arg6[%add3A_98, %dma_start3A_159] : memref<61440x128xf32, #tpu.memory_space<hbm>> -> memref<128x128xf32, #tpu.memory_space<hbm>>
      tpu.enqueue_dma source(%arg11 : memref<128x128xf32, #tpu.memory_space<vmem>>) target(%dma_start3A_160 : memref<128x128xf32, #tpu.memory_space<hbm>>) target_semaphore(%run_scoped3A : memref<!tpu.dma_semaphore, #tpu.memory_space<semaphore_mem>>)
      %dma_wait3A_161 = arith.constant 0 : i32
      %dma_wait3A_162 = tpu.memref_slice %arg6[%add3A_98, %dma_wait3A_161] : memref<61440x128xf32, #tpu.memory_space<hbm>> -> memref<128x128xf32, #tpu.memory_space<hbm>>
      %dma_wait3A_163 = arith.constant 0 : i32
      %dma_wait3A_164 = tpu.memref_slice %arg6[%add3A_98, %dma_wait3A_163] : memref<61440x128xf32, #tpu.memory_space<hbm>> -> memref<128x128xf32, #tpu.memory_space<hbm>>
      tpu.wait_dma2 semaphore(%run_scoped3A : memref<!tpu.dma_semaphore, #tpu.memory_space<semaphore_mem>>) src(%arg11 : memref<128x128xf32, #tpu.memory_space<vmem>>) dst(%dma_wait3A_164 : memref<128x128xf32, #tpu.memory_space<hbm>>)
      tpu.yield
    }) : () -> ()
    %add3A_99 = arith.constant 1280 : i32
    %add3A_100 = arith.addi %mul3A_6, %add3A_99 : i32
    "tpu.region"() ({
      %run_scoped3A = tpu.sem_alloc : memref<!tpu.dma_semaphore, #tpu.memory_space<semaphore_mem>>
      %dma_start3A_157 = tpu.memref_slice %arg4[%add3A_100] : memref<61440xi32, #tpu.memory_space<hbm>> -> memref<128xi32, #tpu.memory_space<hbm>>
      %dma_start3A_158 = tpu.memref_slice %arg4[%add3A_100] : memref<61440xi32, #tpu.memory_space<hbm>> -> memref<128xi32, #tpu.memory_space<hbm>>
      tpu.enqueue_dma source(%dma_start3A_158 : memref<128xi32, #tpu.memory_space<hbm>>) target(%arg9 : memref<128xi32, #tpu.memory_space<vmem>>) target_semaphore(%run_scoped3A : memref<!tpu.dma_semaphore, #tpu.memory_space<semaphore_mem>>)
      %dma_wait3A_159 = tpu.memref_slice %arg4[%add3A_100] : memref<61440xi32, #tpu.memory_space<hbm>> -> memref<128xi32, #tpu.memory_space<hbm>>
      %dma_wait3A_160 = tpu.memref_slice %arg4[%add3A_100] : memref<61440xi32, #tpu.memory_space<hbm>> -> memref<128xi32, #tpu.memory_space<hbm>>
      tpu.wait_dma2 semaphore(%run_scoped3A : memref<!tpu.dma_semaphore, #tpu.memory_space<semaphore_mem>>) src(%dma_wait3A_160 : memref<128xi32, #tpu.memory_space<hbm>>) dst(%arg9 : memref<128xi32, #tpu.memory_space<vmem>>)
      tpu.yield
    }) : () -> ()
    %dma_start3A_101 = arith.constant 0 : i32
    %dma_start3A_102 = arith.constant 0 : i32
    %dma_start3A_103 = tpu.memref_slice %arg2[%dma_start3A_101, %dma_start3A_102] : memref<300000x128xf32, #tpu.memory_space<hbm>> -> memref<300000x128xf32, #tpu.memory_space<hbm>>
    tpu.enqueue_indirect_dma source(%dma_start3A_103 : memref<300000x128xf32, #tpu.memory_space<hbm>>) target(%arg11 : memref<128x128xf32, #tpu.memory_space<vmem>>) offsets(%arg9 : memref<128xi32, #tpu.memory_space<vmem>>) semaphore(%arg14 : memref<!tpu.dma_semaphore, #tpu.memory_space<semaphore_mem>>)
    %dma_wait3A_104 = arith.constant 0 : i32
    %dma_wait3A_105 = arith.constant 0 : i32
    %dma_wait3A_106 = tpu.memref_slice %arg2[%dma_wait3A_104, %dma_wait3A_105] : memref<300000x128xf32, #tpu.memory_space<hbm>> -> memref<300000x128xf32, #tpu.memory_space<hbm>>
    tpu.wait_indirect_dma semaphore(%arg15 : memref<!tpu.dma_semaphore, #tpu.memory_space<semaphore_mem>>) src(%dma_wait3A_106 : memref<300000x128xf32, #tpu.memory_space<hbm>>) dst(%arg12 : memref<128x128xf32, #tpu.memory_space<vmem>>)
    %add3A_107 = arith.constant 1152 : i32
    %add3A_108 = arith.addi %mul3A_6, %add3A_107 : i32
    "tpu.region"() ({
      %run_scoped3A = tpu.sem_alloc : memref<!tpu.dma_semaphore, #tpu.memory_space<semaphore_mem>>
      %dma_start3A_157 = arith.constant 0 : i32
      %dma_start3A_158 = tpu.memref_slice %arg6[%add3A_108, %dma_start3A_157] : memref<61440x128xf32, #tpu.memory_space<hbm>> -> memref<128x128xf32, #tpu.memory_space<hbm>>
      %dma_start3A_159 = arith.constant 0 : i32
      %dma_start3A_160 = tpu.memref_slice %arg6[%add3A_108, %dma_start3A_159] : memref<61440x128xf32, #tpu.memory_space<hbm>> -> memref<128x128xf32, #tpu.memory_space<hbm>>
      tpu.enqueue_dma source(%arg12 : memref<128x128xf32, #tpu.memory_space<vmem>>) target(%dma_start3A_160 : memref<128x128xf32, #tpu.memory_space<hbm>>) target_semaphore(%run_scoped3A : memref<!tpu.dma_semaphore, #tpu.memory_space<semaphore_mem>>)
      %dma_wait3A_161 = arith.constant 0 : i32
      %dma_wait3A_162 = tpu.memref_slice %arg6[%add3A_108, %dma_wait3A_161] : memref<61440x128xf32, #tpu.memory_space<hbm>> -> memref<128x128xf32, #tpu.memory_space<hbm>>
      %dma_wait3A_163 = arith.constant 0 : i32
      %dma_wait3A_164 = tpu.memref_slice %arg6[%add3A_108, %dma_wait3A_163] : memref<61440x128xf32, #tpu.memory_space<hbm>> -> memref<128x128xf32, #tpu.memory_space<hbm>>
      tpu.wait_dma2 semaphore(%run_scoped3A : memref<!tpu.dma_semaphore, #tpu.memory_space<semaphore_mem>>) src(%arg12 : memref<128x128xf32, #tpu.memory_space<vmem>>) dst(%dma_wait3A_164 : memref<128x128xf32, #tpu.memory_space<hbm>>)
      tpu.yield
    }) : () -> ()
    %add3A_109 = arith.constant 1408 : i32
    %add3A_110 = arith.addi %mul3A_6, %add3A_109 : i32
    "tpu.region"() ({
      %run_scoped3A = tpu.sem_alloc : memref<!tpu.dma_semaphore, #tpu.memory_space<semaphore_mem>>
      %dma_start3A_157 = tpu.memref_slice %arg4[%add3A_110] : memref<61440xi32, #tpu.memory_space<hbm>> -> memref<128xi32, #tpu.memory_space<hbm>>
      %dma_start3A_158 = tpu.memref_slice %arg4[%add3A_110] : memref<61440xi32, #tpu.memory_space<hbm>> -> memref<128xi32, #tpu.memory_space<hbm>>
      tpu.enqueue_dma source(%dma_start3A_158 : memref<128xi32, #tpu.memory_space<hbm>>) target(%arg10 : memref<128xi32, #tpu.memory_space<vmem>>) target_semaphore(%run_scoped3A : memref<!tpu.dma_semaphore, #tpu.memory_space<semaphore_mem>>)
      %dma_wait3A_159 = tpu.memref_slice %arg4[%add3A_110] : memref<61440xi32, #tpu.memory_space<hbm>> -> memref<128xi32, #tpu.memory_space<hbm>>
      %dma_wait3A_160 = tpu.memref_slice %arg4[%add3A_110] : memref<61440xi32, #tpu.memory_space<hbm>> -> memref<128xi32, #tpu.memory_space<hbm>>
      tpu.wait_dma2 semaphore(%run_scoped3A : memref<!tpu.dma_semaphore, #tpu.memory_space<semaphore_mem>>) src(%dma_wait3A_160 : memref<128xi32, #tpu.memory_space<hbm>>) dst(%arg10 : memref<128xi32, #tpu.memory_space<vmem>>)
      tpu.yield
    }) : () -> ()
    %dma_start3A_111 = arith.constant 0 : i32
    %dma_start3A_112 = arith.constant 0 : i32
    %dma_start3A_113 = tpu.memref_slice %arg2[%dma_start3A_111, %dma_start3A_112] : memref<300000x128xf32, #tpu.memory_space<hbm>> -> memref<300000x128xf32, #tpu.memory_space<hbm>>
    tpu.enqueue_indirect_dma source(%dma_start3A_113 : memref<300000x128xf32, #tpu.memory_space<hbm>>) target(%arg12 : memref<128x128xf32, #tpu.memory_space<vmem>>) offsets(%arg10 : memref<128xi32, #tpu.memory_space<vmem>>) semaphore(%arg15 : memref<!tpu.dma_semaphore, #tpu.memory_space<semaphore_mem>>)
    %dma_wait3A_114 = arith.constant 0 : i32
    %dma_wait3A_115 = arith.constant 0 : i32
    %dma_wait3A_116 = tpu.memref_slice %arg2[%dma_wait3A_114, %dma_wait3A_115] : memref<300000x128xf32, #tpu.memory_space<hbm>> -> memref<300000x128xf32, #tpu.memory_space<hbm>>
    tpu.wait_indirect_dma semaphore(%arg14 : memref<!tpu.dma_semaphore, #tpu.memory_space<semaphore_mem>>) src(%dma_wait3A_116 : memref<300000x128xf32, #tpu.memory_space<hbm>>) dst(%arg11 : memref<128x128xf32, #tpu.memory_space<vmem>>)
    %add3A_117 = arith.constant 1280 : i32
    %add3A_118 = arith.addi %mul3A_6, %add3A_117 : i32
    "tpu.region"() ({
      %run_scoped3A = tpu.sem_alloc : memref<!tpu.dma_semaphore, #tpu.memory_space<semaphore_mem>>
      %dma_start3A_157 = arith.constant 0 : i32
      %dma_start3A_158 = tpu.memref_slice %arg6[%add3A_118, %dma_start3A_157] : memref<61440x128xf32, #tpu.memory_space<hbm>> -> memref<128x128xf32, #tpu.memory_space<hbm>>
      %dma_start3A_159 = arith.constant 0 : i32
      %dma_start3A_160 = tpu.memref_slice %arg6[%add3A_118, %dma_start3A_159] : memref<61440x128xf32, #tpu.memory_space<hbm>> -> memref<128x128xf32, #tpu.memory_space<hbm>>
      tpu.enqueue_dma source(%arg11 : memref<128x128xf32, #tpu.memory_space<vmem>>) target(%dma_start3A_160 : memref<128x128xf32, #tpu.memory_space<hbm>>) target_semaphore(%run_scoped3A : memref<!tpu.dma_semaphore, #tpu.memory_space<semaphore_mem>>)
      %dma_wait3A_161 = arith.constant 0 : i32
      %dma_wait3A_162 = tpu.memref_slice %arg6[%add3A_118, %dma_wait3A_161] : memref<61440x128xf32, #tpu.memory_space<hbm>> -> memref<128x128xf32, #tpu.memory_space<hbm>>
      %dma_wait3A_163 = arith.constant 0 : i32
      %dma_wait3A_164 = tpu.memref_slice %arg6[%add3A_118, %dma_wait3A_163] : memref<61440x128xf32, #tpu.memory_space<hbm>> -> memref<128x128xf32, #tpu.memory_space<hbm>>
      tpu.wait_dma2 semaphore(%run_scoped3A : memref<!tpu.dma_semaphore, #tpu.memory_space<semaphore_mem>>) src(%arg11 : memref<128x128xf32, #tpu.memory_space<vmem>>) dst(%dma_wait3A_164 : memref<128x128xf32, #tpu.memory_space<hbm>>)
      tpu.yield
    }) : () -> ()
    %add3A_119 = arith.constant 1536 : i32
    %add3A_120 = arith.addi %mul3A_6, %add3A_119 : i32
    "tpu.region"() ({
      %run_scoped3A = tpu.sem_alloc : memref<!tpu.dma_semaphore, #tpu.memory_space<semaphore_mem>>
      %dma_start3A_157 = tpu.memref_slice %arg4[%add3A_120] : memref<61440xi32, #tpu.memory_space<hbm>> -> memref<128xi32, #tpu.memory_space<hbm>>
      %dma_start3A_158 = tpu.memref_slice %arg4[%add3A_120] : memref<61440xi32, #tpu.memory_space<hbm>> -> memref<128xi32, #tpu.memory_space<hbm>>
      tpu.enqueue_dma source(%dma_start3A_158 : memref<128xi32, #tpu.memory_space<hbm>>) target(%arg9 : memref<128xi32, #tpu.memory_space<vmem>>) target_semaphore(%run_scoped3A : memref<!tpu.dma_semaphore, #tpu.memory_space<semaphore_mem>>)
      %dma_wait3A_159 = tpu.memref_slice %arg4[%add3A_120] : memref<61440xi32, #tpu.memory_space<hbm>> -> memref<128xi32, #tpu.memory_space<hbm>>
      %dma_wait3A_160 = tpu.memref_slice %arg4[%add3A_120] : memref<61440xi32, #tpu.memory_space<hbm>> -> memref<128xi32, #tpu.memory_space<hbm>>
      tpu.wait_dma2 semaphore(%run_scoped3A : memref<!tpu.dma_semaphore, #tpu.memory_space<semaphore_mem>>) src(%dma_wait3A_160 : memref<128xi32, #tpu.memory_space<hbm>>) dst(%arg9 : memref<128xi32, #tpu.memory_space<vmem>>)
      tpu.yield
    }) : () -> ()
    %dma_start3A_121 = arith.constant 0 : i32
    %dma_start3A_122 = arith.constant 0 : i32
    %dma_start3A_123 = tpu.memref_slice %arg2[%dma_start3A_121, %dma_start3A_122] : memref<300000x128xf32, #tpu.memory_space<hbm>> -> memref<300000x128xf32, #tpu.memory_space<hbm>>
    tpu.enqueue_indirect_dma source(%dma_start3A_123 : memref<300000x128xf32, #tpu.memory_space<hbm>>) target(%arg11 : memref<128x128xf32, #tpu.memory_space<vmem>>) offsets(%arg9 : memref<128xi32, #tpu.memory_space<vmem>>) semaphore(%arg14 : memref<!tpu.dma_semaphore, #tpu.memory_space<semaphore_mem>>)
    %dma_wait3A_124 = arith.constant 0 : i32
    %dma_wait3A_125 = arith.constant 0 : i32
    %dma_wait3A_126 = tpu.memref_slice %arg2[%dma_wait3A_124, %dma_wait3A_125] : memref<300000x128xf32, #tpu.memory_space<hbm>> -> memref<300000x128xf32, #tpu.memory_space<hbm>>
    tpu.wait_indirect_dma semaphore(%arg15 : memref<!tpu.dma_semaphore, #tpu.memory_space<semaphore_mem>>) src(%dma_wait3A_126 : memref<300000x128xf32, #tpu.memory_space<hbm>>) dst(%arg12 : memref<128x128xf32, #tpu.memory_space<vmem>>)
    %add3A_127 = arith.constant 1408 : i32
    %add3A_128 = arith.addi %mul3A_6, %add3A_127 : i32
    "tpu.region"() ({
      %run_scoped3A = tpu.sem_alloc : memref<!tpu.dma_semaphore, #tpu.memory_space<semaphore_mem>>
      %dma_start3A_157 = arith.constant 0 : i32
      %dma_start3A_158 = tpu.memref_slice %arg6[%add3A_128, %dma_start3A_157] : memref<61440x128xf32, #tpu.memory_space<hbm>> -> memref<128x128xf32, #tpu.memory_space<hbm>>
      %dma_start3A_159 = arith.constant 0 : i32
      %dma_start3A_160 = tpu.memref_slice %arg6[%add3A_128, %dma_start3A_159] : memref<61440x128xf32, #tpu.memory_space<hbm>> -> memref<128x128xf32, #tpu.memory_space<hbm>>
      tpu.enqueue_dma source(%arg12 : memref<128x128xf32, #tpu.memory_space<vmem>>) target(%dma_start3A_160 : memref<128x128xf32, #tpu.memory_space<hbm>>) target_semaphore(%run_scoped3A : memref<!tpu.dma_semaphore, #tpu.memory_space<semaphore_mem>>)
      %dma_wait3A_161 = arith.constant 0 : i32
      %dma_wait3A_162 = tpu.memref_slice %arg6[%add3A_128, %dma_wait3A_161] : memref<61440x128xf32, #tpu.memory_space<hbm>> -> memref<128x128xf32, #tpu.memory_space<hbm>>
      %dma_wait3A_163 = arith.constant 0 : i32
      %dma_wait3A_164 = tpu.memref_slice %arg6[%add3A_128, %dma_wait3A_163] : memref<61440x128xf32, #tpu.memory_space<hbm>> -> memref<128x128xf32, #tpu.memory_space<hbm>>
      tpu.wait_dma2 semaphore(%run_scoped3A : memref<!tpu.dma_semaphore, #tpu.memory_space<semaphore_mem>>) src(%arg12 : memref<128x128xf32, #tpu.memory_space<vmem>>) dst(%dma_wait3A_164 : memref<128x128xf32, #tpu.memory_space<hbm>>)
      tpu.yield
    }) : () -> ()
    %add3A_129 = arith.constant 1664 : i32
    %add3A_130 = arith.addi %mul3A_6, %add3A_129 : i32
    "tpu.region"() ({
      %run_scoped3A = tpu.sem_alloc : memref<!tpu.dma_semaphore, #tpu.memory_space<semaphore_mem>>
      %dma_start3A_157 = tpu.memref_slice %arg4[%add3A_130] : memref<61440xi32, #tpu.memory_space<hbm>> -> memref<128xi32, #tpu.memory_space<hbm>>
      %dma_start3A_158 = tpu.memref_slice %arg4[%add3A_130] : memref<61440xi32, #tpu.memory_space<hbm>> -> memref<128xi32, #tpu.memory_space<hbm>>
      tpu.enqueue_dma source(%dma_start3A_158 : memref<128xi32, #tpu.memory_space<hbm>>) target(%arg10 : memref<128xi32, #tpu.memory_space<vmem>>) target_semaphore(%run_scoped3A : memref<!tpu.dma_semaphore, #tpu.memory_space<semaphore_mem>>)
      %dma_wait3A_159 = tpu.memref_slice %arg4[%add3A_130] : memref<61440xi32, #tpu.memory_space<hbm>> -> memref<128xi32, #tpu.memory_space<hbm>>
      %dma_wait3A_160 = tpu.memref_slice %arg4[%add3A_130] : memref<61440xi32, #tpu.memory_space<hbm>> -> memref<128xi32, #tpu.memory_space<hbm>>
      tpu.wait_dma2 semaphore(%run_scoped3A : memref<!tpu.dma_semaphore, #tpu.memory_space<semaphore_mem>>) src(%dma_wait3A_160 : memref<128xi32, #tpu.memory_space<hbm>>) dst(%arg10 : memref<128xi32, #tpu.memory_space<vmem>>)
      tpu.yield
    }) : () -> ()
    %dma_start3A_131 = arith.constant 0 : i32
    %dma_start3A_132 = arith.constant 0 : i32
    %dma_start3A_133 = tpu.memref_slice %arg2[%dma_start3A_131, %dma_start3A_132] : memref<300000x128xf32, #tpu.memory_space<hbm>> -> memref<300000x128xf32, #tpu.memory_space<hbm>>
    tpu.enqueue_indirect_dma source(%dma_start3A_133 : memref<300000x128xf32, #tpu.memory_space<hbm>>) target(%arg12 : memref<128x128xf32, #tpu.memory_space<vmem>>) offsets(%arg10 : memref<128xi32, #tpu.memory_space<vmem>>) semaphore(%arg15 : memref<!tpu.dma_semaphore, #tpu.memory_space<semaphore_mem>>)
    %dma_wait3A_134 = arith.constant 0 : i32
    %dma_wait3A_135 = arith.constant 0 : i32
    %dma_wait3A_136 = tpu.memref_slice %arg2[%dma_wait3A_134, %dma_wait3A_135] : memref<300000x128xf32, #tpu.memory_space<hbm>> -> memref<300000x128xf32, #tpu.memory_space<hbm>>
    tpu.wait_indirect_dma semaphore(%arg14 : memref<!tpu.dma_semaphore, #tpu.memory_space<semaphore_mem>>) src(%dma_wait3A_136 : memref<300000x128xf32, #tpu.memory_space<hbm>>) dst(%arg11 : memref<128x128xf32, #tpu.memory_space<vmem>>)
    %add3A_137 = arith.constant 1536 : i32
    %add3A_138 = arith.addi %mul3A_6, %add3A_137 : i32
    "tpu.region"() ({
      %run_scoped3A = tpu.sem_alloc : memref<!tpu.dma_semaphore, #tpu.memory_space<semaphore_mem>>
      %dma_start3A_157 = arith.constant 0 : i32
      %dma_start3A_158 = tpu.memref_slice %arg6[%add3A_138, %dma_start3A_157] : memref<61440x128xf32, #tpu.memory_space<hbm>> -> memref<128x128xf32, #tpu.memory_space<hbm>>
      %dma_start3A_159 = arith.constant 0 : i32
      %dma_start3A_160 = tpu.memref_slice %arg6[%add3A_138, %dma_start3A_159] : memref<61440x128xf32, #tpu.memory_space<hbm>> -> memref<128x128xf32, #tpu.memory_space<hbm>>
      tpu.enqueue_dma source(%arg11 : memref<128x128xf32, #tpu.memory_space<vmem>>) target(%dma_start3A_160 : memref<128x128xf32, #tpu.memory_space<hbm>>) target_semaphore(%run_scoped3A : memref<!tpu.dma_semaphore, #tpu.memory_space<semaphore_mem>>)
      %dma_wait3A_161 = arith.constant 0 : i32
      %dma_wait3A_162 = tpu.memref_slice %arg6[%add3A_138, %dma_wait3A_161] : memref<61440x128xf32, #tpu.memory_space<hbm>> -> memref<128x128xf32, #tpu.memory_space<hbm>>
      %dma_wait3A_163 = arith.constant 0 : i32
      %dma_wait3A_164 = tpu.memref_slice %arg6[%add3A_138, %dma_wait3A_163] : memref<61440x128xf32, #tpu.memory_space<hbm>> -> memref<128x128xf32, #tpu.memory_space<hbm>>
      tpu.wait_dma2 semaphore(%run_scoped3A : memref<!tpu.dma_semaphore, #tpu.memory_space<semaphore_mem>>) src(%arg11 : memref<128x128xf32, #tpu.memory_space<vmem>>) dst(%dma_wait3A_164 : memref<128x128xf32, #tpu.memory_space<hbm>>)
      tpu.yield
    }) : () -> ()
    %add3A_139 = arith.constant 1792 : i32
    %add3A_140 = arith.addi %mul3A_6, %add3A_139 : i32
    "tpu.region"() ({
      %run_scoped3A = tpu.sem_alloc : memref<!tpu.dma_semaphore, #tpu.memory_space<semaphore_mem>>
      %dma_start3A_157 = tpu.memref_slice %arg4[%add3A_140] : memref<61440xi32, #tpu.memory_space<hbm>> -> memref<128xi32, #tpu.memory_space<hbm>>
      %dma_start3A_158 = tpu.memref_slice %arg4[%add3A_140] : memref<61440xi32, #tpu.memory_space<hbm>> -> memref<128xi32, #tpu.memory_space<hbm>>
      tpu.enqueue_dma source(%dma_start3A_158 : memref<128xi32, #tpu.memory_space<hbm>>) target(%arg9 : memref<128xi32, #tpu.memory_space<vmem>>) target_semaphore(%run_scoped3A : memref<!tpu.dma_semaphore, #tpu.memory_space<semaphore_mem>>)
      %dma_wait3A_159 = tpu.memref_slice %arg4[%add3A_140] : memref<61440xi32, #tpu.memory_space<hbm>> -> memref<128xi32, #tpu.memory_space<hbm>>
      %dma_wait3A_160 = tpu.memref_slice %arg4[%add3A_140] : memref<61440xi32, #tpu.memory_space<hbm>> -> memref<128xi32, #tpu.memory_space<hbm>>
      tpu.wait_dma2 semaphore(%run_scoped3A : memref<!tpu.dma_semaphore, #tpu.memory_space<semaphore_mem>>) src(%dma_wait3A_160 : memref<128xi32, #tpu.memory_space<hbm>>) dst(%arg9 : memref<128xi32, #tpu.memory_space<vmem>>)
      tpu.yield
    }) : () -> ()
    %dma_start3A_141 = arith.constant 0 : i32
    %dma_start3A_142 = arith.constant 0 : i32
    %dma_start3A_143 = tpu.memref_slice %arg2[%dma_start3A_141, %dma_start3A_142] : memref<300000x128xf32, #tpu.memory_space<hbm>> -> memref<300000x128xf32, #tpu.memory_space<hbm>>
    tpu.enqueue_indirect_dma source(%dma_start3A_143 : memref<300000x128xf32, #tpu.memory_space<hbm>>) target(%arg11 : memref<128x128xf32, #tpu.memory_space<vmem>>) offsets(%arg9 : memref<128xi32, #tpu.memory_space<vmem>>) semaphore(%arg14 : memref<!tpu.dma_semaphore, #tpu.memory_space<semaphore_mem>>)
    %dma_wait3A_144 = arith.constant 0 : i32
    %dma_wait3A_145 = arith.constant 0 : i32
    %dma_wait3A_146 = tpu.memref_slice %arg2[%dma_wait3A_144, %dma_wait3A_145] : memref<300000x128xf32, #tpu.memory_space<hbm>> -> memref<300000x128xf32, #tpu.memory_space<hbm>>
    tpu.wait_indirect_dma semaphore(%arg15 : memref<!tpu.dma_semaphore, #tpu.memory_space<semaphore_mem>>) src(%dma_wait3A_146 : memref<300000x128xf32, #tpu.memory_space<hbm>>) dst(%arg12 : memref<128x128xf32, #tpu.memory_space<vmem>>)
    %add3A_147 = arith.constant 1664 : i32
    %add3A_148 = arith.addi %mul3A_6, %add3A_147 : i32
    "tpu.region"() ({
      %run_scoped3A = tpu.sem_alloc : memref<!tpu.dma_semaphore, #tpu.memory_space<semaphore_mem>>
      %dma_start3A_157 = arith.constant 0 : i32
      %dma_start3A_158 = tpu.memref_slice %arg6[%add3A_148, %dma_start3A_157] : memref<61440x128xf32, #tpu.memory_space<hbm>> -> memref<128x128xf32, #tpu.memory_space<hbm>>
      %dma_start3A_159 = arith.constant 0 : i32
      %dma_start3A_160 = tpu.memref_slice %arg6[%add3A_148, %dma_start3A_159] : memref<61440x128xf32, #tpu.memory_space<hbm>> -> memref<128x128xf32, #tpu.memory_space<hbm>>
      tpu.enqueue_dma source(%arg12 : memref<128x128xf32, #tpu.memory_space<vmem>>) target(%dma_start3A_160 : memref<128x128xf32, #tpu.memory_space<hbm>>) target_semaphore(%run_scoped3A : memref<!tpu.dma_semaphore, #tpu.memory_space<semaphore_mem>>)
      %dma_wait3A_161 = arith.constant 0 : i32
      %dma_wait3A_162 = tpu.memref_slice %arg6[%add3A_148, %dma_wait3A_161] : memref<61440x128xf32, #tpu.memory_space<hbm>> -> memref<128x128xf32, #tpu.memory_space<hbm>>
      %dma_wait3A_163 = arith.constant 0 : i32
      %dma_wait3A_164 = tpu.memref_slice %arg6[%add3A_148, %dma_wait3A_163] : memref<61440x128xf32, #tpu.memory_space<hbm>> -> memref<128x128xf32, #tpu.memory_space<hbm>>
      tpu.wait_dma2 semaphore(%run_scoped3A : memref<!tpu.dma_semaphore, #tpu.memory_space<semaphore_mem>>) src(%arg12 : memref<128x128xf32, #tpu.memory_space<vmem>>) dst(%dma_wait3A_164 : memref<128x128xf32, #tpu.memory_space<hbm>>)
      tpu.yield
    }) : () -> ()
    %dma_wait3A_149 = arith.constant 0 : i32
    %dma_wait3A_150 = arith.constant 0 : i32
    %dma_wait3A_151 = tpu.memref_slice %arg2[%dma_wait3A_149, %dma_wait3A_150] : memref<300000x128xf32, #tpu.memory_space<hbm>> -> memref<300000x128xf32, #tpu.memory_space<hbm>>
    tpu.wait_indirect_dma semaphore(%arg14 : memref<!tpu.dma_semaphore, #tpu.memory_space<semaphore_mem>>) src(%dma_wait3A_151 : memref<300000x128xf32, #tpu.memory_space<hbm>>) dst(%arg11 : memref<128x128xf32, #tpu.memory_space<vmem>>)
    %add3A_152 = arith.constant 1792 : i32
    %add3A_153 = arith.addi %mul3A_6, %add3A_152 : i32
    "tpu.region"() ({
      %run_scoped3A = tpu.sem_alloc : memref<!tpu.dma_semaphore, #tpu.memory_space<semaphore_mem>>
      %dma_start3A_157 = arith.constant 0 : i32
      %dma_start3A_158 = tpu.memref_slice %arg6[%add3A_153, %dma_start3A_157] : memref<61440x128xf32, #tpu.memory_space<hbm>> -> memref<128x128xf32, #tpu.memory_space<hbm>>
      %dma_start3A_159 = arith.constant 0 : i32
      %dma_start3A_160 = tpu.memref_slice %arg6[%add3A_153, %dma_start3A_159] : memref<61440x128xf32, #tpu.memory_space<hbm>> -> memref<128x128xf32, #tpu.memory_space<hbm>>
      tpu.enqueue_dma source(%arg11 : memref<128x128xf32, #tpu.memory_space<vmem>>) target(%dma_start3A_160 : memref<128x128xf32, #tpu.memory_space<hbm>>) target_semaphore(%run_scoped3A : memref<!tpu.dma_semaphore, #tpu.memory_space<semaphore_mem>>)
      %dma_wait3A_161 = arith.constant 0 : i32
      %dma_wait3A_162 = tpu.memref_slice %arg6[%add3A_153, %dma_wait3A_161] : memref<61440x128xf32, #tpu.memory_space<hbm>> -> memref<128x128xf32, #tpu.memory_space<hbm>>
      %dma_wait3A_163 = arith.constant 0 : i32
      %dma_wait3A_164 = tpu.memref_slice %arg6[%add3A_153, %dma_wait3A_163] : memref<61440x128xf32, #tpu.memory_space<hbm>> -> memref<128x128xf32, #tpu.memory_space<hbm>>
      tpu.wait_dma2 semaphore(%run_scoped3A : memref<!tpu.dma_semaphore, #tpu.memory_space<semaphore_mem>>) src(%arg11 : memref<128x128xf32, #tpu.memory_space<vmem>>) dst(%dma_wait3A_164 : memref<128x128xf32, #tpu.memory_space<hbm>>)
      tpu.yield
    }) : () -> ()
    %dma_wait3A_154 = arith.constant 0 : i32
    %dma_wait3A_155 = arith.constant 0 : i32
    %dma_wait3A_156 = tpu.memref_slice %arg2[%dma_wait3A_154, %dma_wait3A_155] : memref<300000x128xf32, #tpu.memory_space<hbm>> -> memref<300000x128xf32, #tpu.memory_space<hbm>>
    tpu.wait_indirect_dma semaphore(%arg13 : memref<!tpu.dma_semaphore, #tpu.memory_space<semaphore_mem>>) src(%dma_wait3A_156 : memref<300000x128xf32, #tpu.memory_space<hbm>>) dst(%arg8 : memref<32x128xf32, #tpu.memory_space<vmem>>)
    "tpu.region"() ({
      %run_scoped3A = tpu.sem_alloc : memref<!tpu.dma_semaphore, #tpu.memory_space<semaphore_mem>>
      %dma_start3A_157 = arith.constant 0 : i32
      %dma_start3A_158 = tpu.memref_slice %arg5[%mul3A_2, %dma_start3A_157] : memref<1024x128xf32, #tpu.memory_space<hbm>> -> memref<32x128xf32, #tpu.memory_space<hbm>>
      %dma_start3A_159 = arith.constant 0 : i32
      %dma_start3A_160 = tpu.memref_slice %arg5[%mul3A_2, %dma_start3A_159] : memref<1024x128xf32, #tpu.memory_space<hbm>> -> memref<32x128xf32, #tpu.memory_space<hbm>>
      tpu.enqueue_dma source(%arg8 : memref<32x128xf32, #tpu.memory_space<vmem>>) target(%dma_start3A_160 : memref<32x128xf32, #tpu.memory_space<hbm>>) target_semaphore(%run_scoped3A : memref<!tpu.dma_semaphore, #tpu.memory_space<semaphore_mem>>)
      %dma_wait3A_161 = arith.constant 0 : i32
      %dma_wait3A_162 = tpu.memref_slice %arg5[%mul3A_2, %dma_wait3A_161] : memref<1024x128xf32, #tpu.memory_space<hbm>> -> memref<32x128xf32, #tpu.memory_space<hbm>>
      %dma_wait3A_163 = arith.constant 0 : i32
      %dma_wait3A_164 = tpu.memref_slice %arg5[%mul3A_2, %dma_wait3A_163] : memref<1024x128xf32, #tpu.memory_space<hbm>> -> memref<32x128xf32, #tpu.memory_space<hbm>>
      tpu.wait_dma2 semaphore(%run_scoped3A : memref<!tpu.dma_semaphore, #tpu.memory_space<semaphore_mem>>) src(%arg8 : memref<32x128xf32, #tpu.memory_space<vmem>>) dst(%dma_wait3A_164 : memref<32x128xf32, #tpu.memory_space<hbm>>)
      tpu.yield
    }) : () -> ()
    return
  }
}

#map = affine_map<(d0, d1) -> (0, 0)>
#map1 = affine_map<(d0, d1) -> (0)>
module attributes {stable_mosaic.version = 14 : i64} {
  func.func @k(%arg0: i32, %arg1: i32, %arg2: memref<300000x128xf32, #tpu.memory_space<hbm>>, %arg3: memref<1024xi32, #tpu.memory_space<hbm>>, %arg4: memref<61440xi32, #tpu.memory_space<hbm>>, %arg5: memref<1024x128xf32, #tpu.memory_space<hbm>>, %arg6: memref<61440x128xf32, #tpu.memory_space<hbm>>, %arg7: memref<32xi32, #tpu.memory_space<vmem>>, %arg8: memref<32x128xf32, #tpu.memory_space<vmem>>, %arg9: memref<128xi32, #tpu.memory_space<vmem>>, %arg10: memref<128xi32, #tpu.memory_space<vmem>>, %arg11: memref<128x128xf32, #tpu.memory_space<vmem>>, %arg12: memref<128x128xf32, #tpu.memory_space<vmem>>, %arg13: memref<!tpu.dma_semaphore, #tpu.memory_space<semaphore_mem>>, %arg14: memref<!tpu.dma_semaphore, #tpu.memory_space<semaphore_mem>>, %arg15: memref<!tpu.dma_semaphore, #tpu.memory_space<semaphore_mem>>) attributes {dimension_semantics = [#tpu.dimension_semantics<core_parallel>, #tpu.dimension_semantics<subcore_parallel>], iteration_bounds = array<i64: 2, 16>, scalar_prefetch = 0 : i64, scratch_operands = 9 : i64, tpu.core_type = #tpu.core_type<sc_vector_subcore>, window_params = [{transform_indices = #map}, {transform_indices = #map1}, {transform_indices = #map1}, {transform_indices = #map}, {transform_indices = #map}]} {
    %mul3A = arith.constant 2 : i32
    %mul3A_0 = arith.muli %arg1, %mul3A : i32
    %add3A = arith.addi %mul3A_0, %arg0 : i32
    %mul3A_1 = arith.constant 32 : i32
    %mul3A_2 = arith.muli %add3A, %mul3A_1 : i32
    "tpu.region"() ({
      %run_scoped3A = tpu.sem_alloc : memref<!tpu.dma_semaphore, #tpu.memory_space<semaphore_mem>>
      %dma_start3A_157 = tpu.memref_slice %arg3[%mul3A_2] : memref<1024xi32, #tpu.memory_space<hbm>> -> memref<32xi32, #tpu.memory_space<hbm>>
      %dma_start3A_158 = tpu.memref_slice %arg3[%mul3A_2] : memref<1024xi32, #tpu.memory_space<hbm>> -> memref<32xi32, #tpu.memory_space<hbm>>
      tpu.enqueue_dma source(%dma_start3A_158 : memref<32xi32, #tpu.memory_space<hbm>>) target(%arg7 : memref<32xi32, #tpu.memory_space<vmem>>) target_semaphore(%run_scoped3A : memref<!tpu.dma_semaphore, #tpu.memory_space<semaphore_mem>>)
      %dma_wait3A_159 = tpu.memref_slice %arg3[%mul3A_2] : memref<1024xi32, #tpu.memory_space<hbm>> -> memref<32xi32, #tpu.memory_space<hbm>>
      %dma_wait3A_160 = tpu.memref_slice %arg3[%mul3A_2] : memref<1024xi32, #tpu.memory_space<hbm>> -> memref<32xi32, #tpu.memory_space<hbm>>
      tpu.wait_dma2 semaphore(%run_scoped3A : memref<!tpu.dma_semaphore, #tpu.memory_space<semaphore_mem>>) src(%dma_wait3A_160 : memref<32xi32, #tpu.memory_space<hbm>>) dst(%arg7 : memref<32xi32, #tpu.memory_space<vmem>>)
      tpu.yield
    }) : () -> ()
    %dma_start3A = arith.constant 0 : i32
    %dma_start3A_3 = arith.constant 0 : i32
    %dma_start3A_4 = tpu.memref_slice %arg2[%dma_start3A, %dma_start3A_3] : memref<300000x128xf32, #tpu.memory_space<hbm>> -> memref<300000x128xf32, #tpu.memory_space<hbm>>
    tpu.enqueue_indirect_dma source(%dma_start3A_4 : memref<300000x128xf32, #tpu.memory_space<hbm>>) target(%arg8 : memref<32x128xf32, #tpu.memory_space<vmem>>) offsets(%arg7 : memref<32xi32, #tpu.memory_space<vmem>>) semaphore(%arg13 : memref<!tpu.dma_semaphore, #tpu.memory_space<semaphore_mem>>)
    %mul3A_5 = arith.constant 1920 : i32
    %mul3A_6 = arith.muli %add3A, %mul3A_5 : i32
    "tpu.region"() ({
      %run_scoped3A = tpu.sem_alloc : memref<!tpu.dma_semaphore, #tpu.memory_space<semaphore_mem>>
      %dma_start3A_157 = tpu.memref_slice %arg4[%mul3A_6] : memref<61440xi32, #tpu.memory_space<hbm>> -> memref<128xi32, #tpu.memory_space<hbm>>
      %dma_start3A_158 = tpu.memref_slice %arg4[%mul3A_6] : memref<61440xi32, #tpu.memory_space<hbm>> -> memref<128xi32, #tpu.memory_space<hbm>>
      tpu.enqueue_dma source(%dma_start3A_158 : memref<128xi32, #tpu.memory_space<hbm>>) target(%arg9 : memref<128xi32, #tpu.memory_space<vmem>>) target_semaphore(%run_scoped3A : memref<!tpu.dma_semaphore, #tpu.memory_space<semaphore_mem>>)
      %dma_wait3A_159 = tpu.memref_slice %arg4[%mul3A_6] : memref<61440xi32, #tpu.memory_space<hbm>> -> memref<128xi32, #tpu.memory_space<hbm>>
      %dma_wait3A_160 = tpu.memref_slice %arg4[%mul3A_6] : memref<61440xi32, #tpu.memory_space<hbm>> -> memref<128xi32, #tpu.memory_space<hbm>>
      tpu.wait_dma2 semaphore(%run_scoped3A : memref<!tpu.dma_semaphore, #tpu.memory_space<semaphore_mem>>) src(%dma_wait3A_160 : memref<128xi32, #tpu.memory_space<hbm>>) dst(%arg9 : memref<128xi32, #tpu.memory_space<vmem>>)
      tpu.yield
    }) : () -> ()
    %dma_start3A_7 = arith.constant 0 : i32
    %dma_start3A_8 = arith.constant 0 : i32
    %dma_start3A_9 = tpu.memref_slice %arg2[%dma_start3A_7, %dma_start3A_8] : memref<300000x128xf32, #tpu.memory_space<hbm>> -> memref<300000x128xf32, #tpu.memory_space<hbm>>
    tpu.enqueue_indirect_dma source(%dma_start3A_9 : memref<300000x128xf32, #tpu.memory_space<hbm>>) target(%arg11 : memref<128x128xf32, #tpu.memory_space<vmem>>) offsets(%arg9 : memref<128xi32, #tpu.memory_space<vmem>>) semaphore(%arg14 : memref<!tpu.dma_semaphore, #tpu.memory_space<semaphore_mem>>)
    %add3A_10 = arith.constant 128 : i32
    %add3A_11 = arith.addi %mul3A_6, %add3A_10 : i32
    "tpu.region"() ({
      %run_scoped3A = tpu.sem_alloc : memref<!tpu.dma_semaphore, #tpu.memory_space<semaphore_mem>>
      %dma_start3A_157 = tpu.memref_slice %arg4[%add3A_11] : memref<61440xi32, #tpu.memory_space<hbm>> -> memref<128xi32, #tpu.memory_space<hbm>>
      %dma_start3A_158 = tpu.memref_slice %arg4[%add3A_11] : memref<61440xi32, #tpu.memory_space<hbm>> -> memref<128xi32, #tpu.memory_space<hbm>>
      tpu.enqueue_dma source(%dma_start3A_158 : memref<128xi32, #tpu.memory_space<hbm>>) target(%arg10 : memref<128xi32, #tpu.memory_space<vmem>>) target_semaphore(%run_scoped3A : memref<!tpu.dma_semaphore, #tpu.memory_space<semaphore_mem>>)
      %dma_wait3A_159 = tpu.memref_slice %arg4[%add3A_11] : memref<61440xi32, #tpu.memory_space<hbm>> -> memref<128xi32, #tpu.memory_space<hbm>>
      %dma_wait3A_160 = tpu.memref_slice %arg4[%add3A_11] : memref<61440xi32, #tpu.memory_space<hbm>> -> memref<128xi32, #tpu.memory_space<hbm>>
      tpu.wait_dma2 semaphore(%run_scoped3A : memref<!tpu.dma_semaphore, #tpu.memory_space<semaphore_mem>>) src(%dma_wait3A_160 : memref<128xi32, #tpu.memory_space<hbm>>) dst(%arg10 : memref<128xi32, #tpu.memory_space<vmem>>)
      tpu.yield
    }) : () -> ()
    %dma_start3A_12 = arith.constant 0 : i32
    %dma_start3A_13 = arith.constant 0 : i32
    %dma_start3A_14 = tpu.memref_slice %arg2[%dma_start3A_12, %dma_start3A_13] : memref<300000x128xf32, #tpu.memory_space<hbm>> -> memref<300000x128xf32, #tpu.memory_space<hbm>>
    tpu.enqueue_indirect_dma source(%dma_start3A_14 : memref<300000x128xf32, #tpu.memory_space<hbm>>) target(%arg12 : memref<128x128xf32, #tpu.memory_space<vmem>>) offsets(%arg10 : memref<128xi32, #tpu.memory_space<vmem>>) semaphore(%arg15 : memref<!tpu.dma_semaphore, #tpu.memory_space<semaphore_mem>>)
    %dma_wait3A = arith.constant 0 : i32
    %dma_wait3A_15 = arith.constant 0 : i32
    %dma_wait3A_16 = tpu.memref_slice %arg2[%dma_wait3A, %dma_wait3A_15] : memref<300000x128xf32, #tpu.memory_space<hbm>> -> memref<300000x128xf32, #tpu.memory_space<hbm>>
    tpu.wait_indirect_dma semaphore(%arg14 : memref<!tpu.dma_semaphore, #tpu.memory_space<semaphore_mem>>) src(%dma_wait3A_16 : memref<300000x128xf32, #tpu.memory_space<hbm>>) dst(%arg11 : memref<128x128xf32, #tpu.memory_space<vmem>>)
    %add3A_17 = arith.constant 0 : i32
    %add3A_18 = arith.addi %mul3A_6, %add3A_17 : i32
    "tpu.region"() ({
      %run_scoped3A = tpu.sem_alloc : memref<!tpu.dma_semaphore, #tpu.memory_space<semaphore_mem>>
      %dma_start3A_157 = arith.constant 0 : i32
      %dma_start3A_158 = tpu.memref_slice %arg6[%add3A_18, %dma_start3A_157] : memref<61440x128xf32, #tpu.memory_space<hbm>> -> memref<128x128xf32, #tpu.memory_space<hbm>>
      %dma_start3A_159 = arith.constant 0 : i32
      %dma_start3A_160 = tpu.memref_slice %arg6[%add3A_18, %dma_start3A_159] : memref<61440x128xf32, #tpu.memory_space<hbm>> -> memref<128x128xf32, #tpu.memory_space<hbm>>
      tpu.enqueue_dma source(%arg11 : memref<128x128xf32, #tpu.memory_space<vmem>>) target(%dma_start3A_160 : memref<128x128xf32, #tpu.memory_space<hbm>>) target_semaphore(%run_scoped3A : memref<!tpu.dma_semaphore, #tpu.memory_space<semaphore_mem>>)
      %dma_wait3A_161 = arith.constant 0 : i32
      %dma_wait3A_162 = tpu.memref_slice %arg6[%add3A_18, %dma_wait3A_161] : memref<61440x128xf32, #tpu.memory_space<hbm>> -> memref<128x128xf32, #tpu.memory_space<hbm>>
      %dma_wait3A_163 = arith.constant 0 : i32
      %dma_wait3A_164 = tpu.memref_slice %arg6[%add3A_18, %dma_wait3A_163] : memref<61440x128xf32, #tpu.memory_space<hbm>> -> memref<128x128xf32, #tpu.memory_space<hbm>>
      tpu.wait_dma2 semaphore(%run_scoped3A : memref<!tpu.dma_semaphore, #tpu.memory_space<semaphore_mem>>) src(%arg11 : memref<128x128xf32, #tpu.memory_space<vmem>>) dst(%dma_wait3A_164 : memref<128x128xf32, #tpu.memory_space<hbm>>)
      tpu.yield
    }) : () -> ()
    %add3A_19 = arith.constant 256 : i32
    %add3A_20 = arith.addi %mul3A_6, %add3A_19 : i32
    "tpu.region"() ({
      %run_scoped3A = tpu.sem_alloc : memref<!tpu.dma_semaphore, #tpu.memory_space<semaphore_mem>>
      %dma_start3A_157 = tpu.memref_slice %arg4[%add3A_20] : memref<61440xi32, #tpu.memory_space<hbm>> -> memref<128xi32, #tpu.memory_space<hbm>>
      %dma_start3A_158 = tpu.memref_slice %arg4[%add3A_20] : memref<61440xi32, #tpu.memory_space<hbm>> -> memref<128xi32, #tpu.memory_space<hbm>>
      tpu.enqueue_dma source(%dma_start3A_158 : memref<128xi32, #tpu.memory_space<hbm>>) target(%arg9 : memref<128xi32, #tpu.memory_space<vmem>>) target_semaphore(%run_scoped3A : memref<!tpu.dma_semaphore, #tpu.memory_space<semaphore_mem>>)
      %dma_wait3A_159 = tpu.memref_slice %arg4[%add3A_20] : memref<61440xi32, #tpu.memory_space<hbm>> -> memref<128xi32, #tpu.memory_space<hbm>>
      %dma_wait3A_160 = tpu.memref_slice %arg4[%add3A_20] : memref<61440xi32, #tpu.memory_space<hbm>> -> memref<128xi32, #tpu.memory_space<hbm>>
      tpu.wait_dma2 semaphore(%run_scoped3A : memref<!tpu.dma_semaphore, #tpu.memory_space<semaphore_mem>>) src(%dma_wait3A_160 : memref<128xi32, #tpu.memory_space<hbm>>) dst(%arg9 : memref<128xi32, #tpu.memory_space<vmem>>)
      tpu.yield
    }) : () -> ()
    %dma_start3A_21 = arith.constant 0 : i32
    %dma_start3A_22 = arith.constant 0 : i32
    %dma_start3A_23 = tpu.memref_slice %arg2[%dma_start3A_21, %dma_start3A_22] : memref<300000x128xf32, #tpu.memory_space<hbm>> -> memref<300000x128xf32, #tpu.memory_space<hbm>>
    tpu.enqueue_indirect_dma source(%dma_start3A_23 : memref<300000x128xf32, #tpu.memory_space<hbm>>) target(%arg11 : memref<128x128xf32, #tpu.memory_space<vmem>>) offsets(%arg9 : memref<128xi32, #tpu.memory_space<vmem>>) semaphore(%arg14 : memref<!tpu.dma_semaphore, #tpu.memory_space<semaphore_mem>>)
    %dma_wait3A_24 = arith.constant 0 : i32
    %dma_wait3A_25 = arith.constant 0 : i32
    %dma_wait3A_26 = tpu.memref_slice %arg2[%dma_wait3A_24, %dma_wait3A_25] : memref<300000x128xf32, #tpu.memory_space<hbm>> -> memref<300000x128xf32, #tpu.memory_space<hbm>>
    tpu.wait_indirect_dma semaphore(%arg15 : memref<!tpu.dma_semaphore, #tpu.memory_space<semaphore_mem>>) src(%dma_wait3A_26 : memref<300000x128xf32, #tpu.memory_space<hbm>>) dst(%arg12 : memref<128x128xf32, #tpu.memory_space<vmem>>)
    %add3A_27 = arith.constant 128 : i32
    %add3A_28 = arith.addi %mul3A_6, %add3A_27 : i32
    "tpu.region"() ({
      %run_scoped3A = tpu.sem_alloc : memref<!tpu.dma_semaphore, #tpu.memory_space<semaphore_mem>>
      %dma_start3A_157 = arith.constant 0 : i32
      %dma_start3A_158 = tpu.memref_slice %arg6[%add3A_28, %dma_start3A_157] : memref<61440x128xf32, #tpu.memory_space<hbm>> -> memref<128x128xf32, #tpu.memory_space<hbm>>
      %dma_start3A_159 = arith.constant 0 : i32
      %dma_start3A_160 = tpu.memref_slice %arg6[%add3A_28, %dma_start3A_159] : memref<61440x128xf32, #tpu.memory_space<hbm>> -> memref<128x128xf32, #tpu.memory_space<hbm>>
      tpu.enqueue_dma source(%arg12 : memref<128x128xf32, #tpu.memory_space<vmem>>) target(%dma_start3A_160 : memref<128x128xf32, #tpu.memory_space<hbm>>) target_semaphore(%run_scoped3A : memref<!tpu.dma_semaphore, #tpu.memory_space<semaphore_mem>>)
      %dma_wait3A_161 = arith.constant 0 : i32
      %dma_wait3A_162 = tpu.memref_slice %arg6[%add3A_28, %dma_wait3A_161] : memref<61440x128xf32, #tpu.memory_space<hbm>> -> memref<128x128xf32, #tpu.memory_space<hbm>>
      %dma_wait3A_163 = arith.constant 0 : i32
      %dma_wait3A_164 = tpu.memref_slice %arg6[%add3A_28, %dma_wait3A_163] : memref<61440x128xf32, #tpu.memory_space<hbm>> -> memref<128x128xf32, #tpu.memory_space<hbm>>
      tpu.wait_dma2 semaphore(%run_scoped3A : memref<!tpu.dma_semaphore, #tpu.memory_space<semaphore_mem>>) src(%arg12 : memref<128x128xf32, #tpu.memory_space<vmem>>) dst(%dma_wait3A_164 : memref<128x128xf32, #tpu.memory_space<hbm>>)
      tpu.yield
    }) : () -> ()
    %add3A_29 = arith.constant 384 : i32
    %add3A_30 = arith.addi %mul3A_6, %add3A_29 : i32
    "tpu.region"() ({
      %run_scoped3A = tpu.sem_alloc : memref<!tpu.dma_semaphore, #tpu.memory_space<semaphore_mem>>
      %dma_start3A_157 = tpu.memref_slice %arg4[%add3A_30] : memref<61440xi32, #tpu.memory_space<hbm>> -> memref<128xi32, #tpu.memory_space<hbm>>
      %dma_start3A_158 = tpu.memref_slice %arg4[%add3A_30] : memref<61440xi32, #tpu.memory_space<hbm>> -> memref<128xi32, #tpu.memory_space<hbm>>
      tpu.enqueue_dma source(%dma_start3A_158 : memref<128xi32, #tpu.memory_space<hbm>>) target(%arg10 : memref<128xi32, #tpu.memory_space<vmem>>) target_semaphore(%run_scoped3A : memref<!tpu.dma_semaphore, #tpu.memory_space<semaphore_mem>>)
      %dma_wait3A_159 = tpu.memref_slice %arg4[%add3A_30] : memref<61440xi32, #tpu.memory_space<hbm>> -> memref<128xi32, #tpu.memory_space<hbm>>
      %dma_wait3A_160 = tpu.memref_slice %arg4[%add3A_30] : memref<61440xi32, #tpu.memory_space<hbm>> -> memref<128xi32, #tpu.memory_space<hbm>>
      tpu.wait_dma2 semaphore(%run_scoped3A : memref<!tpu.dma_semaphore, #tpu.memory_space<semaphore_mem>>) src(%dma_wait3A_160 : memref<128xi32, #tpu.memory_space<hbm>>) dst(%arg10 : memref<128xi32, #tpu.memory_space<vmem>>)
      tpu.yield
    }) : () -> ()
    %dma_start3A_31 = arith.constant 0 : i32
    %dma_start3A_32 = arith.constant 0 : i32
    %dma_start3A_33 = tpu.memref_slice %arg2[%dma_start3A_31, %dma_start3A_32] : memref<300000x128xf32, #tpu.memory_space<hbm>> -> memref<300000x128xf32, #tpu.memory_space<hbm>>
    tpu.enqueue_indirect_dma source(%dma_start3A_33 : memref<300000x128xf32, #tpu.memory_space<hbm>>) target(%arg12 : memref<128x128xf32, #tpu.memory_space<vmem>>) offsets(%arg10 : memref<128xi32, #tpu.memory_space<vmem>>) semaphore(%arg15 : memref<!tpu.dma_semaphore, #tpu.memory_space<semaphore_mem>>)
    %dma_wait3A_34 = arith.constant 0 : i32
    %dma_wait3A_35 = arith.constant 0 : i32
    %dma_wait3A_36 = tpu.memref_slice %arg2[%dma_wait3A_34, %dma_wait3A_35] : memref<300000x128xf32, #tpu.memory_space<hbm>> -> memref<300000x128xf32, #tpu.memory_space<hbm>>
    tpu.wait_indirect_dma semaphore(%arg14 : memref<!tpu.dma_semaphore, #tpu.memory_space<semaphore_mem>>) src(%dma_wait3A_36 : memref<300000x128xf32, #tpu.memory_space<hbm>>) dst(%arg11 : memref<128x128xf32, #tpu.memory_space<vmem>>)
    %add3A_37 = arith.constant 256 : i32
    %add3A_38 = arith.addi %mul3A_6, %add3A_37 : i32
    "tpu.region"() ({
      %run_scoped3A = tpu.sem_alloc : memref<!tpu.dma_semaphore, #tpu.memory_space<semaphore_mem>>
      %dma_start3A_157 = arith.constant 0 : i32
      %dma_start3A_158 = tpu.memref_slice %arg6[%add3A_38, %dma_start3A_157] : memref<61440x128xf32, #tpu.memory_space<hbm>> -> memref<128x128xf32, #tpu.memory_space<hbm>>
      %dma_start3A_159 = arith.constant 0 : i32
      %dma_start3A_160 = tpu.memref_slice %arg6[%add3A_38, %dma_start3A_159] : memref<61440x128xf32, #tpu.memory_space<hbm>> -> memref<128x128xf32, #tpu.memory_space<hbm>>
      tpu.enqueue_dma source(%arg11 : memref<128x128xf32, #tpu.memory_space<vmem>>) target(%dma_start3A_160 : memref<128x128xf32, #tpu.memory_space<hbm>>) target_semaphore(%run_scoped3A : memref<!tpu.dma_semaphore, #tpu.memory_space<semaphore_mem>>)
      %dma_wait3A_161 = arith.constant 0 : i32
      %dma_wait3A_162 = tpu.memref_slice %arg6[%add3A_38, %dma_wait3A_161] : memref<61440x128xf32, #tpu.memory_space<hbm>> -> memref<128x128xf32, #tpu.memory_space<hbm>>
      %dma_wait3A_163 = arith.constant 0 : i32
      %dma_wait3A_164 = tpu.memref_slice %arg6[%add3A_38, %dma_wait3A_163] : memref<61440x128xf32, #tpu.memory_space<hbm>> -> memref<128x128xf32, #tpu.memory_space<hbm>>
      tpu.wait_dma2 semaphore(%run_scoped3A : memref<!tpu.dma_semaphore, #tpu.memory_space<semaphore_mem>>) src(%arg11 : memref<128x128xf32, #tpu.memory_space<vmem>>) dst(%dma_wait3A_164 : memref<128x128xf32, #tpu.memory_space<hbm>>)
      tpu.yield
    }) : () -> ()
    %add3A_39 = arith.constant 512 : i32
    %add3A_40 = arith.addi %mul3A_6, %add3A_39 : i32
    "tpu.region"() ({
      %run_scoped3A = tpu.sem_alloc : memref<!tpu.dma_semaphore, #tpu.memory_space<semaphore_mem>>
      %dma_start3A_157 = tpu.memref_slice %arg4[%add3A_40] : memref<61440xi32, #tpu.memory_space<hbm>> -> memref<128xi32, #tpu.memory_space<hbm>>
      %dma_start3A_158 = tpu.memref_slice %arg4[%add3A_40] : memref<61440xi32, #tpu.memory_space<hbm>> -> memref<128xi32, #tpu.memory_space<hbm>>
      tpu.enqueue_dma source(%dma_start3A_158 : memref<128xi32, #tpu.memory_space<hbm>>) target(%arg9 : memref<128xi32, #tpu.memory_space<vmem>>) target_semaphore(%run_scoped3A : memref<!tpu.dma_semaphore, #tpu.memory_space<semaphore_mem>>)
      %dma_wait3A_159 = tpu.memref_slice %arg4[%add3A_40] : memref<61440xi32, #tpu.memory_space<hbm>> -> memref<128xi32, #tpu.memory_space<hbm>>
      %dma_wait3A_160 = tpu.memref_slice %arg4[%add3A_40] : memref<61440xi32, #tpu.memory_space<hbm>> -> memref<128xi32, #tpu.memory_space<hbm>>
      tpu.wait_dma2 semaphore(%run_scoped3A : memref<!tpu.dma_semaphore, #tpu.memory_space<semaphore_mem>>) src(%dma_wait3A_160 : memref<128xi32, #tpu.memory_space<hbm>>) dst(%arg9 : memref<128xi32, #tpu.memory_space<vmem>>)
      tpu.yield
    }) : () -> ()
    %dma_start3A_41 = arith.constant 0 : i32
    %dma_start3A_42 = arith.constant 0 : i32
    %dma_start3A_43 = tpu.memref_slice %arg2[%dma_start3A_41, %dma_start3A_42] : memref<300000x128xf32, #tpu.memory_space<hbm>> -> memref<300000x128xf32, #tpu.memory_space<hbm>>
    tpu.enqueue_indirect_dma source(%dma_start3A_43 : memref<300000x128xf32, #tpu.memory_space<hbm>>) target(%arg11 : memref<128x128xf32, #tpu.memory_space<vmem>>) offsets(%arg9 : memref<128xi32, #tpu.memory_space<vmem>>) semaphore(%arg14 : memref<!tpu.dma_semaphore, #tpu.memory_space<semaphore_mem>>)
    %dma_wait3A_44 = arith.constant 0 : i32
    %dma_wait3A_45 = arith.constant 0 : i32
    %dma_wait3A_46 = tpu.memref_slice %arg2[%dma_wait3A_44, %dma_wait3A_45] : memref<300000x128xf32, #tpu.memory_space<hbm>> -> memref<300000x128xf32, #tpu.memory_space<hbm>>
    tpu.wait_indirect_dma semaphore(%arg15 : memref<!tpu.dma_semaphore, #tpu.memory_space<semaphore_mem>>) src(%dma_wait3A_46 : memref<300000x128xf32, #tpu.memory_space<hbm>>) dst(%arg12 : memref<128x128xf32, #tpu.memory_space<vmem>>)
    %add3A_47 = arith.constant 384 : i32
    %add3A_48 = arith.addi %mul3A_6, %add3A_47 : i32
    "tpu.region"() ({
      %run_scoped3A = tpu.sem_alloc : memref<!tpu.dma_semaphore, #tpu.memory_space<semaphore_mem>>
      %dma_start3A_157 = arith.constant 0 : i32
      %dma_start3A_158 = tpu.memref_slice %arg6[%add3A_48, %dma_start3A_157] : memref<61440x128xf32, #tpu.memory_space<hbm>> -> memref<128x128xf32, #tpu.memory_space<hbm>>
      %dma_start3A_159 = arith.constant 0 : i32
      %dma_start3A_160 = tpu.memref_slice %arg6[%add3A_48, %dma_start3A_159] : memref<61440x128xf32, #tpu.memory_space<hbm>> -> memref<128x128xf32, #tpu.memory_space<hbm>>
      tpu.enqueue_dma source(%arg12 : memref<128x128xf32, #tpu.memory_space<vmem>>) target(%dma_start3A_160 : memref<128x128xf32, #tpu.memory_space<hbm>>) target_semaphore(%run_scoped3A : memref<!tpu.dma_semaphore, #tpu.memory_space<semaphore_mem>>)
      %dma_wait3A_161 = arith.constant 0 : i32
      %dma_wait3A_162 = tpu.memref_slice %arg6[%add3A_48, %dma_wait3A_161] : memref<61440x128xf32, #tpu.memory_space<hbm>> -> memref<128x128xf32, #tpu.memory_space<hbm>>
      %dma_wait3A_163 = arith.constant 0 : i32
      %dma_wait3A_164 = tpu.memref_slice %arg6[%add3A_48, %dma_wait3A_163] : memref<61440x128xf32, #tpu.memory_space<hbm>> -> memref<128x128xf32, #tpu.memory_space<hbm>>
      tpu.wait_dma2 semaphore(%run_scoped3A : memref<!tpu.dma_semaphore, #tpu.memory_space<semaphore_mem>>) src(%arg12 : memref<128x128xf32, #tpu.memory_space<vmem>>) dst(%dma_wait3A_164 : memref<128x128xf32, #tpu.memory_space<hbm>>)
      tpu.yield
    }) : () -> ()
    %add3A_49 = arith.constant 640 : i32
    %add3A_50 = arith.addi %mul3A_6, %add3A_49 : i32
    "tpu.region"() ({
      %run_scoped3A = tpu.sem_alloc : memref<!tpu.dma_semaphore, #tpu.memory_space<semaphore_mem>>
      %dma_start3A_157 = tpu.memref_slice %arg4[%add3A_50] : memref<61440xi32, #tpu.memory_space<hbm>> -> memref<128xi32, #tpu.memory_space<hbm>>
      %dma_start3A_158 = tpu.memref_slice %arg4[%add3A_50] : memref<61440xi32, #tpu.memory_space<hbm>> -> memref<128xi32, #tpu.memory_space<hbm>>
      tpu.enqueue_dma source(%dma_start3A_158 : memref<128xi32, #tpu.memory_space<hbm>>) target(%arg10 : memref<128xi32, #tpu.memory_space<vmem>>) target_semaphore(%run_scoped3A : memref<!tpu.dma_semaphore, #tpu.memory_space<semaphore_mem>>)
      %dma_wait3A_159 = tpu.memref_slice %arg4[%add3A_50] : memref<61440xi32, #tpu.memory_space<hbm>> -> memref<128xi32, #tpu.memory_space<hbm>>
      %dma_wait3A_160 = tpu.memref_slice %arg4[%add3A_50] : memref<61440xi32, #tpu.memory_space<hbm>> -> memref<128xi32, #tpu.memory_space<hbm>>
      tpu.wait_dma2 semaphore(%run_scoped3A : memref<!tpu.dma_semaphore, #tpu.memory_space<semaphore_mem>>) src(%dma_wait3A_160 : memref<128xi32, #tpu.memory_space<hbm>>) dst(%arg10 : memref<128xi32, #tpu.memory_space<vmem>>)
      tpu.yield
    }) : () -> ()
    %dma_start3A_51 = arith.constant 0 : i32
    %dma_start3A_52 = arith.constant 0 : i32
    %dma_start3A_53 = tpu.memref_slice %arg2[%dma_start3A_51, %dma_start3A_52] : memref<300000x128xf32, #tpu.memory_space<hbm>> -> memref<300000x128xf32, #tpu.memory_space<hbm>>
    tpu.enqueue_indirect_dma source(%dma_start3A_53 : memref<300000x128xf32, #tpu.memory_space<hbm>>) target(%arg12 : memref<128x128xf32, #tpu.memory_space<vmem>>) offsets(%arg10 : memref<128xi32, #tpu.memory_space<vmem>>) semaphore(%arg15 : memref<!tpu.dma_semaphore, #tpu.memory_space<semaphore_mem>>)
    %dma_wait3A_54 = arith.constant 0 : i32
    %dma_wait3A_55 = arith.constant 0 : i32
    %dma_wait3A_56 = tpu.memref_slice %arg2[%dma_wait3A_54, %dma_wait3A_55] : memref<300000x128xf32, #tpu.memory_space<hbm>> -> memref<300000x128xf32, #tpu.memory_space<hbm>>
    tpu.wait_indirect_dma semaphore(%arg14 : memref<!tpu.dma_semaphore, #tpu.memory_space<semaphore_mem>>) src(%dma_wait3A_56 : memref<300000x128xf32, #tpu.memory_space<hbm>>) dst(%arg11 : memref<128x128xf32, #tpu.memory_space<vmem>>)
    %add3A_57 = arith.constant 512 : i32
    %add3A_58 = arith.addi %mul3A_6, %add3A_57 : i32
    "tpu.region"() ({
      %run_scoped3A = tpu.sem_alloc : memref<!tpu.dma_semaphore, #tpu.memory_space<semaphore_mem>>
      %dma_start3A_157 = arith.constant 0 : i32
      %dma_start3A_158 = tpu.memref_slice %arg6[%add3A_58, %dma_start3A_157] : memref<61440x128xf32, #tpu.memory_space<hbm>> -> memref<128x128xf32, #tpu.memory_space<hbm>>
      %dma_start3A_159 = arith.constant 0 : i32
      %dma_start3A_160 = tpu.memref_slice %arg6[%add3A_58, %dma_start3A_159] : memref<61440x128xf32, #tpu.memory_space<hbm>> -> memref<128x128xf32, #tpu.memory_space<hbm>>
      tpu.enqueue_dma source(%arg11 : memref<128x128xf32, #tpu.memory_space<vmem>>) target(%dma_start3A_160 : memref<128x128xf32, #tpu.memory_space<hbm>>) target_semaphore(%run_scoped3A : memref<!tpu.dma_semaphore, #tpu.memory_space<semaphore_mem>>)
      %dma_wait3A_161 = arith.constant 0 : i32
      %dma_wait3A_162 = tpu.memref_slice %arg6[%add3A_58, %dma_wait3A_161] : memref<61440x128xf32, #tpu.memory_space<hbm>> -> memref<128x128xf32, #tpu.memory_space<hbm>>
      %dma_wait3A_163 = arith.constant 0 : i32
      %dma_wait3A_164 = tpu.memref_slice %arg6[%add3A_58, %dma_wait3A_163] : memref<61440x128xf32, #tpu.memory_space<hbm>> -> memref<128x128xf32, #tpu.memory_space<hbm>>
      tpu.wait_dma2 semaphore(%run_scoped3A : memref<!tpu.dma_semaphore, #tpu.memory_space<semaphore_mem>>) src(%arg11 : memref<128x128xf32, #tpu.memory_space<vmem>>) dst(%dma_wait3A_164 : memref<128x128xf32, #tpu.memory_space<hbm>>)
      tpu.yield
    }) : () -> ()
    %add3A_59 = arith.constant 768 : i32
    %add3A_60 = arith.addi %mul3A_6, %add3A_59 : i32
    "tpu.region"() ({
      %run_scoped3A = tpu.sem_alloc : memref<!tpu.dma_semaphore, #tpu.memory_space<semaphore_mem>>
      %dma_start3A_157 = tpu.memref_slice %arg4[%add3A_60] : memref<61440xi32, #tpu.memory_space<hbm>> -> memref<128xi32, #tpu.memory_space<hbm>>
      %dma_start3A_158 = tpu.memref_slice %arg4[%add3A_60] : memref<61440xi32, #tpu.memory_space<hbm>> -> memref<128xi32, #tpu.memory_space<hbm>>
      tpu.enqueue_dma source(%dma_start3A_158 : memref<128xi32, #tpu.memory_space<hbm>>) target(%arg9 : memref<128xi32, #tpu.memory_space<vmem>>) target_semaphore(%run_scoped3A : memref<!tpu.dma_semaphore, #tpu.memory_space<semaphore_mem>>)
      %dma_wait3A_159 = tpu.memref_slice %arg4[%add3A_60] : memref<61440xi32, #tpu.memory_space<hbm>> -> memref<128xi32, #tpu.memory_space<hbm>>
      %dma_wait3A_160 = tpu.memref_slice %arg4[%add3A_60] : memref<61440xi32, #tpu.memory_space<hbm>> -> memref<128xi32, #tpu.memory_space<hbm>>
      tpu.wait_dma2 semaphore(%run_scoped3A : memref<!tpu.dma_semaphore, #tpu.memory_space<semaphore_mem>>) src(%dma_wait3A_160 : memref<128xi32, #tpu.memory_space<hbm>>) dst(%arg9 : memref<128xi32, #tpu.memory_space<vmem>>)
      tpu.yield
    }) : () -> ()
    %dma_start3A_61 = arith.constant 0 : i32
    %dma_start3A_62 = arith.constant 0 : i32
    %dma_start3A_63 = tpu.memref_slice %arg2[%dma_start3A_61, %dma_start3A_62] : memref<300000x128xf32, #tpu.memory_space<hbm>> -> memref<300000x128xf32, #tpu.memory_space<hbm>>
    tpu.enqueue_indirect_dma source(%dma_start3A_63 : memref<300000x128xf32, #tpu.memory_space<hbm>>) target(%arg11 : memref<128x128xf32, #tpu.memory_space<vmem>>) offsets(%arg9 : memref<128xi32, #tpu.memory_space<vmem>>) semaphore(%arg14 : memref<!tpu.dma_semaphore, #tpu.memory_space<semaphore_mem>>)
    %dma_wait3A_64 = arith.constant 0 : i32
    %dma_wait3A_65 = arith.constant 0 : i32
    %dma_wait3A_66 = tpu.memref_slice %arg2[%dma_wait3A_64, %dma_wait3A_65] : memref<300000x128xf32, #tpu.memory_space<hbm>> -> memref<300000x128xf32, #tpu.memory_space<hbm>>
    tpu.wait_indirect_dma semaphore(%arg15 : memref<!tpu.dma_semaphore, #tpu.memory_space<semaphore_mem>>) src(%dma_wait3A_66 : memref<300000x128xf32, #tpu.memory_space<hbm>>) dst(%arg12 : memref<128x128xf32, #tpu.memory_space<vmem>>)
    %add3A_67 = arith.constant 640 : i32
    %add3A_68 = arith.addi %mul3A_6, %add3A_67 : i32
    "tpu.region"() ({
      %run_scoped3A = tpu.sem_alloc : memref<!tpu.dma_semaphore, #tpu.memory_space<semaphore_mem>>
      %dma_start3A_157 = arith.constant 0 : i32
      %dma_start3A_158 = tpu.memref_slice %arg6[%add3A_68, %dma_start3A_157] : memref<61440x128xf32, #tpu.memory_space<hbm>> -> memref<128x128xf32, #tpu.memory_space<hbm>>
      %dma_start3A_159 = arith.constant 0 : i32
      %dma_start3A_160 = tpu.memref_slice %arg6[%add3A_68, %dma_start3A_159] : memref<61440x128xf32, #tpu.memory_space<hbm>> -> memref<128x128xf32, #tpu.memory_space<hbm>>
      tpu.enqueue_dma source(%arg12 : memref<128x128xf32, #tpu.memory_space<vmem>>) target(%dma_start3A_160 : memref<128x128xf32, #tpu.memory_space<hbm>>) target_semaphore(%run_scoped3A : memref<!tpu.dma_semaphore, #tpu.memory_space<semaphore_mem>>)
      %dma_wait3A_161 = arith.constant 0 : i32
      %dma_wait3A_162 = tpu.memref_slice %arg6[%add3A_68, %dma_wait3A_161] : memref<61440x128xf32, #tpu.memory_space<hbm>> -> memref<128x128xf32, #tpu.memory_space<hbm>>
      %dma_wait3A_163 = arith.constant 0 : i32
      %dma_wait3A_164 = tpu.memref_slice %arg6[%add3A_68, %dma_wait3A_163] : memref<61440x128xf32, #tpu.memory_space<hbm>> -> memref<128x128xf32, #tpu.memory_space<hbm>>
      tpu.wait_dma2 semaphore(%run_scoped3A : memref<!tpu.dma_semaphore, #tpu.memory_space<semaphore_mem>>) src(%arg12 : memref<128x128xf32, #tpu.memory_space<vmem>>) dst(%dma_wait3A_164 : memref<128x128xf32, #tpu.memory_space<hbm>>)
      tpu.yield
    }) : () -> ()
    %add3A_69 = arith.constant 896 : i32
    %add3A_70 = arith.addi %mul3A_6, %add3A_69 : i32
    "tpu.region"() ({
      %run_scoped3A = tpu.sem_alloc : memref<!tpu.dma_semaphore, #tpu.memory_space<semaphore_mem>>
      %dma_start3A_157 = tpu.memref_slice %arg4[%add3A_70] : memref<61440xi32, #tpu.memory_space<hbm>> -> memref<128xi32, #tpu.memory_space<hbm>>
      %dma_start3A_158 = tpu.memref_slice %arg4[%add3A_70] : memref<61440xi32, #tpu.memory_space<hbm>> -> memref<128xi32, #tpu.memory_space<hbm>>
      tpu.enqueue_dma source(%dma_start3A_158 : memref<128xi32, #tpu.memory_space<hbm>>) target(%arg10 : memref<128xi32, #tpu.memory_space<vmem>>) target_semaphore(%run_scoped3A : memref<!tpu.dma_semaphore, #tpu.memory_space<semaphore_mem>>)
      %dma_wait3A_159 = tpu.memref_slice %arg4[%add3A_70] : memref<61440xi32, #tpu.memory_space<hbm>> -> memref<128xi32, #tpu.memory_space<hbm>>
      %dma_wait3A_160 = tpu.memref_slice %arg4[%add3A_70] : memref<61440xi32, #tpu.memory_space<hbm>> -> memref<128xi32, #tpu.memory_space<hbm>>
      tpu.wait_dma2 semaphore(%run_scoped3A : memref<!tpu.dma_semaphore, #tpu.memory_space<semaphore_mem>>) src(%dma_wait3A_160 : memref<128xi32, #tpu.memory_space<hbm>>) dst(%arg10 : memref<128xi32, #tpu.memory_space<vmem>>)
      tpu.yield
    }) : () -> ()
    %dma_start3A_71 = arith.constant 0 : i32
    %dma_start3A_72 = arith.constant 0 : i32
    %dma_start3A_73 = tpu.memref_slice %arg2[%dma_start3A_71, %dma_start3A_72] : memref<300000x128xf32, #tpu.memory_space<hbm>> -> memref<300000x128xf32, #tpu.memory_space<hbm>>
    tpu.enqueue_indirect_dma source(%dma_start3A_73 : memref<300000x128xf32, #tpu.memory_space<hbm>>) target(%arg12 : memref<128x128xf32, #tpu.memory_space<vmem>>) offsets(%arg10 : memref<128xi32, #tpu.memory_space<vmem>>) semaphore(%arg15 : memref<!tpu.dma_semaphore, #tpu.memory_space<semaphore_mem>>)
    %dma_wait3A_74 = arith.constant 0 : i32
    %dma_wait3A_75 = arith.constant 0 : i32
    %dma_wait3A_76 = tpu.memref_slice %arg2[%dma_wait3A_74, %dma_wait3A_75] : memref<300000x128xf32, #tpu.memory_space<hbm>> -> memref<300000x128xf32, #tpu.memory_space<hbm>>
    tpu.wait_indirect_dma semaphore(%arg14 : memref<!tpu.dma_semaphore, #tpu.memory_space<semaphore_mem>>) src(%dma_wait3A_76 : memref<300000x128xf32, #tpu.memory_space<hbm>>) dst(%arg11 : memref<128x128xf32, #tpu.memory_space<vmem>>)
    %add3A_77 = arith.constant 768 : i32
    %add3A_78 = arith.addi %mul3A_6, %add3A_77 : i32
    "tpu.region"() ({
      %run_scoped3A = tpu.sem_alloc : memref<!tpu.dma_semaphore, #tpu.memory_space<semaphore_mem>>
      %dma_start3A_157 = arith.constant 0 : i32
      %dma_start3A_158 = tpu.memref_slice %arg6[%add3A_78, %dma_start3A_157] : memref<61440x128xf32, #tpu.memory_space<hbm>> -> memref<128x128xf32, #tpu.memory_space<hbm>>
      %dma_start3A_159 = arith.constant 0 : i32
      %dma_start3A_160 = tpu.memref_slice %arg6[%add3A_78, %dma_start3A_159] : memref<61440x128xf32, #tpu.memory_space<hbm>> -> memref<128x128xf32, #tpu.memory_space<hbm>>
      tpu.enqueue_dma source(%arg11 : memref<128x128xf32, #tpu.memory_space<vmem>>) target(%dma_start3A_160 : memref<128x128xf32, #tpu.memory_space<hbm>>) target_semaphore(%run_scoped3A : memref<!tpu.dma_semaphore, #tpu.memory_space<semaphore_mem>>)
      %dma_wait3A_161 = arith.constant 0 : i32
      %dma_wait3A_162 = tpu.memref_slice %arg6[%add3A_78, %dma_wait3A_161] : memref<61440x128xf32, #tpu.memory_space<hbm>> -> memref<128x128xf32, #tpu.memory_space<hbm>>
      %dma_wait3A_163 = arith.constant 0 : i32
      %dma_wait3A_164 = tpu.memref_slice %arg6[%add3A_78, %dma_wait3A_163] : memref<61440x128xf32, #tpu.memory_space<hbm>> -> memref<128x128xf32, #tpu.memory_space<hbm>>
      tpu.wait_dma2 semaphore(%run_scoped3A : memref<!tpu.dma_semaphore, #tpu.memory_space<semaphore_mem>>) src(%arg11 : memref<128x128xf32, #tpu.memory_space<vmem>>) dst(%dma_wait3A_164 : memref<128x128xf32, #tpu.memory_space<hbm>>)
      tpu.yield
    }) : () -> ()
    %add3A_79 = arith.constant 1024 : i32
    %add3A_80 = arith.addi %mul3A_6, %add3A_79 : i32
    "tpu.region"() ({
      %run_scoped3A = tpu.sem_alloc : memref<!tpu.dma_semaphore, #tpu.memory_space<semaphore_mem>>
      %dma_start3A_157 = tpu.memref_slice %arg4[%add3A_80] : memref<61440xi32, #tpu.memory_space<hbm>> -> memref<128xi32, #tpu.memory_space<hbm>>
      %dma_start3A_158 = tpu.memref_slice %arg4[%add3A_80] : memref<61440xi32, #tpu.memory_space<hbm>> -> memref<128xi32, #tpu.memory_space<hbm>>
      tpu.enqueue_dma source(%dma_start3A_158 : memref<128xi32, #tpu.memory_space<hbm>>) target(%arg9 : memref<128xi32, #tpu.memory_space<vmem>>) target_semaphore(%run_scoped3A : memref<!tpu.dma_semaphore, #tpu.memory_space<semaphore_mem>>)
      %dma_wait3A_159 = tpu.memref_slice %arg4[%add3A_80] : memref<61440xi32, #tpu.memory_space<hbm>> -> memref<128xi32, #tpu.memory_space<hbm>>
      %dma_wait3A_160 = tpu.memref_slice %arg4[%add3A_80] : memref<61440xi32, #tpu.memory_space<hbm>> -> memref<128xi32, #tpu.memory_space<hbm>>
      tpu.wait_dma2 semaphore(%run_scoped3A : memref<!tpu.dma_semaphore, #tpu.memory_space<semaphore_mem>>) src(%dma_wait3A_160 : memref<128xi32, #tpu.memory_space<hbm>>) dst(%arg9 : memref<128xi32, #tpu.memory_space<vmem>>)
      tpu.yield
    }) : () -> ()
    %dma_start3A_81 = arith.constant 0 : i32
    %dma_start3A_82 = arith.constant 0 : i32
    %dma_start3A_83 = tpu.memref_slice %arg2[%dma_start3A_81, %dma_start3A_82] : memref<300000x128xf32, #tpu.memory_space<hbm>> -> memref<300000x128xf32, #tpu.memory_space<hbm>>
    tpu.enqueue_indirect_dma source(%dma_start3A_83 : memref<300000x128xf32, #tpu.memory_space<hbm>>) target(%arg11 : memref<128x128xf32, #tpu.memory_space<vmem>>) offsets(%arg9 : memref<128xi32, #tpu.memory_space<vmem>>) semaphore(%arg14 : memref<!tpu.dma_semaphore, #tpu.memory_space<semaphore_mem>>)
    %dma_wait3A_84 = arith.constant 0 : i32
    %dma_wait3A_85 = arith.constant 0 : i32
    %dma_wait3A_86 = tpu.memref_slice %arg2[%dma_wait3A_84, %dma_wait3A_85] : memref<300000x128xf32, #tpu.memory_space<hbm>> -> memref<300000x128xf32, #tpu.memory_space<hbm>>
    tpu.wait_indirect_dma semaphore(%arg15 : memref<!tpu.dma_semaphore, #tpu.memory_space<semaphore_mem>>) src(%dma_wait3A_86 : memref<300000x128xf32, #tpu.memory_space<hbm>>) dst(%arg12 : memref<128x128xf32, #tpu.memory_space<vmem>>)
    %add3A_87 = arith.constant 896 : i32
    %add3A_88 = arith.addi %mul3A_6, %add3A_87 : i32
    "tpu.region"() ({
      %run_scoped3A = tpu.sem_alloc : memref<!tpu.dma_semaphore, #tpu.memory_space<semaphore_mem>>
      %dma_start3A_157 = arith.constant 0 : i32
      %dma_start3A_158 = tpu.memref_slice %arg6[%add3A_88, %dma_start3A_157] : memref<61440x128xf32, #tpu.memory_space<hbm>> -> memref<128x128xf32, #tpu.memory_space<hbm>>
      %dma_start3A_159 = arith.constant 0 : i32
      %dma_start3A_160 = tpu.memref_slice %arg6[%add3A_88, %dma_start3A_159] : memref<61440x128xf32, #tpu.memory_space<hbm>> -> memref<128x128xf32, #tpu.memory_space<hbm>>
      tpu.enqueue_dma source(%arg12 : memref<128x128xf32, #tpu.memory_space<vmem>>) target(%dma_start3A_160 : memref<128x128xf32, #tpu.memory_space<hbm>>) target_semaphore(%run_scoped3A : memref<!tpu.dma_semaphore, #tpu.memory_space<semaphore_mem>>)
      %dma_wait3A_161 = arith.constant 0 : i32
      %dma_wait3A_162 = tpu.memref_slice %arg6[%add3A_88, %dma_wait3A_161] : memref<61440x128xf32, #tpu.memory_space<hbm>> -> memref<128x128xf32, #tpu.memory_space<hbm>>
      %dma_wait3A_163 = arith.constant 0 : i32
      %dma_wait3A_164 = tpu.memref_slice %arg6[%add3A_88, %dma_wait3A_163] : memref<61440x128xf32, #tpu.memory_space<hbm>> -> memref<128x128xf32, #tpu.memory_space<hbm>>
      tpu.wait_dma2 semaphore(%run_scoped3A : memref<!tpu.dma_semaphore, #tpu.memory_space<semaphore_mem>>) src(%arg12 : memref<128x128xf32, #tpu.memory_space<vmem>>) dst(%dma_wait3A_164 : memref<128x128xf32, #tpu.memory_space<hbm>>)
      tpu.yield
    }) : () -> ()
    %add3A_89 = arith.constant 1152 : i32
    %add3A_90 = arith.addi %mul3A_6, %add3A_89 : i32
    "tpu.region"() ({
      %run_scoped3A = tpu.sem_alloc : memref<!tpu.dma_semaphore, #tpu.memory_space<semaphore_mem>>
      %dma_start3A_157 = tpu.memref_slice %arg4[%add3A_90] : memref<61440xi32, #tpu.memory_space<hbm>> -> memref<128xi32, #tpu.memory_space<hbm>>
      %dma_start3A_158 = tpu.memref_slice %arg4[%add3A_90] : memref<61440xi32, #tpu.memory_space<hbm>> -> memref<128xi32, #tpu.memory_space<hbm>>
      tpu.enqueue_dma source(%dma_start3A_158 : memref<128xi32, #tpu.memory_space<hbm>>) target(%arg10 : memref<128xi32, #tpu.memory_space<vmem>>) target_semaphore(%run_scoped3A : memref<!tpu.dma_semaphore, #tpu.memory_space<semaphore_mem>>)
      %dma_wait3A_159 = tpu.memref_slice %arg4[%add3A_90] : memref<61440xi32, #tpu.memory_space<hbm>> -> memref<128xi32, #tpu.memory_space<hbm>>
      %dma_wait3A_160 = tpu.memref_slice %arg4[%add3A_90] : memref<61440xi32, #tpu.memory_space<hbm>> -> memref<128xi32, #tpu.memory_space<hbm>>
      tpu.wait_dma2 semaphore(%run_scoped3A : memref<!tpu.dma_semaphore, #tpu.memory_space<semaphore_mem>>) src(%dma_wait3A_160 : memref<128xi32, #tpu.memory_space<hbm>>) dst(%arg10 : memref<128xi32, #tpu.memory_space<vmem>>)
      tpu.yield
    }) : () -> ()
    %dma_start3A_91 = arith.constant 0 : i32
    %dma_start3A_92 = arith.constant 0 : i32
    %dma_start3A_93 = tpu.memref_slice %arg2[%dma_start3A_91, %dma_start3A_92] : memref<300000x128xf32, #tpu.memory_space<hbm>> -> memref<300000x128xf32, #tpu.memory_space<hbm>>
    tpu.enqueue_indirect_dma source(%dma_start3A_93 : memref<300000x128xf32, #tpu.memory_space<hbm>>) target(%arg12 : memref<128x128xf32, #tpu.memory_space<vmem>>) offsets(%arg10 : memref<128xi32, #tpu.memory_space<vmem>>) semaphore(%arg15 : memref<!tpu.dma_semaphore, #tpu.memory_space<semaphore_mem>>)
    %dma_wait3A_94 = arith.constant 0 : i32
    %dma_wait3A_95 = arith.constant 0 : i32
    %dma_wait3A_96 = tpu.memref_slice %arg2[%dma_wait3A_94, %dma_wait3A_95] : memref<300000x128xf32, #tpu.memory_space<hbm>> -> memref<300000x128xf32, #tpu.memory_space<hbm>>
    tpu.wait_indirect_dma semaphore(%arg14 : memref<!tpu.dma_semaphore, #tpu.memory_space<semaphore_mem>>) src(%dma_wait3A_96 : memref<300000x128xf32, #tpu.memory_space<hbm>>) dst(%arg11 : memref<128x128xf32, #tpu.memory_space<vmem>>)
    %add3A_97 = arith.constant 1024 : i32
    %add3A_98 = arith.addi %mul3A_6, %add3A_97 : i32
    "tpu.region"() ({
      %run_scoped3A = tpu.sem_alloc : memref<!tpu.dma_semaphore, #tpu.memory_space<semaphore_mem>>
      %dma_start3A_157 = arith.constant 0 : i32
      %dma_start3A_158 = tpu.memref_slice %arg6[%add3A_98, %dma_start3A_157] : memref<61440x128xf32, #tpu.memory_space<hbm>> -> memref<128x128xf32, #tpu.memory_space<hbm>>
      %dma_start3A_159 = arith.constant 0 : i32
      %dma_start3A_160 = tpu.memref_slice %arg6[%add3A_98, %dma_start3A_159] : memref<61440x128xf32, #tpu.memory_space<hbm>> -> memref<128x128xf32, #tpu.memory_space<hbm>>
      tpu.enqueue_dma source(%arg11 : memref<128x128xf32, #tpu.memory_space<vmem>>) target(%dma_start3A_160 : memref<128x128xf32, #tpu.memory_space<hbm>>) target_semaphore(%run_scoped3A : memref<!tpu.dma_semaphore, #tpu.memory_space<semaphore_mem>>)
      %dma_wait3A_161 = arith.constant 0 : i32
      %dma_wait3A_162 = tpu.memref_slice %arg6[%add3A_98, %dma_wait3A_161] : memref<61440x128xf32, #tpu.memory_space<hbm>> -> memref<128x128xf32, #tpu.memory_space<hbm>>
      %dma_wait3A_163 = arith.constant 0 : i32
      %dma_wait3A_164 = tpu.memref_slice %arg6[%add3A_98, %dma_wait3A_163] : memref<61440x128xf32, #tpu.memory_space<hbm>> -> memref<128x128xf32, #tpu.memory_space<hbm>>
      tpu.wait_dma2 semaphore(%run_scoped3A : memref<!tpu.dma_semaphore, #tpu.memory_space<semaphore_mem>>) src(%arg11 : memref<128x128xf32, #tpu.memory_space<vmem>>) dst(%dma_wait3A_164 : memref<128x128xf32, #tpu.memory_space<hbm>>)
      tpu.yield
    }) : () -> ()
    %add3A_99 = arith.constant 1280 : i32
    %add3A_100 = arith.addi %mul3A_6, %add3A_99 : i32
    "tpu.region"() ({
      %run_scoped3A = tpu.sem_alloc : memref<!tpu.dma_semaphore, #tpu.memory_space<semaphore_mem>>
      %dma_start3A_157 = tpu.memref_slice %arg4[%add3A_100] : memref<61440xi32, #tpu.memory_space<hbm>> -> memref<128xi32, #tpu.memory_space<hbm>>
      %dma_start3A_158 = tpu.memref_slice %arg4[%add3A_100] : memref<61440xi32, #tpu.memory_space<hbm>> -> memref<128xi32, #tpu.memory_space<hbm>>
      tpu.enqueue_dma source(%dma_start3A_158 : memref<128xi32, #tpu.memory_space<hbm>>) target(%arg9 : memref<128xi32, #tpu.memory_space<vmem>>) target_semaphore(%run_scoped3A : memref<!tpu.dma_semaphore, #tpu.memory_space<semaphore_mem>>)
      %dma_wait3A_159 = tpu.memref_slice %arg4[%add3A_100] : memref<61440xi32, #tpu.memory_space<hbm>> -> memref<128xi32, #tpu.memory_space<hbm>>
      %dma_wait3A_160 = tpu.memref_slice %arg4[%add3A_100] : memref<61440xi32, #tpu.memory_space<hbm>> -> memref<128xi32, #tpu.memory_space<hbm>>
      tpu.wait_dma2 semaphore(%run_scoped3A : memref<!tpu.dma_semaphore, #tpu.memory_space<semaphore_mem>>) src(%dma_wait3A_160 : memref<128xi32, #tpu.memory_space<hbm>>) dst(%arg9 : memref<128xi32, #tpu.memory_space<vmem>>)
      tpu.yield
    }) : () -> ()
    %dma_start3A_101 = arith.constant 0 : i32
    %dma_start3A_102 = arith.constant 0 : i32
    %dma_start3A_103 = tpu.memref_slice %arg2[%dma_start3A_101, %dma_start3A_102] : memref<300000x128xf32, #tpu.memory_space<hbm>> -> memref<300000x128xf32, #tpu.memory_space<hbm>>
    tpu.enqueue_indirect_dma source(%dma_start3A_103 : memref<300000x128xf32, #tpu.memory_space<hbm>>) target(%arg11 : memref<128x128xf32, #tpu.memory_space<vmem>>) offsets(%arg9 : memref<128xi32, #tpu.memory_space<vmem>>) semaphore(%arg14 : memref<!tpu.dma_semaphore, #tpu.memory_space<semaphore_mem>>)
    %dma_wait3A_104 = arith.constant 0 : i32
    %dma_wait3A_105 = arith.constant 0 : i32
    %dma_wait3A_106 = tpu.memref_slice %arg2[%dma_wait3A_104, %dma_wait3A_105] : memref<300000x128xf32, #tpu.memory_space<hbm>> -> memref<300000x128xf32, #tpu.memory_space<hbm>>
    tpu.wait_indirect_dma semaphore(%arg15 : memref<!tpu.dma_semaphore, #tpu.memory_space<semaphore_mem>>) src(%dma_wait3A_106 : memref<300000x128xf32, #tpu.memory_space<hbm>>) dst(%arg12 : memref<128x128xf32, #tpu.memory_space<vmem>>)
    %add3A_107 = arith.constant 1152 : i32
    %add3A_108 = arith.addi %mul3A_6, %add3A_107 : i32
    "tpu.region"() ({
      %run_scoped3A = tpu.sem_alloc : memref<!tpu.dma_semaphore, #tpu.memory_space<semaphore_mem>>
      %dma_start3A_157 = arith.constant 0 : i32
      %dma_start3A_158 = tpu.memref_slice %arg6[%add3A_108, %dma_start3A_157] : memref<61440x128xf32, #tpu.memory_space<hbm>> -> memref<128x128xf32, #tpu.memory_space<hbm>>
      %dma_start3A_159 = arith.constant 0 : i32
      %dma_start3A_160 = tpu.memref_slice %arg6[%add3A_108, %dma_start3A_159] : memref<61440x128xf32, #tpu.memory_space<hbm>> -> memref<128x128xf32, #tpu.memory_space<hbm>>
      tpu.enqueue_dma source(%arg12 : memref<128x128xf32, #tpu.memory_space<vmem>>) target(%dma_start3A_160 : memref<128x128xf32, #tpu.memory_space<hbm>>) target_semaphore(%run_scoped3A : memref<!tpu.dma_semaphore, #tpu.memory_space<semaphore_mem>>)
      %dma_wait3A_161 = arith.constant 0 : i32
      %dma_wait3A_162 = tpu.memref_slice %arg6[%add3A_108, %dma_wait3A_161] : memref<61440x128xf32, #tpu.memory_space<hbm>> -> memref<128x128xf32, #tpu.memory_space<hbm>>
      %dma_wait3A_163 = arith.constant 0 : i32
      %dma_wait3A_164 = tpu.memref_slice %arg6[%add3A_108, %dma_wait3A_163] : memref<61440x128xf32, #tpu.memory_space<hbm>> -> memref<128x128xf32, #tpu.memory_space<hbm>>
      tpu.wait_dma2 semaphore(%run_scoped3A : memref<!tpu.dma_semaphore, #tpu.memory_space<semaphore_mem>>) src(%arg12 : memref<128x128xf32, #tpu.memory_space<vmem>>) dst(%dma_wait3A_164 : memref<128x128xf32, #tpu.memory_space<hbm>>)
      tpu.yield
    }) : () -> ()
    %add3A_109 = arith.constant 1408 : i32
    %add3A_110 = arith.addi %mul3A_6, %add3A_109 : i32
    "tpu.region"() ({
      %run_scoped3A = tpu.sem_alloc : memref<!tpu.dma_semaphore, #tpu.memory_space<semaphore_mem>>
      %dma_start3A_157 = tpu.memref_slice %arg4[%add3A_110] : memref<61440xi32, #tpu.memory_space<hbm>> -> memref<128xi32, #tpu.memory_space<hbm>>
      %dma_start3A_158 = tpu.memref_slice %arg4[%add3A_110] : memref<61440xi32, #tpu.memory_space<hbm>> -> memref<128xi32, #tpu.memory_space<hbm>>
      tpu.enqueue_dma source(%dma_start3A_158 : memref<128xi32, #tpu.memory_space<hbm>>) target(%arg10 : memref<128xi32, #tpu.memory_space<vmem>>) target_semaphore(%run_scoped3A : memref<!tpu.dma_semaphore, #tpu.memory_space<semaphore_mem>>)
      %dma_wait3A_159 = tpu.memref_slice %arg4[%add3A_110] : memref<61440xi32, #tpu.memory_space<hbm>> -> memref<128xi32, #tpu.memory_space<hbm>>
      %dma_wait3A_160 = tpu.memref_slice %arg4[%add3A_110] : memref<61440xi32, #tpu.memory_space<hbm>> -> memref<128xi32, #tpu.memory_space<hbm>>
      tpu.wait_dma2 semaphore(%run_scoped3A : memref<!tpu.dma_semaphore, #tpu.memory_space<semaphore_mem>>) src(%dma_wait3A_160 : memref<128xi32, #tpu.memory_space<hbm>>) dst(%arg10 : memref<128xi32, #tpu.memory_space<vmem>>)
      tpu.yield
    }) : () -> ()
    %dma_start3A_111 = arith.constant 0 : i32
    %dma_start3A_112 = arith.constant 0 : i32
    %dma_start3A_113 = tpu.memref_slice %arg2[%dma_start3A_111, %dma_start3A_112] : memref<300000x128xf32, #tpu.memory_space<hbm>> -> memref<300000x128xf32, #tpu.memory_space<hbm>>
    tpu.enqueue_indirect_dma source(%dma_start3A_113 : memref<300000x128xf32, #tpu.memory_space<hbm>>) target(%arg12 : memref<128x128xf32, #tpu.memory_space<vmem>>) offsets(%arg10 : memref<128xi32, #tpu.memory_space<vmem>>) semaphore(%arg15 : memref<!tpu.dma_semaphore, #tpu.memory_space<semaphore_mem>>)
    %dma_wait3A_114 = arith.constant 0 : i32
    %dma_wait3A_115 = arith.constant 0 : i32
    %dma_wait3A_116 = tpu.memref_slice %arg2[%dma_wait3A_114, %dma_wait3A_115] : memref<300000x128xf32, #tpu.memory_space<hbm>> -> memref<300000x128xf32, #tpu.memory_space<hbm>>
    tpu.wait_indirect_dma semaphore(%arg14 : memref<!tpu.dma_semaphore, #tpu.memory_space<semaphore_mem>>) src(%dma_wait3A_116 : memref<300000x128xf32, #tpu.memory_space<hbm>>) dst(%arg11 : memref<128x128xf32, #tpu.memory_space<vmem>>)
    %add3A_117 = arith.constant 1280 : i32
    %add3A_118 = arith.addi %mul3A_6, %add3A_117 : i32
    "tpu.region"() ({
      %run_scoped3A = tpu.sem_alloc : memref<!tpu.dma_semaphore, #tpu.memory_space<semaphore_mem>>
      %dma_start3A_157 = arith.constant 0 : i32
      %dma_start3A_158 = tpu.memref_slice %arg6[%add3A_118, %dma_start3A_157] : memref<61440x128xf32, #tpu.memory_space<hbm>> -> memref<128x128xf32, #tpu.memory_space<hbm>>
      %dma_start3A_159 = arith.constant 0 : i32
      %dma_start3A_160 = tpu.memref_slice %arg6[%add3A_118, %dma_start3A_159] : memref<61440x128xf32, #tpu.memory_space<hbm>> -> memref<128x128xf32, #tpu.memory_space<hbm>>
      tpu.enqueue_dma source(%arg11 : memref<128x128xf32, #tpu.memory_space<vmem>>) target(%dma_start3A_160 : memref<128x128xf32, #tpu.memory_space<hbm>>) target_semaphore(%run_scoped3A : memref<!tpu.dma_semaphore, #tpu.memory_space<semaphore_mem>>)
      %dma_wait3A_161 = arith.constant 0 : i32
      %dma_wait3A_162 = tpu.memref_slice %arg6[%add3A_118, %dma_wait3A_161] : memref<61440x128xf32, #tpu.memory_space<hbm>> -> memref<128x128xf32, #tpu.memory_space<hbm>>
      %dma_wait3A_163 = arith.constant 0 : i32
      %dma_wait3A_164 = tpu.memref_slice %arg6[%add3A_118, %dma_wait3A_163] : memref<61440x128xf32, #tpu.memory_space<hbm>> -> memref<128x128xf32, #tpu.memory_space<hbm>>
      tpu.wait_dma2 semaphore(%run_scoped3A : memref<!tpu.dma_semaphore, #tpu.memory_space<semaphore_mem>>) src(%arg11 : memref<128x128xf32, #tpu.memory_space<vmem>>) dst(%dma_wait3A_164 : memref<128x128xf32, #tpu.memory_space<hbm>>)
      tpu.yield
    }) : () -> ()
    %add3A_119 = arith.constant 1536 : i32
    %add3A_120 = arith.addi %mul3A_6, %add3A_119 : i32
    "tpu.region"() ({
      %run_scoped3A = tpu.sem_alloc : memref<!tpu.dma_semaphore, #tpu.memory_space<semaphore_mem>>
      %dma_start3A_157 = tpu.memref_slice %arg4[%add3A_120] : memref<61440xi32, #tpu.memory_space<hbm>> -> memref<128xi32, #tpu.memory_space<hbm>>
      %dma_start3A_158 = tpu.memref_slice %arg4[%add3A_120] : memref<61440xi32, #tpu.memory_space<hbm>> -> memref<128xi32, #tpu.memory_space<hbm>>
      tpu.enqueue_dma source(%dma_start3A_158 : memref<128xi32, #tpu.memory_space<hbm>>) target(%arg9 : memref<128xi32, #tpu.memory_space<vmem>>) target_semaphore(%run_scoped3A : memref<!tpu.dma_semaphore, #tpu.memory_space<semaphore_mem>>)
      %dma_wait3A_159 = tpu.memref_slice %arg4[%add3A_120] : memref<61440xi32, #tpu.memory_space<hbm>> -> memref<128xi32, #tpu.memory_space<hbm>>
      %dma_wait3A_160 = tpu.memref_slice %arg4[%add3A_120] : memref<61440xi32, #tpu.memory_space<hbm>> -> memref<128xi32, #tpu.memory_space<hbm>>
      tpu.wait_dma2 semaphore(%run_scoped3A : memref<!tpu.dma_semaphore, #tpu.memory_space<semaphore_mem>>) src(%dma_wait3A_160 : memref<128xi32, #tpu.memory_space<hbm>>) dst(%arg9 : memref<128xi32, #tpu.memory_space<vmem>>)
      tpu.yield
    }) : () -> ()
    %dma_start3A_121 = arith.constant 0 : i32
    %dma_start3A_122 = arith.constant 0 : i32
    %dma_start3A_123 = tpu.memref_slice %arg2[%dma_start3A_121, %dma_start3A_122] : memref<300000x128xf32, #tpu.memory_space<hbm>> -> memref<300000x128xf32, #tpu.memory_space<hbm>>
    tpu.enqueue_indirect_dma source(%dma_start3A_123 : memref<300000x128xf32, #tpu.memory_space<hbm>>) target(%arg11 : memref<128x128xf32, #tpu.memory_space<vmem>>) offsets(%arg9 : memref<128xi32, #tpu.memory_space<vmem>>) semaphore(%arg14 : memref<!tpu.dma_semaphore, #tpu.memory_space<semaphore_mem>>)
    %dma_wait3A_124 = arith.constant 0 : i32
    %dma_wait3A_125 = arith.constant 0 : i32
    %dma_wait3A_126 = tpu.memref_slice %arg2[%dma_wait3A_124, %dma_wait3A_125] : memref<300000x128xf32, #tpu.memory_space<hbm>> -> memref<300000x128xf32, #tpu.memory_space<hbm>>
    tpu.wait_indirect_dma semaphore(%arg15 : memref<!tpu.dma_semaphore, #tpu.memory_space<semaphore_mem>>) src(%dma_wait3A_126 : memref<300000x128xf32, #tpu.memory_space<hbm>>) dst(%arg12 : memref<128x128xf32, #tpu.memory_space<vmem>>)
    %add3A_127 = arith.constant 1408 : i32
    %add3A_128 = arith.addi %mul3A_6, %add3A_127 : i32
    "tpu.region"() ({
      %run_scoped3A = tpu.sem_alloc : memref<!tpu.dma_semaphore, #tpu.memory_space<semaphore_mem>>
      %dma_start3A_157 = arith.constant 0 : i32
      %dma_start3A_158 = tpu.memref_slice %arg6[%add3A_128, %dma_start3A_157] : memref<61440x128xf32, #tpu.memory_space<hbm>> -> memref<128x128xf32, #tpu.memory_space<hbm>>
      %dma_start3A_159 = arith.constant 0 : i32
      %dma_start3A_160 = tpu.memref_slice %arg6[%add3A_128, %dma_start3A_159] : memref<61440x128xf32, #tpu.memory_space<hbm>> -> memref<128x128xf32, #tpu.memory_space<hbm>>
      tpu.enqueue_dma source(%arg12 : memref<128x128xf32, #tpu.memory_space<vmem>>) target(%dma_start3A_160 : memref<128x128xf32, #tpu.memory_space<hbm>>) target_semaphore(%run_scoped3A : memref<!tpu.dma_semaphore, #tpu.memory_space<semaphore_mem>>)
      %dma_wait3A_161 = arith.constant 0 : i32
      %dma_wait3A_162 = tpu.memref_slice %arg6[%add3A_128, %dma_wait3A_161] : memref<61440x128xf32, #tpu.memory_space<hbm>> -> memref<128x128xf32, #tpu.memory_space<hbm>>
      %dma_wait3A_163 = arith.constant 0 : i32
      %dma_wait3A_164 = tpu.memref_slice %arg6[%add3A_128, %dma_wait3A_163] : memref<61440x128xf32, #tpu.memory_space<hbm>> -> memref<128x128xf32, #tpu.memory_space<hbm>>
      tpu.wait_dma2 semaphore(%run_scoped3A : memref<!tpu.dma_semaphore, #tpu.memory_space<semaphore_mem>>) src(%arg12 : memref<128x128xf32, #tpu.memory_space<vmem>>) dst(%dma_wait3A_164 : memref<128x128xf32, #tpu.memory_space<hbm>>)
      tpu.yield
    }) : () -> ()
    %add3A_129 = arith.constant 1664 : i32
    %add3A_130 = arith.addi %mul3A_6, %add3A_129 : i32
    "tpu.region"() ({
      %run_scoped3A = tpu.sem_alloc : memref<!tpu.dma_semaphore, #tpu.memory_space<semaphore_mem>>
      %dma_start3A_157 = tpu.memref_slice %arg4[%add3A_130] : memref<61440xi32, #tpu.memory_space<hbm>> -> memref<128xi32, #tpu.memory_space<hbm>>
      %dma_start3A_158 = tpu.memref_slice %arg4[%add3A_130] : memref<61440xi32, #tpu.memory_space<hbm>> -> memref<128xi32, #tpu.memory_space<hbm>>
      tpu.enqueue_dma source(%dma_start3A_158 : memref<128xi32, #tpu.memory_space<hbm>>) target(%arg10 : memref<128xi32, #tpu.memory_space<vmem>>) target_semaphore(%run_scoped3A : memref<!tpu.dma_semaphore, #tpu.memory_space<semaphore_mem>>)
      %dma_wait3A_159 = tpu.memref_slice %arg4[%add3A_130] : memref<61440xi32, #tpu.memory_space<hbm>> -> memref<128xi32, #tpu.memory_space<hbm>>
      %dma_wait3A_160 = tpu.memref_slice %arg4[%add3A_130] : memref<61440xi32, #tpu.memory_space<hbm>> -> memref<128xi32, #tpu.memory_space<hbm>>
      tpu.wait_dma2 semaphore(%run_scoped3A : memref<!tpu.dma_semaphore, #tpu.memory_space<semaphore_mem>>) src(%dma_wait3A_160 : memref<128xi32, #tpu.memory_space<hbm>>) dst(%arg10 : memref<128xi32, #tpu.memory_space<vmem>>)
      tpu.yield
    }) : () -> ()
    %dma_start3A_131 = arith.constant 0 : i32
    %dma_start3A_132 = arith.constant 0 : i32
    %dma_start3A_133 = tpu.memref_slice %arg2[%dma_start3A_131, %dma_start3A_132] : memref<300000x128xf32, #tpu.memory_space<hbm>> -> memref<300000x128xf32, #tpu.memory_space<hbm>>
    tpu.enqueue_indirect_dma source(%dma_start3A_133 : memref<300000x128xf32, #tpu.memory_space<hbm>>) target(%arg12 : memref<128x128xf32, #tpu.memory_space<vmem>>) offsets(%arg10 : memref<128xi32, #tpu.memory_space<vmem>>) semaphore(%arg15 : memref<!tpu.dma_semaphore, #tpu.memory_space<semaphore_mem>>)
    %dma_wait3A_134 = arith.constant 0 : i32
    %dma_wait3A_135 = arith.constant 0 : i32
    %dma_wait3A_136 = tpu.memref_slice %arg2[%dma_wait3A_134, %dma_wait3A_135] : memref<300000x128xf32, #tpu.memory_space<hbm>> -> memref<300000x128xf32, #tpu.memory_space<hbm>>
    tpu.wait_indirect_dma semaphore(%arg14 : memref<!tpu.dma_semaphore, #tpu.memory_space<semaphore_mem>>) src(%dma_wait3A_136 : memref<300000x128xf32, #tpu.memory_space<hbm>>) dst(%arg11 : memref<128x128xf32, #tpu.memory_space<vmem>>)
    %add3A_137 = arith.constant 1536 : i32
    %add3A_138 = arith.addi %mul3A_6, %add3A_137 : i32
    "tpu.region"() ({
      %run_scoped3A = tpu.sem_alloc : memref<!tpu.dma_semaphore, #tpu.memory_space<semaphore_mem>>
      %dma_start3A_157 = arith.constant 0 : i32
      %dma_start3A_158 = tpu.memref_slice %arg6[%add3A_138, %dma_start3A_157] : memref<61440x128xf32, #tpu.memory_space<hbm>> -> memref<128x128xf32, #tpu.memory_space<hbm>>
      %dma_start3A_159 = arith.constant 0 : i32
      %dma_start3A_160 = tpu.memref_slice %arg6[%add3A_138, %dma_start3A_159] : memref<61440x128xf32, #tpu.memory_space<hbm>> -> memref<128x128xf32, #tpu.memory_space<hbm>>
      tpu.enqueue_dma source(%arg11 : memref<128x128xf32, #tpu.memory_space<vmem>>) target(%dma_start3A_160 : memref<128x128xf32, #tpu.memory_space<hbm>>) target_semaphore(%run_scoped3A : memref<!tpu.dma_semaphore, #tpu.memory_space<semaphore_mem>>)
      %dma_wait3A_161 = arith.constant 0 : i32
      %dma_wait3A_162 = tpu.memref_slice %arg6[%add3A_138, %dma_wait3A_161] : memref<61440x128xf32, #tpu.memory_space<hbm>> -> memref<128x128xf32, #tpu.memory_space<hbm>>
      %dma_wait3A_163 = arith.constant 0 : i32
      %dma_wait3A_164 = tpu.memref_slice %arg6[%add3A_138, %dma_wait3A_163] : memref<61440x128xf32, #tpu.memory_space<hbm>> -> memref<128x128xf32, #tpu.memory_space<hbm>>
      tpu.wait_dma2 semaphore(%run_scoped3A : memref<!tpu.dma_semaphore, #tpu.memory_space<semaphore_mem>>) src(%arg11 : memref<128x128xf32, #tpu.memory_space<vmem>>) dst(%dma_wait3A_164 : memref<128x128xf32, #tpu.memory_space<hbm>>)
      tpu.yield
    }) : () -> ()
    %add3A_139 = arith.constant 1792 : i32
    %add3A_140 = arith.addi %mul3A_6, %add3A_139 : i32
    "tpu.region"() ({
      %run_scoped3A = tpu.sem_alloc : memref<!tpu.dma_semaphore, #tpu.memory_space<semaphore_mem>>
      %dma_start3A_157 = tpu.memref_slice %arg4[%add3A_140] : memref<61440xi32, #tpu.memory_space<hbm>> -> memref<128xi32, #tpu.memory_space<hbm>>
      %dma_start3A_158 = tpu.memref_slice %arg4[%add3A_140] : memref<61440xi32, #tpu.memory_space<hbm>> -> memref<128xi32, #tpu.memory_space<hbm>>
      tpu.enqueue_dma source(%dma_start3A_158 : memref<128xi32, #tpu.memory_space<hbm>>) target(%arg9 : memref<128xi32, #tpu.memory_space<vmem>>) target_semaphore(%run_scoped3A : memref<!tpu.dma_semaphore, #tpu.memory_space<semaphore_mem>>)
      %dma_wait3A_159 = tpu.memref_slice %arg4[%add3A_140] : memref<61440xi32, #tpu.memory_space<hbm>> -> memref<128xi32, #tpu.memory_space<hbm>>
      %dma_wait3A_160 = tpu.memref_slice %arg4[%add3A_140] : memref<61440xi32, #tpu.memory_space<hbm>> -> memref<128xi32, #tpu.memory_space<hbm>>
      tpu.wait_dma2 semaphore(%run_scoped3A : memref<!tpu.dma_semaphore, #tpu.memory_space<semaphore_mem>>) src(%dma_wait3A_160 : memref<128xi32, #tpu.memory_space<hbm>>) dst(%arg9 : memref<128xi32, #tpu.memory_space<vmem>>)
      tpu.yield
    }) : () -> ()
    %dma_start3A_141 = arith.constant 0 : i32
    %dma_start3A_142 = arith.constant 0 : i32
    %dma_start3A_143 = tpu.memref_slice %arg2[%dma_start3A_141, %dma_start3A_142] : memref<300000x128xf32, #tpu.memory_space<hbm>> -> memref<300000x128xf32, #tpu.memory_space<hbm>>
    tpu.enqueue_indirect_dma source(%dma_start3A_143 : memref<300000x128xf32, #tpu.memory_space<hbm>>) target(%arg11 : memref<128x128xf32, #tpu.memory_space<vmem>>) offsets(%arg9 : memref<128xi32, #tpu.memory_space<vmem>>) semaphore(%arg14 : memref<!tpu.dma_semaphore, #tpu.memory_space<semaphore_mem>>)
    %dma_wait3A_144 = arith.constant 0 : i32
    %dma_wait3A_145 = arith.constant 0 : i32
    %dma_wait3A_146 = tpu.memref_slice %arg2[%dma_wait3A_144, %dma_wait3A_145] : memref<300000x128xf32, #tpu.memory_space<hbm>> -> memref<300000x128xf32, #tpu.memory_space<hbm>>
    tpu.wait_indirect_dma semaphore(%arg15 : memref<!tpu.dma_semaphore, #tpu.memory_space<semaphore_mem>>) src(%dma_wait3A_146 : memref<300000x128xf32, #tpu.memory_space<hbm>>) dst(%arg12 : memref<128x128xf32, #tpu.memory_space<vmem>>)
    %add3A_147 = arith.constant 1664 : i32
    %add3A_148 = arith.addi %mul3A_6, %add3A_147 : i32
    "tpu.region"() ({
      %run_scoped3A = tpu.sem_alloc : memref<!tpu.dma_semaphore, #tpu.memory_space<semaphore_mem>>
      %dma_start3A_157 = arith.constant 0 : i32
      %dma_start3A_158 = tpu.memref_slice %arg6[%add3A_148, %dma_start3A_157] : memref<61440x128xf32, #tpu.memory_space<hbm>> -> memref<128x128xf32, #tpu.memory_space<hbm>>
      %dma_start3A_159 = arith.constant 0 : i32
      %dma_start3A_160 = tpu.memref_slice %arg6[%add3A_148, %dma_start3A_159] : memref<61440x128xf32, #tpu.memory_space<hbm>> -> memref<128x128xf32, #tpu.memory_space<hbm>>
      tpu.enqueue_dma source(%arg12 : memref<128x128xf32, #tpu.memory_space<vmem>>) target(%dma_start3A_160 : memref<128x128xf32, #tpu.memory_space<hbm>>) target_semaphore(%run_scoped3A : memref<!tpu.dma_semaphore, #tpu.memory_space<semaphore_mem>>)
      %dma_wait3A_161 = arith.constant 0 : i32
      %dma_wait3A_162 = tpu.memref_slice %arg6[%add3A_148, %dma_wait3A_161] : memref<61440x128xf32, #tpu.memory_space<hbm>> -> memref<128x128xf32, #tpu.memory_space<hbm>>
      %dma_wait3A_163 = arith.constant 0 : i32
      %dma_wait3A_164 = tpu.memref_slice %arg6[%add3A_148, %dma_wait3A_163] : memref<61440x128xf32, #tpu.memory_space<hbm>> -> memref<128x128xf32, #tpu.memory_space<hbm>>
      tpu.wait_dma2 semaphore(%run_scoped3A : memref<!tpu.dma_semaphore, #tpu.memory_space<semaphore_mem>>) src(%arg12 : memref<128x128xf32, #tpu.memory_space<vmem>>) dst(%dma_wait3A_164 : memref<128x128xf32, #tpu.memory_space<hbm>>)
      tpu.yield
    }) : () -> ()
    %dma_wait3A_149 = arith.constant 0 : i32
    %dma_wait3A_150 = arith.constant 0 : i32
    %dma_wait3A_151 = tpu.memref_slice %arg2[%dma_wait3A_149, %dma_wait3A_150] : memref<300000x128xf32, #tpu.memory_space<hbm>> -> memref<300000x128xf32, #tpu.memory_space<hbm>>
    tpu.wait_indirect_dma semaphore(%arg14 : memref<!tpu.dma_semaphore, #tpu.memory_space<semaphore_mem>>) src(%dma_wait3A_151 : memref<300000x128xf32, #tpu.memory_space<hbm>>) dst(%arg11 : memref<128x128xf32, #tpu.memory_space<vmem>>)
    %add3A_152 = arith.constant 1792 : i32
    %add3A_153 = arith.addi %mul3A_6, %add3A_152 : i32
    "tpu.region"() ({
      %run_scoped3A = tpu.sem_alloc : memref<!tpu.dma_semaphore, #tpu.memory_space<semaphore_mem>>
      %dma_start3A_157 = arith.constant 0 : i32
      %dma_start3A_158 = tpu.memref_slice %arg6[%add3A_153, %dma_start3A_157] : memref<61440x128xf32, #tpu.memory_space<hbm>> -> memref<128x128xf32, #tpu.memory_space<hbm>>
      %dma_start3A_159 = arith.constant 0 : i32
      %dma_start3A_160 = tpu.memref_slice %arg6[%add3A_153, %dma_start3A_159] : memref<61440x128xf32, #tpu.memory_space<hbm>> -> memref<128x128xf32, #tpu.memory_space<hbm>>
      tpu.enqueue_dma source(%arg11 : memref<128x128xf32, #tpu.memory_space<vmem>>) target(%dma_start3A_160 : memref<128x128xf32, #tpu.memory_space<hbm>>) target_semaphore(%run_scoped3A : memref<!tpu.dma_semaphore, #tpu.memory_space<semaphore_mem>>)
      %dma_wait3A_161 = arith.constant 0 : i32
      %dma_wait3A_162 = tpu.memref_slice %arg6[%add3A_153, %dma_wait3A_161] : memref<61440x128xf32, #tpu.memory_space<hbm>> -> memref<128x128xf32, #tpu.memory_space<hbm>>
      %dma_wait3A_163 = arith.constant 0 : i32
      %dma_wait3A_164 = tpu.memref_slice %arg6[%add3A_153, %dma_wait3A_163] : memref<61440x128xf32, #tpu.memory_space<hbm>> -> memref<128x128xf32, #tpu.memory_space<hbm>>
      tpu.wait_dma2 semaphore(%run_scoped3A : memref<!tpu.dma_semaphore, #tpu.memory_space<semaphore_mem>>) src(%arg11 : memref<128x128xf32, #tpu.memory_space<vmem>>) dst(%dma_wait3A_164 : memref<128x128xf32, #tpu.memory_space<hbm>>)
      tpu.yield
    }) : () -> ()
    %dma_wait3A_154 = arith.constant 0 : i32
    %dma_wait3A_155 = arith.constant 0 : i32
    %dma_wait3A_156 = tpu.memref_slice %arg2[%dma_wait3A_154, %dma_wait3A_155] : memref<300000x128xf32, #tpu.memory_space<hbm>> -> memref<300000x128xf32, #tpu.memory_space<hbm>>
    tpu.wait_indirect_dma semaphore(%arg13 : memref<!tpu.dma_semaphore, #tpu.memory_space<semaphore_mem>>) src(%dma_wait3A_156 : memref<300000x128xf32, #tpu.memory_space<hbm>>) dst(%arg8 : memref<32x128xf32, #tpu.memory_space<vmem>>)
    "tpu.region"() ({
      %run_scoped3A = tpu.sem_alloc : memref<!tpu.dma_semaphore, #tpu.memory_space<semaphore_mem>>
      %dma_start3A_157 = arith.constant 0 : i32
      %dma_start3A_158 = tpu.memref_slice %arg5[%mul3A_2, %dma_start3A_157] : memref<1024x128xf32, #tpu.memory_space<hbm>> -> memref<32x128xf32, #tpu.memory_space<hbm>>
      %dma_start3A_159 = arith.constant 0 : i32
      %dma_start3A_160 = tpu.memref_slice %arg5[%mul3A_2, %dma_start3A_159] : memref<1024x128xf32, #tpu.memory_space<hbm>> -> memref<32x128xf32, #tpu.memory_space<hbm>>
      tpu.enqueue_dma source(%arg8 : memref<32x128xf32, #tpu.memory_space<vmem>>) target(%dma_start3A_160 : memref<32x128xf32, #tpu.memory_space<hbm>>) target_semaphore(%run_scoped3A : memref<!tpu.dma_semaphore, #tpu.memory_space<semaphore_mem>>)
      %dma_wait3A_161 = arith.constant 0 : i32
      %dma_wait3A_162 = tpu.memref_slice %arg5[%mul3A_2, %dma_wait3A_161] : memref<1024x128xf32, #tpu.memory_space<hbm>> -> memref<32x128xf32, #tpu.memory_space<hbm>>
      %dma_wait3A_163 = arith.constant 0 : i32
      %dma_wait3A_164 = tpu.memref_slice %arg5[%mul3A_2, %dma_wait3A_163] : memref<1024x128xf32, #tpu.memory_space<hbm>> -> memref<32x128xf32, #tpu.memory_space<hbm>>
      tpu.wait_dma2 semaphore(%run_scoped3A : memref<!tpu.dma_semaphore, #tpu.memory_space<semaphore_mem>>) src(%arg8 : memref<32x128xf32, #tpu.memory_space<vmem>>) dst(%dma_wait3A_164 : memref<32x128xf32, #tpu.memory_space<hbm>>)
      tpu.yield
    }) : () -> ()
    return
  }
}

module attributes {stable_mosaic.version = 14 : i64} {
  func.func @_tc_body(%arg0: i32, %arg1: memref<3x10x256x256xf32, #tpu.memory_space<vmem>>, %arg2: memref<256x128xf32, #tpu.memory_space<vmem>>, %arg3: memref<3x256x256xf32, #tpu.memory_space<vmem>>, %arg4: memref<3x256x256xf32, #tpu.memory_space<vmem>>, %arg5: memref<3x256xf32, #tpu.memory_space<vmem>>, %arg6: memref<1x2x256xf32, #tpu.memory_space<vmem>>, %arg7: memref<256x128xf32, #tpu.memory_space<vmem>>) attributes {dimension_semantics = [#tpu.dimension_semantics<parallel>], iteration_bounds = array<i64: 4>, scalar_prefetch = 0 : i64, scratch_operands = 0 : i64, tpu.core_type = #tpu.core_type<tc>, window_params = [{transform_indices = @transform_0, window_bounds = array<i64: 3, 10, 256, 256>}, {transform_indices = @transform_1, window_bounds = array<i64: 256, 128>}, {pipeline_mode = #tpu.pipeline_mode<synchronous>, transform_indices = @transform_2, window_bounds = array<i64: 3, 256, 256>}, {pipeline_mode = #tpu.pipeline_mode<synchronous>, transform_indices = @transform_3, window_bounds = array<i64: 3, 256, 256>}, {pipeline_mode = #tpu.pipeline_mode<synchronous>, transform_indices = @transform_4, window_bounds = array<i64: 3, 256>}, {pipeline_mode = #tpu.pipeline_mode<synchronous>, transform_indices = @transform_5, window_bounds = array<i64: 1, 2, 256>}, {transform_indices = @transform_6, window_bounds = array<i64: 256, 128>}]} {
    %get3A = arith.constant 0 : index
    %get3A_0 = arith.constant 0 : index
    %get3A_1 = vector.load %arg2[%get3A, %get3A_0] : memref<256x128xf32, #tpu.memory_space<vmem>>, vector<256x128xf32>
    %get3A_2 = arith.constant 0 : index
    %get3A_3 = arith.constant 0 : index
    %get3A_4 = arith.constant 0 : index
    %get3A_5 = arith.constant 0 : index
    %get3A_6 = vector.load %arg1[%get3A_2, %get3A_3, %get3A_4, %get3A_5] : memref<3x10x256x256xf32, #tpu.memory_space<vmem>>, vector<1x10x256x256xf32>
    %get3A_7 = vector.shape_cast %get3A_6 : vector<1x10x256x256xf32> to vector<10x256x256xf32>
    %reshape3A = vector.shape_cast %get3A_7 : vector<10x256x256xf32> to vector<2560x256xf32>
    %get3A_8 = arith.constant 0 : index
    %get3A_9 = arith.constant 0 : index
    %get3A_10 = arith.constant 0 : index
    %get3A_11 = vector.load %arg3[%get3A_8, %get3A_9, %get3A_10] : memref<3x256x256xf32, #tpu.memory_space<vmem>>, vector<1x256x256xf32>
    %get3A_12 = vector.shape_cast %get3A_11 : vector<1x256x256xf32> to vector<256x256xf32>
    %dot_general3A = arith.constant dense<0.000000e+00> : vector<2560x256xf32>
    %dot_general3A_13 = tpu.matmul %reshape3A, %get3A_12, %dot_general3A {dimension_numbers = #tpu.dot_dimension_numbers<[1], [1], [0], [0], [0, 0, 1, 0], [], []>, transpose_lhs_hint = false} : vector<2560x256xf32>, vector<256x256xf32>, vector<2560x256xf32> -> vector<2560x256xf32>
    %get3A_14 = arith.constant 0 : index
    %get3A_15 = arith.constant 0 : index
    %get3A_16 = vector.load %arg5[%get3A_14, %get3A_15] : memref<3x256xf32, #tpu.memory_space<vmem>>, vector<1x256xf32>
    %get3A_17 = vector.shape_cast %get3A_16 : vector<1x256xf32> to vector<256xf32>
    %broadcast_in_dim3A = vector.shape_cast %get3A_17 : vector<256xf32> to vector<1x256xf32>
    %add3A = vector.broadcast %broadcast_in_dim3A : vector<1x256xf32> to vector<2560x256xf32>
    %add3A_18 = arith.addf %dot_general3A_13, %add3A : vector<2560x256xf32>
    %reshape3A_19 = vector.shape_cast %add3A_18 : vector<2560x256xf32> to vector<10x256x256xf32>
    %get3A_20 = arith.constant 1 : index
    %get3A_21 = arith.constant 0 : index
    %get3A_22 = arith.constant 0 : index
    %get3A_23 = arith.constant 0 : index
    %get3A_24 = vector.load %arg1[%get3A_20, %get3A_21, %get3A_22, %get3A_23] : memref<3x10x256x256xf32, #tpu.memory_space<vmem>>, vector<1x10x256x256xf32>
    %get3A_25 = vector.shape_cast %get3A_24 : vector<1x10x256x256xf32> to vector<10x256x256xf32>
    %reshape3A_26 = vector.shape_cast %get3A_25 : vector<10x256x256xf32> to vector<2560x256xf32>
    %get3A_27 = arith.constant 1 : index
    %get3A_28 = arith.constant 0 : index
    %get3A_29 = arith.constant 0 : index
    %get3A_30 = vector.load %arg3[%get3A_27, %get3A_28, %get3A_29] : memref<3x256x256xf32, #tpu.memory_space<vmem>>, vector<1x256x256xf32>
    %get3A_31 = vector.shape_cast %get3A_30 : vector<1x256x256xf32> to vector<256x256xf32>
    %dot_general3A_32 = arith.constant dense<0.000000e+00> : vector<2560x256xf32>
    %dot_general3A_33 = tpu.matmul %reshape3A_26, %get3A_31, %dot_general3A_32 {dimension_numbers = #tpu.dot_dimension_numbers<[1], [1], [0], [0], [0, 0, 1, 0], [], []>, transpose_lhs_hint = false} : vector<2560x256xf32>, vector<256x256xf32>, vector<2560x256xf32> -> vector<2560x256xf32>
    %get3A_34 = arith.constant 1 : index
    %get3A_35 = arith.constant 0 : index
    %get3A_36 = vector.load %arg5[%get3A_34, %get3A_35] : memref<3x256xf32, #tpu.memory_space<vmem>>, vector<1x256xf32>
    %get3A_37 = vector.shape_cast %get3A_36 : vector<1x256xf32> to vector<256xf32>
    %broadcast_in_dim3A_38 = vector.shape_cast %get3A_37 : vector<256xf32> to vector<1x256xf32>
    %add3A_39 = vector.broadcast %broadcast_in_dim3A_38 : vector<1x256xf32> to vector<2560x256xf32>
    %add3A_40 = arith.addf %dot_general3A_33, %add3A_39 : vector<2560x256xf32>
    %reshape3A_41 = vector.shape_cast %add3A_40 : vector<2560x256xf32> to vector<10x256x256xf32>
    %get3A_42 = arith.constant 2 : index
    %get3A_43 = arith.constant 0 : index
    %get3A_44 = arith.constant 0 : index
    %get3A_45 = arith.constant 0 : index
    %get3A_46 = vector.load %arg1[%get3A_42, %get3A_43, %get3A_44, %get3A_45] : memref<3x10x256x256xf32, #tpu.memory_space<vmem>>, vector<1x10x256x256xf32>
    %get3A_47 = vector.shape_cast %get3A_46 : vector<1x10x256x256xf32> to vector<10x256x256xf32>
    %reshape3A_48 = vector.shape_cast %get3A_47 : vector<10x256x256xf32> to vector<2560x256xf32>
    %get3A_49 = arith.constant 2 : index
    %get3A_50 = arith.constant 0 : index
    %get3A_51 = arith.constant 0 : index
    %get3A_52 = vector.load %arg3[%get3A_49, %get3A_50, %get3A_51] : memref<3x256x256xf32, #tpu.memory_space<vmem>>, vector<1x256x256xf32>
    %get3A_53 = vector.shape_cast %get3A_52 : vector<1x256x256xf32> to vector<256x256xf32>
    %dot_general3A_54 = arith.constant dense<0.000000e+00> : vector<2560x256xf32>
    %dot_general3A_55 = tpu.matmul %reshape3A_48, %get3A_53, %dot_general3A_54 {dimension_numbers = #tpu.dot_dimension_numbers<[1], [1], [0], [0], [0, 0, 1, 0], [], []>, transpose_lhs_hint = false} : vector<2560x256xf32>, vector<256x256xf32>, vector<2560x256xf32> -> vector<2560x256xf32>
    %get3A_56 = arith.constant 2 : index
    %get3A_57 = arith.constant 0 : index
    %get3A_58 = vector.load %arg5[%get3A_56, %get3A_57] : memref<3x256xf32, #tpu.memory_space<vmem>>, vector<1x256xf32>
    %get3A_59 = vector.shape_cast %get3A_58 : vector<1x256xf32> to vector<256xf32>
    %broadcast_in_dim3A_60 = vector.shape_cast %get3A_59 : vector<256xf32> to vector<1x256xf32>
    %add3A_61 = vector.broadcast %broadcast_in_dim3A_60 : vector<1x256xf32> to vector<2560x256xf32>
    %add3A_62 = arith.addf %dot_general3A_55, %add3A_61 : vector<2560x256xf32>
    %reshape3A_63 = vector.shape_cast %add3A_62 : vector<2560x256xf32> to vector<10x256x256xf32>
    %broadcast_in_dim3A_64 = arith.constant 0.000000e+00 : f32
    %broadcast_in_dim3A_65 = vector.broadcast %broadcast_in_dim3A_64 : f32 to vector<256x256xf32>
    %broadcast_in_dim3A_66 = arith.constant 0.000000e+00 : f32
    %broadcast_in_dim3A_67 = vector.broadcast %broadcast_in_dim3A_66 : f32 to vector<256x256xf32>
    %broadcast_in_dim3A_68 = arith.constant 0.000000e+00 : f32
    %broadcast_in_dim3A_69 = vector.broadcast %broadcast_in_dim3A_68 : f32 to vector<256x256xf32>
    %broadcast_in_dim3A_70 = arith.constant 0.000000e+00 : f32
    %broadcast_in_dim3A_71 = vector.broadcast %broadcast_in_dim3A_70 : f32 to vector<256x256xf32>
    %broadcast_in_dim3A_72 = arith.constant 0.000000e+00 : f32
    %broadcast_in_dim3A_73 = vector.broadcast %broadcast_in_dim3A_72 : f32 to vector<256x256xf32>
    %broadcast_in_dim3A_74 = arith.constant 0.000000e+00 : f32
    %broadcast_in_dim3A_75 = vector.broadcast %broadcast_in_dim3A_74 : f32 to vector<256x256xf32>
    %slice3A = vector.extract_strided_slice %reshape3A_19 {offsets = [0, 0, 0], sizes = [1, 256, 256], strides = [1, 1, 1]} : vector<10x256x256xf32> to vector<1x256x256xf32>
    %squeeze3A = vector.shape_cast %slice3A : vector<1x256x256xf32> to vector<256x256xf32>
    %get3A_76 = arith.constant 0 : index
    %get3A_77 = arith.constant 0 : index
    %get3A_78 = arith.constant 0 : index
    %get3A_79 = vector.load %arg4[%get3A_76, %get3A_77, %get3A_78] : memref<3x256x256xf32, #tpu.memory_space<vmem>>, vector<1x256x256xf32>
    %get3A_80 = vector.shape_cast %get3A_79 : vector<1x256x256xf32> to vector<256x256xf32>
    %dot_general3A_81 = arith.constant dense<0.000000e+00> : vector<256x256xf32>
    %dot_general3A_82 = tpu.matmul %broadcast_in_dim3A_65, %get3A_80, %dot_general3A_81 {dimension_numbers = #tpu.dot_dimension_numbers<[1], [1], [0], [0], [0, 0, 1, 0], [], []>, transpose_lhs_hint = false} : vector<256x256xf32>, vector<256x256xf32>, vector<256x256xf32> -> vector<256x256xf32>
    %add3A_83 = arith.addf %squeeze3A, %dot_general3A_82 : vector<256x256xf32>
    %tanh3A = math.tanh %add3A_83 : vector<256x256xf32>
    %add3A_84 = arith.addf %broadcast_in_dim3A_71, %tanh3A : vector<256x256xf32>
    %slice3A_85 = vector.extract_strided_slice %reshape3A_41 {offsets = [0, 0, 0], sizes = [1, 256, 256], strides = [1, 1, 1]} : vector<10x256x256xf32> to vector<1x256x256xf32>
    %squeeze3A_86 = vector.shape_cast %slice3A_85 : vector<1x256x256xf32> to vector<256x256xf32>
    %get3A_87 = arith.constant 1 : index
    %get3A_88 = arith.constant 0 : index
    %get3A_89 = arith.constant 0 : index
    %get3A_90 = vector.load %arg4[%get3A_87, %get3A_88, %get3A_89] : memref<3x256x256xf32, #tpu.memory_space<vmem>>, vector<1x256x256xf32>
    %get3A_91 = vector.shape_cast %get3A_90 : vector<1x256x256xf32> to vector<256x256xf32>
    %dot_general3A_92 = arith.constant dense<0.000000e+00> : vector<256x256xf32>
    %dot_general3A_93 = tpu.matmul %broadcast_in_dim3A_67, %get3A_91, %dot_general3A_92 {dimension_numbers = #tpu.dot_dimension_numbers<[1], [1], [0], [0], [0, 0, 1, 0], [], []>, transpose_lhs_hint = false} : vector<256x256xf32>, vector<256x256xf32>, vector<256x256xf32> -> vector<256x256xf32>
    %add3A_94 = arith.addf %squeeze3A_86, %dot_general3A_93 : vector<256x256xf32>
    %tanh3A_95 = math.tanh %add3A_94 : vector<256x256xf32>
    %add3A_96 = arith.addf %broadcast_in_dim3A_73, %tanh3A_95 : vector<256x256xf32>
    %slice3A_97 = vector.extract_strided_slice %reshape3A_63 {offsets = [0, 0, 0], sizes = [1, 256, 256], strides = [1, 1, 1]} : vector<10x256x256xf32> to vector<1x256x256xf32>
    %squeeze3A_98 = vector.shape_cast %slice3A_97 : vector<1x256x256xf32> to vector<256x256xf32>
    %get3A_99 = arith.constant 2 : index
    %get3A_100 = arith.constant 0 : index
    %get3A_101 = arith.constant 0 : index
    %get3A_102 = vector.load %arg4[%get3A_99, %get3A_100, %get3A_101] : memref<3x256x256xf32, #tpu.memory_space<vmem>>, vector<1x256x256xf32>
    %get3A_103 = vector.shape_cast %get3A_102 : vector<1x256x256xf32> to vector<256x256xf32>
    %dot_general3A_104 = arith.constant dense<0.000000e+00> : vector<256x256xf32>
    %dot_general3A_105 = tpu.matmul %broadcast_in_dim3A_69, %get3A_103, %dot_general3A_104 {dimension_numbers = #tpu.dot_dimension_numbers<[1], [1], [0], [0], [0, 0, 1, 0], [], []>, transpose_lhs_hint = false} : vector<256x256xf32>, vector<256x256xf32>, vector<256x256xf32> -> vector<256x256xf32>
    %add3A_106 = arith.addf %squeeze3A_98, %dot_general3A_105 : vector<256x256xf32>
    %tanh3A_107 = math.tanh %add3A_106 : vector<256x256xf32>
    %add3A_108 = arith.addf %broadcast_in_dim3A_75, %tanh3A_107 : vector<256x256xf32>
    %slice3A_109 = vector.extract_strided_slice %reshape3A_19 {offsets = [1, 0, 0], sizes = [1, 256, 256], strides = [1, 1, 1]} : vector<10x256x256xf32> to vector<1x256x256xf32>
    %squeeze3A_110 = vector.shape_cast %slice3A_109 : vector<1x256x256xf32> to vector<256x256xf32>
    %get3A_111 = arith.constant 0 : index
    %get3A_112 = arith.constant 0 : index
    %get3A_113 = arith.constant 0 : index
    %get3A_114 = vector.load %arg4[%get3A_111, %get3A_112, %get3A_113] : memref<3x256x256xf32, #tpu.memory_space<vmem>>, vector<1x256x256xf32>
    %get3A_115 = vector.shape_cast %get3A_114 : vector<1x256x256xf32> to vector<256x256xf32>
    %dot_general3A_116 = arith.constant dense<0.000000e+00> : vector<256x256xf32>
    %dot_general3A_117 = tpu.matmul %tanh3A, %get3A_115, %dot_general3A_116 {dimension_numbers = #tpu.dot_dimension_numbers<[1], [1], [0], [0], [0, 0, 1, 0], [], []>, transpose_lhs_hint = false} : vector<256x256xf32>, vector<256x256xf32>, vector<256x256xf32> -> vector<256x256xf32>
    %add3A_118 = arith.addf %squeeze3A_110, %dot_general3A_117 : vector<256x256xf32>
    %tanh3A_119 = math.tanh %add3A_118 : vector<256x256xf32>
    %add3A_120 = arith.addf %add3A_84, %tanh3A_119 : vector<256x256xf32>
    %slice3A_121 = vector.extract_strided_slice %reshape3A_41 {offsets = [1, 0, 0], sizes = [1, 256, 256], strides = [1, 1, 1]} : vector<10x256x256xf32> to vector<1x256x256xf32>
    %squeeze3A_122 = vector.shape_cast %slice3A_121 : vector<1x256x256xf32> to vector<256x256xf32>
    %get3A_123 = arith.constant 1 : index
    %get3A_124 = arith.constant 0 : index
    %get3A_125 = arith.constant 0 : index
    %get3A_126 = vector.load %arg4[%get3A_123, %get3A_124, %get3A_125] : memref<3x256x256xf32, #tpu.memory_space<vmem>>, vector<1x256x256xf32>
    %get3A_127 = vector.shape_cast %get3A_126 : vector<1x256x256xf32> to vector<256x256xf32>
    %dot_general3A_128 = arith.constant dense<0.000000e+00> : vector<256x256xf32>
    %dot_general3A_129 = tpu.matmul %tanh3A_95, %get3A_127, %dot_general3A_128 {dimension_numbers = #tpu.dot_dimension_numbers<[1], [1], [0], [0], [0, 0, 1, 0], [], []>, transpose_lhs_hint = false} : vector<256x256xf32>, vector<256x256xf32>, vector<256x256xf32> -> vector<256x256xf32>
    %add3A_130 = arith.addf %squeeze3A_122, %dot_general3A_129 : vector<256x256xf32>
    %tanh3A_131 = math.tanh %add3A_130 : vector<256x256xf32>
    %add3A_132 = arith.addf %add3A_96, %tanh3A_131 : vector<256x256xf32>
    %slice3A_133 = vector.extract_strided_slice %reshape3A_63 {offsets = [1, 0, 0], sizes = [1, 256, 256], strides = [1, 1, 1]} : vector<10x256x256xf32> to vector<1x256x256xf32>
    %squeeze3A_134 = vector.shape_cast %slice3A_133 : vector<1x256x256xf32> to vector<256x256xf32>
    %get3A_135 = arith.constant 2 : index
    %get3A_136 = arith.constant 0 : index
    %get3A_137 = arith.constant 0 : index
    %get3A_138 = vector.load %arg4[%get3A_135, %get3A_136, %get3A_137] : memref<3x256x256xf32, #tpu.memory_space<vmem>>, vector<1x256x256xf32>
    %get3A_139 = vector.shape_cast %get3A_138 : vector<1x256x256xf32> to vector<256x256xf32>
    %dot_general3A_140 = arith.constant dense<0.000000e+00> : vector<256x256xf32>
    %dot_general3A_141 = tpu.matmul %tanh3A_107, %get3A_139, %dot_general3A_140 {dimension_numbers = #tpu.dot_dimension_numbers<[1], [1], [0], [0], [0, 0, 1, 0], [], []>, transpose_lhs_hint = false} : vector<256x256xf32>, vector<256x256xf32>, vector<256x256xf32> -> vector<256x256xf32>
    %add3A_142 = arith.addf %squeeze3A_134, %dot_general3A_141 : vector<256x256xf32>
    %tanh3A_143 = math.tanh %add3A_142 : vector<256x256xf32>
    %add3A_144 = arith.addf %add3A_108, %tanh3A_143 : vector<256x256xf32>
    %slice3A_145 = vector.extract_strided_slice %reshape3A_19 {offsets = [2, 0, 0], sizes = [1, 256, 256], strides = [1, 1, 1]} : vector<10x256x256xf32> to vector<1x256x256xf32>
    %squeeze3A_146 = vector.shape_cast %slice3A_145 : vector<1x256x256xf32> to vector<256x256xf32>
    %get3A_147 = arith.constant 0 : index
    %get3A_148 = arith.constant 0 : index
    %get3A_149 = arith.constant 0 : index
    %get3A_150 = vector.load %arg4[%get3A_147, %get3A_148, %get3A_149] : memref<3x256x256xf32, #tpu.memory_space<vmem>>, vector<1x256x256xf32>
    %get3A_151 = vector.shape_cast %get3A_150 : vector<1x256x256xf32> to vector<256x256xf32>
    %dot_general3A_152 = arith.constant dense<0.000000e+00> : vector<256x256xf32>
    %dot_general3A_153 = tpu.matmul %tanh3A_119, %get3A_151, %dot_general3A_152 {dimension_numbers = #tpu.dot_dimension_numbers<[1], [1], [0], [0], [0, 0, 1, 0], [], []>, transpose_lhs_hint = false} : vector<256x256xf32>, vector<256x256xf32>, vector<256x256xf32> -> vector<256x256xf32>
    %add3A_154 = arith.addf %squeeze3A_146, %dot_general3A_153 : vector<256x256xf32>
    %tanh3A_155 = math.tanh %add3A_154 : vector<256x256xf32>
    %add3A_156 = arith.addf %add3A_120, %tanh3A_155 : vector<256x256xf32>
    %slice3A_157 = vector.extract_strided_slice %reshape3A_41 {offsets = [2, 0, 0], sizes = [1, 256, 256], strides = [1, 1, 1]} : vector<10x256x256xf32> to vector<1x256x256xf32>
    %squeeze3A_158 = vector.shape_cast %slice3A_157 : vector<1x256x256xf32> to vector<256x256xf32>
    %get3A_159 = arith.constant 1 : index
    %get3A_160 = arith.constant 0 : index
    %get3A_161 = arith.constant 0 : index
    %get3A_162 = vector.load %arg4[%get3A_159, %get3A_160, %get3A_161] : memref<3x256x256xf32, #tpu.memory_space<vmem>>, vector<1x256x256xf32>
    %get3A_163 = vector.shape_cast %get3A_162 : vector<1x256x256xf32> to vector<256x256xf32>
    %dot_general3A_164 = arith.constant dense<0.000000e+00> : vector<256x256xf32>
    %dot_general3A_165 = tpu.matmul %tanh3A_131, %get3A_163, %dot_general3A_164 {dimension_numbers = #tpu.dot_dimension_numbers<[1], [1], [0], [0], [0, 0, 1, 0], [], []>, transpose_lhs_hint = false} : vector<256x256xf32>, vector<256x256xf32>, vector<256x256xf32> -> vector<256x256xf32>
    %add3A_166 = arith.addf %squeeze3A_158, %dot_general3A_165 : vector<256x256xf32>
    %tanh3A_167 = math.tanh %add3A_166 : vector<256x256xf32>
    %add3A_168 = arith.addf %add3A_132, %tanh3A_167 : vector<256x256xf32>
    %slice3A_169 = vector.extract_strided_slice %reshape3A_63 {offsets = [2, 0, 0], sizes = [1, 256, 256], strides = [1, 1, 1]} : vector<10x256x256xf32> to vector<1x256x256xf32>
    %squeeze3A_170 = vector.shape_cast %slice3A_169 : vector<1x256x256xf32> to vector<256x256xf32>
    %get3A_171 = arith.constant 2 : index
    %get3A_172 = arith.constant 0 : index
    %get3A_173 = arith.constant 0 : index
    %get3A_174 = vector.load %arg4[%get3A_171, %get3A_172, %get3A_173] : memref<3x256x256xf32, #tpu.memory_space<vmem>>, vector<1x256x256xf32>
    %get3A_175 = vector.shape_cast %get3A_174 : vector<1x256x256xf32> to vector<256x256xf32>
    %dot_general3A_176 = arith.constant dense<0.000000e+00> : vector<256x256xf32>
    %dot_general3A_177 = tpu.matmul %tanh3A_143, %get3A_175, %dot_general3A_176 {dimension_numbers = #tpu.dot_dimension_numbers<[1], [1], [0], [0], [0, 0, 1, 0], [], []>, transpose_lhs_hint = false} : vector<256x256xf32>, vector<256x256xf32>, vector<256x256xf32> -> vector<256x256xf32>
    %add3A_178 = arith.addf %squeeze3A_170, %dot_general3A_177 : vector<256x256xf32>
    %tanh3A_179 = math.tanh %add3A_178 : vector<256x256xf32>
    %add3A_180 = arith.addf %add3A_144, %tanh3A_179 : vector<256x256xf32>
    %slice3A_181 = vector.extract_strided_slice %reshape3A_19 {offsets = [3, 0, 0], sizes = [1, 256, 256], strides = [1, 1, 1]} : vector<10x256x256xf32> to vector<1x256x256xf32>
    %squeeze3A_182 = vector.shape_cast %slice3A_181 : vector<1x256x256xf32> to vector<256x256xf32>
    %get3A_183 = arith.constant 0 : index
    %get3A_184 = arith.constant 0 : index
    %get3A_185 = arith.constant 0 : index
    %get3A_186 = vector.load %arg4[%get3A_183, %get3A_184, %get3A_185] : memref<3x256x256xf32, #tpu.memory_space<vmem>>, vector<1x256x256xf32>
    %get3A_187 = vector.shape_cast %get3A_186 : vector<1x256x256xf32> to vector<256x256xf32>
    %dot_general3A_188 = arith.constant dense<0.000000e+00> : vector<256x256xf32>
    %dot_general3A_189 = tpu.matmul %tanh3A_155, %get3A_187, %dot_general3A_188 {dimension_numbers = #tpu.dot_dimension_numbers<[1], [1], [0], [0], [0, 0, 1, 0], [], []>, transpose_lhs_hint = false} : vector<256x256xf32>, vector<256x256xf32>, vector<256x256xf32> -> vector<256x256xf32>
    %add3A_190 = arith.addf %squeeze3A_182, %dot_general3A_189 : vector<256x256xf32>
    %tanh3A_191 = math.tanh %add3A_190 : vector<256x256xf32>
    %add3A_192 = arith.addf %add3A_156, %tanh3A_191 : vector<256x256xf32>
    %slice3A_193 = vector.extract_strided_slice %reshape3A_41 {offsets = [3, 0, 0], sizes = [1, 256, 256], strides = [1, 1, 1]} : vector<10x256x256xf32> to vector<1x256x256xf32>
    %squeeze3A_194 = vector.shape_cast %slice3A_193 : vector<1x256x256xf32> to vector<256x256xf32>
    %get3A_195 = arith.constant 1 : index
    %get3A_196 = arith.constant 0 : index
    %get3A_197 = arith.constant 0 : index
    %get3A_198 = vector.load %arg4[%get3A_195, %get3A_196, %get3A_197] : memref<3x256x256xf32, #tpu.memory_space<vmem>>, vector<1x256x256xf32>
    %get3A_199 = vector.shape_cast %get3A_198 : vector<1x256x256xf32> to vector<256x256xf32>
    %dot_general3A_200 = arith.constant dense<0.000000e+00> : vector<256x256xf32>
    %dot_general3A_201 = tpu.matmul %tanh3A_167, %get3A_199, %dot_general3A_200 {dimension_numbers = #tpu.dot_dimension_numbers<[1], [1], [0], [0], [0, 0, 1, 0], [], []>, transpose_lhs_hint = false} : vector<256x256xf32>, vector<256x256xf32>, vector<256x256xf32> -> vector<256x256xf32>
    %add3A_202 = arith.addf %squeeze3A_194, %dot_general3A_201 : vector<256x256xf32>
    %tanh3A_203 = math.tanh %add3A_202 : vector<256x256xf32>
    %add3A_204 = arith.addf %add3A_168, %tanh3A_203 : vector<256x256xf32>
    %slice3A_205 = vector.extract_strided_slice %reshape3A_63 {offsets = [3, 0, 0], sizes = [1, 256, 256], strides = [1, 1, 1]} : vector<10x256x256xf32> to vector<1x256x256xf32>
    %squeeze3A_206 = vector.shape_cast %slice3A_205 : vector<1x256x256xf32> to vector<256x256xf32>
    %get3A_207 = arith.constant 2 : index
    %get3A_208 = arith.constant 0 : index
    %get3A_209 = arith.constant 0 : index
    %get3A_210 = vector.load %arg4[%get3A_207, %get3A_208, %get3A_209] : memref<3x256x256xf32, #tpu.memory_space<vmem>>, vector<1x256x256xf32>
    %get3A_211 = vector.shape_cast %get3A_210 : vector<1x256x256xf32> to vector<256x256xf32>
    %dot_general3A_212 = arith.constant dense<0.000000e+00> : vector<256x256xf32>
    %dot_general3A_213 = tpu.matmul %tanh3A_179, %get3A_211, %dot_general3A_212 {dimension_numbers = #tpu.dot_dimension_numbers<[1], [1], [0], [0], [0, 0, 1, 0], [], []>, transpose_lhs_hint = false} : vector<256x256xf32>, vector<256x256xf32>, vector<256x256xf32> -> vector<256x256xf32>
    %add3A_214 = arith.addf %squeeze3A_206, %dot_general3A_213 : vector<256x256xf32>
    %tanh3A_215 = math.tanh %add3A_214 : vector<256x256xf32>
    %add3A_216 = arith.addf %add3A_180, %tanh3A_215 : vector<256x256xf32>
    %slice3A_217 = vector.extract_strided_slice %reshape3A_19 {offsets = [4, 0, 0], sizes = [1, 256, 256], strides = [1, 1, 1]} : vector<10x256x256xf32> to vector<1x256x256xf32>
    %squeeze3A_218 = vector.shape_cast %slice3A_217 : vector<1x256x256xf32> to vector<256x256xf32>
    %get3A_219 = arith.constant 0 : index
    %get3A_220 = arith.constant 0 : index
    %get3A_221 = arith.constant 0 : index
    %get3A_222 = vector.load %arg4[%get3A_219, %get3A_220, %get3A_221] : memref<3x256x256xf32, #tpu.memory_space<vmem>>, vector<1x256x256xf32>
    %get3A_223 = vector.shape_cast %get3A_222 : vector<1x256x256xf32> to vector<256x256xf32>
    %dot_general3A_224 = arith.constant dense<0.000000e+00> : vector<256x256xf32>
    %dot_general3A_225 = tpu.matmul %tanh3A_191, %get3A_223, %dot_general3A_224 {dimension_numbers = #tpu.dot_dimension_numbers<[1], [1], [0], [0], [0, 0, 1, 0], [], []>, transpose_lhs_hint = false} : vector<256x256xf32>, vector<256x256xf32>, vector<256x256xf32> -> vector<256x256xf32>
    %add3A_226 = arith.addf %squeeze3A_218, %dot_general3A_225 : vector<256x256xf32>
    %tanh3A_227 = math.tanh %add3A_226 : vector<256x256xf32>
    %add3A_228 = arith.addf %add3A_192, %tanh3A_227 : vector<256x256xf32>
    %slice3A_229 = vector.extract_strided_slice %reshape3A_41 {offsets = [4, 0, 0], sizes = [1, 256, 256], strides = [1, 1, 1]} : vector<10x256x256xf32> to vector<1x256x256xf32>
    %squeeze3A_230 = vector.shape_cast %slice3A_229 : vector<1x256x256xf32> to vector<256x256xf32>
    %get3A_231 = arith.constant 1 : index
    %get3A_232 = arith.constant 0 : index
    %get3A_233 = arith.constant 0 : index
    %get3A_234 = vector.load %arg4[%get3A_231, %get3A_232, %get3A_233] : memref<3x256x256xf32, #tpu.memory_space<vmem>>, vector<1x256x256xf32>
    %get3A_235 = vector.shape_cast %get3A_234 : vector<1x256x256xf32> to vector<256x256xf32>
    %dot_general3A_236 = arith.constant dense<0.000000e+00> : vector<256x256xf32>
    %dot_general3A_237 = tpu.matmul %tanh3A_203, %get3A_235, %dot_general3A_236 {dimension_numbers = #tpu.dot_dimension_numbers<[1], [1], [0], [0], [0, 0, 1, 0], [], []>, transpose_lhs_hint = false} : vector<256x256xf32>, vector<256x256xf32>, vector<256x256xf32> -> vector<256x256xf32>
    %add3A_238 = arith.addf %squeeze3A_230, %dot_general3A_237 : vector<256x256xf32>
    %tanh3A_239 = math.tanh %add3A_238 : vector<256x256xf32>
    %add3A_240 = arith.addf %add3A_204, %tanh3A_239 : vector<256x256xf32>
    %slice3A_241 = vector.extract_strided_slice %reshape3A_63 {offsets = [4, 0, 0], sizes = [1, 256, 256], strides = [1, 1, 1]} : vector<10x256x256xf32> to vector<1x256x256xf32>
    %squeeze3A_242 = vector.shape_cast %slice3A_241 : vector<1x256x256xf32> to vector<256x256xf32>
    %get3A_243 = arith.constant 2 : index
    %get3A_244 = arith.constant 0 : index
    %get3A_245 = arith.constant 0 : index
    %get3A_246 = vector.load %arg4[%get3A_243, %get3A_244, %get3A_245] : memref<3x256x256xf32, #tpu.memory_space<vmem>>, vector<1x256x256xf32>
    %get3A_247 = vector.shape_cast %get3A_246 : vector<1x256x256xf32> to vector<256x256xf32>
    %dot_general3A_248 = arith.constant dense<0.000000e+00> : vector<256x256xf32>
    %dot_general3A_249 = tpu.matmul %tanh3A_215, %get3A_247, %dot_general3A_248 {dimension_numbers = #tpu.dot_dimension_numbers<[1], [1], [0], [0], [0, 0, 1, 0], [], []>, transpose_lhs_hint = false} : vector<256x256xf32>, vector<256x256xf32>, vector<256x256xf32> -> vector<256x256xf32>
    %add3A_250 = arith.addf %squeeze3A_242, %dot_general3A_249 : vector<256x256xf32>
    %tanh3A_251 = math.tanh %add3A_250 : vector<256x256xf32>
    %add3A_252 = arith.addf %add3A_216, %tanh3A_251 : vector<256x256xf32>
    %slice3A_253 = vector.extract_strided_slice %reshape3A_19 {offsets = [5, 0, 0], sizes = [1, 256, 256], strides = [1, 1, 1]} : vector<10x256x256xf32> to vector<1x256x256xf32>
    %squeeze3A_254 = vector.shape_cast %slice3A_253 : vector<1x256x256xf32> to vector<256x256xf32>
    %get3A_255 = arith.constant 0 : index
    %get3A_256 = arith.constant 0 : index
    %get3A_257 = arith.constant 0 : index
    %get3A_258 = vector.load %arg4[%get3A_255, %get3A_256, %get3A_257] : memref<3x256x256xf32, #tpu.memory_space<vmem>>, vector<1x256x256xf32>
    %get3A_259 = vector.shape_cast %get3A_258 : vector<1x256x256xf32> to vector<256x256xf32>
    %dot_general3A_260 = arith.constant dense<0.000000e+00> : vector<256x256xf32>
    %dot_general3A_261 = tpu.matmul %tanh3A_227, %get3A_259, %dot_general3A_260 {dimension_numbers = #tpu.dot_dimension_numbers<[1], [1], [0], [0], [0, 0, 1, 0], [], []>, transpose_lhs_hint = false} : vector<256x256xf32>, vector<256x256xf32>, vector<256x256xf32> -> vector<256x256xf32>
    %add3A_262 = arith.addf %squeeze3A_254, %dot_general3A_261 : vector<256x256xf32>
    %tanh3A_263 = math.tanh %add3A_262 : vector<256x256xf32>
    %add3A_264 = arith.addf %add3A_228, %tanh3A_263 : vector<256x256xf32>
    %slice3A_265 = vector.extract_strided_slice %reshape3A_41 {offsets = [5, 0, 0], sizes = [1, 256, 256], strides = [1, 1, 1]} : vector<10x256x256xf32> to vector<1x256x256xf32>
    %squeeze3A_266 = vector.shape_cast %slice3A_265 : vector<1x256x256xf32> to vector<256x256xf32>
    %get3A_267 = arith.constant 1 : index
    %get3A_268 = arith.constant 0 : index
    %get3A_269 = arith.constant 0 : index
    %get3A_270 = vector.load %arg4[%get3A_267, %get3A_268, %get3A_269] : memref<3x256x256xf32, #tpu.memory_space<vmem>>, vector<1x256x256xf32>
    %get3A_271 = vector.shape_cast %get3A_270 : vector<1x256x256xf32> to vector<256x256xf32>
    %dot_general3A_272 = arith.constant dense<0.000000e+00> : vector<256x256xf32>
    %dot_general3A_273 = tpu.matmul %tanh3A_239, %get3A_271, %dot_general3A_272 {dimension_numbers = #tpu.dot_dimension_numbers<[1], [1], [0], [0], [0, 0, 1, 0], [], []>, transpose_lhs_hint = false} : vector<256x256xf32>, vector<256x256xf32>, vector<256x256xf32> -> vector<256x256xf32>
    %add3A_274 = arith.addf %squeeze3A_266, %dot_general3A_273 : vector<256x256xf32>
    %tanh3A_275 = math.tanh %add3A_274 : vector<256x256xf32>
    %add3A_276 = arith.addf %add3A_240, %tanh3A_275 : vector<256x256xf32>
    %slice3A_277 = vector.extract_strided_slice %reshape3A_63 {offsets = [5, 0, 0], sizes = [1, 256, 256], strides = [1, 1, 1]} : vector<10x256x256xf32> to vector<1x256x256xf32>
    %squeeze3A_278 = vector.shape_cast %slice3A_277 : vector<1x256x256xf32> to vector<256x256xf32>
    %get3A_279 = arith.constant 2 : index
    %get3A_280 = arith.constant 0 : index
    %get3A_281 = arith.constant 0 : index
    %get3A_282 = vector.load %arg4[%get3A_279, %get3A_280, %get3A_281] : memref<3x256x256xf32, #tpu.memory_space<vmem>>, vector<1x256x256xf32>
    %get3A_283 = vector.shape_cast %get3A_282 : vector<1x256x256xf32> to vector<256x256xf32>
    %dot_general3A_284 = arith.constant dense<0.000000e+00> : vector<256x256xf32>
    %dot_general3A_285 = tpu.matmul %tanh3A_251, %get3A_283, %dot_general3A_284 {dimension_numbers = #tpu.dot_dimension_numbers<[1], [1], [0], [0], [0, 0, 1, 0], [], []>, transpose_lhs_hint = false} : vector<256x256xf32>, vector<256x256xf32>, vector<256x256xf32> -> vector<256x256xf32>
    %add3A_286 = arith.addf %squeeze3A_278, %dot_general3A_285 : vector<256x256xf32>
    %tanh3A_287 = math.tanh %add3A_286 : vector<256x256xf32>
    %add3A_288 = arith.addf %add3A_252, %tanh3A_287 : vector<256x256xf32>
    %slice3A_289 = vector.extract_strided_slice %reshape3A_19 {offsets = [6, 0, 0], sizes = [1, 256, 256], strides = [1, 1, 1]} : vector<10x256x256xf32> to vector<1x256x256xf32>
    %squeeze3A_290 = vector.shape_cast %slice3A_289 : vector<1x256x256xf32> to vector<256x256xf32>
    %get3A_291 = arith.constant 0 : index
    %get3A_292 = arith.constant 0 : index
    %get3A_293 = arith.constant 0 : index
    %get3A_294 = vector.load %arg4[%get3A_291, %get3A_292, %get3A_293] : memref<3x256x256xf32, #tpu.memory_space<vmem>>, vector<1x256x256xf32>
    %get3A_295 = vector.shape_cast %get3A_294 : vector<1x256x256xf32> to vector<256x256xf32>
    %dot_general3A_296 = arith.constant dense<0.000000e+00> : vector<256x256xf32>
    %dot_general3A_297 = tpu.matmul %tanh3A_263, %get3A_295, %dot_general3A_296 {dimension_numbers = #tpu.dot_dimension_numbers<[1], [1], [0], [0], [0, 0, 1, 0], [], []>, transpose_lhs_hint = false} : vector<256x256xf32>, vector<256x256xf32>, vector<256x256xf32> -> vector<256x256xf32>
    %add3A_298 = arith.addf %squeeze3A_290, %dot_general3A_297 : vector<256x256xf32>
    %tanh3A_299 = math.tanh %add3A_298 : vector<256x256xf32>
    %add3A_300 = arith.addf %add3A_264, %tanh3A_299 : vector<256x256xf32>
    %slice3A_301 = vector.extract_strided_slice %reshape3A_41 {offsets = [6, 0, 0], sizes = [1, 256, 256], strides = [1, 1, 1]} : vector<10x256x256xf32> to vector<1x256x256xf32>
    %squeeze3A_302 = vector.shape_cast %slice3A_301 : vector<1x256x256xf32> to vector<256x256xf32>
    %get3A_303 = arith.constant 1 : index
    %get3A_304 = arith.constant 0 : index
    %get3A_305 = arith.constant 0 : index
    %get3A_306 = vector.load %arg4[%get3A_303, %get3A_304, %get3A_305] : memref<3x256x256xf32, #tpu.memory_space<vmem>>, vector<1x256x256xf32>
    %get3A_307 = vector.shape_cast %get3A_306 : vector<1x256x256xf32> to vector<256x256xf32>
    %dot_general3A_308 = arith.constant dense<0.000000e+00> : vector<256x256xf32>
    %dot_general3A_309 = tpu.matmul %tanh3A_275, %get3A_307, %dot_general3A_308 {dimension_numbers = #tpu.dot_dimension_numbers<[1], [1], [0], [0], [0, 0, 1, 0], [], []>, transpose_lhs_hint = false} : vector<256x256xf32>, vector<256x256xf32>, vector<256x256xf32> -> vector<256x256xf32>
    %add3A_310 = arith.addf %squeeze3A_302, %dot_general3A_309 : vector<256x256xf32>
    %tanh3A_311 = math.tanh %add3A_310 : vector<256x256xf32>
    %add3A_312 = arith.addf %add3A_276, %tanh3A_311 : vector<256x256xf32>
    %slice3A_313 = vector.extract_strided_slice %reshape3A_63 {offsets = [6, 0, 0], sizes = [1, 256, 256], strides = [1, 1, 1]} : vector<10x256x256xf32> to vector<1x256x256xf32>
    %squeeze3A_314 = vector.shape_cast %slice3A_313 : vector<1x256x256xf32> to vector<256x256xf32>
    %get3A_315 = arith.constant 2 : index
    %get3A_316 = arith.constant 0 : index
    %get3A_317 = arith.constant 0 : index
    %get3A_318 = vector.load %arg4[%get3A_315, %get3A_316, %get3A_317] : memref<3x256x256xf32, #tpu.memory_space<vmem>>, vector<1x256x256xf32>
    %get3A_319 = vector.shape_cast %get3A_318 : vector<1x256x256xf32> to vector<256x256xf32>
    %dot_general3A_320 = arith.constant dense<0.000000e+00> : vector<256x256xf32>
    %dot_general3A_321 = tpu.matmul %tanh3A_287, %get3A_319, %dot_general3A_320 {dimension_numbers = #tpu.dot_dimension_numbers<[1], [1], [0], [0], [0, 0, 1, 0], [], []>, transpose_lhs_hint = false} : vector<256x256xf32>, vector<256x256xf32>, vector<256x256xf32> -> vector<256x256xf32>
    %add3A_322 = arith.addf %squeeze3A_314, %dot_general3A_321 : vector<256x256xf32>
    %tanh3A_323 = math.tanh %add3A_322 : vector<256x256xf32>
    %add3A_324 = arith.addf %add3A_288, %tanh3A_323 : vector<256x256xf32>
    %slice3A_325 = vector.extract_strided_slice %reshape3A_19 {offsets = [7, 0, 0], sizes = [1, 256, 256], strides = [1, 1, 1]} : vector<10x256x256xf32> to vector<1x256x256xf32>
    %squeeze3A_326 = vector.shape_cast %slice3A_325 : vector<1x256x256xf32> to vector<256x256xf32>
    %get3A_327 = arith.constant 0 : index
    %get3A_328 = arith.constant 0 : index
    %get3A_329 = arith.constant 0 : index
    %get3A_330 = vector.load %arg4[%get3A_327, %get3A_328, %get3A_329] : memref<3x256x256xf32, #tpu.memory_space<vmem>>, vector<1x256x256xf32>
    %get3A_331 = vector.shape_cast %get3A_330 : vector<1x256x256xf32> to vector<256x256xf32>
    %dot_general3A_332 = arith.constant dense<0.000000e+00> : vector<256x256xf32>
    %dot_general3A_333 = tpu.matmul %tanh3A_299, %get3A_331, %dot_general3A_332 {dimension_numbers = #tpu.dot_dimension_numbers<[1], [1], [0], [0], [0, 0, 1, 0], [], []>, transpose_lhs_hint = false} : vector<256x256xf32>, vector<256x256xf32>, vector<256x256xf32> -> vector<256x256xf32>
    %add3A_334 = arith.addf %squeeze3A_326, %dot_general3A_333 : vector<256x256xf32>
    %tanh3A_335 = math.tanh %add3A_334 : vector<256x256xf32>
    %add3A_336 = arith.addf %add3A_300, %tanh3A_335 : vector<256x256xf32>
    %slice3A_337 = vector.extract_strided_slice %reshape3A_41 {offsets = [7, 0, 0], sizes = [1, 256, 256], strides = [1, 1, 1]} : vector<10x256x256xf32> to vector<1x256x256xf32>
    %squeeze3A_338 = vector.shape_cast %slice3A_337 : vector<1x256x256xf32> to vector<256x256xf32>
    %get3A_339 = arith.constant 1 : index
    %get3A_340 = arith.constant 0 : index
    %get3A_341 = arith.constant 0 : index
    %get3A_342 = vector.load %arg4[%get3A_339, %get3A_340, %get3A_341] : memref<3x256x256xf32, #tpu.memory_space<vmem>>, vector<1x256x256xf32>
    %get3A_343 = vector.shape_cast %get3A_342 : vector<1x256x256xf32> to vector<256x256xf32>
    %dot_general3A_344 = arith.constant dense<0.000000e+00> : vector<256x256xf32>
    %dot_general3A_345 = tpu.matmul %tanh3A_311, %get3A_343, %dot_general3A_344 {dimension_numbers = #tpu.dot_dimension_numbers<[1], [1], [0], [0], [0, 0, 1, 0], [], []>, transpose_lhs_hint = false} : vector<256x256xf32>, vector<256x256xf32>, vector<256x256xf32> -> vector<256x256xf32>
    %add3A_346 = arith.addf %squeeze3A_338, %dot_general3A_345 : vector<256x256xf32>
    %tanh3A_347 = math.tanh %add3A_346 : vector<256x256xf32>
    %add3A_348 = arith.addf %add3A_312, %tanh3A_347 : vector<256x256xf32>
    %slice3A_349 = vector.extract_strided_slice %reshape3A_63 {offsets = [7, 0, 0], sizes = [1, 256, 256], strides = [1, 1, 1]} : vector<10x256x256xf32> to vector<1x256x256xf32>
    %squeeze3A_350 = vector.shape_cast %slice3A_349 : vector<1x256x256xf32> to vector<256x256xf32>
    %get3A_351 = arith.constant 2 : index
    %get3A_352 = arith.constant 0 : index
    %get3A_353 = arith.constant 0 : index
    %get3A_354 = vector.load %arg4[%get3A_351, %get3A_352, %get3A_353] : memref<3x256x256xf32, #tpu.memory_space<vmem>>, vector<1x256x256xf32>
    %get3A_355 = vector.shape_cast %get3A_354 : vector<1x256x256xf32> to vector<256x256xf32>
    %dot_general3A_356 = arith.constant dense<0.000000e+00> : vector<256x256xf32>
    %dot_general3A_357 = tpu.matmul %tanh3A_323, %get3A_355, %dot_general3A_356 {dimension_numbers = #tpu.dot_dimension_numbers<[1], [1], [0], [0], [0, 0, 1, 0], [], []>, transpose_lhs_hint = false} : vector<256x256xf32>, vector<256x256xf32>, vector<256x256xf32> -> vector<256x256xf32>
    %add3A_358 = arith.addf %squeeze3A_350, %dot_general3A_357 : vector<256x256xf32>
    %tanh3A_359 = math.tanh %add3A_358 : vector<256x256xf32>
    %add3A_360 = arith.addf %add3A_324, %tanh3A_359 : vector<256x256xf32>
    %slice3A_361 = vector.extract_strided_slice %reshape3A_19 {offsets = [8, 0, 0], sizes = [1, 256, 256], strides = [1, 1, 1]} : vector<10x256x256xf32> to vector<1x256x256xf32>
    %squeeze3A_362 = vector.shape_cast %slice3A_361 : vector<1x256x256xf32> to vector<256x256xf32>
    %get3A_363 = arith.constant 0 : index
    %get3A_364 = arith.constant 0 : index
    %get3A_365 = arith.constant 0 : index
    %get3A_366 = vector.load %arg4[%get3A_363, %get3A_364, %get3A_365] : memref<3x256x256xf32, #tpu.memory_space<vmem>>, vector<1x256x256xf32>
    %get3A_367 = vector.shape_cast %get3A_366 : vector<1x256x256xf32> to vector<256x256xf32>
    %dot_general3A_368 = arith.constant dense<0.000000e+00> : vector<256x256xf32>
    %dot_general3A_369 = tpu.matmul %tanh3A_335, %get3A_367, %dot_general3A_368 {dimension_numbers = #tpu.dot_dimension_numbers<[1], [1], [0], [0], [0, 0, 1, 0], [], []>, transpose_lhs_hint = false} : vector<256x256xf32>, vector<256x256xf32>, vector<256x256xf32> -> vector<256x256xf32>
    %add3A_370 = arith.addf %squeeze3A_362, %dot_general3A_369 : vector<256x256xf32>
    %tanh3A_371 = math.tanh %add3A_370 : vector<256x256xf32>
    %add3A_372 = arith.addf %add3A_336, %tanh3A_371 : vector<256x256xf32>
    %slice3A_373 = vector.extract_strided_slice %reshape3A_41 {offsets = [8, 0, 0], sizes = [1, 256, 256], strides = [1, 1, 1]} : vector<10x256x256xf32> to vector<1x256x256xf32>
    %squeeze3A_374 = vector.shape_cast %slice3A_373 : vector<1x256x256xf32> to vector<256x256xf32>
    %get3A_375 = arith.constant 1 : index
    %get3A_376 = arith.constant 0 : index
    %get3A_377 = arith.constant 0 : index
    %get3A_378 = vector.load %arg4[%get3A_375, %get3A_376, %get3A_377] : memref<3x256x256xf32, #tpu.memory_space<vmem>>, vector<1x256x256xf32>
    %get3A_379 = vector.shape_cast %get3A_378 : vector<1x256x256xf32> to vector<256x256xf32>
    %dot_general3A_380 = arith.constant dense<0.000000e+00> : vector<256x256xf32>
    %dot_general3A_381 = tpu.matmul %tanh3A_347, %get3A_379, %dot_general3A_380 {dimension_numbers = #tpu.dot_dimension_numbers<[1], [1], [0], [0], [0, 0, 1, 0], [], []>, transpose_lhs_hint = false} : vector<256x256xf32>, vector<256x256xf32>, vector<256x256xf32> -> vector<256x256xf32>
    %add3A_382 = arith.addf %squeeze3A_374, %dot_general3A_381 : vector<256x256xf32>
    %tanh3A_383 = math.tanh %add3A_382 : vector<256x256xf32>
    %add3A_384 = arith.addf %add3A_348, %tanh3A_383 : vector<256x256xf32>
    %slice3A_385 = vector.extract_strided_slice %reshape3A_63 {offsets = [8, 0, 0], sizes = [1, 256, 256], strides = [1, 1, 1]} : vector<10x256x256xf32> to vector<1x256x256xf32>
    %squeeze3A_386 = vector.shape_cast %slice3A_385 : vector<1x256x256xf32> to vector<256x256xf32>
    %get3A_387 = arith.constant 2 : index
    %get3A_388 = arith.constant 0 : index
    %get3A_389 = arith.constant 0 : index
    %get3A_390 = vector.load %arg4[%get3A_387, %get3A_388, %get3A_389] : memref<3x256x256xf32, #tpu.memory_space<vmem>>, vector<1x256x256xf32>
    %get3A_391 = vector.shape_cast %get3A_390 : vector<1x256x256xf32> to vector<256x256xf32>
    %dot_general3A_392 = arith.constant dense<0.000000e+00> : vector<256x256xf32>
    %dot_general3A_393 = tpu.matmul %tanh3A_359, %get3A_391, %dot_general3A_392 {dimension_numbers = #tpu.dot_dimension_numbers<[1], [1], [0], [0], [0, 0, 1, 0], [], []>, transpose_lhs_hint = false} : vector<256x256xf32>, vector<256x256xf32>, vector<256x256xf32> -> vector<256x256xf32>
    %add3A_394 = arith.addf %squeeze3A_386, %dot_general3A_393 : vector<256x256xf32>
    %tanh3A_395 = math.tanh %add3A_394 : vector<256x256xf32>
    %add3A_396 = arith.addf %add3A_360, %tanh3A_395 : vector<256x256xf32>
    %slice3A_397 = vector.extract_strided_slice %reshape3A_19 {offsets = [9, 0, 0], sizes = [1, 256, 256], strides = [1, 1, 1]} : vector<10x256x256xf32> to vector<1x256x256xf32>
    %squeeze3A_398 = vector.shape_cast %slice3A_397 : vector<1x256x256xf32> to vector<256x256xf32>
    %get3A_399 = arith.constant 0 : index
    %get3A_400 = arith.constant 0 : index
    %get3A_401 = arith.constant 0 : index
    %get3A_402 = vector.load %arg4[%get3A_399, %get3A_400, %get3A_401] : memref<3x256x256xf32, #tpu.memory_space<vmem>>, vector<1x256x256xf32>
    %get3A_403 = vector.shape_cast %get3A_402 : vector<1x256x256xf32> to vector<256x256xf32>
    %dot_general3A_404 = arith.constant dense<0.000000e+00> : vector<256x256xf32>
    %dot_general3A_405 = tpu.matmul %tanh3A_371, %get3A_403, %dot_general3A_404 {dimension_numbers = #tpu.dot_dimension_numbers<[1], [1], [0], [0], [0, 0, 1, 0], [], []>, transpose_lhs_hint = false} : vector<256x256xf32>, vector<256x256xf32>, vector<256x256xf32> -> vector<256x256xf32>
    %add3A_406 = arith.addf %squeeze3A_398, %dot_general3A_405 : vector<256x256xf32>
    %tanh3A_407 = math.tanh %add3A_406 : vector<256x256xf32>
    %add3A_408 = arith.addf %add3A_372, %tanh3A_407 : vector<256x256xf32>
    %slice3A_409 = vector.extract_strided_slice %reshape3A_41 {offsets = [9, 0, 0], sizes = [1, 256, 256], strides = [1, 1, 1]} : vector<10x256x256xf32> to vector<1x256x256xf32>
    %squeeze3A_410 = vector.shape_cast %slice3A_409 : vector<1x256x256xf32> to vector<256x256xf32>
    %get3A_411 = arith.constant 1 : index
    %get3A_412 = arith.constant 0 : index
    %get3A_413 = arith.constant 0 : index
    %get3A_414 = vector.load %arg4[%get3A_411, %get3A_412, %get3A_413] : memref<3x256x256xf32, #tpu.memory_space<vmem>>, vector<1x256x256xf32>
    %get3A_415 = vector.shape_cast %get3A_414 : vector<1x256x256xf32> to vector<256x256xf32>
    %dot_general3A_416 = arith.constant dense<0.000000e+00> : vector<256x256xf32>
    %dot_general3A_417 = tpu.matmul %tanh3A_383, %get3A_415, %dot_general3A_416 {dimension_numbers = #tpu.dot_dimension_numbers<[1], [1], [0], [0], [0, 0, 1, 0], [], []>, transpose_lhs_hint = false} : vector<256x256xf32>, vector<256x256xf32>, vector<256x256xf32> -> vector<256x256xf32>
    %add3A_418 = arith.addf %squeeze3A_410, %dot_general3A_417 : vector<256x256xf32>
    %tanh3A_419 = math.tanh %add3A_418 : vector<256x256xf32>
    %add3A_420 = arith.addf %add3A_384, %tanh3A_419 : vector<256x256xf32>
    %slice3A_421 = vector.extract_strided_slice %reshape3A_63 {offsets = [9, 0, 0], sizes = [1, 256, 256], strides = [1, 1, 1]} : vector<10x256x256xf32> to vector<1x256x256xf32>
    %squeeze3A_422 = vector.shape_cast %slice3A_421 : vector<1x256x256xf32> to vector<256x256xf32>
    %get3A_423 = arith.constant 2 : index
    %get3A_424 = arith.constant 0 : index
    %get3A_425 = arith.constant 0 : index
    %get3A_426 = vector.load %arg4[%get3A_423, %get3A_424, %get3A_425] : memref<3x256x256xf32, #tpu.memory_space<vmem>>, vector<1x256x256xf32>
    %get3A_427 = vector.shape_cast %get3A_426 : vector<1x256x256xf32> to vector<256x256xf32>
    %dot_general3A_428 = arith.constant dense<0.000000e+00> : vector<256x256xf32>
    %dot_general3A_429 = tpu.matmul %tanh3A_395, %get3A_427, %dot_general3A_428 {dimension_numbers = #tpu.dot_dimension_numbers<[1], [1], [0], [0], [0, 0, 1, 0], [], []>, transpose_lhs_hint = false} : vector<256x256xf32>, vector<256x256xf32>, vector<256x256xf32> -> vector<256x256xf32>
    %add3A_430 = arith.addf %squeeze3A_422, %dot_general3A_429 : vector<256x256xf32>
    %tanh3A_431 = math.tanh %add3A_430 : vector<256x256xf32>
    %add3A_432 = arith.addf %add3A_396, %tanh3A_431 : vector<256x256xf32>
    %get3A_433 = arith.constant 0 : index
    %get3A_434 = arith.constant 0 : index
    %get3A_435 = arith.constant 0 : index
    %get3A_436 = vector.load %arg6[%get3A_433, %get3A_434, %get3A_435] : memref<1x2x256xf32, #tpu.memory_space<vmem>>, vector<1x1x128xf32>
    %get3A_437 = vector.shape_cast %get3A_436 : vector<1x1x128xf32> to vector<1x128xf32>
    %get3A_438 = arith.constant 0 : index
    %get3A_439 = arith.constant 0 : index
    %get3A_440 = arith.constant 128 : index
    %get3A_441 = vector.load %arg6[%get3A_438, %get3A_439, %get3A_440] : memref<1x2x256xf32, #tpu.memory_space<vmem>>, vector<1x1x128xf32>
    %get3A_442 = vector.shape_cast %get3A_441 : vector<1x1x128xf32> to vector<1x128xf32>
    %mul3A = vector.broadcast %get3A_437 : vector<1x128xf32> to vector<256x128xf32>
    %mul3A_443 = arith.mulf %get3A_1, %mul3A : vector<256x128xf32>
    %reduce_sum3A = arith.constant dense<0.000000e+00> : vector<256xf32>
    %reduce_sum3A_444 = vector.multi_reduction <add>, %mul3A_443, %reduce_sum3A [1] : vector<256x128xf32> to vector<256xf32>
    %broadcast_in_dim3A_445 = vector.shape_cast %reduce_sum3A_444 : vector<256xf32> to vector<256x1xf32>
    %slice3A_446 = vector.extract_strided_slice %add3A_408 {offsets = [0, 0], sizes = [256, 128], strides = [1, 1]} : vector<256x256xf32> to vector<256x128xf32>
    %mul3A_447 = arith.constant 1.000000e-01 : f32
    %mul3A_448 = vector.broadcast %mul3A_447 : f32 to vector<256x128xf32>
    %mul3A_449 = arith.mulf %slice3A_446, %mul3A_448 : vector<256x128xf32>
    %slice3A_450 = vector.extract_strided_slice %add3A_408 {offsets = [0, 128], sizes = [256, 128], strides = [1, 1]} : vector<256x256xf32> to vector<256x128xf32>
    %mul3A_451 = arith.constant 1.000000e-01 : f32
    %mul3A_452 = vector.broadcast %mul3A_451 : f32 to vector<256x128xf32>
    %mul3A_453 = arith.mulf %slice3A_450, %mul3A_452 : vector<256x128xf32>
    %slice3A_454 = vector.extract_strided_slice %add3A_420 {offsets = [0, 0], sizes = [256, 128], strides = [1, 1]} : vector<256x256xf32> to vector<256x128xf32>
    %mul3A_455 = arith.constant 1.000000e-01 : f32
    %mul3A_456 = vector.broadcast %mul3A_455 : f32 to vector<256x128xf32>
    %mul3A_457 = arith.mulf %slice3A_454, %mul3A_456 : vector<256x128xf32>
    %mul3A_458 = vector.broadcast %get3A_442 : vector<1x128xf32> to vector<256x128xf32>
    %mul3A_459 = arith.mulf %get3A_1, %mul3A_458 : vector<256x128xf32>
    %reduce_sum3A_460 = arith.constant dense<0.000000e+00> : vector<256xf32>
    %reduce_sum3A_461 = vector.multi_reduction <add>, %mul3A_459, %reduce_sum3A_460 [1] : vector<256x128xf32> to vector<256xf32>
    %broadcast_in_dim3A_462 = vector.shape_cast %reduce_sum3A_461 : vector<256xf32> to vector<256x1xf32>
    %add3A_463 = arith.addf %broadcast_in_dim3A_445, %broadcast_in_dim3A_462 : vector<256x1xf32>
    %mul3A_464 = vector.broadcast %get3A_442 : vector<1x128xf32> to vector<256x128xf32>
    %mul3A_465 = arith.mulf %mul3A_449, %mul3A_464 : vector<256x128xf32>
    %reduce_sum3A_466 = arith.constant dense<0.000000e+00> : vector<256xf32>
    %reduce_sum3A_467 = vector.multi_reduction <add>, %mul3A_465, %reduce_sum3A_466 [1] : vector<256x128xf32> to vector<256xf32>
    %broadcast_in_dim3A_468 = vector.shape_cast %reduce_sum3A_467 : vector<256xf32> to vector<256x1xf32>
    %add3A_469 = arith.addf %broadcast_in_dim3A_445, %broadcast_in_dim3A_468 : vector<256x1xf32>
    %mul3A_470 = vector.broadcast %get3A_442 : vector<1x128xf32> to vector<256x128xf32>
    %mul3A_471 = arith.mulf %mul3A_453, %mul3A_470 : vector<256x128xf32>
    %reduce_sum3A_472 = arith.constant dense<0.000000e+00> : vector<256xf32>
    %reduce_sum3A_473 = vector.multi_reduction <add>, %mul3A_471, %reduce_sum3A_472 [1] : vector<256x128xf32> to vector<256xf32>
    %broadcast_in_dim3A_474 = vector.shape_cast %reduce_sum3A_473 : vector<256xf32> to vector<256x1xf32>
    %add3A_475 = arith.addf %broadcast_in_dim3A_445, %broadcast_in_dim3A_474 : vector<256x1xf32>
    %mul3A_476 = vector.broadcast %get3A_442 : vector<1x128xf32> to vector<256x128xf32>
    %mul3A_477 = arith.mulf %mul3A_457, %mul3A_476 : vector<256x128xf32>
    %reduce_sum3A_478 = arith.constant dense<0.000000e+00> : vector<256xf32>
    %reduce_sum3A_479 = vector.multi_reduction <add>, %mul3A_477, %reduce_sum3A_478 [1] : vector<256x128xf32> to vector<256xf32>
    %broadcast_in_dim3A_480 = vector.shape_cast %reduce_sum3A_479 : vector<256xf32> to vector<256x1xf32>
    %add3A_481 = arith.addf %broadcast_in_dim3A_445, %broadcast_in_dim3A_480 : vector<256x1xf32>
    %max3A = arith.maximumf %add3A_463, %add3A_469 : vector<256x1xf32>
    %max3A_482 = arith.maximumf %add3A_475, %add3A_481 : vector<256x1xf32>
    %max3A_483 = arith.maximumf %max3A, %max3A_482 : vector<256x1xf32>
    %sub3A = arith.subf %add3A_463, %max3A_483 : vector<256x1xf32>
    %exp3A = math.exp %sub3A : vector<256x1xf32>
    %sub3A_484 = arith.subf %add3A_469, %max3A_483 : vector<256x1xf32>
    %exp3A_485 = math.exp %sub3A_484 : vector<256x1xf32>
    %sub3A_486 = arith.subf %add3A_475, %max3A_483 : vector<256x1xf32>
    %exp3A_487 = math.exp %sub3A_486 : vector<256x1xf32>
    %sub3A_488 = arith.subf %add3A_481, %max3A_483 : vector<256x1xf32>
    %exp3A_489 = math.exp %sub3A_488 : vector<256x1xf32>
    %add3A_490 = arith.addf %exp3A, %exp3A_485 : vector<256x1xf32>
    %add3A_491 = arith.addf %add3A_490, %exp3A_487 : vector<256x1xf32>
    %add3A_492 = arith.addf %add3A_491, %exp3A_489 : vector<256x1xf32>
    %mul3A_493 = vector.broadcast %exp3A : vector<256x1xf32> to vector<256x128xf32>
    %mul3A_494 = arith.mulf %mul3A_493, %get3A_1 : vector<256x128xf32>
    %mul3A_495 = vector.broadcast %exp3A_485 : vector<256x1xf32> to vector<256x128xf32>
    %mul3A_496 = arith.mulf %mul3A_495, %mul3A_449 : vector<256x128xf32>
    %add3A_497 = arith.addf %mul3A_494, %mul3A_496 : vector<256x128xf32>
    %mul3A_498 = vector.broadcast %exp3A_487 : vector<256x1xf32> to vector<256x128xf32>
    %mul3A_499 = arith.mulf %mul3A_498, %mul3A_453 : vector<256x128xf32>
    %add3A_500 = arith.addf %add3A_497, %mul3A_499 : vector<256x128xf32>
    %mul3A_501 = vector.broadcast %exp3A_489 : vector<256x1xf32> to vector<256x128xf32>
    %mul3A_502 = arith.mulf %mul3A_501, %mul3A_457 : vector<256x128xf32>
    %add3A_503 = arith.addf %add3A_500, %mul3A_502 : vector<256x128xf32>
    %div3A = vector.broadcast %add3A_492 : vector<256x1xf32> to vector<256x128xf32>
    %div3A_504 = arith.divf %add3A_503, %div3A : vector<256x128xf32>
    %ge3A = arith.constant 0.000000e+00 : f32
    %ge3A_505 = vector.broadcast %ge3A : f32 to vector<256x128xf32>
    %ge3A_506 = arith.cmpf oge, %div3A_504, %ge3A_505 : vector<256x128xf32>
    %mul3A_507 = arith.constant 0.00999999977 : f32
    %mul3A_508 = vector.broadcast %mul3A_507 : f32 to vector<256x128xf32>
    %mul3A_509 = arith.mulf %mul3A_508, %div3A_504 : vector<256x128xf32>
    %select_n3A = arith.select %ge3A_506, %div3A_504, %mul3A_509 : vector<256x128xi1>, vector<256x128xf32>
    %get3A_510 = arith.constant 0 : index
    %get3A_511 = arith.constant 1 : index
    %get3A_512 = arith.constant 0 : index
    %get3A_513 = vector.load %arg6[%get3A_510, %get3A_511, %get3A_512] : memref<1x2x256xf32, #tpu.memory_space<vmem>>, vector<1x1x128xf32>
    %get3A_514 = vector.shape_cast %get3A_513 : vector<1x1x128xf32> to vector<1x128xf32>
    %get3A_515 = arith.constant 0 : index
    %get3A_516 = arith.constant 1 : index
    %get3A_517 = arith.constant 128 : index
    %get3A_518 = vector.load %arg6[%get3A_515, %get3A_516, %get3A_517] : memref<1x2x256xf32, #tpu.memory_space<vmem>>, vector<1x1x128xf32>
    %get3A_519 = vector.shape_cast %get3A_518 : vector<1x1x128xf32> to vector<1x128xf32>
    %mul3A_520 = vector.broadcast %get3A_514 : vector<1x128xf32> to vector<256x128xf32>
    %mul3A_521 = arith.mulf %select_n3A, %mul3A_520 : vector<256x128xf32>
    %reduce_sum3A_522 = arith.constant dense<0.000000e+00> : vector<256xf32>
    %reduce_sum3A_523 = vector.multi_reduction <add>, %mul3A_521, %reduce_sum3A_522 [1] : vector<256x128xf32> to vector<256xf32>
    %broadcast_in_dim3A_524 = vector.shape_cast %reduce_sum3A_523 : vector<256xf32> to vector<256x1xf32>
    %slice3A_525 = vector.extract_strided_slice %add3A_420 {offsets = [0, 128], sizes = [256, 128], strides = [1, 1]} : vector<256x256xf32> to vector<256x128xf32>
    %mul3A_526 = arith.constant 1.000000e-01 : f32
    %mul3A_527 = vector.broadcast %mul3A_526 : f32 to vector<256x128xf32>
    %mul3A_528 = arith.mulf %slice3A_525, %mul3A_527 : vector<256x128xf32>
    %slice3A_529 = vector.extract_strided_slice %add3A_432 {offsets = [0, 0], sizes = [256, 128], strides = [1, 1]} : vector<256x256xf32> to vector<256x128xf32>
    %mul3A_530 = arith.constant 1.000000e-01 : f32
    %mul3A_531 = vector.broadcast %mul3A_530 : f32 to vector<256x128xf32>
    %mul3A_532 = arith.mulf %slice3A_529, %mul3A_531 : vector<256x128xf32>
    %slice3A_533 = vector.extract_strided_slice %add3A_432 {offsets = [0, 128], sizes = [256, 128], strides = [1, 1]} : vector<256x256xf32> to vector<256x128xf32>
    %mul3A_534 = arith.constant 1.000000e-01 : f32
    %mul3A_535 = vector.broadcast %mul3A_534 : f32 to vector<256x128xf32>
    %mul3A_536 = arith.mulf %slice3A_533, %mul3A_535 : vector<256x128xf32>
    %mul3A_537 = vector.broadcast %get3A_519 : vector<1x128xf32> to vector<256x128xf32>
    %mul3A_538 = arith.mulf %select_n3A, %mul3A_537 : vector<256x128xf32>
    %reduce_sum3A_539 = arith.constant dense<0.000000e+00> : vector<256xf32>
    %reduce_sum3A_540 = vector.multi_reduction <add>, %mul3A_538, %reduce_sum3A_539 [1] : vector<256x128xf32> to vector<256xf32>
    %broadcast_in_dim3A_541 = vector.shape_cast %reduce_sum3A_540 : vector<256xf32> to vector<256x1xf32>
    %add3A_542 = arith.addf %broadcast_in_dim3A_524, %broadcast_in_dim3A_541 : vector<256x1xf32>
    %mul3A_543 = vector.broadcast %get3A_519 : vector<1x128xf32> to vector<256x128xf32>
    %mul3A_544 = arith.mulf %mul3A_528, %mul3A_543 : vector<256x128xf32>
    %reduce_sum3A_545 = arith.constant dense<0.000000e+00> : vector<256xf32>
    %reduce_sum3A_546 = vector.multi_reduction <add>, %mul3A_544, %reduce_sum3A_545 [1] : vector<256x128xf32> to vector<256xf32>
    %broadcast_in_dim3A_547 = vector.shape_cast %reduce_sum3A_546 : vector<256xf32> to vector<256x1xf32>
    %add3A_548 = arith.addf %broadcast_in_dim3A_524, %broadcast_in_dim3A_547 : vector<256x1xf32>
    %mul3A_549 = vector.broadcast %get3A_519 : vector<1x128xf32> to vector<256x128xf32>
    %mul3A_550 = arith.mulf %mul3A_532, %mul3A_549 : vector<256x128xf32>
    %reduce_sum3A_551 = arith.constant dense<0.000000e+00> : vector<256xf32>
    %reduce_sum3A_552 = vector.multi_reduction <add>, %mul3A_550, %reduce_sum3A_551 [1] : vector<256x128xf32> to vector<256xf32>
    %broadcast_in_dim3A_553 = vector.shape_cast %reduce_sum3A_552 : vector<256xf32> to vector<256x1xf32>
    %add3A_554 = arith.addf %broadcast_in_dim3A_524, %broadcast_in_dim3A_553 : vector<256x1xf32>
    %mul3A_555 = vector.broadcast %get3A_519 : vector<1x128xf32> to vector<256x128xf32>
    %mul3A_556 = arith.mulf %mul3A_536, %mul3A_555 : vector<256x128xf32>
    %reduce_sum3A_557 = arith.constant dense<0.000000e+00> : vector<256xf32>
    %reduce_sum3A_558 = vector.multi_reduction <add>, %mul3A_556, %reduce_sum3A_557 [1] : vector<256x128xf32> to vector<256xf32>
    %broadcast_in_dim3A_559 = vector.shape_cast %reduce_sum3A_558 : vector<256xf32> to vector<256x1xf32>
    %add3A_560 = arith.addf %broadcast_in_dim3A_524, %broadcast_in_dim3A_559 : vector<256x1xf32>
    %max3A_561 = arith.maximumf %add3A_542, %add3A_548 : vector<256x1xf32>
    %max3A_562 = arith.maximumf %add3A_554, %add3A_560 : vector<256x1xf32>
    %max3A_563 = arith.maximumf %max3A_561, %max3A_562 : vector<256x1xf32>
    %sub3A_564 = arith.subf %add3A_542, %max3A_563 : vector<256x1xf32>
    %exp3A_565 = math.exp %sub3A_564 : vector<256x1xf32>
    %sub3A_566 = arith.subf %add3A_548, %max3A_563 : vector<256x1xf32>
    %exp3A_567 = math.exp %sub3A_566 : vector<256x1xf32>
    %sub3A_568 = arith.subf %add3A_554, %max3A_563 : vector<256x1xf32>
    %exp3A_569 = math.exp %sub3A_568 : vector<256x1xf32>
    %sub3A_570 = arith.subf %add3A_560, %max3A_563 : vector<256x1xf32>
    %exp3A_571 = math.exp %sub3A_570 : vector<256x1xf32>
    %add3A_572 = arith.addf %exp3A_565, %exp3A_567 : vector<256x1xf32>
    %add3A_573 = arith.addf %add3A_572, %exp3A_569 : vector<256x1xf32>
    %add3A_574 = arith.addf %add3A_573, %exp3A_571 : vector<256x1xf32>
    %mul3A_575 = vector.broadcast %exp3A_565 : vector<256x1xf32> to vector<256x128xf32>
    %mul3A_576 = arith.mulf %mul3A_575, %select_n3A : vector<256x128xf32>
    %mul3A_577 = vector.broadcast %exp3A_567 : vector<256x1xf32> to vector<256x128xf32>
    %mul3A_578 = arith.mulf %mul3A_577, %mul3A_528 : vector<256x128xf32>
    %add3A_579 = arith.addf %mul3A_576, %mul3A_578 : vector<256x128xf32>
    %mul3A_580 = vector.broadcast %exp3A_569 : vector<256x1xf32> to vector<256x128xf32>
    %mul3A_581 = arith.mulf %mul3A_580, %mul3A_532 : vector<256x128xf32>
    %add3A_582 = arith.addf %add3A_579, %mul3A_581 : vector<256x128xf32>
    %mul3A_583 = vector.broadcast %exp3A_571 : vector<256x1xf32> to vector<256x128xf32>
    %mul3A_584 = arith.mulf %mul3A_583, %mul3A_536 : vector<256x128xf32>
    %add3A_585 = arith.addf %add3A_582, %mul3A_584 : vector<256x128xf32>
    %div3A_586 = vector.broadcast %add3A_574 : vector<256x1xf32> to vector<256x128xf32>
    %div3A_587 = arith.divf %add3A_585, %div3A_586 : vector<256x128xf32>
    %ge3A_588 = arith.constant 0.000000e+00 : f32
    %ge3A_589 = vector.broadcast %ge3A_588 : f32 to vector<256x128xf32>
    %ge3A_590 = arith.cmpf oge, %div3A_587, %ge3A_589 : vector<256x128xf32>
    %mul3A_591 = arith.constant 0.00999999977 : f32
    %mul3A_592 = vector.broadcast %mul3A_591 : f32 to vector<256x128xf32>
    %mul3A_593 = arith.mulf %mul3A_592, %div3A_587 : vector<256x128xf32>
    %select_n3A_594 = arith.select %ge3A_590, %div3A_587, %mul3A_593 : vector<256x128xi1>, vector<256x128xf32>
    %swap3A = arith.constant 0 : index
    %swap3A_595 = arith.constant 0 : index
    %swap3A_596 = vector.load %arg7[%swap3A, %swap3A_595] : memref<256x128xf32, #tpu.memory_space<vmem>>, vector<256x128xf32>
    tpu.vector_store %arg7[%swap3A, %swap3A_595], %select_n3A_594 {strides = array<i32>} : memref<256x128xf32, #tpu.memory_space<vmem>>, vector<256x128xf32>,
    return
  }
  func.func @transform_0(%arg0: i32) -> (i32, i32, i32, i32) {
    %c0_i32 = arith.constant 0 : i32
    %c0_i32_0 = arith.constant 0 : i32
    %c0_i32_1 = arith.constant 0 : i32
    %c0_i32_2 = arith.constant 0 : i32
    return %c0_i32, %c0_i32_0, %arg0, %c0_i32_1 : i32, i32, i32, i32
  }
  func.func @transform_1(%arg0: i32) -> (i32, i32) {
    %c0_i32 = arith.constant 0 : i32
    %c0_i32_0 = arith.constant 0 : i32
    return %arg0, %c0_i32 : i32, i32
  }
  func.func @transform_2(%arg0: i32) -> (i32, i32, i32) {
    %c0_i32 = arith.constant 0 : i32
    %c0_i32_0 = arith.constant 0 : i32
    %c0_i32_1 = arith.constant 0 : i32
    %c0_i32_2 = arith.constant 0 : i32
    return %c0_i32, %c0_i32_0, %c0_i32_1 : i32, i32, i32
  }
  func.func @transform_3(%arg0: i32) -> (i32, i32, i32) {
    %c0_i32 = arith.constant 0 : i32
    %c0_i32_0 = arith.constant 0 : i32
    %c0_i32_1 = arith.constant 0 : i32
    %c0_i32_2 = arith.constant 0 : i32
    return %c0_i32, %c0_i32_0, %c0_i32_1 : i32, i32, i32
  }
  func.func @transform_4(%arg0: i32) -> (i32, i32) {
    %c0_i32 = arith.constant 0 : i32
    %c0_i32_0 = arith.constant 0 : i32
    %c0_i32_1 = arith.constant 0 : i32
    return %c0_i32, %c0_i32_0 : i32, i32
  }
  func.func @transform_5(%arg0: i32) -> (i32, i32, i32) {
    %c0_i32 = arith.constant 0 : i32
    %c0_i32_0 = arith.constant 0 : i32
    %c0_i32_1 = arith.constant 0 : i32
    %c0_i32_2 = arith.constant 0 : i32
    return %c0_i32, %c0_i32_0, %c0_i32_1 : i32, i32, i32
  }
  func.func @transform_6(%arg0: i32) -> (i32, i32) {
    %c0_i32 = arith.constant 0 : i32
    %c0_i32_0 = arith.constant 0 : i32
    return %arg0, %c0_i32 : i32, i32
  }
}

</mosaic_0001>

<sc_bundles>
// kernel: kernel.11.cloned.1.call-start
scs
__scs_entry_jumppad:
0x0: {  	(pc) =	sbr.rel $0x88, $3  }
0x1: {  	(tag) =	ssettag $0x0;
	lr =	simm.s32 $0x1  }
0x2: {  	[smem:$0x3F95] =	sst lr;
	_ =	strace $0xD0000000  }
0x3: {  	_ = 	snop  }
0x4: {  	_ = 	snop  }
0x5: {  	_ = 	snop  }
0x6: {  	_ = 	snop  }
0x7: {  	_ = 	snop  }
__scs_overlays_trampoline_lowered:
0x8: {  	[smem:$0x3FA4] =	sst s0  }
0x9: {  	[smem:$0x3FA5] =	sst s1  }
0xa: {  	[smem:$0x3FA6] =	sst s2  }
0xb: {  	[smem:$0x3FA7] =	sst s3  }
0xc: {  	[smem:$0x3FA8] =	sst s4  }
0xd: {  	[smem:$0x3FA9] =	sst s5  }
0xe: {  	[smem:$0x3FAA] =	sst s6  }
0xf: {  	[smem:$0x3FAB] =	sst s7  }
0x10: {  	[smem:$0x3FAC] =	sst s8  }
0x11: {  	[smem:$0x3FAD] =	sst s9;
	s0 =	simm.s32 @!p0 $0x0  }
0x12: {  	s1 =	sld [smem:$0x3F93];
	s0 =	simm.s32 @p0 $0x1  }
0x13: {  	[smem:$0x3FAE] =	sst s0;
	s0 =	simm.s32 @!p1 $0x0  }
0x14: {  	s2 =	sld [smem:$0x3F92];
	s0 =	simm.s32 @p1 $0x1  }
0x15: {  	[smem:$0x3FAF] =	sst s0;
	s0 =	simm.s32 @!p2 $0x0  }
0x16: {  	s3 =	sld [smem:$0x3FDB];
	s0 =	simm.s32 @p2 $0x1  }
0x17: {  	s4 =	simm.s32 $0x1BF5;
	[smem:$0x3FB1] =	sst s0  }
0x18: {  	s0 =	sld [smem:$0x3F94];
	_ =	swait.ge [sflag:s4], $0x0  }
0x19: {  	s7 =	sld [smem:$0x3F95]  }
0x1a: {  	s8 =	sadd.s32 $0xFFFFE003, lr  }
0x1b: {  	s9 =	sadd.s32 $0xFFFFFEF7, lr;
	s5 =	simm.s32 $0xFFFFFFFF;
	p2 =	slt.u32 s8, $0xFFFFF086  }
0x1c: {  	p1 =	slt.u32 s9, $0xF7A;
	s5 =	simm.s32 @!p2 $0x0  }
0x1d: {  	s5 =	simm.s32 @p1 $0x1;
	p0 =	seq.s32 s7, s2  }
0x1e: {  	s7 =	smul.u32 @!p0 $0xF7A, s2;
	p2 =	seq.s32 @!p0 s5, $0x0  }
0x1f: {  	s9 =	smul.u32 $0xF7A, s1;
	s8 =	simm.s32 @!p0 $0x1BF5;
	p2 =	por !p2, p0  }
0x20: {  	[sflag:s8] =	ssyncset.s32 @!p0 $0xFFFFF086;
	s6 =	sadd.s32 @!p0 s3, s7;
	s7 =	simm.s32 @!p0 $0x108  }
0x21: {  	s3 =	sadd.s32 s3, s9;
	s6 =	sadd.s32 @!p0 $0x88, s6;
	s7 =	simm.s32 @p2 $0x1082  }
0x22: {  	[simem:s7], [sflag:s8] =	dma.local @!p0 [hbm:s6], $0xF7A  }
0x23: {  	s9 =	sor.u32 $0xD0000000, s2;
	s6 =	simm.s32 $0x108;
	_ =	swait.ge @!p0 [sflag:s8], $0x0  }
0x24: {  	s3 =	sadd.s32 $0x88, s3;
	s6 =	simm.s32 @!p1 $0x1082;
	[sflag:s4] =	ssyncset.s32 $0xFFFFF086  }
0x25: {  	[simem:s6], [sflag:s4] =	dma.local [hbm:s3], $0xF7A  }
0x26: {  	[smem:$0x3F95] =	sst s1;
	(tag) =	ssettag s2;
	_ =	strace s9  }
0x27: {  	s1 =	sld [smem:$0x3FA5]  }
0x28: {  	s2 =	sld [smem:$0x3FA6]  }
0x29: {  	s4 =	sld [smem:$0x3FA8]  }
0x2a: {  	p0 =	seq.s32 s5, $0x0;
	s5 =	sld [smem:$0x3FA9]  }
0x2b: {  	s6 =	sld [smem:$0x3FAA]  }
0x2c: {  	s7 =	sld [smem:$0x3FAB]  }
0x2d: {  	s3 =	simm.s32 $0x108;
	s8 =	sld [smem:$0x3FAC]  }
0x2e: {  	s3 =	simm.s32 @!p0 $0x1082;
	s9 =	sld [smem:$0x3FAD]  }
0x2f: {  	lr =	sadd.s32 s0, s3;
	s0 =	sld [smem:$0x3FA4]  }
0x30: {  	s3 =	sld [smem:$0x3FA7]  }
0x31: {  	[smem:$0x3FB0] =	sst s10  }
0x32: {  	s10 =	sld [smem:$0x3FAE];
	_ =	sdelay $0x3  }
0x33: {  	p0 =	seq.s32 s10, $0x1;
	s10 =	sld [smem:$0x3FB0];
	_ =	sdelay $0x3  }
0x34: {  	[smem:$0x3FB0] =	sst s10  }
0x35: {  	s10 =	sld [smem:$0x3FAF];
	_ =	sdelay $0x3  }
0x36: {  	p1 =	seq.s32 s10, $0x1;
	s10 =	sld [smem:$0x3FB0];
	_ =	sdelay $0x3  }
0x37: {  	[smem:$0x3FB0] =	sst s10  }
0x38: {  	s10 =	sld [smem:$0x3FB1]  }
0x39: {  	_ = 	snop;
	(pc) =	sbr.ind lr, $3  }
0x3a: {  	_ = 	snop  }
0x3b: {  	_ = 	snop  }
0x3c: {  	p2 =	seq.s32 s10, $0x1;
	s10 =	sld [smem:$0x3FB0]  }
0x3d: {  	_ =	shalt  }
0x3e: {  	_ =	shalt  }
0x3f: {  	_ =	shalt  }
0x40: {  	_ =	shalt  }
0x41: {  	_ =	shalt  }
0x42: {  	_ =	shalt  }
0x43: {  	_ =	shalt  }
0x44: {  	_ =	shalt  }
0x45: {  	_ =	shalt  }
0x46: {  	_ =	shalt  }
0x47: {  	_ =	shalt  }
0x48: {  	_ =	shalt  }
0x49: {  	_ =	shalt  }
0x4a: {  	_ =	shalt  }
0x4b: {  	_ =	shalt  }
0x4c: {  	_ =	shalt  }
0x4d: {  	_ =	shalt  }
0x4e: {  	_ =	shalt  }
0x4f: {  	_ =	shalt  }
0x50: {  	_ =	shalt  }
0x51: {  	_ =	shalt  }
0x52: {  	_ =	shalt  }
0x53: {  	_ =	shalt  }
0x54: {  	_ =	shalt  }
0x55: {  	_ =	shalt  }
0x56: {  	_ =	shalt  }
0x57: {  	_ =	shalt  }
0x58: {  	_ =	shalt  }
0x59: {  	_ =	shalt  }
0x5a: {  	_ =	shalt  }
0x5b: {  	_ =	shalt  }
0x5c: {  	_ =	shalt  }
0x5d: {  	_ =	shalt  }
0x5e: {  	_ =	shalt  }
0x5f: {  	_ =	shalt  }
0x60: {  	_ =	shalt  }
0x61: {  	_ =	shalt  }
0x62: {  	_ =	shalt  }
0x63: {  	_ =	shalt  }
0x64: {  	_ =	shalt  }
0x65: {  	_ =	shalt  }
0x66: {  	_ =	shalt  }
0x67: {  	_ =	shalt  }
0x68: {  	_ =	shalt  }
0x69: {  	_ =	shalt  }
0x6a: {  	_ =	shalt  }
0x6b: {  	_ =	shalt  }
0x6c: {  	_ =	shalt  }
0x6d: {  	_ =	shalt  }
0x6e: {  	_ =	shalt  }
0x6f: {  	_ =	shalt  }
0x70: {  	_ =	shalt  }
0x71: {  	_ =	shalt  }
0x72: {  	_ =	shalt  }
0x73: {  	_ =	shalt  }
0x74: {  	_ =	shalt  }
0x75: {  	_ =	shalt  }
0x76: {  	_ =	shalt  }
0x77: {  	_ =	shalt  }
0x78: {  	_ =	shalt  }
0x79: {  	_ =	shalt  }
0x7a: {  	_ =	shalt  }
0x7b: {  	_ =	shalt  }
0x7c: {  	_ =	shalt  }
0x7d: {  	_ =	shalt  }
0x7e: {  	_ =	shalt  }
0x7f: {  	_ =	shalt  }
0x80: {  	_ =	shalt  }
0x81: {  	_ =	shalt  }
0x82: {  	_ =	shalt  }
0x83: {  	_ =	shalt  }
0x84: {  	_ =	shalt  }
0x85: {  	_ =	shalt  }
0x86: {  	_ =	shalt  }
0x87: {  	_ =	shalt  }
.Lfunc_end0:
.L_simem_size_0:
called_computation.1_lowered:
.L_overlay_start_0:
0x88: {  	s2 =	sld [smem:$0x3FD9]  }
0x89: {  	s3 =	sld [smem:$0x3FFE];
	_ =	sdelay $0x1  }
0x8a: {  	s1 =	srdreg.scid  }
0x8b: {  	s0 =	sand.u32 $0x1, s1  }
0x8c: {  	s15 =	sshll.u32 s0, $0xA;
	s2 =	sadd.s32 s3, s2  }
0x8d: {  	s2 =	sadd.s32 s2, s15  }
0x8e: {  	[smem:$0x3FBC] =	sst s2  }
0x8f: {  	_ = 	snop  }
0x90: {  	s16 =	sld [smem:$0x3FD0];
	_ =	sdelay $0x2  }
0x91: {  	s4 =	simm.s32 $0xC;
	s5 =	simm.s32 $0x10;
	s2 =	sld [smem:$0x3FC3]  }
0x92: {  	[smem:s5], [sflag:s4] =	dma.local [hbm:s16], $0x1  }
0x93: {  	_ =	swait.eq [sflag:s4], $0x1  }
0x94: {  	[sflag:s4] =	ssyncset.done $0x0  }
0x95: {  	[sflag:s4] =	ssyncadd.s32 $0xFFFFFFFF  }
0x96: {  	s17 =	sld [smem:$0x11];
	(tm) =	ssettm $0x1  }
0x97: {  	s18 =	sld [smem:$0x3FFB];
	_ =	sdelay $0x3  }
0x98: {  	_ =	strace s18  }
0x99: {  	s3 =	sld [smem:$0x3FFC];
	_ =	sdelay $0x3  }
0x9a: {  	_ =	strace s3  }
0x9b: {  	s3 =	sld [smem:$0x3FFD];
	_ =	sdelay $0x3  }
0x9c: {  	_ =	strace s3  }
0x9d: {  	_ =	strace $0x8FFFFFFF  }
0x9e: {  	s19 =	sld [smem:$0x3FDB];
	_ =	sdelay $0x1  }
0x9f: {  	s20 =	simm.s32 $_scs_section_size  }
0xa0: {  	s6 =	simm.s32 $_size__tile_overlayer_lowered;
	s7 =	simm.s32 $_tile_overlayer_lowered  }
0xa1: {  	s8 =	simm.s32 $0x1BFF;
	s21 =	sshll.u32 s7, $0x1;
	s5 =	sadd.s32 s20, s19  }
0xa2: {  	s22 =	simm.s32 $0x0;
	s6 =	sshll.u32 s6, $0x1;
	s7 =	sadd.s32 s21, s5  }
0xa3: {  	[timem:s22], [sflag:s8] =	dma.local [hbm:s7], s6  }
0xa4: {  	_ =	swait.ge [sflag:s8], s6  }
0xa5: {  	s6 =	ssub.s32 $0x0, s6;
	[sflag:s8] =	ssyncset.done $0x0  }
0xa6: {  	[sflag:s8] =	ssyncadd.s32 s6;
	_ =	sdelay $0x1  }
0xa7: {  	s23 =	simm.s32 $0x1B8B  }
0xa8: {  	_ =	swait.ge [sflag:s23], $0x1  }
0xa9: {  	[sflag:s23] =	ssyncset.done $0x0  }
0xaa: {  	[sflag:s23] =	ssyncadd.s32 $0xFFFFFFFF  }
0xab: {  	s6 =	sld [smem:$0x0]  }
0xac: {  	s7 =	sand.u32 $0xFFFFFFFE, s1  }
0xad: {  	p0 =	sne.s32 s1, s7  }
0xae: {  	s7 =	sshll.u32 @p0 s7, $0xE  }
0xaf: {  	s7 =	sadd.s32 @p0 $0x11B8D, s7;
	s8 =	sshll.u32 @p0 s6, $0x11  }
0xb0: {  	s7 =	sor.u32 @p0 s8, s7  }
0xb1: {  	[sflag:s7] =	ssyncadd.remote.s32 @p0 $0x1;
	_ =	sdelay $0x1  }
0xb2: {  	s7 =	simm.s32 @p0 $0x1B8D  }
0xb3: {  	_ =	swait.eq @p0 [sflag:s7], $0x1  }
0xb4: {  	[sflag:s7] =	ssyncadd.s32 @p0 $0xFFFFFFFF  }
0xb5: {  	s8 =	sshll.u32 @!p0 s1, $0xE  }
0xb6: {  	s8 =	sor.u32 @!p0 $0x4000, s8;
	s7 =	simm.s32 @!p0 $0x1B8D  }
0xb7: {  	s6 =	sshll.u32 @!p0 s6, $0x11;
	s8 =	sadd.s32 @!p0 $0x11B8D, s8;
	_ =	swait.eq @!p0 [sflag:s7], $0x1  }
0xb8: {  	s6 =	sor.u32 @!p0 s6, s8;
	[sflag:s7] =	ssyncadd.s32 @!p0 $0xFFFFFFFF  }
0xb9: {  	s25 =	simm.s32 $0x1B8E;
	s24 =	sld [smem:$0x3FFE];
	[sflag:s6] =	ssyncadd.remote.s32 @!p0 $0x1  }
0xba: {  	s26 =	simm.s32 $execute0_lowered;
	[smem:$0x3FD2] =	sst s25  }
0xbb: {  	s7 =	sshll.u32 s26, $0x1;
	_ =	strace $0x80000049;
	[dreg:$0x1] =	wrdreg $0xFFFFFFFF  }
0xbc: {  	s28 =	simm.s32 $_size_execute0_lowered;
	s5 =	sadd.s32 s5, s7;
	[dreg:$0x0] =	wrdreg $0x0  }
0xbd: {  	s7 =	sshll.u32 s28, $0x1;
	[dreg:$0x2] =	wrdreg s5  }
0xbe: {  	[dreg:$0x3] =	wrdreg s7  }
0xbf: {  	[dreg:$0x4] =	wrdreg $0xC0  }
0xc0: {  	_ =	task [dreg:s22], $0x5FFFF  }
0xc1: {  	[dreg:$0x1] =	wrdreg $0xFFFFFFFF  }
0xc2: {  	[dreg:$0x0] =	wrdreg $0x60  }
0xc3: {  	[dreg:$0x2] =	wrdreg s2  }
0xc4: {  	[dreg:$0x3] =	wrdreg s24  }
0xc5: {  	[dreg:$0x4] =	wrdreg s17  }
0xc6: {  	[dreg:$0x5] =	wrdreg $0xA  }
0xc7: {  	_ =	task.clear_ibuf [dreg:s22], $0x6FFFF;
	_ =	strace $0x90000049  }
0xc8: {  	s29 =	simm.s32 $0xA;
	_ =	strace $0x8000004B  }
0xc9: {  	_ =	swait.ge [sflag:s29], $0x1  }
0xca: {  	[sflag:s29] =	ssyncadd.s32 $0xFFFFFFFF  }
0xcb: {  	_ =	strace $0x9000004B  }
0xcc: {  	_ =	sfence  }
0xcd: {  	s30 =	sld [smem:$0x0];
	_ =	sdelay $0x2  }
0xce: {  	s31 =	sshll.u32 s1, $0xD;
	s1 =	sshrl.u32 s1, $0x2  }
0xcf: {  	s4 =	sand.u32 $0x4000, s31;
	s1 =	sadd.s32 s1, s30  }
0xd0: {  	s0 =	sor.u32 s4, s0;
	s1 =	sshll.u32 s1, $0x11  }
0xd1: {  	s0 =	sor.u32 s1, s0  }
0xd2: {  	s0 =	sadd.s32 $0x8F2B, s0  }
0xd3: {  	[sflag:s0] =	ssyncadd.remote.s32 $0x1  }
0xd4: {  	_ =	sfence.sel $0xFFFF  }
0xd5: {  	[dreg:$0x0] =	wrdreg $0xFFFFFFFF;
	(pc) =	sbr.abs _section_cstart, $3  }
0xd6: {  	[dreg:$0x1] =	wrdreg $0xFFFFFFFF  }
0xd7: {  	_ =	task.clear_ibuf [dreg:s22], $0x2FFFF;
	_ =	strace $0x9FFFFFFF  }
0xd8: {  	(tm) =	ssettm $0x7FFFFFFF  }
0xd9: {  	_ =	shalt  }
tec
execute0_lowered:
.L_overlay_start_1:
0x0: {  	(tag) =	ssettag $0x1  }
0x1: {  	s2 =	rddreg [dreg:$0x0]  }
0x2: {  	s4 =	rddreg [dreg:$0x1]  }
0x3: {  	s3 =	srdreg.scid;
	s0 =	stileid.u32  }
0x4: {  	s30 =	sand.u32 $0x1, s3;
	s5 =	sshll.u32 s0, $0x1;
	s3 =	simm.s32 $0x0  }
0x5: {  	s26 =	sadd.s32 $0xF5200, s4;
	s29 =	sadd.s32 $0xF7200, s4;
	s31 =	sor.u32 s30, s5  }
0x6: {  	[smem:$0x7FF] =	sst s3;
	s5 =	sshll.u32 s31, $0x2;
	s28 =	smul.u32 $0x780, s31  }
0x7: {  	_ =	strace $0x8000004A;
	s7 =	smul.u32 $0x7800, s31;
	s5 =	sadd.s32 s5, s4  }
0x8: {  	s9 =	sadd.s32 $0xF7000, s5;
	s10 =	sshrl.u32 s28, $0x3;
	s11 =	sadd.s32 $0x80, s28  }
0x9: {  	s13 =	sadd.s32 $0x100, s28;
	s14 =	sadd.s32 s29, s7;
	s18 =	sadd.s32 $0x180, s28  }
0xa: {  	s20 =	sadd.s32 $0x200, s28;
	s25 =	sadd.s32 $0x280, s28;
	[dreg:$0x4] =	wrdreg s9  }
0xb: {  	s4 =	sadd.s32 s26, s10;
	s6 =	sshrl.u32 s11, $0x3;
	[dreg:$0x7] =	wrdreg s14  }
0xc: {  	s15 =	sshrl.u32 s13, $0x3;
	s5 =	sshll.u32 s11, $0x4;
	[dreg:$0x5] =	wrdreg s4  }
0xd: {  	s19 =	sshrl.u32 s18, $0x3;
	s12 =	sadd.s32 s26, s6;
	s11 =	rddreg [dreg:$0x4]  }
0xe: {  	s22 =	sshrl.u32 s20, $0x3;
	s16 =	sadd.s32 s26, s15;
	[dreg:$0x6] =	wrdreg s12  }
0xf: {  	s0 =	sshrl.u32 s25, $0x3;
	s17 =	sadd.s32 s29, s5;
	[dreg:$0x8] =	wrdreg s16  }
0x10: {  	s1 =	sshll.u32 s20, $0x4;
	s4 =	sadd.s32 s26, s19;
	[dreg:$0x9] =	wrdreg s17  }
0x11: {  	s6 =	sshll.u32 s13, $0x4;
	s23 =	sadd.s32 s26, s22;
	[dreg:$0xa] =	wrdreg s4  }
0x12: {  	s5 =	sshll.u32 s18, $0x4;
	s21 =	sadd.s32 s29, s6;
	[dreg:$0xc] =	wrdreg s23  }
0x13: {  	[tilespmem:s3], [sflag:$0x4] =	stream.linear.gather [hbm4b:s11+s3], $0x20, $0x38;
	[tilespmem:$0x9180] =	vst v63  }
0x14: {  	s9 =	sshll.u32 s25, $0x4;
	s24 =	sadd.s32 s29, s5;
	[dreg:$0xb] =	wrdreg s21  }
0x15: {  	s13 =	sadd.s32 $0x300, s28;
	s4 =	sadd.s32 s26, s0;
	[dreg:$0xd] =	wrdreg s24  }
0x16: {  	s6 =	sadd.s32 s29, s1;
	s7 =	sshrl.u32 s13, $0x3;
	[dreg:$0xe] =	wrdreg s4  }
0x17: {  	s15 =	sadd.s32 $0x380, s28;
	[dreg:$0xf] =	wrdreg s6;
	s8 =	sadd.s32 s26, s7  }
0x18: {  	s10 =	sshrl.u32 s15, $0x3;
	s4 =	sadd.s32 s29, s9;
	[dreg:$0x10] =	wrdreg s8  }
0x19: {  	s12 =	sadd.s32 s26, s10;
	[dreg:$0x11] =	wrdreg s4  }
0x1a: {  	[dreg:$0x12] =	wrdreg s12;
	s4 =	simm.s32 $0x4  }
0x1b: {  	_ =	swait.ge [sflag:s4], $0x20  }
0x1c: {  	[sflag:s4] =	ssyncset.done $0x0  }
0x1d: {  	s5 =	simm.s32 $0x20;
	s6 =	simm.s32 $0x80;
	[sflag:s4] =	ssyncadd.s32 $0xFFFFFFE0  }
0x1e: {  	[tilespmem:s6], [sflag:$0x1] =	stream.indirect.gather [hbm4b:s2+s5], $0x80, s3, s5, $0xb8;
	[tilespmem:$0x9180] =	vst v63  }
0x1f: {  	s7 =	simm.s32 $0x1080;
	s8 =	rddreg [dreg:$0x5]  }
0x20: {  	[tilespmem:s7], [sflag:$0x4] =	stream.linear.gather [hbm4b:s8+s3], $0x80, $0x38;
	[tilespmem:$0x9180] =	vst v63  }
0x21: {  	_ =	swait.ge [sflag:s4], $0x80  }
0x22: {  	[sflag:s4] =	ssyncset.done $0x0  }
0x23: {  	s8 =	simm.s32 $0x1180;
	[sflag:s4] =	ssyncadd.s32 $0xFFFFFF80  }
0x24: {  	[tilespmem:s8], [sflag:$0x2] =	stream.indirect.gather [hbm4b:s2+s6], $0x80, s7, s6, $0xb8;
	[tilespmem:$0x9180] =	vst v63  }
0x25: {  	s9 =	simm.s32 $0x1100;
	s10 =	rddreg [dreg:$0x6]  }
0x26: {  	[tilespmem:s9], [sflag:$0x4] =	stream.linear.gather [hbm4b:s10+s3], $0x80, $0x38;
	[tilespmem:$0x9180] =	vst v63  }
0x27: {  	_ =	swait.ge [sflag:s4], $0x80  }
0x28: {  	[sflag:s4] =	ssyncset.done $0x0  }
0x29: {  	s11 =	simm.s32 $0x2;
	s10 =	simm.s32 $0x5180;
	[sflag:s4] =	ssyncadd.s32 $0xFFFFFF80  }
0x2a: {  	[tilespmem:s10], [sflag:$0x3] =	stream.indirect.gather [hbm4b:s2+s6], $0x80, s9, s6, $0xb8;
	[tilespmem:$0x9180] =	vst v63  }
0x2b: {  	_ =	swait.ge [sflag:s11], $0x4000  }
0x2c: {  	[sflag:s11] =	ssyncset.done $0x0  }
0x2d: {  	s12 =	rddreg [dreg:$0x7];
	[sflag:s11] =	ssyncadd.s32 $0xFFFFC000  }
0x2e: {  	[hbm4b:s12+s3] =	stream.linear.scatter [tilespmem:s8], [sflag:$0x4], $0x4000, $0x38;
	[tilespmem:$0x9180] =	vst v63  }
0x2f: {  	_ =	swait.ge [sflag:s4], $0x4000  }
0x30: {  	[sflag:s4] =	ssyncset.done $0x0  }
0x31: {  	s14 =	rddreg [dreg:$0x8];
	[sflag:s4] =	ssyncadd.s32 $0xFFFFC000  }
0x32: {  	[tilespmem:s7], [sflag:$0x4] =	stream.linear.gather [hbm4b:s14+s3], $0x80, $0x38;
	[tilespmem:$0x9180] =	vst v63  }
0x33: {  	_ =	swait.ge [sflag:s4], $0x80  }
0x34: {  	[sflag:s4] =	ssyncset.done $0x0  }
0x35: {  	s12 =	simm.s32 $0x3;
	[sflag:s4] =	ssyncadd.s32 $0xFFFFFF80  }
0x36: {  	[tilespmem:s8], [sflag:$0x2] =	stream.indirect.gather [hbm4b:s2+s6], $0x80, s7, s6, $0xb8;
	[tilespmem:$0x9180] =	vst v63  }
0x37: {  	_ =	swait.ge [sflag:s12], $0x4000  }
0x38: {  	[sflag:s12] =	ssyncset.done $0x0  }
0x39: {  	s14 =	rddreg [dreg:$0x9];
	[sflag:s12] =	ssyncadd.s32 $0xFFFFC000  }
0x3a: {  	[hbm4b:s14+s3] =	stream.linear.scatter [tilespmem:s10], [sflag:$0x4], $0x4000, $0x38;
	[tilespmem:$0x9180] =	vst v63  }
0x3b: {  	_ =	swait.ge [sflag:s4], $0x4000  }
0x3c: {  	[sflag:s4] =	ssyncset.done $0x0  }
0x3d: {  	s16 =	rddreg [dreg:$0xa];
	[sflag:s4] =	ssyncadd.s32 $0xFFFFC000  }
0x3e: {  	[tilespmem:s9], [sflag:$0x4] =	stream.linear.gather [hbm4b:s16+s3], $0x80, $0x38;
	[tilespmem:$0x9180] =	vst v63  }
0x3f: {  	_ =	swait.ge [sflag:s4], $0x80  }
0x40: {  	[sflag:s4] =	ssyncset.done $0x0  }
0x41: {  	[sflag:s4] =	ssyncadd.s32 $0xFFFFFF80  }
0x42: {  	[tilespmem:s10], [sflag:$0x3] =	stream.indirect.gather [hbm4b:s2+s6], $0x80, s9, s6, $0xb8;
	[tilespmem:$0x9180] =	vst v63  }
0x43: {  	_ =	swait.ge [sflag:s11], $0x4000  }
0x44: {  	[sflag:s11] =	ssyncset.done $0x0  }
0x45: {  	s17 =	rddreg [dreg:$0xb];
	[sflag:s11] =	ssyncadd.s32 $0xFFFFC000  }
0x46: {  	[hbm4b:s17+s3] =	stream.linear.scatter [tilespmem:s8], [sflag:$0x4], $0x4000, $0x38;
	[tilespmem:$0x9180] =	vst v63  }
0x47: {  	_ =	swait.ge [sflag:s4], $0x4000  }
0x48: {  	[sflag:s4] =	ssyncset.done $0x0  }
0x49: {  	s18 =	rddreg [dreg:$0xc];
	[sflag:s4] =	ssyncadd.s32 $0xFFFFC000  }
0x4a: {  	[tilespmem:s7], [sflag:$0x4] =	stream.linear.gather [hbm4b:s18+s3], $0x80, $0x38;
	[tilespmem:$0x9180] =	vst v63  }
0x4b: {  	_ =	swait.ge [sflag:s4], $0x80  }
0x4c: {  	[sflag:s4] =	ssyncset.done $0x0  }
0x4d: {  	[sflag:s4] =	ssyncadd.s32 $0xFFFFFF80  }
0x4e: {  	[tilespmem:s8], [sflag:$0x2] =	stream.indirect.gather [hbm4b:s2+s6], $0x80, s7, s6, $0xb8;
	[tilespmem:$0x9180] =	vst v63  }
0x4f: {  	_ =	swait.ge [sflag:s12], $0x4000  }
0x50: {  	[sflag:s12] =	ssyncset.done $0x0  }
0x51: {  	s19 =	rddreg [dreg:$0xd];
	[sflag:s12] =	ssyncadd.s32 $0xFFFFC000  }
0x52: {  	[hbm4b:s19+s3] =	stream.linear.scatter [tilespmem:s10], [sflag:$0x4], $0x4000, $0x38;
	[tilespmem:$0x9180] =	vst v63  }
0x53: {  	_ =	swait.ge [sflag:s4], $0x4000  }
0x54: {  	[sflag:s4] =	ssyncset.done $0x0  }
0x55: {  	s20 =	rddreg [dreg:$0xe];
	[sflag:s4] =	ssyncadd.s32 $0xFFFFC000  }
0x56: {  	[tilespmem:s9], [sflag:$0x4] =	stream.linear.gather [hbm4b:s20+s3], $0x80, $0x38;
	[tilespmem:$0x9180] =	vst v63  }
0x57: {  	_ =	swait.ge [sflag:s4], $0x80  }
0x58: {  	[sflag:s4] =	ssyncset.done $0x0  }
0x59: {  	[sflag:s4] =	ssyncadd.s32 $0xFFFFFF80  }
0x5a: {  	[tilespmem:s10], [sflag:$0x3] =	stream.indirect.gather [hbm4b:s2+s6], $0x80, s9, s6, $0xb8;
	[tilespmem:$0x9180] =	vst v63  }
0x5b: {  	_ =	swait.ge [sflag:s11], $0x4000  }
0x5c: {  	[sflag:s11] =	ssyncset.done $0x0  }
0x5d: {  	s21 =	rddreg [dreg:$0xf];
	[sflag:s11] =	ssyncadd.s32 $0xFFFFC000  }
0x5e: {  	[hbm4b:s21+s3] =	stream.linear.scatter [tilespmem:s8], [sflag:$0x4], $0x4000, $0x38;
	[tilespmem:$0x9180] =	vst v63  }
0x5f: {  	_ =	swait.ge [sflag:s4], $0x4000  }
0x60: {  	[sflag:s4] =	ssyncset.done $0x0  }
0x61: {  	s22 =	rddreg [dreg:$0x10];
	[sflag:s4] =	ssyncadd.s32 $0xFFFFC000  }
0x62: {  	[tilespmem:s7], [sflag:$0x4] =	stream.linear.gather [hbm4b:s22+s3], $0x80, $0x38;
	[tilespmem:$0x9180] =	vst v63  }
0x63: {  	_ =	swait.ge [sflag:s4], $0x80  }
0x64: {  	[sflag:s4] =	ssyncset.done $0x0  }
0x65: {  	[sflag:s4] =	ssyncadd.s32 $0xFFFFFF80  }
0x66: {  	[tilespmem:s8], [sflag:$0x2] =	stream.indirect.gather [hbm4b:s2+s6], $0x80, s7, s6, $0xb8;
	[tilespmem:$0x9180] =	vst v63  }
0x67: {  	_ =	swait.ge [sflag:s12], $0x4000  }
0x68: {  	[sflag:s12] =	ssyncset.done $0x0  }
0x69: {  	s23 =	rddreg [dreg:$0x11];
	[sflag:s12] =	ssyncadd.s32 $0xFFFFC000  }
0x6a: {  	[hbm4b:s23+s3] =	stream.linear.scatter [tilespmem:s10], [sflag:$0x4], $0x4000, $0x38;
	[tilespmem:$0x9180] =	vst v63  }
0x6b: {  	_ =	swait.ge [sflag:s4], $0x4000  }
0x6c: {  	[sflag:s4] =	ssyncset.done $0x0  }
0x6d: {  	s24 =	rddreg [dreg:$0x12];
	[sflag:s4] =	ssyncadd.s32 $0xFFFFC000  }
0x6e: {  	[tilespmem:s9], [sflag:$0x4] =	stream.linear.gather [hbm4b:s24+s3], $0x80, $0x38;
	[tilespmem:$0x9180] =	vst v63  }
0x6f: {  	_ =	swait.ge [sflag:s4], $0x80  }
0x70: {  	[sflag:s4] =	ssyncset.done $0x0  }
0x71: {  	[sflag:s4] =	ssyncadd.s32 $0xFFFFFF80  }
0x72: {  	[tilespmem:s10], [sflag:$0x3] =	stream.indirect.gather [hbm4b:s2+s6], $0x80, s9, s6, $0xb8;
	[tilespmem:$0x9180] =	vst v63  }
0x73: {  	_ =	swait.ge [sflag:s11], $0x4000  }
0x74: {  	s13 =	sshll.u32 s13, $0x4;
	[sflag:s11] =	ssyncset.done $0x0  }
0x75: {  	s13 =	sadd.s32 s29, s13;
	[sflag:s11] =	ssyncadd.s32 $0xFFFFC000  }
0x76: {  	[hbm4b:s13+s3] =	stream.linear.scatter [tilespmem:s8], [sflag:$0x4], $0x4000, $0x38;
	[tilespmem:$0x9180] =	vst v63  }
0x77: {  	s17 =	sadd.s32 $0x400, s28;
	_ =	swait.ge [sflag:s4], $0x4000  }
0x78: {  	s25 =	sshrl.u32 s17, $0x3;
	[sflag:s4] =	ssyncset.done $0x0  }
0x79: {  	s14 =	sadd.s32 s26, s25;
	[sflag:s4] =	ssyncadd.s32 $0xFFFFC000  }
0x7a: {  	[tilespmem:s7], [sflag:$0x4] =	stream.linear.gather [hbm4b:s14+s3], $0x80, $0x38;
	[tilespmem:$0x9180] =	vst v63  }
0x7b: {  	_ =	swait.ge [sflag:s4], $0x80  }
0x7c: {  	[sflag:s4] =	ssyncset.done $0x0  }
0x7d: {  	[sflag:s4] =	ssyncadd.s32 $0xFFFFFF80  }
0x7e: {  	[tilespmem:s8], [sflag:$0x2] =	stream.indirect.gather [hbm4b:s2+s6], $0x80, s7, s6, $0xb8;
	[tilespmem:$0x9180] =	vst v63  }
0x7f: {  	_ =	swait.ge [sflag:s12], $0x4000  }
0x80: {  	s15 =	sshll.u32 s15, $0x4;
	[sflag:s12] =	ssyncset.done $0x0  }
0x81: {  	s15 =	sadd.s32 s29, s15;
	[sflag:s12] =	ssyncadd.s32 $0xFFFFC000  }
0x82: {  	[hbm4b:s15+s3] =	stream.linear.scatter [tilespmem:s10], [sflag:$0x4], $0x4000, $0x38;
	[tilespmem:$0x9180] =	vst v63  }
0x83: {  	s19 =	sadd.s32 $0x480, s28;
	_ =	swait.ge [sflag:s4], $0x4000  }
0x84: {  	s16 =	sshrl.u32 s19, $0x3;
	[sflag:s4] =	ssyncset.done $0x0  }
0x85: {  	s16 =	sadd.s32 s26, s16;
	[sflag:s4] =	ssyncadd.s32 $0xFFFFC000  }
0x86: {  	[tilespmem:s9], [sflag:$0x4] =	stream.linear.gather [hbm4b:s16+s3], $0x80, $0x38;
	[tilespmem:$0x9180] =	vst v63  }
0x87: {  	_ =	swait.ge [sflag:s4], $0x80  }
0x88: {  	[sflag:s4] =	ssyncset.done $0x0  }
0x89: {  	[sflag:s4] =	ssyncadd.s32 $0xFFFFFF80  }
0x8a: {  	[tilespmem:s10], [sflag:$0x3] =	stream.indirect.gather [hbm4b:s2+s6], $0x80, s9, s6, $0xb8;
	[tilespmem:$0x9180] =	vst v63  }
0x8b: {  	_ =	swait.ge [sflag:s11], $0x4000  }
0x8c: {  	s17 =	sshll.u32 s17, $0x4;
	[sflag:s11] =	ssyncset.done $0x0  }
0x8d: {  	s17 =	sadd.s32 s29, s17;
	[sflag:s11] =	ssyncadd.s32 $0xFFFFC000  }
0x8e: {  	[hbm4b:s17+s3] =	stream.linear.scatter [tilespmem:s8], [sflag:$0x4], $0x4000, $0x38;
	[tilespmem:$0x9180] =	vst v63  }
0x8f: {  	s21 =	sadd.s32 $0x500, s28;
	_ =	swait.ge [sflag:s4], $0x4000  }
0x90: {  	s18 =	sshrl.u32 s21, $0x3;
	[sflag:s4] =	ssyncset.done $0x0  }
0x91: {  	s18 =	sadd.s32 s26, s18;
	[sflag:s4] =	ssyncadd.s32 $0xFFFFC000  }
0x92: {  	[tilespmem:s7], [sflag:$0x4] =	stream.linear.gather [hbm4b:s18+s3], $0x80, $0x38;
	[tilespmem:$0x9180] =	vst v63  }
0x93: {  	_ =	swait.ge [sflag:s4], $0x80  }
0x94: {  	[sflag:s4] =	ssyncset.done $0x0  }
0x95: {  	[sflag:s4] =	ssyncadd.s32 $0xFFFFFF80  }
0x96: {  	[tilespmem:s8], [sflag:$0x2] =	stream.indirect.gather [hbm4b:s2+s6], $0x80, s7, s6, $0xb8;
	[tilespmem:$0x9180] =	vst v63  }
0x97: {  	_ =	swait.ge [sflag:s12], $0x4000  }
0x98: {  	s19 =	sshll.u32 s19, $0x4;
	[sflag:s12] =	ssyncset.done $0x0  }
0x99: {  	s19 =	sadd.s32 s29, s19;
	[sflag:s12] =	ssyncadd.s32 $0xFFFFC000  }
0x9a: {  	[hbm4b:s19+s3] =	stream.linear.scatter [tilespmem:s10], [sflag:$0x4], $0x4000, $0x38;
	[tilespmem:$0x9180] =	vst v63  }
0x9b: {  	s23 =	sadd.s32 $0x580, s28;
	_ =	swait.ge [sflag:s4], $0x4000  }
0x9c: {  	s20 =	sshrl.u32 s23, $0x3;
	[sflag:s4] =	ssyncset.done $0x0  }
0x9d: {  	s20 =	sadd.s32 s26, s20;
	[sflag:s4] =	ssyncadd.s32 $0xFFFFC000  }
0x9e: {  	[tilespmem:s9], [sflag:$0x4] =	stream.linear.gather [hbm4b:s20+s3], $0x80, $0x38;
	[tilespmem:$0x9180] =	vst v63  }
0x9f: {  	_ =	swait.ge [sflag:s4], $0x80  }
0xa0: {  	[sflag:s4] =	ssyncset.done $0x0  }
0xa1: {  	[sflag:s4] =	ssyncadd.s32 $0xFFFFFF80  }
0xa2: {  	[tilespmem:s10], [sflag:$0x3] =	stream.indirect.gather [hbm4b:s2+s6], $0x80, s9, s6, $0xb8;
	[tilespmem:$0x9180] =	vst v63  }
0xa3: {  	_ =	swait.ge [sflag:s11], $0x4000  }
0xa4: {  	s21 =	sshll.u32 s21, $0x4;
	[sflag:s11] =	ssyncset.done $0x0  }
0xa5: {  	s21 =	sadd.s32 s29, s21;
	[sflag:s11] =	ssyncadd.s32 $0xFFFFC000  }
0xa6: {  	[hbm4b:s21+s3] =	stream.linear.scatter [tilespmem:s8], [sflag:$0x4], $0x4000, $0x38;
	[tilespmem:$0x9180] =	vst v63  }
0xa7: {  	s25 =	sadd.s32 $0x600, s28;
	_ =	swait.ge [sflag:s4], $0x4000  }
0xa8: {  	s22 =	sshrl.u32 s25, $0x3;
	[sflag:s4] =	ssyncset.done $0x0  }
0xa9: {  	s22 =	sadd.s32 s26, s22;
	[sflag:s4] =	ssyncadd.s32 $0xFFFFC000  }
0xaa: {  	[tilespmem:s7], [sflag:$0x4] =	stream.linear.gather [hbm4b:s22+s3], $0x80, $0x38;
	[tilespmem:$0x9180] =	vst v63  }
0xab: {  	_ =	swait.ge [sflag:s4], $0x80  }
0xac: {  	[sflag:s4] =	ssyncset.done $0x0  }
0xad: {  	[sflag:s4] =	ssyncadd.s32 $0xFFFFFF80  }
0xae: {  	[tilespmem:s8], [sflag:$0x2] =	stream.indirect.gather [hbm4b:s2+s6], $0x80, s7, s6, $0xb8;
	[tilespmem:$0x9180] =	vst v63  }
0xaf: {  	_ =	swait.ge [sflag:s12], $0x4000  }
0xb0: {  	s23 =	sshll.u32 s23, $0x4;
	[sflag:s12] =	ssyncset.done $0x0  }
0xb1: {  	s23 =	sadd.s32 s29, s23;
	[sflag:s12] =	ssyncadd.s32 $0xFFFFC000  }
0xb2: {  	[hbm4b:s23+s3] =	stream.linear.scatter [tilespmem:s10], [sflag:$0x4], $0x4000, $0x38;
	[tilespmem:$0x9180] =	vst v63  }
0xb3: {  	s1 =	sadd.s32 $0x680, s28;
	_ =	swait.ge [sflag:s4], $0x4000  }
0xb4: {  	s24 =	sshrl.u32 s1, $0x3;
	[sflag:s4] =	ssyncset.done $0x0  }
0xb5: {  	s24 =	sadd.s32 s26, s24;
	[sflag:s4] =	ssyncadd.s32 $0xFFFFC000  }
0xb6: {  	[tilespmem:s9], [sflag:$0x4] =	stream.linear.gather [hbm4b:s24+s3], $0x80, $0x38;
	[tilespmem:$0x9180] =	vst v63  }
0xb7: {  	_ =	swait.ge [sflag:s4], $0x80  }
0xb8: {  	[sflag:s4] =	ssyncset.done $0x0  }
0xb9: {  	[sflag:s4] =	ssyncadd.s32 $0xFFFFFF80  }
0xba: {  	[tilespmem:s10], [sflag:$0x3] =	stream.indirect.gather [hbm4b:s2+s6], $0x80, s9, s6, $0xb8;
	[tilespmem:$0x9180] =	vst v63  }
0xbb: {  	_ =	swait.ge [sflag:s11], $0x4000  }
0xbc: {  	s25 =	sshll.u32 s25, $0x4;
	[sflag:s11] =	ssyncset.done $0x0  }
0xbd: {  	s25 =	sadd.s32 s29, s25;
	[sflag:s11] =	ssyncadd.s32 $0xFFFFC000  }
0xbe: {  	[hbm4b:s25+s3] =	stream.linear.scatter [tilespmem:s8], [sflag:$0x4], $0x4000, $0x38;
	[tilespmem:$0x9180] =	vst v63  }
0xbf: {  	s0 =	sadd.s32 $0x700, s28;
	_ =	swait.ge [sflag:s4], $0x4000  }
0xc0: {  	s28 =	sshrl.u32 s0, $0x3;
	[sflag:s4] =	ssyncset.done $0x0  }
0xc1: {  	s26 =	sadd.s32 s26, s28;
	[sflag:s4] =	ssyncadd.s32 $0xFFFFC000  }
0xc2: {  	[tilespmem:s7], [sflag:$0x4] =	stream.linear.gather [hbm4b:s26+s3], $0x80, $0x38;
	[tilespmem:$0x9180] =	vst v63  }
0xc3: {  	_ =	swait.ge [sflag:s4], $0x80  }
0xc4: {  	[sflag:s4] =	ssyncset.done $0x0  }
0xc5: {  	[sflag:s4] =	ssyncadd.s32 $0xFFFFFF80  }
0xc6: {  	[tilespmem:s8], [sflag:$0x2] =	stream.indirect.gather [hbm4b:s2+s6], $0x80, s7, s6, $0xb8;
	[tilespmem:$0x9180] =	vst v63  }
0xc7: {  	_ =	swait.ge [sflag:s12], $0x4000  }
0xc8: {  	s1 =	sshll.u32 s1, $0x4;
	[sflag:s12] =	ssyncset.done $0x0  }
0xc9: {  	s28 =	sadd.s32 s29, s1;
	[sflag:s12] =	ssyncadd.s32 $0xFFFFC000  }
0xca: {  	[hbm4b:s28+s3] =	stream.linear.scatter [tilespmem:s10], [sflag:$0x4], $0x4000, $0x38;
	[tilespmem:$0x9180] =	vst v63  }
0xcb: {  	_ =	swait.ge [sflag:s4], $0x4000  }
0xcc: {  	[sflag:s4] =	ssyncset.done $0x0  }
0xcd: {  	[sflag:s4] =	ssyncadd.s32 $0xFFFFC000  }
0xce: {  	_ =	swait.ge [sflag:s11], $0x4000  }
0xcf: {  	s0 =	sshll.u32 s0, $0x4;
	[sflag:s11] =	ssyncset.done $0x0  }
0xd0: {  	s29 =	sadd.s32 s29, s0;
	s0 =	ssub.s32 $0x2, s30;
	[sflag:s11] =	ssyncadd.s32 $0xFFFFC000  }
0xd1: {  	[hbm4b:s29+s3] =	stream.linear.scatter [tilespmem:s8], [sflag:$0x4], $0x4000, $0x38;
	[tilespmem:$0x9180] =	vst v63  }
0xd2: {  	s1 =	sshrl.u32 s0, $0x1;
	_ =	swait.ge [sflag:s4], $0x4000  }
0xd3: {  	s0 =	ssub.s32 s0, s1;
	[sflag:s4] =	ssyncset.done $0x0  }
0xd4: {  	s30 =	simm.s32 $0x1;
	s0 =	smax.u32 s0, $0x1;
	[sflag:s4] =	ssyncadd.s32 $0xFFFFC000  }
0xd5: {  	p0 =	sne.s32 s0, $0x1;
	_ =	swait.ge [sflag:s30], $0x1000  }
.Ltmp0:
0xd6: {  	[sflag:s30] =	ssyncset.done $0x0;
	(pc) =	sbr.rel @!p0 .LBB2_2-.Ltmp0, $4  }
0xd7: {  	s1 =	sshll.u32 s31, $0x9;
	s31 =	rddreg [dreg:$0x2]  }
0xd8: {  	[sflag:s30] =	ssyncadd.s32 $0xFFFFF000;
	s31 =	sadd.s32 s31, s1  }
0xd9: {  	[hbm4b:s31+s3] =	stream.linear.scatter [tilespmem:s6], [sflag:$0x4], $0x1000, $0x38;
	[tilespmem:$0x9180] =	vst v63  }
0xda: {  	s1 =	sadd.s32 $0xFFFFFFFF, s0;
	_ =	swait.ge [sflag:s4], $0x1000  }
.LBB2_1:
0xdb: {  	[sflag:s4] =	ssyncset.done $0x0  }
0xdc: {  	s0 =	rddreg [dreg:$0x4];
	[sflag:s4] =	ssyncadd.s32 $0xFFFFF000  }
0xdd: {  	[tilespmem:s3], [sflag:$0x4] =	stream.linear.gather [hbm4b:s0+s3], $0x20, $0x38;
	[tilespmem:$0x9180] =	vst v63  }
0xde: {  	_ =	swait.ge [sflag:s4], $0x20  }
0xdf: {  	[sflag:s4] =	ssyncset.done $0x0  }
0xe0: {  	[sflag:s4] =	ssyncadd.s32 $0xFFFFFFE0  }
0xe1: {  	[tilespmem:s6], [sflag:$0x1] =	stream.indirect.gather [hbm4b:s2+s5], $0x80, s3, s5, $0xb8;
	[tilespmem:$0x9180] =	vst v63  }
0xe2: {  	s0 =	rddreg [dreg:$0x5]  }
0xe3: {  	[tilespmem:s7], [sflag:$0x4] =	stream.linear.gather [hbm4b:s0+s3], $0x80, $0x38;
	[tilespmem:$0x9180] =	vst v63  }
0xe4: {  	_ =	swait.ge [sflag:s4], $0x80  }
0xe5: {  	[sflag:s4] =	ssyncset.done $0x0  }
0xe6: {  	[sflag:s4] =	ssyncadd.s32 $0xFFFFFF80  }
0xe7: {  	[tilespmem:s8], [sflag:$0x2] =	stream.indirect.gather [hbm4b:s2+s6], $0x80, s7, s6, $0xb8;
	[tilespmem:$0x9180] =	vst v63  }
0xe8: {  	s0 =	rddreg [dreg:$0x6]  }
0xe9: {  	[tilespmem:s9], [sflag:$0x4] =	stream.linear.gather [hbm4b:s0+s3], $0x80, $0x38;
	[tilespmem:$0x9180] =	vst v63  }
0xea: {  	_ =	swait.ge [sflag:s4], $0x80  }
0xeb: {  	[sflag:s4] =	ssyncset.done $0x0  }
0xec: {  	[sflag:s4] =	ssyncadd.s32 $0xFFFFFF80  }
0xed: {  	[tilespmem:s10], [sflag:$0x3] =	stream.indirect.gather [hbm4b:s2+s6], $0x80, s9, s6, $0xb8;
	[tilespmem:$0x9180] =	vst v63  }
0xee: {  	_ =	swait.ge [sflag:s11], $0x4000  }
0xef: {  	[sflag:s11] =	ssyncset.done $0x0  }
0xf0: {  	s0 =	rddreg [dreg:$0x7];
	[sflag:s11] =	ssyncadd.s32 $0xFFFFC000  }
0xf1: {  	[hbm4b:s0+s3] =	stream.linear.scatter [tilespmem:s8], [sflag:$0x4], $0x4000, $0x38;
	[tilespmem:$0x9180] =	vst v63  }
0xf2: {  	_ =	swait.ge [sflag:s4], $0x4000  }
0xf3: {  	[sflag:s4] =	ssyncset.done $0x0  }
0xf4: {  	s0 =	rddreg [dreg:$0x8];
	[sflag:s4] =	ssyncadd.s32 $0xFFFFC000  }
0xf5: {  	[tilespmem:s7], [sflag:$0x4] =	stream.linear.gather [hbm4b:s0+s3], $0x80, $0x38;
	[tilespmem:$0x9180] =	vst v63  }
0xf6: {  	_ =	swait.ge [sflag:s4], $0x80  }
0xf7: {  	[sflag:s4] =	ssyncset.done $0x0  }
0xf8: {  	[sflag:s4] =	ssyncadd.s32 $0xFFFFFF80  }
0xf9: {  	[tilespmem:s8], [sflag:$0x2] =	stream.indirect.gather [hbm4b:s2+s6], $0x80, s7, s6, $0xb8;
	[tilespmem:$0x9180] =	vst v63  }
0xfa: {  	_ =	swait.ge [sflag:s12], $0x4000  }
0xfb: {  	[sflag:s12] =	ssyncset.done $0x0  }
0xfc: {  	s0 =	rddreg [dreg:$0x9];
	[sflag:s12] =	ssyncadd.s32 $0xFFFFC000  }
0xfd: {  	[hbm4b:s0+s3] =	stream.linear.scatter [tilespmem:s10], [sflag:$0x4], $0x4000, $0x38;
	[tilespmem:$0x9180] =	vst v63  }
0xfe: {  	_ =	swait.ge [sflag:s4], $0x4000  }
0xff: {  	[sflag:s4] =	ssyncset.done $0x0  }
0x100: {  	s0 =	rddreg [dreg:$0xa];
	[sflag:s4] =	ssyncadd.s32 $0xFFFFC000  }
0x101: {  	[tilespmem:s9], [sflag:$0x4] =	stream.linear.gather [hbm4b:s0+s3], $0x80, $0x38;
	[tilespmem:$0x9180] =	vst v63  }
0x102: {  	_ =	swait.ge [sflag:s4], $0x80  }
0x103: {  	[sflag:s4] =	ssyncset.done $0x0  }
0x104: {  	[sflag:s4] =	ssyncadd.s32 $0xFFFFFF80  }
0x105: {  	[tilespmem:s10], [sflag:$0x3] =	stream.indirect.gather [hbm4b:s2+s6], $0x80, s9, s6, $0xb8;
	[tilespmem:$0x9180] =	vst v63  }
0x106: {  	_ =	swait.ge [sflag:s11], $0x4000  }
0x107: {  	[sflag:s11] =	ssyncset.done $0x0  }
0x108: {  	s0 =	rddreg [dreg:$0xb];
	[sflag:s11] =	ssyncadd.s32 $0xFFFFC000  }
0x109: {  	[hbm4b:s0+s3] =	stream.linear.scatter [tilespmem:s8], [sflag:$0x4], $0x4000, $0x38;
	[tilespmem:$0x9180] =	vst v63  }
0x10a: {  	_ =	swait.ge [sflag:s4], $0x4000  }
0x10b: {  	[sflag:s4] =	ssyncset.done $0x0  }
0x10c: {  	s0 =	rddreg [dreg:$0xc];
	[sflag:s4] =	ssyncadd.s32 $0xFFFFC000  }
0x10d: {  	[tilespmem:s7], [sflag:$0x4] =	stream.linear.gather [hbm4b:s0+s3], $0x80, $0x38;
	[tilespmem:$0x9180] =	vst v63  }
0x10e: {  	_ =	swait.ge [sflag:s4], $0x80  }
0x10f: {  	[sflag:s4] =	ssyncset.done $0x0  }
0x110: {  	[sflag:s4] =	ssyncadd.s32 $0xFFFFFF80  }
0x111: {  	[tilespmem:s8], [sflag:$0x2] =	stream.indirect.gather [hbm4b:s2+s6], $0x80, s7, s6, $0xb8;
	[tilespmem:$0x9180] =	vst v63  }
0x112: {  	_ =	swait.ge [sflag:s12], $0x4000  }
0x113: {  	[sflag:s12] =	ssyncset.done $0x0  }
0x114: {  	s0 =	rddreg [dreg:$0xd];
	[sflag:s12] =	ssyncadd.s32 $0xFFFFC000  }
0x115: {  	[hbm4b:s0+s3] =	stream.linear.scatter [tilespmem:s10], [sflag:$0x4], $0x4000, $0x38;
	[tilespmem:$0x9180] =	vst v63  }
0x116: {  	_ =	swait.ge [sflag:s4], $0x4000  }
0x117: {  	[sflag:s4] =	ssyncset.done $0x0  }
0x118: {  	s0 =	rddreg [dreg:$0xe];
	[sflag:s4] =	ssyncadd.s32 $0xFFFFC000  }
0x119: {  	[tilespmem:s9], [sflag:$0x4] =	stream.linear.gather [hbm4b:s0+s3], $0x80, $0x38;
	[tilespmem:$0x9180] =	vst v63  }
0x11a: {  	_ =	swait.ge [sflag:s4], $0x80  }
0x11b: {  	[sflag:s4] =	ssyncset.done $0x0  }
0x11c: {  	[sflag:s4] =	ssyncadd.s32 $0xFFFFFF80  }
0x11d: {  	[tilespmem:s10], [sflag:$0x3] =	stream.indirect.gather [hbm4b:s2+s6], $0x80, s9, s6, $0xb8;
	[tilespmem:$0x9180] =	vst v63  }
0x11e: {  	_ =	swait.ge [sflag:s11], $0x4000  }
0x11f: {  	[sflag:s11] =	ssyncset.done $0x0  }
0x120: {  	s0 =	rddreg [dreg:$0xf];
	[sflag:s11] =	ssyncadd.s32 $0xFFFFC000  }
0x121: {  	[hbm4b:s0+s3] =	stream.linear.scatter [tilespmem:s8], [sflag:$0x4], $0x4000, $0x38;
	[tilespmem:$0x9180] =	vst v63  }
0x122: {  	_ =	swait.ge [sflag:s4], $0x4000  }
0x123: {  	[sflag:s4] =	ssyncset.done $0x0  }
0x124: {  	s0 =	rddreg [dreg:$0x10];
	[sflag:s4] =	ssyncadd.s32 $0xFFFFC000  }
0x125: {  	[tilespmem:s7], [sflag:$0x4] =	stream.linear.gather [hbm4b:s0+s3], $0x80, $0x38;
	[tilespmem:$0x9180] =	vst v63  }
0x126: {  	_ =	swait.ge [sflag:s4], $0x80  }
0x127: {  	[sflag:s4] =	ssyncset.done $0x0  }
0x128: {  	[sflag:s4] =	ssyncadd.s32 $0xFFFFFF80  }
0x129: {  	[tilespmem:s8], [sflag:$0x2] =	stream.indirect.gather [hbm4b:s2+s6], $0x80, s7, s6, $0xb8;
	[tilespmem:$0x9180] =	vst v63  }
0x12a: {  	_ =	swait.ge [sflag:s12], $0x4000  }
0x12b: {  	[sflag:s12] =	ssyncset.done $0x0  }
0x12c: {  	s0 =	rddreg [dreg:$0x11];
	[sflag:s12] =	ssyncadd.s32 $0xFFFFC000  }
0x12d: {  	[hbm4b:s0+s3] =	stream.linear.scatter [tilespmem:s10], [sflag:$0x4], $0x4000, $0x38;
	[tilespmem:$0x9180] =	vst v63  }
0x12e: {  	_ =	swait.ge [sflag:s4], $0x4000  }
0x12f: {  	[sflag:s4] =	ssyncset.done $0x0  }
0x130: {  	s0 =	rddreg [dreg:$0x12];
	[sflag:s4] =	ssyncadd.s32 $0xFFFFC000  }
0x131: {  	[tilespmem:s9], [sflag:$0x4] =	stream.linear.gather [hbm4b:s0+s3], $0x80, $0x38;
	[tilespmem:$0x9180] =	vst v63  }
0x132: {  	_ =	swait.ge [sflag:s4], $0x80  }
0x133: {  	[sflag:s4] =	ssyncset.done $0x0  }
0x134: {  	[sflag:s4] =	ssyncadd.s32 $0xFFFFFF80  }
0x135: {  	[tilespmem:s10], [sflag:$0x3] =	stream.indirect.gather [hbm4b:s2+s6], $0x80, s9, s6, $0xb8;
	[tilespmem:$0x9180] =	vst v63  }
0x136: {  	_ =	swait.ge [sflag:s11], $0x4000  }
0x137: {  	[sflag:s11] =	ssyncset.done $0x0  }
0x138: {  	[sflag:s11] =	ssyncadd.s32 $0xFFFFC000  }
0x139: {  	[hbm4b:s13+s3] =	stream.linear.scatter [tilespmem:s8], [sflag:$0x4], $0x4000, $0x38;
	[tilespmem:$0x9180] =	vst v63  }
0x13a: {  	_ =	swait.ge [sflag:s4], $0x4000  }
0x13b: {  	[sflag:s4] =	ssyncset.done $0x0  }
0x13c: {  	[sflag:s4] =	ssyncadd.s32 $0xFFFFC000  }
0x13d: {  	[tilespmem:s7], [sflag:$0x4] =	stream.linear.gather [hbm4b:s14+s3], $0x80, $0x38;
	[tilespmem:$0x9180] =	vst v63  }
0x13e: {  	_ =	swait.ge [sflag:s4], $0x80  }
0x13f: {  	[sflag:s4] =	ssyncset.done $0x0  }
0x140: {  	[sflag:s4] =	ssyncadd.s32 $0xFFFFFF80  }
0x141: {  	[tilespmem:s8], [sflag:$0x2] =	stream.indirect.gather [hbm4b:s2+s6], $0x80, s7, s6, $0xb8;
	[tilespmem:$0x9180] =	vst v63  }
0x142: {  	_ =	swait.ge [sflag:s12], $0x4000  }
0x143: {  	[sflag:s12] =	ssyncset.done $0x0  }
0x144: {  	[sflag:s12] =	ssyncadd.s32 $0xFFFFC000  }
0x145: {  	[hbm4b:s15+s3] =	stream.linear.scatter [tilespmem:s10], [sflag:$0x4], $0x4000, $0x38;
	[tilespmem:$0x9180] =	vst v63  }
0x146: {  	_ =	swait.ge [sflag:s4], $0x4000  }
0x147: {  	[sflag:s4] =	ssyncset.done $0x0  }
0x148: {  	[sflag:s4] =	ssyncadd.s32 $0xFFFFC000  }
0x149: {  	[tilespmem:s9], [sflag:$0x4] =	stream.linear.gather [hbm4b:s16+s3], $0x80, $0x38;
	[tilespmem:$0x9180] =	vst v63  }
0x14a: {  	_ =	swait.ge [sflag:s4], $0x80  }
0x14b: {  	[sflag:s4] =	ssyncset.done $0x0  }
0x14c: {  	[sflag:s4] =	ssyncadd.s32 $0xFFFFFF80  }
0x14d: {  	[tilespmem:s10], [sflag:$0x3] =	stream.indirect.gather [hbm4b:s2+s6], $0x80, s9, s6, $0xb8;
	[tilespmem:$0x9180] =	vst v63  }
0x14e: {  	_ =	swait.ge [sflag:s11], $0x4000  }
0x14f: {  	[sflag:s11] =	ssyncset.done $0x0  }
0x150: {  	[sflag:s11] =	ssyncadd.s32 $0xFFFFC000  }
0x151: {  	[hbm4b:s17+s3] =	stream.linear.scatter [tilespmem:s8], [sflag:$0x4], $0x4000, $0x38;
	[tilespmem:$0x9180] =	vst v63  }
0x152: {  	_ =	swait.ge [sflag:s4], $0x4000  }
0x153: {  	[sflag:s4] =	ssyncset.done $0x0  }
0x154: {  	[sflag:s4] =	ssyncadd.s32 $0xFFFFC000  }
0x155: {  	[tilespmem:s7], [sflag:$0x4] =	stream.linear.gather [hbm4b:s18+s3], $0x80, $0x38;
	[tilespmem:$0x9180] =	vst v63  }
0x156: {  	_ =	swait.ge [sflag:s4], $0x80  }
0x157: {  	[sflag:s4] =	ssyncset.done $0x0  }
0x158: {  	[sflag:s4] =	ssyncadd.s32 $0xFFFFFF80  }
0x159: {  	[tilespmem:s8], [sflag:$0x2] =	stream.indirect.gather [hbm4b:s2+s6], $0x80, s7, s6, $0xb8;
	[tilespmem:$0x9180] =	vst v63  }
0x15a: {  	_ =	swait.ge [sflag:s12], $0x4000  }
0x15b: {  	[sflag:s12] =	ssyncset.done $0x0  }
0x15c: {  	[sflag:s12] =	ssyncadd.s32 $0xFFFFC000  }
0x15d: {  	[hbm4b:s19+s3] =	stream.linear.scatter [tilespmem:s10], [sflag:$0x4], $0x4000, $0x38;
	[tilespmem:$0x9180] =	vst v63  }
0x15e: {  	_ =	swait.ge [sflag:s4], $0x4000  }
0x15f: {  	[sflag:s4] =	ssyncset.done $0x0  }
0x160: {  	[sflag:s4] =	ssyncadd.s32 $0xFFFFC000  }
0x161: {  	[tilespmem:s9], [sflag:$0x4] =	stream.linear.gather [hbm4b:s20+s3], $0x80, $0x38;
	[tilespmem:$0x9180] =	vst v63  }
0x162: {  	_ =	swait.ge [sflag:s4], $0x80  }
0x163: {  	[sflag:s4] =	ssyncset.done $0x0  }
0x164: {  	[sflag:s4] =	ssyncadd.s32 $0xFFFFFF80  }
0x165: {  	[tilespmem:s10], [sflag:$0x3] =	stream.indirect.gather [hbm4b:s2+s6], $0x80, s9, s6, $0xb8;
	[tilespmem:$0x9180] =	vst v63  }
0x166: {  	_ =	swait.ge [sflag:s11], $0x4000  }
0x167: {  	[sflag:s11] =	ssyncset.done $0x0  }
0x168: {  	[sflag:s11] =	ssyncadd.s32 $0xFFFFC000  }
0x169: {  	[hbm4b:s21+s3] =	stream.linear.scatter [tilespmem:s8], [sflag:$0x4], $0x4000, $0x38;
	[tilespmem:$0x9180] =	vst v63  }
0x16a: {  	_ =	swait.ge [sflag:s4], $0x4000  }
0x16b: {  	[sflag:s4] =	ssyncset.done $0x0  }
0x16c: {  	[sflag:s4] =	ssyncadd.s32 $0xFFFFC000  }
0x16d: {  	[tilespmem:s7], [sflag:$0x4] =	stream.linear.gather [hbm4b:s22+s3], $0x80, $0x38;
	[tilespmem:$0x9180] =	vst v63  }
0x16e: {  	_ =	swait.ge [sflag:s4], $0x80  }
0x16f: {  	[sflag:s4] =	ssyncset.done $0x0  }
0x170: {  	[sflag:s4] =	ssyncadd.s32 $0xFFFFFF80  }
0x171: {  	[tilespmem:s8], [sflag:$0x2] =	stream.indirect.gather [hbm4b:s2+s6], $0x80, s7, s6, $0xb8;
	[tilespmem:$0x9180] =	vst v63  }
0x172: {  	_ =	swait.ge [sflag:s12], $0x4000  }
0x173: {  	[sflag:s12] =	ssyncset.done $0x0  }
0x174: {  	[sflag:s12] =	ssyncadd.s32 $0xFFFFC000  }
0x175: {  	[hbm4b:s23+s3] =	stream.linear.scatter [tilespmem:s10], [sflag:$0x4], $0x4000, $0x38;
	[tilespmem:$0x9180] =	vst v63  }
0x176: {  	_ =	swait.ge [sflag:s4], $0x4000  }
0x177: {  	[sflag:s4] =	ssyncset.done $0x0  }
0x178: {  	[sflag:s4] =	ssyncadd.s32 $0xFFFFC000  }
0x179: {  	[tilespmem:s9], [sflag:$0x4] =	stream.linear.gather [hbm4b:s24+s3], $0x80, $0x38;
	[tilespmem:$0x9180] =	vst v63  }
0x17a: {  	_ =	swait.ge [sflag:s4], $0x80  }
0x17b: {  	[sflag:s4] =	ssyncset.done $0x0  }
0x17c: {  	[sflag:s4] =	ssyncadd.s32 $0xFFFFFF80  }
0x17d: {  	[tilespmem:s10], [sflag:$0x3] =	stream.indirect.gather [hbm4b:s2+s6], $0x80, s9, s6, $0xb8;
	[tilespmem:$0x9180] =	vst v63  }
0x17e: {  	_ =	swait.ge [sflag:s11], $0x4000  }
0x17f: {  	[sflag:s11] =	ssyncset.done $0x0  }
0x180: {  	[sflag:s11] =	ssyncadd.s32 $0xFFFFC000  }
0x181: {  	[hbm4b:s25+s3] =	stream.linear.scatter [tilespmem:s8], [sflag:$0x4], $0x4000, $0x38;
	[tilespmem:$0x9180] =	vst v63  }
0x182: {  	_ =	swait.ge [sflag:s4], $0x4000  }
0x183: {  	[sflag:s4] =	ssyncset.done $0x0  }
0x184: {  	[sflag:s4] =	ssyncadd.s32 $0xFFFFC000  }
0x185: {  	[tilespmem:s7], [sflag:$0x4] =	stream.linear.gather [hbm4b:s26+s3], $0x80, $0x38;
	[tilespmem:$0x9180] =	vst v63  }
0x186: {  	_ =	swait.ge [sflag:s4], $0x80  }
0x187: {  	[sflag:s4] =	ssyncset.done $0x0  }
0x188: {  	[sflag:s4] =	ssyncadd.s32 $0xFFFFFF80  }
0x189: {  	[tilespmem:s8], [sflag:$0x2] =	stream.indirect.gather [hbm4b:s2+s6], $0x80, s7, s6, $0xb8;
	[tilespmem:$0x9180] =	vst v63  }
0x18a: {  	_ =	swait.ge [sflag:s12], $0x4000  }
0x18b: {  	[sflag:s12] =	ssyncset.done $0x0  }
0x18c: {  	[sflag:s12] =	ssyncadd.s32 $0xFFFFC000  }
0x18d: {  	[hbm4b:s28+s3] =	stream.linear.scatter [tilespmem:s10], [sflag:$0x4], $0x4000, $0x38;
	[tilespmem:$0x9180] =	vst v63  }
0x18e: {  	_ =	swait.ge [sflag:s4], $0x4000  }
0x18f: {  	[sflag:s4] =	ssyncset.done $0x0  }
0x190: {  	[sflag:s4] =	ssyncadd.s32 $0xFFFFC000  }
0x191: {  	_ =	swait.ge [sflag:s11], $0x4000  }
0x192: {  	[sflag:s11] =	ssyncset.done $0x0  }
0x193: {  	[sflag:s11] =	ssyncadd.s32 $0xFFFFC000  }
0x194: {  	[hbm4b:s29+s3] =	stream.linear.scatter [tilespmem:s8], [sflag:$0x4], $0x4000, $0x38;
	[tilespmem:$0x9180] =	vst v63  }
0x195: {  	_ =	swait.ge [sflag:s4], $0x4000  }
0x196: {  	[sflag:s4] =	ssyncset.done $0x0  }
0x197: {  	p0 =	sne.s32 s1, $0x1;
	[sflag:s4] =	ssyncadd.s32 $0xFFFFC000  }
.Ltmp1:
0x198: {  	_ =	swait.ge [sflag:s30], $0x1000;
	(pc) =	sbr.rel @p0 .LBB2_1-.Ltmp1, $4  }
0x199: {  	[sflag:s30] =	ssyncset.done $0x0  }
0x19a: {  	[sflag:s30] =	ssyncadd.s32 $0xFFFFF000  }
0x19b: {  	[hbm4b:s31+s3] =	stream.linear.scatter [tilespmem:s6], [sflag:$0x4], $0x1000, $0x38;
	[tilespmem:$0x9180] =	vst v63  }
0x19c: {  	s1 =	sadd.s32 $0xFFFFFFFF, s1;
	_ =	swait.ge [sflag:s4], $0x1000  }
.LBB2_2:
0x19d: {  	[sflag:s4] =	ssyncset.done $0x0  }
0x19e: {  	[sflag:s4] =	ssyncadd.s32 $0xFFFFF000  }
0x19f: {  	_ =	sfence.sel $0x180000  }
0x1a0: {  	[bflag:$0x0] =	sbarrier.arrive $0xFFFF  }
0x1a1: {  	_ =	strace $0x9000004A  }
0x1a2: {  	s0 =	stileid.u32;
	[bflag:$0x2] =	sbarrier.arrive $0xFFFF  }
0x1a3: {  	p0 =	sne.s32 s0, $0x0;
	s0 =	rddreg [dreg:$0x3]  }
0x1a4: {  	s0 =	sadd.s32 @!p0 $0x100000, s0  }
0x1a5: {  	[sflag:s0] =	ssyncadd.tile.s32 @!p0 $0x1;
	_ =	shalt  }
.Lfunc_end2:
_tile_overlayer_lowered:
.L_overlay_start_2:
0x1a6: {  	(tag) =	ssettag $0x2  }
0x1a7: {  	s0 =	rddreg [dreg:$0x0];
	s2 =	stileid.u32  }
0x1a8: {  	s1 =	rddreg [dreg:$0x1];
	p0 =	sne.s32 s2, $0x0  }
0x1a9: {  	s3 =	rddreg [dreg:$0x2];
	[bflag:$0x3] =	sbarrier.arrive $0xFFFF;
	s2 =	simm.s32 @!p0 $0x1C04  }
0x1aa: {  	[timem:s3], [sflag:s2] =	dma.local @!p0 [hbm:s0], s1  }
0x1ab: {  	s0 =	simm.s32 @!p0 $0x4  }
0x1ac: {  	_ =	swait.ge @!p0 [sflag:s0], s1  }
0x1ad: {  	s1 =	ssub.s32 @!p0 $0x0, s1;
	[sflag:s0] =	ssyncset.done @!p0 $0x0  }
0x1ae: {  	[sflag:s0] =	ssyncadd.s32 @!p0 s1  }
0x1af: {  	[bflag:$0x3] =	sbarrier.arrive $0xFFFF  }
0x1b0: {  	_ =	shalt  }

// kernel: kernel.14.cloned.1.call-start
scs
__scs_entry_jumppad:
0x0: {  	(pc) =	sbr.rel $0x88, $3  }
0x1: {  	(tag) =	ssettag $0x0;
	lr =	simm.s32 $0x1  }
0x2: {  	[smem:$0x3F95] =	sst lr;
	_ =	strace $0xD0000000  }
0x3: {  	_ = 	snop  }
0x4: {  	_ = 	snop  }
0x5: {  	_ = 	snop  }
0x6: {  	_ = 	snop  }
0x7: {  	_ = 	snop  }
__scs_overlays_trampoline_lowered:
0x8: {  	[smem:$0x3FA4] =	sst s0  }
0x9: {  	[smem:$0x3FA5] =	sst s1  }
0xa: {  	[smem:$0x3FA6] =	sst s2  }
0xb: {  	[smem:$0x3FA7] =	sst s3  }
0xc: {  	[smem:$0x3FA8] =	sst s4  }
0xd: {  	[smem:$0x3FA9] =	sst s5  }
0xe: {  	[smem:$0x3FAA] =	sst s6  }
0xf: {  	[smem:$0x3FAB] =	sst s7  }
0x10: {  	[smem:$0x3FAC] =	sst s8  }
0x11: {  	[smem:$0x3FAD] =	sst s9;
	s0 =	simm.s32 @!p0 $0x0  }
0x12: {  	s1 =	sld [smem:$0x3F93];
	s0 =	simm.s32 @p0 $0x1  }
0x13: {  	[smem:$0x3FAE] =	sst s0;
	s0 =	simm.s32 @!p1 $0x0  }
0x14: {  	s2 =	sld [smem:$0x3F92];
	s0 =	simm.s32 @p1 $0x1  }
0x15: {  	[smem:$0x3FAF] =	sst s0;
	s0 =	simm.s32 @!p2 $0x0  }
0x16: {  	s3 =	sld [smem:$0x3FDB];
	s0 =	simm.s32 @p2 $0x1  }
0x17: {  	s4 =	simm.s32 $0x1BF5;
	[smem:$0x3FB1] =	sst s0  }
0x18: {  	s0 =	sld [smem:$0x3F94];
	_ =	swait.ge [sflag:s4], $0x0  }
0x19: {  	s7 =	sld [smem:$0x3F95]  }
0x1a: {  	s8 =	sadd.s32 $0xFFFFE003, lr  }
0x1b: {  	s9 =	sadd.s32 $0xFFFFFEF7, lr;
	s5 =	simm.s32 $0xFFFFFFFF;
	p2 =	slt.u32 s8, $0xFFFFF086  }
0x1c: {  	p1 =	slt.u32 s9, $0xF7A;
	s5 =	simm.s32 @!p2 $0x0  }
0x1d: {  	s5 =	simm.s32 @p1 $0x1;
	p0 =	seq.s32 s7, s2  }
0x1e: {  	s7 =	smul.u32 @!p0 $0xF7A, s2;
	p2 =	seq.s32 @!p0 s5, $0x0  }
0x1f: {  	s9 =	smul.u32 $0xF7A, s1;
	s8 =	simm.s32 @!p0 $0x1BF5;
	p2 =	por !p2, p0  }
0x20: {  	[sflag:s8] =	ssyncset.s32 @!p0 $0xFFFFF086;
	s6 =	sadd.s32 @!p0 s3, s7;
	s7 =	simm.s32 @!p0 $0x108  }
0x21: {  	s3 =	sadd.s32 s3, s9;
	s6 =	sadd.s32 @!p0 $0x88, s6;
	s7 =	simm.s32 @p2 $0x1082  }
0x22: {  	[simem:s7], [sflag:s8] =	dma.local @!p0 [hbm:s6], $0xF7A  }
0x23: {  	s9 =	sor.u32 $0xD0000000, s2;
	s6 =	simm.s32 $0x108;
	_ =	swait.ge @!p0 [sflag:s8], $0x0  }
0x24: {  	s3 =	sadd.s32 $0x88, s3;
	s6 =	simm.s32 @!p1 $0x1082;
	[sflag:s4] =	ssyncset.s32 $0xFFFFF086  }
0x25: {  	[simem:s6], [sflag:s4] =	dma.local [hbm:s3], $0xF7A  }
0x26: {  	[smem:$0x3F95] =	sst s1;
	(tag) =	ssettag s2;
	_ =	strace s9  }
0x27: {  	s1 =	sld [smem:$0x3FA5]  }
0x28: {  	s2 =	sld [smem:$0x3FA6]  }
0x29: {  	s4 =	sld [smem:$0x3FA8]  }
0x2a: {  	p0 =	seq.s32 s5, $0x0;
	s5 =	sld [smem:$0x3FA9]  }
0x2b: {  	s6 =	sld [smem:$0x3FAA]  }
0x2c: {  	s7 =	sld [smem:$0x3FAB]  }
0x2d: {  	s3 =	simm.s32 $0x108;
	s8 =	sld [smem:$0x3FAC]  }
0x2e: {  	s3 =	simm.s32 @!p0 $0x1082;
	s9 =	sld [smem:$0x3FAD]  }
0x2f: {  	lr =	sadd.s32 s0, s3;
	s0 =	sld [smem:$0x3FA4]  }
0x30: {  	s3 =	sld [smem:$0x3FA7]  }
0x31: {  	[smem:$0x3FB0] =	sst s10  }
0x32: {  	s10 =	sld [smem:$0x3FAE];
	_ =	sdelay $0x3  }
0x33: {  	p0 =	seq.s32 s10, $0x1;
	s10 =	sld [smem:$0x3FB0];
	_ =	sdelay $0x3  }
0x34: {  	[smem:$0x3FB0] =	sst s10  }
0x35: {  	s10 =	sld [smem:$0x3FAF];
	_ =	sdelay $0x3  }
0x36: {  	p1 =	seq.s32 s10, $0x1;
	s10 =	sld [smem:$0x3FB0];
	_ =	sdelay $0x3  }
0x37: {  	[smem:$0x3FB0] =	sst s10  }
0x38: {  	s10 =	sld [smem:$0x3FB1]  }
0x39: {  	_ = 	snop;
	(pc) =	sbr.ind lr, $3  }
0x3a: {  	_ = 	snop  }
0x3b: {  	_ = 	snop  }
0x3c: {  	p2 =	seq.s32 s10, $0x1;
	s10 =	sld [smem:$0x3FB0]  }
0x3d: {  	_ =	shalt  }
0x3e: {  	_ =	shalt  }
0x3f: {  	_ =	shalt  }
0x40: {  	_ =	shalt  }
0x41: {  	_ =	shalt  }
0x42: {  	_ =	shalt  }
0x43: {  	_ =	shalt  }
0x44: {  	_ =	shalt  }
0x45: {  	_ =	shalt  }
0x46: {  	_ =	shalt  }
0x47: {  	_ =	shalt  }
0x48: {  	_ =	shalt  }
0x49: {  	_ =	shalt  }
0x4a: {  	_ =	shalt  }
0x4b: {  	_ =	shalt  }
0x4c: {  	_ =	shalt  }
0x4d: {  	_ =	shalt  }
0x4e: {  	_ =	shalt  }
0x4f: {  	_ =	shalt  }
0x50: {  	_ =	shalt  }
0x51: {  	_ =	shalt  }
0x52: {  	_ =	shalt  }
0x53: {  	_ =	shalt  }
0x54: {  	_ =	shalt  }
0x55: {  	_ =	shalt  }
0x56: {  	_ =	shalt  }
0x57: {  	_ =	shalt  }
0x58: {  	_ =	shalt  }
0x59: {  	_ =	shalt  }
0x5a: {  	_ =	shalt  }
0x5b: {  	_ =	shalt  }
0x5c: {  	_ =	shalt  }
0x5d: {  	_ =	shalt  }
0x5e: {  	_ =	shalt  }
0x5f: {  	_ =	shalt  }
0x60: {  	_ =	shalt  }
0x61: {  	_ =	shalt  }
0x62: {  	_ =	shalt  }
0x63: {  	_ =	shalt  }
0x64: {  	_ =	shalt  }
0x65: {  	_ =	shalt  }
0x66: {  	_ =	shalt  }
0x67: {  	_ =	shalt  }
0x68: {  	_ =	shalt  }
0x69: {  	_ =	shalt  }
0x6a: {  	_ =	shalt  }
0x6b: {  	_ =	shalt  }
0x6c: {  	_ =	shalt  }
0x6d: {  	_ =	shalt  }
0x6e: {  	_ =	shalt  }
0x6f: {  	_ =	shalt  }
0x70: {  	_ =	shalt  }
0x71: {  	_ =	shalt  }
0x72: {  	_ =	shalt  }
0x73: {  	_ =	shalt  }
0x74: {  	_ =	shalt  }
0x75: {  	_ =	shalt  }
0x76: {  	_ =	shalt  }
0x77: {  	_ =	shalt  }
0x78: {  	_ =	shalt  }
0x79: {  	_ =	shalt  }
0x7a: {  	_ =	shalt  }
0x7b: {  	_ =	shalt  }
0x7c: {  	_ =	shalt  }
0x7d: {  	_ =	shalt  }
0x7e: {  	_ =	shalt  }
0x7f: {  	_ =	shalt  }
0x80: {  	_ =	shalt  }
0x81: {  	_ =	shalt  }
0x82: {  	_ =	shalt  }
0x83: {  	_ =	shalt  }
0x84: {  	_ =	shalt  }
0x85: {  	_ =	shalt  }
0x86: {  	_ =	shalt  }
0x87: {  	_ =	shalt  }
.Lfunc_end0:
.L_simem_size_0:
called_computation.2_lowered:
.L_overlay_start_0:
0x88: {  	s2 =	sld [smem:$0x3FD9]  }
0x89: {  	s3 =	sld [smem:$0x3FFE];
	_ =	sdelay $0x1  }
0x8a: {  	s1 =	srdreg.scid  }
0x8b: {  	s0 =	sand.u32 $0x1, s1  }
0x8c: {  	s14 =	sshll.u32 s0, $0xA;
	s2 =	sadd.s32 s3, s2  }
0x8d: {  	s2 =	sadd.s32 s2, s14  }
0x8e: {  	[smem:$0x3FBC] =	sst s2  }
0x8f: {  	_ = 	snop  }
0x90: {  	s2 =	sld [smem:$0x3FD0];
	_ =	sdelay $0x2  }
0x91: {  	s4 =	simm.s32 $0xC;
	s5 =	simm.s32 $0x10;
	s15 =	sld [smem:$0x3FC3]  }
0x92: {  	[smem:s5], [sflag:s4] =	dma.local [hbm:s2], $0x1  }
0x93: {  	_ =	swait.eq [sflag:s4], $0x1  }
0x94: {  	[sflag:s4] =	ssyncset.done $0x0  }
0x95: {  	[sflag:s4] =	ssyncadd.s32 $0xFFFFFFFF  }
0x96: {  	s16 =	sld [smem:$0x12];
	(tm) =	ssettm $0x1  }
0x97: {  	s17 =	sld [smem:$0x3FFB];
	_ =	sdelay $0x3  }
0x98: {  	_ =	strace s17  }
0x99: {  	s4 =	sld [smem:$0x3FFC];
	_ =	sdelay $0x3  }
0x9a: {  	_ =	strace s4  }
0x9b: {  	s4 =	sld [smem:$0x3FFD];
	_ =	sdelay $0x3  }
0x9c: {  	_ =	strace s4  }
0x9d: {  	_ =	strace $0x8FFFFFFF  }
0x9e: {  	s18 =	sld [smem:$0x3FDB];
	_ =	sdelay $0x1  }
0x9f: {  	s19 =	simm.s32 $_scs_section_size  }
0xa0: {  	s6 =	simm.s32 $_size__tile_overlayer_lowered;
	s7 =	simm.s32 $_tile_overlayer_lowered  }
0xa1: {  	s22 =	simm.s32 $0x1BFF;
	s21 =	sshll.u32 s7, $0x1;
	s4 =	sadd.s32 s19, s18  }
0xa2: {  	s8 =	simm.s32 $0x0;
	s20 =	sshll.u32 s6, $0x1;
	s6 =	sadd.s32 s21, s4  }
0xa3: {  	[timem:s8], [sflag:s22] =	dma.local [hbm:s6], s20  }
0xa4: {  	_ =	swait.ge [sflag:s22], s20  }
0xa5: {  	s5 =	ssub.s32 $0x0, s20;
	[sflag:s22] =	ssyncset.done $0x0  }
0xa6: {  	[sflag:s22] =	ssyncadd.s32 s5;
	_ =	sdelay $0x1  }
0xa7: {  	s23 =	simm.s32 $0x1B8B  }
0xa8: {  	_ =	swait.ge [sflag:s23], $0x1  }
0xa9: {  	[sflag:s23] =	ssyncset.done $0x0  }
0xaa: {  	s25 =	simm.s32 $0x1B8E;
	s24 =	sld [smem:$0x3FFE];
	[sflag:s23] =	ssyncadd.s32 $0xFFFFFFFF  }
0xab: {  	s26 =	simm.s32 $execute0_lowered;
	[smem:$0x3FD2] =	sst s25  }
0xac: {  	s6 =	sshll.u32 s26, $0x1;
	_ =	strace $0x80000046;
	[dreg:$0x1] =	wrdreg $0xFFFFFFFF  }
0xad: {  	s28 =	simm.s32 $_size_execute0_lowered;
	s4 =	sadd.s32 s4, s6;
	[dreg:$0x0] =	wrdreg $0x0  }
0xae: {  	s6 =	sshll.u32 s28, $0x1;
	[dreg:$0x2] =	wrdreg s4  }
0xaf: {  	[dreg:$0x3] =	wrdreg s6  }
0xb0: {  	[dreg:$0x4] =	wrdreg $0xC0  }
0xb1: {  	_ =	task [dreg:s8], $0x5FFFF  }
0xb2: {  	[dreg:$0x1] =	wrdreg $0xFFFFFFFF  }
0xb3: {  	[dreg:$0x0] =	wrdreg $0x60  }
0xb4: {  	[dreg:$0x2] =	wrdreg s15  }
0xb5: {  	[dreg:$0x3] =	wrdreg s24  }
0xb6: {  	[dreg:$0x4] =	wrdreg s16  }
0xb7: {  	[dreg:$0x5] =	wrdreg $0xB  }
0xb8: {  	_ =	task.clear_ibuf [dreg:s8], $0x6FFFF;
	_ =	strace $0x90000046  }
0xb9: {  	s29 =	simm.s32 $0xB;
	_ =	strace $0x80000048  }
0xba: {  	_ =	swait.ge [sflag:s29], $0x1  }
0xbb: {  	[sflag:s29] =	ssyncadd.s32 $0xFFFFFFFF  }
0xbc: {  	_ =	strace $0x90000048  }
0xbd: {  	_ =	sfence  }
0xbe: {  	s30 =	sld [smem:$0x0];
	_ =	sdelay $0x2  }
0xbf: {  	s31 =	sshll.u32 s1, $0xD;
	s1 =	sshrl.u32 s1, $0x2  }
0xc0: {  	s3 =	sand.u32 $0x4000, s31;
	s1 =	sadd.s32 s1, s30  }
0xc1: {  	s0 =	sor.u32 s3, s0;
	s1 =	sshll.u32 s1, $0x11  }
0xc2: {  	s0 =	sor.u32 s1, s0  }
0xc3: {  	s0 =	sadd.s32 $0x8F2B, s0  }
0xc4: {  	[sflag:s0] =	ssyncadd.remote.s32 $0x1  }
0xc5: {  	_ =	sfence.sel $0xFFFF  }
0xc6: {  	[dreg:$0x0] =	wrdreg $0xFFFFFFFF;
	(pc) =	sbr.abs _section_cstart, $3  }
0xc7: {  	[dreg:$0x1] =	wrdreg $0xFFFFFFFF  }
0xc8: {  	_ =	task.clear_ibuf [dreg:s8], $0x2FFFF;
	_ =	strace $0x9FFFFFFF  }
0xc9: {  	(tm) =	ssettm $0x7FFFFFFF  }
tec
execute0_lowered:
.L_overlay_start_1:
0x0: {  	(tag) =	ssettag $0x1  }
0x1: {  	s2 =	rddreg [dreg:$0x0]  }
0x2: {  	s4 =	rddreg [dreg:$0x1]  }
0x3: {  	s3 =	srdreg.scid;
	s0 =	stileid.u32  }
0x4: {  	s30 =	sand.u32 $0x1, s3;
	s5 =	sshll.u32 s0, $0x1;
	s3 =	simm.s32 $0x0  }
0x5: {  	s26 =	sadd.s32 $0x3400, s4;
	s29 =	sadd.s32 $0x5200, s4;
	s31 =	sor.u32 s30, s5  }
0x6: {  	[smem:$0x7FF] =	sst s3;
	s5 =	sshll.u32 s31, $0x2;
	s28 =	smul.u32 $0x780, s31  }
0x7: {  	_ =	strace $0x80000047;
	s7 =	smul.u32 $0x7800, s31;
	s5 =	sadd.s32 s5, s4  }
0x8: {  	s9 =	sadd.s32 $0x3200, s5;
	s10 =	sshrl.u32 s28, $0x3;
	s11 =	sadd.s32 $0x80, s28  }
0x9: {  	s13 =	sadd.s32 $0x100, s28;
	s14 =	sadd.s32 s29, s7;
	s18 =	sadd.s32 $0x180, s28  }
0xa: {  	s20 =	sadd.s32 $0x200, s28;
	s25 =	sadd.s32 $0x280, s28;
	[dreg:$0x4] =	wrdreg s9  }
0xb: {  	s4 =	sadd.s32 s26, s10;
	s6 =	sshrl.u32 s11, $0x3;
	[dreg:$0x7] =	wrdreg s14  }
0xc: {  	s15 =	sshrl.u32 s13, $0x3;
	s5 =	sshll.u32 s11, $0x4;
	[dreg:$0x5] =	wrdreg s4  }
0xd: {  	s19 =	sshrl.u32 s18, $0x3;
	s12 =	sadd.s32 s26, s6;
	s11 =	rddreg [dreg:$0x4]  }
0xe: {  	s22 =	sshrl.u32 s20, $0x3;
	s16 =	sadd.s32 s26, s15;
	[dreg:$0x6] =	wrdreg s12  }
0xf: {  	s0 =	sshrl.u32 s25, $0x3;
	s17 =	sadd.s32 s29, s5;
	[dreg:$0x8] =	wrdreg s16  }
0x10: {  	s1 =	sshll.u32 s20, $0x4;
	s4 =	sadd.s32 s26, s19;
	[dreg:$0x9] =	wrdreg s17  }
0x11: {  	s6 =	sshll.u32 s13, $0x4;
	s23 =	sadd.s32 s26, s22;
	[dreg:$0xa] =	wrdreg s4  }
0x12: {  	s5 =	sshll.u32 s18, $0x4;
	s21 =	sadd.s32 s29, s6;
	[dreg:$0xc] =	wrdreg s23  }
0x13: {  	[tilespmem:s3], [sflag:$0x4] =	stream.linear.gather [hbm4b:s11+s3], $0x20, $0x38;
	[tilespmem:$0x9180] =	vst v63  }
0x14: {  	s9 =	sshll.u32 s25, $0x4;
	s24 =	sadd.s32 s29, s5;
	[dreg:$0xb] =	wrdreg s21  }
0x15: {  	s13 =	sadd.s32 $0x300, s28;
	s4 =	sadd.s32 s26, s0;
	[dreg:$0xd] =	wrdreg s24  }
0x16: {  	s6 =	sadd.s32 s29, s1;
	s7 =	sshrl.u32 s13, $0x3;
	[dreg:$0xe] =	wrdreg s4  }
0x17: {  	s15 =	sadd.s32 $0x380, s28;
	[dreg:$0xf] =	wrdreg s6;
	s8 =	sadd.s32 s26, s7  }
0x18: {  	s10 =	sshrl.u32 s15, $0x3;
	s4 =	sadd.s32 s29, s9;
	[dreg:$0x10] =	wrdreg s8  }
0x19: {  	s12 =	sadd.s32 s26, s10;
	[dreg:$0x11] =	wrdreg s4  }
0x1a: {  	[dreg:$0x12] =	wrdreg s12;
	s4 =	simm.s32 $0x4  }
0x1b: {  	_ =	swait.ge [sflag:s4], $0x20  }
0x1c: {  	[sflag:s4] =	ssyncset.done $0x0  }
0x1d: {  	s5 =	simm.s32 $0x20;
	s6 =	simm.s32 $0x80;
	[sflag:s4] =	ssyncadd.s32 $0xFFFFFFE0  }
0x1e: {  	[tilespmem:s6], [sflag:$0x1] =	stream.indirect.gather [hbm4b:s2+s5], $0x80, s3, s5, $0xb8;
	[tilespmem:$0x9180] =	vst v63  }
0x1f: {  	s7 =	simm.s32 $0x1080;
	s8 =	rddreg [dreg:$0x5]  }
0x20: {  	[tilespmem:s7], [sflag:$0x4] =	stream.linear.gather [hbm4b:s8+s3], $0x80, $0x38;
	[tilespmem:$0x9180] =	vst v63  }
0x21: {  	_ =	swait.ge [sflag:s4], $0x80  }
0x22: {  	[sflag:s4] =	ssyncset.done $0x0  }
0x23: {  	s8 =	simm.s32 $0x1180;
	[sflag:s4] =	ssyncadd.s32 $0xFFFFFF80  }
0x24: {  	[tilespmem:s8], [sflag:$0x2] =	stream.indirect.gather [hbm4b:s2+s6], $0x80, s7, s6, $0xb8;
	[tilespmem:$0x9180] =	vst v63  }
0x25: {  	s9 =	simm.s32 $0x1100;
	s10 =	rddreg [dreg:$0x6]  }
0x26: {  	[tilespmem:s9], [sflag:$0x4] =	stream.linear.gather [hbm4b:s10+s3], $0x80, $0x38;
	[tilespmem:$0x9180] =	vst v63  }
0x27: {  	_ =	swait.ge [sflag:s4], $0x80  }
0x28: {  	[sflag:s4] =	ssyncset.done $0x0  }
0x29: {  	s11 =	simm.s32 $0x2;
	s10 =	simm.s32 $0x5180;
	[sflag:s4] =	ssyncadd.s32 $0xFFFFFF80  }
0x2a: {  	[tilespmem:s10], [sflag:$0x3] =	stream.indirect.gather [hbm4b:s2+s6], $0x80, s9, s6, $0xb8;
	[tilespmem:$0x9180] =	vst v63  }
0x2b: {  	_ =	swait.ge [sflag:s11], $0x4000  }
0x2c: {  	[sflag:s11] =	ssyncset.done $0x0  }
0x2d: {  	s12 =	rddreg [dreg:$0x7];
	[sflag:s11] =	ssyncadd.s32 $0xFFFFC000  }
0x2e: {  	[hbm4b:s12+s3] =	stream.linear.scatter [tilespmem:s8], [sflag:$0x4], $0x4000, $0x38;
	[tilespmem:$0x9180] =	vst v63  }
0x2f: {  	_ =	swait.ge [sflag:s4], $0x4000  }
0x30: {  	[sflag:s4] =	ssyncset.done $0x0  }
0x31: {  	s14 =	rddreg [dreg:$0x8];
	[sflag:s4] =	ssyncadd.s32 $0xFFFFC000  }
0x32: {  	[tilespmem:s7], [sflag:$0x4] =	stream.linear.gather [hbm4b:s14+s3], $0x80, $0x38;
	[tilespmem:$0x9180] =	vst v63  }
0x33: {  	_ =	swait.ge [sflag:s4], $0x80  }
0x34: {  	[sflag:s4] =	ssyncset.done $0x0  }
0x35: {  	s12 =	simm.s32 $0x3;
	[sflag:s4] =	ssyncadd.s32 $0xFFFFFF80  }
0x36: {  	[tilespmem:s8], [sflag:$0x2] =	stream.indirect.gather [hbm4b:s2+s6], $0x80, s7, s6, $0xb8;
	[tilespmem:$0x9180] =	vst v63  }
0x37: {  	_ =	swait.ge [sflag:s12], $0x4000  }
0x38: {  	[sflag:s12] =	ssyncset.done $0x0  }
0x39: {  	s14 =	rddreg [dreg:$0x9];
	[sflag:s12] =	ssyncadd.s32 $0xFFFFC000  }
0x3a: {  	[hbm4b:s14+s3] =	stream.linear.scatter [tilespmem:s10], [sflag:$0x4], $0x4000, $0x38;
	[tilespmem:$0x9180] =	vst v63  }
0x3b: {  	_ =	swait.ge [sflag:s4], $0x4000  }
0x3c: {  	[sflag:s4] =	ssyncset.done $0x0  }
0x3d: {  	s16 =	rddreg [dreg:$0xa];
	[sflag:s4] =	ssyncadd.s32 $0xFFFFC000  }
0x3e: {  	[tilespmem:s9], [sflag:$0x4] =	stream.linear.gather [hbm4b:s16+s3], $0x80, $0x38;
	[tilespmem:$0x9180] =	vst v63  }
0x3f: {  	_ =	swait.ge [sflag:s4], $0x80  }
0x40: {  	[sflag:s4] =	ssyncset.done $0x0  }
0x41: {  	[sflag:s4] =	ssyncadd.s32 $0xFFFFFF80  }
0x42: {  	[tilespmem:s10], [sflag:$0x3] =	stream.indirect.gather [hbm4b:s2+s6], $0x80, s9, s6, $0xb8;
	[tilespmem:$0x9180] =	vst v63  }
0x43: {  	_ =	swait.ge [sflag:s11], $0x4000  }
0x44: {  	[sflag:s11] =	ssyncset.done $0x0  }
0x45: {  	s17 =	rddreg [dreg:$0xb];
	[sflag:s11] =	ssyncadd.s32 $0xFFFFC000  }
0x46: {  	[hbm4b:s17+s3] =	stream.linear.scatter [tilespmem:s8], [sflag:$0x4], $0x4000, $0x38;
	[tilespmem:$0x9180] =	vst v63  }
0x47: {  	_ =	swait.ge [sflag:s4], $0x4000  }
0x48: {  	[sflag:s4] =	ssyncset.done $0x0  }
0x49: {  	s18 =	rddreg [dreg:$0xc];
	[sflag:s4] =	ssyncadd.s32 $0xFFFFC000  }
0x4a: {  	[tilespmem:s7], [sflag:$0x4] =	stream.linear.gather [hbm4b:s18+s3], $0x80, $0x38;
	[tilespmem:$0x9180] =	vst v63  }
0x4b: {  	_ =	swait.ge [sflag:s4], $0x80  }
0x4c: {  	[sflag:s4] =	ssyncset.done $0x0  }
0x4d: {  	[sflag:s4] =	ssyncadd.s32 $0xFFFFFF80  }
0x4e: {  	[tilespmem:s8], [sflag:$0x2] =	stream.indirect.gather [hbm4b:s2+s6], $0x80, s7, s6, $0xb8;
	[tilespmem:$0x9180] =	vst v63  }
0x4f: {  	_ =	swait.ge [sflag:s12], $0x4000  }
0x50: {  	[sflag:s12] =	ssyncset.done $0x0  }
0x51: {  	s19 =	rddreg [dreg:$0xd];
	[sflag:s12] =	ssyncadd.s32 $0xFFFFC000  }
0x52: {  	[hbm4b:s19+s3] =	stream.linear.scatter [tilespmem:s10], [sflag:$0x4], $0x4000, $0x38;
	[tilespmem:$0x9180] =	vst v63  }
0x53: {  	_ =	swait.ge [sflag:s4], $0x4000  }
0x54: {  	[sflag:s4] =	ssyncset.done $0x0  }
0x55: {  	s20 =	rddreg [dreg:$0xe];
	[sflag:s4] =	ssyncadd.s32 $0xFFFFC000  }
0x56: {  	[tilespmem:s9], [sflag:$0x4] =	stream.linear.gather [hbm4b:s20+s3], $0x80, $0x38;
	[tilespmem:$0x9180] =	vst v63  }
0x57: {  	_ =	swait.ge [sflag:s4], $0x80  }
0x58: {  	[sflag:s4] =	ssyncset.done $0x0  }
0x59: {  	[sflag:s4] =	ssyncadd.s32 $0xFFFFFF80  }
0x5a: {  	[tilespmem:s10], [sflag:$0x3] =	stream.indirect.gather [hbm4b:s2+s6], $0x80, s9, s6, $0xb8;
	[tilespmem:$0x9180] =	vst v63  }
0x5b: {  	_ =	swait.ge [sflag:s11], $0x4000  }
0x5c: {  	[sflag:s11] =	ssyncset.done $0x0  }
0x5d: {  	s21 =	rddreg [dreg:$0xf];
	[sflag:s11] =	ssyncadd.s32 $0xFFFFC000  }
0x5e: {  	[hbm4b:s21+s3] =	stream.linear.scatter [tilespmem:s8], [sflag:$0x4], $0x4000, $0x38;
	[tilespmem:$0x9180] =	vst v63  }
0x5f: {  	_ =	swait.ge [sflag:s4], $0x4000  }
0x60: {  	[sflag:s4] =	ssyncset.done $0x0  }
0x61: {  	s22 =	rddreg [dreg:$0x10];
	[sflag:s4] =	ssyncadd.s32 $0xFFFFC000  }
0x62: {  	[tilespmem:s7], [sflag:$0x4] =	stream.linear.gather [hbm4b:s22+s3], $0x80, $0x38;
	[tilespmem:$0x9180] =	vst v63  }
0x63: {  	_ =	swait.ge [sflag:s4], $0x80  }
0x64: {  	[sflag:s4] =	ssyncset.done $0x0  }
0x65: {  	[sflag:s4] =	ssyncadd.s32 $0xFFFFFF80  }
0x66: {  	[tilespmem:s8], [sflag:$0x2] =	stream.indirect.gather [hbm4b:s2+s6], $0x80, s7, s6, $0xb8;
	[tilespmem:$0x9180] =	vst v63  }
0x67: {  	_ =	swait.ge [sflag:s12], $0x4000  }
0x68: {  	[sflag:s12] =	ssyncset.done $0x0  }
0x69: {  	s23 =	rddreg [dreg:$0x11];
	[sflag:s12] =	ssyncadd.s32 $0xFFFFC000  }
0x6a: {  	[hbm4b:s23+s3] =	stream.linear.scatter [tilespmem:s10], [sflag:$0x4], $0x4000, $0x38;
	[tilespmem:$0x9180] =	vst v63  }
0x6b: {  	_ =	swait.ge [sflag:s4], $0x4000  }
0x6c: {  	[sflag:s4] =	ssyncset.done $0x0  }
0x6d: {  	s24 =	rddreg [dreg:$0x12];
	[sflag:s4] =	ssyncadd.s32 $0xFFFFC000  }
0x6e: {  	[tilespmem:s9], [sflag:$0x4] =	stream.linear.gather [hbm4b:s24+s3], $0x80, $0x38;
	[tilespmem:$0x9180] =	vst v63  }
0x6f: {  	_ =	swait.ge [sflag:s4], $0x80  }
0x70: {  	[sflag:s4] =	ssyncset.done $0x0  }
0x71: {  	[sflag:s4] =	ssyncadd.s32 $0xFFFFFF80  }
0x72: {  	[tilespmem:s10], [sflag:$0x3] =	stream.indirect.gather [hbm4b:s2+s6], $0x80, s9, s6, $0xb8;
	[tilespmem:$0x9180] =	vst v63  }
0x73: {  	_ =	swait.ge [sflag:s11], $0x4000  }
0x74: {  	s13 =	sshll.u32 s13, $0x4;
	[sflag:s11] =	ssyncset.done $0x0  }
0x75: {  	s13 =	sadd.s32 s29, s13;
	[sflag:s11] =	ssyncadd.s32 $0xFFFFC000  }
0x76: {  	[hbm4b:s13+s3] =	stream.linear.scatter [tilespmem:s8], [sflag:$0x4], $0x4000, $0x38;
	[tilespmem:$0x9180] =	vst v63  }
0x77: {  	s17 =	sadd.s32 $0x400, s28;
	_ =	swait.ge [sflag:s4], $0x4000  }
0x78: {  	s25 =	sshrl.u32 s17, $0x3;
	[sflag:s4] =	ssyncset.done $0x0  }
0x79: {  	s14 =	sadd.s32 s26, s25;
	[sflag:s4] =	ssyncadd.s32 $0xFFFFC000  }
0x7a: {  	[tilespmem:s7], [sflag:$0x4] =	stream.linear.gather [hbm4b:s14+s3], $0x80, $0x38;
	[tilespmem:$0x9180] =	vst v63  }
0x7b: {  	_ =	swait.ge [sflag:s4], $0x80  }
0x7c: {  	[sflag:s4] =	ssyncset.done $0x0  }
0x7d: {  	[sflag:s4] =	ssyncadd.s32 $0xFFFFFF80  }
0x7e: {  	[tilespmem:s8], [sflag:$0x2] =	stream.indirect.gather [hbm4b:s2+s6], $0x80, s7, s6, $0xb8;
	[tilespmem:$0x9180] =	vst v63  }
0x7f: {  	_ =	swait.ge [sflag:s12], $0x4000  }
0x80: {  	s15 =	sshll.u32 s15, $0x4;
	[sflag:s12] =	ssyncset.done $0x0  }
0x81: {  	s15 =	sadd.s32 s29, s15;
	[sflag:s12] =	ssyncadd.s32 $0xFFFFC000  }
0x82: {  	[hbm4b:s15+s3] =	stream.linear.scatter [tilespmem:s10], [sflag:$0x4], $0x4000, $0x38;
	[tilespmem:$0x9180] =	vst v63  }
0x83: {  	s19 =	sadd.s32 $0x480, s28;
	_ =	swait.ge [sflag:s4], $0x4000  }
0x84: {  	s16 =	sshrl.u32 s19, $0x3;
	[sflag:s4] =	ssyncset.done $0x0  }
0x85: {  	s16 =	sadd.s32 s26, s16;
	[sflag:s4] =	ssyncadd.s32 $0xFFFFC000  }
0x86: {  	[tilespmem:s9], [sflag:$0x4] =	stream.linear.gather [hbm4b:s16+s3], $0x80, $0x38;
	[tilespmem:$0x9180] =	vst v63  }
0x87: {  	_ =	swait.ge [sflag:s4], $0x80  }
0x88: {  	[sflag:s4] =	ssyncset.done $0x0  }
0x89: {  	[sflag:s4] =	ssyncadd.s32 $0xFFFFFF80  }
0x8a: {  	[tilespmem:s10], [sflag:$0x3] =	stream.indirect.gather [hbm4b:s2+s6], $0x80, s9, s6, $0xb8;
	[tilespmem:$0x9180] =	vst v63  }
0x8b: {  	_ =	swait.ge [sflag:s11], $0x4000  }
0x8c: {  	s17 =	sshll.u32 s17, $0x4;
	[sflag:s11] =	ssyncset.done $0x0  }
0x8d: {  	s17 =	sadd.s32 s29, s17;
	[sflag:s11] =	ssyncadd.s32 $0xFFFFC000  }
0x8e: {  	[hbm4b:s17+s3] =	stream.linear.scatter [tilespmem:s8], [sflag:$0x4], $0x4000, $0x38;
	[tilespmem:$0x9180] =	vst v63  }
0x8f: {  	s21 =	sadd.s32 $0x500, s28;
	_ =	swait.ge [sflag:s4], $0x4000  }
0x90: {  	s18 =	sshrl.u32 s21, $0x3;
	[sflag:s4] =	ssyncset.done $0x0  }
0x91: {  	s18 =	sadd.s32 s26, s18;
	[sflag:s4] =	ssyncadd.s32 $0xFFFFC000  }
0x92: {  	[tilespmem:s7], [sflag:$0x4] =	stream.linear.gather [hbm4b:s18+s3], $0x80, $0x38;
	[tilespmem:$0x9180] =	vst v63  }
0x93: {  	_ =	swait.ge [sflag:s4], $0x80  }
0x94: {  	[sflag:s4] =	ssyncset.done $0x0  }
0x95: {  	[sflag:s4] =	ssyncadd.s32 $0xFFFFFF80  }
0x96: {  	[tilespmem:s8], [sflag:$0x2] =	stream.indirect.gather [hbm4b:s2+s6], $0x80, s7, s6, $0xb8;
	[tilespmem:$0x9180] =	vst v63  }
0x97: {  	_ =	swait.ge [sflag:s12], $0x4000  }
0x98: {  	s19 =	sshll.u32 s19, $0x4;
	[sflag:s12] =	ssyncset.done $0x0  }
0x99: {  	s19 =	sadd.s32 s29, s19;
	[sflag:s12] =	ssyncadd.s32 $0xFFFFC000  }
0x9a: {  	[hbm4b:s19+s3] =	stream.linear.scatter [tilespmem:s10], [sflag:$0x4], $0x4000, $0x38;
	[tilespmem:$0x9180] =	vst v63  }
0x9b: {  	s23 =	sadd.s32 $0x580, s28;
	_ =	swait.ge [sflag:s4], $0x4000  }
0x9c: {  	s20 =	sshrl.u32 s23, $0x3;
	[sflag:s4] =	ssyncset.done $0x0  }
0x9d: {  	s20 =	sadd.s32 s26, s20;
	[sflag:s4] =	ssyncadd.s32 $0xFFFFC000  }
0x9e: {  	[tilespmem:s9], [sflag:$0x4] =	stream.linear.gather [hbm4b:s20+s3], $0x80, $0x38;
	[tilespmem:$0x9180] =	vst v63  }
0x9f: {  	_ =	swait.ge [sflag:s4], $0x80  }
0xa0: {  	[sflag:s4] =	ssyncset.done $0x0  }
0xa1: {  	[sflag:s4] =	ssyncadd.s32 $0xFFFFFF80  }
0xa2: {  	[tilespmem:s10], [sflag:$0x3] =	stream.indirect.gather [hbm4b:s2+s6], $0x80, s9, s6, $0xb8;
	[tilespmem:$0x9180] =	vst v63  }
0xa3: {  	_ =	swait.ge [sflag:s11], $0x4000  }
0xa4: {  	s21 =	sshll.u32 s21, $0x4;
	[sflag:s11] =	ssyncset.done $0x0  }
0xa5: {  	s21 =	sadd.s32 s29, s21;
	[sflag:s11] =	ssyncadd.s32 $0xFFFFC000  }
0xa6: {  	[hbm4b:s21+s3] =	stream.linear.scatter [tilespmem:s8], [sflag:$0x4], $0x4000, $0x38;
	[tilespmem:$0x9180] =	vst v63  }
0xa7: {  	s25 =	sadd.s32 $0x600, s28;
	_ =	swait.ge [sflag:s4], $0x4000  }
0xa8: {  	s22 =	sshrl.u32 s25, $0x3;
	[sflag:s4] =	ssyncset.done $0x0  }
0xa9: {  	s22 =	sadd.s32 s26, s22;
	[sflag:s4] =	ssyncadd.s32 $0xFFFFC000  }
0xaa: {  	[tilespmem:s7], [sflag:$0x4] =	stream.linear.gather [hbm4b:s22+s3], $0x80, $0x38;
	[tilespmem:$0x9180] =	vst v63  }
0xab: {  	_ =	swait.ge [sflag:s4], $0x80  }
0xac: {  	[sflag:s4] =	ssyncset.done $0x0  }
0xad: {  	[sflag:s4] =	ssyncadd.s32 $0xFFFFFF80  }
0xae: {  	[tilespmem:s8], [sflag:$0x2] =	stream.indirect.gather [hbm4b:s2+s6], $0x80, s7, s6, $0xb8;
	[tilespmem:$0x9180] =	vst v63  }
0xaf: {  	_ =	swait.ge [sflag:s12], $0x4000  }
0xb0: {  	s23 =	sshll.u32 s23, $0x4;
	[sflag:s12] =	ssyncset.done $0x0  }
0xb1: {  	s23 =	sadd.s32 s29, s23;
	[sflag:s12] =	ssyncadd.s32 $0xFFFFC000  }
0xb2: {  	[hbm4b:s23+s3] =	stream.linear.scatter [tilespmem:s10], [sflag:$0x4], $0x4000, $0x38;
	[tilespmem:$0x9180] =	vst v63  }
0xb3: {  	s1 =	sadd.s32 $0x680, s28;
	_ =	swait.ge [sflag:s4], $0x4000  }
0xb4: {  	s24 =	sshrl.u32 s1, $0x3;
	[sflag:s4] =	ssyncset.done $0x0  }
0xb5: {  	s24 =	sadd.s32 s26, s24;
	[sflag:s4] =	ssyncadd.s32 $0xFFFFC000  }
0xb6: {  	[tilespmem:s9], [sflag:$0x4] =	stream.linear.gather [hbm4b:s24+s3], $0x80, $0x38;
	[tilespmem:$0x9180] =	vst v63  }
0xb7: {  	_ =	swait.ge [sflag:s4], $0x80  }
0xb8: {  	[sflag:s4] =	ssyncset.done $0x0  }
0xb9: {  	[sflag:s4] =	ssyncadd.s32 $0xFFFFFF80  }
0xba: {  	[tilespmem:s10], [sflag:$0x3] =	stream.indirect.gather [hbm4b:s2+s6], $0x80, s9, s6, $0xb8;
	[tilespmem:$0x9180] =	vst v63  }
0xbb: {  	_ =	swait.ge [sflag:s11], $0x4000  }
0xbc: {  	s25 =	sshll.u32 s25, $0x4;
	[sflag:s11] =	ssyncset.done $0x0  }
0xbd: {  	s25 =	sadd.s32 s29, s25;
	[sflag:s11] =	ssyncadd.s32 $0xFFFFC000  }
0xbe: {  	[hbm4b:s25+s3] =	stream.linear.scatter [tilespmem:s8], [sflag:$0x4], $0x4000, $0x38;
	[tilespmem:$0x9180] =	vst v63  }
0xbf: {  	s0 =	sadd.s32 $0x700, s28;
	_ =	swait.ge [sflag:s4], $0x4000  }
0xc0: {  	s28 =	sshrl.u32 s0, $0x3;
	[sflag:s4] =	ssyncset.done $0x0  }
0xc1: {  	s26 =	sadd.s32 s26, s28;
	[sflag:s4] =	ssyncadd.s32 $0xFFFFC000  }
0xc2: {  	[tilespmem:s7], [sflag:$0x4] =	stream.linear.gather [hbm4b:s26+s3], $0x80, $0x38;
	[tilespmem:$0x9180] =	vst v63  }
0xc3: {  	_ =	swait.ge [sflag:s4], $0x80  }
0xc4: {  	[sflag:s4] =	ssyncset.done $0x0  }
0xc5: {  	[sflag:s4] =	ssyncadd.s32 $0xFFFFFF80  }
0xc6: {  	[tilespmem:s8], [sflag:$0x2] =	stream.indirect.gather [hbm4b:s2+s6], $0x80, s7, s6, $0xb8;
	[tilespmem:$0x9180] =	vst v63  }
0xc7: {  	_ =	swait.ge [sflag:s12], $0x4000  }
0xc8: {  	s1 =	sshll.u32 s1, $0x4;
	[sflag:s12] =	ssyncset.done $0x0  }
0xc9: {  	s28 =	sadd.s32 s29, s1;
	[sflag:s12] =	ssyncadd.s32 $0xFFFFC000  }
0xca: {  	[hbm4b:s28+s3] =	stream.linear.scatter [tilespmem:s10], [sflag:$0x4], $0x4000, $0x38;
	[tilespmem:$0x9180] =	vst v63  }
0xcb: {  	_ =	swait.ge [sflag:s4], $0x4000  }
0xcc: {  	[sflag:s4] =	ssyncset.done $0x0  }
0xcd: {  	[sflag:s4] =	ssyncadd.s32 $0xFFFFC000  }
0xce: {  	_ =	swait.ge [sflag:s11], $0x4000  }
0xcf: {  	s0 =	sshll.u32 s0, $0x4;
	[sflag:s11] =	ssyncset.done $0x0  }
0xd0: {  	s29 =	sadd.s32 s29, s0;
	s0 =	ssub.s32 $0x2, s30;
	[sflag:s11] =	ssyncadd.s32 $0xFFFFC000  }
0xd1: {  	[hbm4b:s29+s3] =	stream.linear.scatter [tilespmem:s8], [sflag:$0x4], $0x4000, $0x38;
	[tilespmem:$0x9180] =	vst v63  }
0xd2: {  	s1 =	sshrl.u32 s0, $0x1;
	_ =	swait.ge [sflag:s4], $0x4000  }
0xd3: {  	s0 =	ssub.s32 s0, s1;
	[sflag:s4] =	ssyncset.done $0x0  }
0xd4: {  	s30 =	simm.s32 $0x1;
	s0 =	smax.u32 s0, $0x1;
	[sflag:s4] =	ssyncadd.s32 $0xFFFFC000  }
0xd5: {  	p0 =	sne.s32 s0, $0x1;
	_ =	swait.ge [sflag:s30], $0x1000  }
.Ltmp0:
0xd6: {  	[sflag:s30] =	ssyncset.done $0x0;
	(pc) =	sbr.rel @!p0 .LBB2_2-.Ltmp0, $4  }
0xd7: {  	s1 =	sshll.u32 s31, $0x9;
	s31 =	rddreg [dreg:$0x2]  }
0xd8: {  	[sflag:s30] =	ssyncadd.s32 $0xFFFFF000;
	s31 =	sadd.s32 s31, s1  }
0xd9: {  	[hbm4b:s31+s3] =	stream.linear.scatter [tilespmem:s6], [sflag:$0x4], $0x1000, $0x38;
	[tilespmem:$0x9180] =	vst v63  }
0xda: {  	s1 =	sadd.s32 $0xFFFFFFFF, s0;
	_ =	swait.ge [sflag:s4], $0x1000  }
.LBB2_1:
0xdb: {  	[sflag:s4] =	ssyncset.done $0x0  }
0xdc: {  	s0 =	rddreg [dreg:$0x4];
	[sflag:s4] =	ssyncadd.s32 $0xFFFFF000  }
0xdd: {  	[tilespmem:s3], [sflag:$0x4] =	stream.linear.gather [hbm4b:s0+s3], $0x20, $0x38;
	[tilespmem:$0x9180] =	vst v63  }
0xde: {  	_ =	swait.ge [sflag:s4], $0x20  }
0xdf: {  	[sflag:s4] =	ssyncset.done $0x0  }
0xe0: {  	[sflag:s4] =	ssyncadd.s32 $0xFFFFFFE0  }
0xe1: {  	[tilespmem:s6], [sflag:$0x1] =	stream.indirect.gather [hbm4b:s2+s5], $0x80, s3, s5, $0xb8;
	[tilespmem:$0x9180] =	vst v63  }
0xe2: {  	s0 =	rddreg [dreg:$0x5]  }
0xe3: {  	[tilespmem:s7], [sflag:$0x4] =	stream.linear.gather [hbm4b:s0+s3], $0x80, $0x38;
	[tilespmem:$0x9180] =	vst v63  }
0xe4: {  	_ =	swait.ge [sflag:s4], $0x80  }
0xe5: {  	[sflag:s4] =	ssyncset.done $0x0  }
0xe6: {  	[sflag:s4] =	ssyncadd.s32 $0xFFFFFF80  }
0xe7: {  	[tilespmem:s8], [sflag:$0x2] =	stream.indirect.gather [hbm4b:s2+s6], $0x80, s7, s6, $0xb8;
	[tilespmem:$0x9180] =	vst v63  }
0xe8: {  	s0 =	rddreg [dreg:$0x6]  }
0xe9: {  	[tilespmem:s9], [sflag:$0x4] =	stream.linear.gather [hbm4b:s0+s3], $0x80, $0x38;
	[tilespmem:$0x9180] =	vst v63  }
0xea: {  	_ =	swait.ge [sflag:s4], $0x80  }
0xeb: {  	[sflag:s4] =	ssyncset.done $0x0  }
0xec: {  	[sflag:s4] =	ssyncadd.s32 $0xFFFFFF80  }
0xed: {  	[tilespmem:s10], [sflag:$0x3] =	stream.indirect.gather [hbm4b:s2+s6], $0x80, s9, s6, $0xb8;
	[tilespmem:$0x9180] =	vst v63  }
0xee: {  	_ =	swait.ge [sflag:s11], $0x4000  }
0xef: {  	[sflag:s11] =	ssyncset.done $0x0  }
0xf0: {  	s0 =	rddreg [dreg:$0x7];
	[sflag:s11] =	ssyncadd.s32 $0xFFFFC000  }
0xf1: {  	[hbm4b:s0+s3] =	stream.linear.scatter [tilespmem:s8], [sflag:$0x4], $0x4000, $0x38;
	[tilespmem:$0x9180] =	vst v63  }
0xf2: {  	_ =	swait.ge [sflag:s4], $0x4000  }
0xf3: {  	[sflag:s4] =	ssyncset.done $0x0  }
0xf4: {  	s0 =	rddreg [dreg:$0x8];
	[sflag:s4] =	ssyncadd.s32 $0xFFFFC000  }
0xf5: {  	[tilespmem:s7], [sflag:$0x4] =	stream.linear.gather [hbm4b:s0+s3], $0x80, $0x38;
	[tilespmem:$0x9180] =	vst v63  }
0xf6: {  	_ =	swait.ge [sflag:s4], $0x80  }
0xf7: {  	[sflag:s4] =	ssyncset.done $0x0  }
0xf8: {  	[sflag:s4] =	ssyncadd.s32 $0xFFFFFF80  }
0xf9: {  	[tilespmem:s8], [sflag:$0x2] =	stream.indirect.gather [hbm4b:s2+s6], $0x80, s7, s6, $0xb8;
	[tilespmem:$0x9180] =	vst v63  }
0xfa: {  	_ =	swait.ge [sflag:s12], $0x4000  }
0xfb: {  	[sflag:s12] =	ssyncset.done $0x0  }
0xfc: {  	s0 =	rddreg [dreg:$0x9];
	[sflag:s12] =	ssyncadd.s32 $0xFFFFC000  }
0xfd: {  	[hbm4b:s0+s3] =	stream.linear.scatter [tilespmem:s10], [sflag:$0x4], $0x4000, $0x38;
	[tilespmem:$0x9180] =	vst v63  }
0xfe: {  	_ =	swait.ge [sflag:s4], $0x4000  }
0xff: {  	[sflag:s4] =	ssyncset.done $0x0  }
0x100: {  	s0 =	rddreg [dreg:$0xa];
	[sflag:s4] =	ssyncadd.s32 $0xFFFFC000  }
0x101: {  	[tilespmem:s9], [sflag:$0x4] =	stream.linear.gather [hbm4b:s0+s3], $0x80, $0x38;
	[tilespmem:$0x9180] =	vst v63  }
0x102: {  	_ =	swait.ge [sflag:s4], $0x80  }
0x103: {  	[sflag:s4] =	ssyncset.done $0x0  }
0x104: {  	[sflag:s4] =	ssyncadd.s32 $0xFFFFFF80  }
0x105: {  	[tilespmem:s10], [sflag:$0x3] =	stream.indirect.gather [hbm4b:s2+s6], $0x80, s9, s6, $0xb8;
	[tilespmem:$0x9180] =	vst v63  }
0x106: {  	_ =	swait.ge [sflag:s11], $0x4000  }
0x107: {  	[sflag:s11] =	ssyncset.done $0x0  }
0x108: {  	s0 =	rddreg [dreg:$0xb];
	[sflag:s11] =	ssyncadd.s32 $0xFFFFC000  }
0x109: {  	[hbm4b:s0+s3] =	stream.linear.scatter [tilespmem:s8], [sflag:$0x4], $0x4000, $0x38;
	[tilespmem:$0x9180] =	vst v63  }
0x10a: {  	_ =	swait.ge [sflag:s4], $0x4000  }
0x10b: {  	[sflag:s4] =	ssyncset.done $0x0  }
0x10c: {  	s0 =	rddreg [dreg:$0xc];
	[sflag:s4] =	ssyncadd.s32 $0xFFFFC000  }
0x10d: {  	[tilespmem:s7], [sflag:$0x4] =	stream.linear.gather [hbm4b:s0+s3], $0x80, $0x38;
	[tilespmem:$0x9180] =	vst v63  }
0x10e: {  	_ =	swait.ge [sflag:s4], $0x80  }
0x10f: {  	[sflag:s4] =	ssyncset.done $0x0  }
0x110: {  	[sflag:s4] =	ssyncadd.s32 $0xFFFFFF80  }
0x111: {  	[tilespmem:s8], [sflag:$0x2] =	stream.indirect.gather [hbm4b:s2+s6], $0x80, s7, s6, $0xb8;
	[tilespmem:$0x9180] =	vst v63  }
0x112: {  	_ =	swait.ge [sflag:s12], $0x4000  }
0x113: {  	[sflag:s12] =	ssyncset.done $0x0  }
0x114: {  	s0 =	rddreg [dreg:$0xd];
	[sflag:s12] =	ssyncadd.s32 $0xFFFFC000  }
0x115: {  	[hbm4b:s0+s3] =	stream.linear.scatter [tilespmem:s10], [sflag:$0x4], $0x4000, $0x38;
	[tilespmem:$0x9180] =	vst v63  }
0x116: {  	_ =	swait.ge [sflag:s4], $0x4000  }
0x117: {  	[sflag:s4] =	ssyncset.done $0x0  }
0x118: {  	s0 =	rddreg [dreg:$0xe];
	[sflag:s4] =	ssyncadd.s32 $0xFFFFC000  }
0x119: {  	[tilespmem:s9], [sflag:$0x4] =	stream.linear.gather [hbm4b:s0+s3], $0x80, $0x38;
	[tilespmem:$0x9180] =	vst v63  }
0x11a: {  	_ =	swait.ge [sflag:s4], $0x80  }
0x11b: {  	[sflag:s4] =	ssyncset.done $0x0  }
0x11c: {  	[sflag:s4] =	ssyncadd.s32 $0xFFFFFF80  }
0x11d: {  	[tilespmem:s10], [sflag:$0x3] =	stream.indirect.gather [hbm4b:s2+s6], $0x80, s9, s6, $0xb8;
	[tilespmem:$0x9180] =	vst v63  }
0x11e: {  	_ =	swait.ge [sflag:s11], $0x4000  }
0x11f: {  	[sflag:s11] =	ssyncset.done $0x0  }
0x120: {  	s0 =	rddreg [dreg:$0xf];
	[sflag:s11] =	ssyncadd.s32 $0xFFFFC000  }
0x121: {  	[hbm4b:s0+s3] =	stream.linear.scatter [tilespmem:s8], [sflag:$0x4], $0x4000, $0x38;
	[tilespmem:$0x9180] =	vst v63  }
0x122: {  	_ =	swait.ge [sflag:s4], $0x4000  }
0x123: {  	[sflag:s4] =	ssyncset.done $0x0  }
0x124: {  	s0 =	rddreg [dreg:$0x10];
	[sflag:s4] =	ssyncadd.s32 $0xFFFFC000  }
0x125: {  	[tilespmem:s7], [sflag:$0x4] =	stream.linear.gather [hbm4b:s0+s3], $0x80, $0x38;
	[tilespmem:$0x9180] =	vst v63  }
0x126: {  	_ =	swait.ge [sflag:s4], $0x80  }
0x127: {  	[sflag:s4] =	ssyncset.done $0x0  }
0x128: {  	[sflag:s4] =	ssyncadd.s32 $0xFFFFFF80  }
0x129: {  	[tilespmem:s8], [sflag:$0x2] =	stream.indirect.gather [hbm4b:s2+s6], $0x80, s7, s6, $0xb8;
	[tilespmem:$0x9180] =	vst v63  }
0x12a: {  	_ =	swait.ge [sflag:s12], $0x4000  }
0x12b: {  	[sflag:s12] =	ssyncset.done $0x0  }
0x12c: {  	s0 =	rddreg [dreg:$0x11];
	[sflag:s12] =	ssyncadd.s32 $0xFFFFC000  }
0x12d: {  	[hbm4b:s0+s3] =	stream.linear.scatter [tilespmem:s10], [sflag:$0x4], $0x4000, $0x38;
	[tilespmem:$0x9180] =	vst v63  }
0x12e: {  	_ =	swait.ge [sflag:s4], $0x4000  }
0x12f: {  	[sflag:s4] =	ssyncset.done $0x0  }
0x130: {  	s0 =	rddreg [dreg:$0x12];
	[sflag:s4] =	ssyncadd.s32 $0xFFFFC000  }
0x131: {  	[tilespmem:s9], [sflag:$0x4] =	stream.linear.gather [hbm4b:s0+s3], $0x80, $0x38;
	[tilespmem:$0x9180] =	vst v63  }
0x132: {  	_ =	swait.ge [sflag:s4], $0x80  }
0x133: {  	[sflag:s4] =	ssyncset.done $0x0  }
0x134: {  	[sflag:s4] =	ssyncadd.s32 $0xFFFFFF80  }
0x135: {  	[tilespmem:s10], [sflag:$0x3] =	stream.indirect.gather [hbm4b:s2+s6], $0x80, s9, s6, $0xb8;
	[tilespmem:$0x9180] =	vst v63  }
0x136: {  	_ =	swait.ge [sflag:s11], $0x4000  }
0x137: {  	[sflag:s11] =	ssyncset.done $0x0  }
0x138: {  	[sflag:s11] =	ssyncadd.s32 $0xFFFFC000  }
0x139: {  	[hbm4b:s13+s3] =	stream.linear.scatter [tilespmem:s8], [sflag:$0x4], $0x4000, $0x38;
	[tilespmem:$0x9180] =	vst v63  }
0x13a: {  	_ =	swait.ge [sflag:s4], $0x4000  }
0x13b: {  	[sflag:s4] =	ssyncset.done $0x0  }
0x13c: {  	[sflag:s4] =	ssyncadd.s32 $0xFFFFC000  }
0x13d: {  	[tilespmem:s7], [sflag:$0x4] =	stream.linear.gather [hbm4b:s14+s3], $0x80, $0x38;
	[tilespmem:$0x9180] =	vst v63  }
0x13e: {  	_ =	swait.ge [sflag:s4], $0x80  }
0x13f: {  	[sflag:s4] =	ssyncset.done $0x0  }
0x140: {  	[sflag:s4] =	ssyncadd.s32 $0xFFFFFF80  }
0x141: {  	[tilespmem:s8], [sflag:$0x2] =	stream.indirect.gather [hbm4b:s2+s6], $0x80, s7, s6, $0xb8;
	[tilespmem:$0x9180] =	vst v63  }
0x142: {  	_ =	swait.ge [sflag:s12], $0x4000  }
0x143: {  	[sflag:s12] =	ssyncset.done $0x0  }
0x144: {  	[sflag:s12] =	ssyncadd.s32 $0xFFFFC000  }
0x145: {  	[hbm4b:s15+s3] =	stream.linear.scatter [tilespmem:s10], [sflag:$0x4], $0x4000, $0x38;
	[tilespmem:$0x9180] =	vst v63  }
0x146: {  	_ =	swait.ge [sflag:s4], $0x4000  }
0x147: {  	[sflag:s4] =	ssyncset.done $0x0  }
0x148: {  	[sflag:s4] =	ssyncadd.s32 $0xFFFFC000  }
0x149: {  	[tilespmem:s9], [sflag:$0x4] =	stream.linear.gather [hbm4b:s16+s3], $0x80, $0x38;
	[tilespmem:$0x9180] =	vst v63  }
0x14a: {  	_ =	swait.ge [sflag:s4], $0x80  }
0x14b: {  	[sflag:s4] =	ssyncset.done $0x0  }
0x14c: {  	[sflag:s4] =	ssyncadd.s32 $0xFFFFFF80  }
0x14d: {  	[tilespmem:s10], [sflag:$0x3] =	stream.indirect.gather [hbm4b:s2+s6], $0x80, s9, s6, $0xb8;
	[tilespmem:$0x9180] =	vst v63  }
0x14e: {  	_ =	swait.ge [sflag:s11], $0x4000  }
0x14f: {  	[sflag:s11] =	ssyncset.done $0x0  }
0x150: {  	[sflag:s11] =	ssyncadd.s32 $0xFFFFC000  }
0x151: {  	[hbm4b:s17+s3] =	stream.linear.scatter [tilespmem:s8], [sflag:$0x4], $0x4000, $0x38;
	[tilespmem:$0x9180] =	vst v63  }
0x152: {  	_ =	swait.ge [sflag:s4], $0x4000  }
0x153: {  	[sflag:s4] =	ssyncset.done $0x0  }
0x154: {  	[sflag:s4] =	ssyncadd.s32 $0xFFFFC000  }
0x155: {  	[tilespmem:s7], [sflag:$0x4] =	stream.linear.gather [hbm4b:s18+s3], $0x80, $0x38;
	[tilespmem:$0x9180] =	vst v63  }
0x156: {  	_ =	swait.ge [sflag:s4], $0x80  }
0x157: {  	[sflag:s4] =	ssyncset.done $0x0  }
0x158: {  	[sflag:s4] =	ssyncadd.s32 $0xFFFFFF80  }
0x159: {  	[tilespmem:s8], [sflag:$0x2] =	stream.indirect.gather [hbm4b:s2+s6], $0x80, s7, s6, $0xb8;
	[tilespmem:$0x9180] =	vst v63  }
0x15a: {  	_ =	swait.ge [sflag:s12], $0x4000  }
0x15b: {  	[sflag:s12] =	ssyncset.done $0x0  }
0x15c: {  	[sflag:s12] =	ssyncadd.s32 $0xFFFFC000  }
0x15d: {  	[hbm4b:s19+s3] =	stream.linear.scatter [tilespmem:s10], [sflag:$0x4], $0x4000, $0x38;
	[tilespmem:$0x9180] =	vst v63  }
0x15e: {  	_ =	swait.ge [sflag:s4], $0x4000  }
0x15f: {  	[sflag:s4] =	ssyncset.done $0x0  }
0x160: {  	[sflag:s4] =	ssyncadd.s32 $0xFFFFC000  }
0x161: {  	[tilespmem:s9], [sflag:$0x4] =	stream.linear.gather [hbm4b:s20+s3], $0x80, $0x38;
	[tilespmem:$0x9180] =	vst v63  }
0x162: {  	_ =	swait.ge [sflag:s4], $0x80  }
0x163: {  	[sflag:s4] =	ssyncset.done $0x0  }
0x164: {  	[sflag:s4] =	ssyncadd.s32 $0xFFFFFF80  }
0x165: {  	[tilespmem:s10], [sflag:$0x3] =	stream.indirect.gather [hbm4b:s2+s6], $0x80, s9, s6, $0xb8;
	[tilespmem:$0x9180] =	vst v63  }
0x166: {  	_ =	swait.ge [sflag:s11], $0x4000  }
0x167: {  	[sflag:s11] =	ssyncset.done $0x0  }
0x168: {  	[sflag:s11] =	ssyncadd.s32 $0xFFFFC000  }
0x169: {  	[hbm4b:s21+s3] =	stream.linear.scatter [tilespmem:s8], [sflag:$0x4], $0x4000, $0x38;
	[tilespmem:$0x9180] =	vst v63  }
0x16a: {  	_ =	swait.ge [sflag:s4], $0x4000  }
0x16b: {  	[sflag:s4] =	ssyncset.done $0x0  }
0x16c: {  	[sflag:s4] =	ssyncadd.s32 $0xFFFFC000  }
0x16d: {  	[tilespmem:s7], [sflag:$0x4] =	stream.linear.gather [hbm4b:s22+s3], $0x80, $0x38;
	[tilespmem:$0x9180] =	vst v63  }
0x16e: {  	_ =	swait.ge [sflag:s4], $0x80  }
0x16f: {  	[sflag:s4] =	ssyncset.done $0x0  }
0x170: {  	[sflag:s4] =	ssyncadd.s32 $0xFFFFFF80  }
0x171: {  	[tilespmem:s8], [sflag:$0x2] =	stream.indirect.gather [hbm4b:s2+s6], $0x80, s7, s6, $0xb8;
	[tilespmem:$0x9180] =	vst v63  }
0x172: {  	_ =	swait.ge [sflag:s12], $0x4000  }
0x173: {  	[sflag:s12] =	ssyncset.done $0x0  }
0x174: {  	[sflag:s12] =	ssyncadd.s32 $0xFFFFC000  }
0x175: {  	[hbm4b:s23+s3] =	stream.linear.scatter [tilespmem:s10], [sflag:$0x4], $0x4000, $0x38;
	[tilespmem:$0x9180] =	vst v63  }
0x176: {  	_ =	swait.ge [sflag:s4], $0x4000  }
0x177: {  	[sflag:s4] =	ssyncset.done $0x0  }
0x178: {  	[sflag:s4] =	ssyncadd.s32 $0xFFFFC000  }
0x179: {  	[tilespmem:s9], [sflag:$0x4] =	stream.linear.gather [hbm4b:s24+s3], $0x80, $0x38;
	[tilespmem:$0x9180] =	vst v63  }
0x17a: {  	_ =	swait.ge [sflag:s4], $0x80  }
0x17b: {  	[sflag:s4] =	ssyncset.done $0x0  }
0x17c: {  	[sflag:s4] =	ssyncadd.s32 $0xFFFFFF80  }
0x17d: {  	[tilespmem:s10], [sflag:$0x3] =	stream.indirect.gather [hbm4b:s2+s6], $0x80, s9, s6, $0xb8;
	[tilespmem:$0x9180] =	vst v63  }
0x17e: {  	_ =	swait.ge [sflag:s11], $0x4000  }
0x17f: {  	[sflag:s11] =	ssyncset.done $0x0  }
0x180: {  	[sflag:s11] =	ssyncadd.s32 $0xFFFFC000  }
0x181: {  	[hbm4b:s25+s3] =	stream.linear.scatter [tilespmem:s8], [sflag:$0x4], $0x4000, $0x38;
	[tilespmem:$0x9180] =	vst v63  }
0x182: {  	_ =	swait.ge [sflag:s4], $0x4000  }
0x183: {  	[sflag:s4] =	ssyncset.done $0x0  }
0x184: {  	[sflag:s4] =	ssyncadd.s32 $0xFFFFC000  }
0x185: {  	[tilespmem:s7], [sflag:$0x4] =	stream.linear.gather [hbm4b:s26+s3], $0x80, $0x38;
	[tilespmem:$0x9180] =	vst v63  }
0x186: {  	_ =	swait.ge [sflag:s4], $0x80  }
0x187: {  	[sflag:s4] =	ssyncset.done $0x0  }
0x188: {  	[sflag:s4] =	ssyncadd.s32 $0xFFFFFF80  }
0x189: {  	[tilespmem:s8], [sflag:$0x2] =	stream.indirect.gather [hbm4b:s2+s6], $0x80, s7, s6, $0xb8;
	[tilespmem:$0x9180] =	vst v63  }
0x18a: {  	_ =	swait.ge [sflag:s12], $0x4000  }
0x18b: {  	[sflag:s12] =	ssyncset.done $0x0  }
0x18c: {  	[sflag:s12] =	ssyncadd.s32 $0xFFFFC000  }
0x18d: {  	[hbm4b:s28+s3] =	stream.linear.scatter [tilespmem:s10], [sflag:$0x4], $0x4000, $0x38;
	[tilespmem:$0x9180] =	vst v63  }
0x18e: {  	_ =	swait.ge [sflag:s4], $0x4000  }
0x18f: {  	[sflag:s4] =	ssyncset.done $0x0  }
0x190: {  	[sflag:s4] =	ssyncadd.s32 $0xFFFFC000  }
0x191: {  	_ =	swait.ge [sflag:s11], $0x4000  }
0x192: {  	[sflag:s11] =	ssyncset.done $0x0  }
0x193: {  	[sflag:s11] =	ssyncadd.s32 $0xFFFFC000  }
0x194: {  	[hbm4b:s29+s3] =	stream.linear.scatter [tilespmem:s8], [sflag:$0x4], $0x4000, $0x38;
	[tilespmem:$0x9180] =	vst v63  }
0x195: {  	_ =	swait.ge [sflag:s4], $0x4000  }
0x196: {  	[sflag:s4] =	ssyncset.done $0x0  }
0x197: {  	p0 =	sne.s32 s1, $0x1;
	[sflag:s4] =	ssyncadd.s32 $0xFFFFC000  }
.Ltmp1:
0x198: {  	_ =	swait.ge [sflag:s30], $0x1000;
	(pc) =	sbr.rel @p0 .LBB2_1-.Ltmp1, $4  }
0x199: {  	[sflag:s30] =	ssyncset.done $0x0  }
0x19a: {  	[sflag:s30] =	ssyncadd.s32 $0xFFFFF000  }
0x19b: {  	[hbm4b:s31+s3] =	stream.linear.scatter [tilespmem:s6], [sflag:$0x4], $0x1000, $0x38;
	[tilespmem:$0x9180] =	vst v63  }
0x19c: {  	s1 =	sadd.s32 $0xFFFFFFFF, s1;
	_ =	swait.ge [sflag:s4], $0x1000  }
.LBB2_2:
0x19d: {  	[sflag:s4] =	ssyncset.done $0x0  }
0x19e: {  	[sflag:s4] =	ssyncadd.s32 $0xFFFFF000  }
0x19f: {  	_ =	sfence.sel $0x180000  }
0x1a0: {  	[bflag:$0x0] =	sbarrier.arrive $0xFFFF  }
0x1a1: {  	_ =	strace $0x90000047  }
0x1a2: {  	s0 =	stileid.u32;
	[bflag:$0x2] =	sbarrier.arrive $0xFFFF  }
0x1a3: {  	p0 =	sne.s32 s0, $0x0;
	s0 =	rddreg [dreg:$0x3]  }
0x1a4: {  	s0 =	sadd.s32 @!p0 $0x100000, s0  }
0x1a5: {  	[sflag:s0] =	ssyncadd.tile.s32 @!p0 $0x1;
	_ =	shalt  }
.Lfunc_end2:
_tile_overlayer_lowered:
.L_overlay_start_2:
0x1a6: {  	(tag) =	ssettag $0x2  }
0x1a7: {  	s0 =	rddreg [dreg:$0x0];
	s2 =	stileid.u32  }
0x1a8: {  	s1 =	rddreg [dreg:$0x1];
	p0 =	sne.s32 s2, $0x0  }
0x1a9: {  	s3 =	rddreg [dreg:$0x2];
	[bflag:$0x3] =	sbarrier.arrive $0xFFFF;
	s2 =	simm.s32 @!p0 $0x1C04  }
0x1aa: {  	[timem:s3], [sflag:s2] =	dma.local @!p0 [hbm:s0], s1  }
0x1ab: {  	s0 =	simm.s32 @!p0 $0x4  }
0x1ac: {  	_ =	swait.ge @!p0 [sflag:s0], s1  }
0x1ad: {  	s1 =	ssub.s32 @!p0 $0x0, s1;
	[sflag:s0] =	ssyncset.done @!p0 $0x0  }
0x1ae: {  	[sflag:s0] =	ssyncadd.s32 @!p0 s1  }
0x1af: {  	[bflag:$0x3] =	sbarrier.arrive $0xFFFF  }
0x1b0: {  	_ =	shalt  }

// kernel: kernel.8.cloned.1.call-start
scs
__scs_entry_jumppad:
0x0: {  	(pc) =	sbr.rel $0x88, $3  }
0x1: {  	(tag) =	ssettag $0x0;
	lr =	simm.s32 $0x1  }
0x2: {  	[smem:$0x3F95] =	sst lr;
	_ =	strace $0xD0000000  }
0x3: {  	_ = 	snop  }
0x4: {  	_ = 	snop  }
0x5: {  	_ = 	snop  }
0x6: {  	_ = 	snop  }
0x7: {  	_ = 	snop  }
__scs_overlays_trampoline_lowered:
0x8: {  	[smem:$0x3FA4] =	sst s0  }
0x9: {  	[smem:$0x3FA5] =	sst s1  }
0xa: {  	[smem:$0x3FA6] =	sst s2  }
0xb: {  	[smem:$0x3FA7] =	sst s3  }
0xc: {  	[smem:$0x3FA8] =	sst s4  }
0xd: {  	[smem:$0x3FA9] =	sst s5  }
0xe: {  	[smem:$0x3FAA] =	sst s6  }
0xf: {  	[smem:$0x3FAB] =	sst s7  }
0x10: {  	[smem:$0x3FAC] =	sst s8  }
0x11: {  	[smem:$0x3FAD] =	sst s9;
	s0 =	simm.s32 @!p0 $0x0  }
0x12: {  	s1 =	sld [smem:$0x3F93];
	s0 =	simm.s32 @p0 $0x1  }
0x13: {  	[smem:$0x3FAE] =	sst s0;
	s0 =	simm.s32 @!p1 $0x0  }
0x14: {  	s2 =	sld [smem:$0x3F92];
	s0 =	simm.s32 @p1 $0x1  }
0x15: {  	[smem:$0x3FAF] =	sst s0;
	s0 =	simm.s32 @!p2 $0x0  }
0x16: {  	s3 =	sld [smem:$0x3FDB];
	s0 =	simm.s32 @p2 $0x1  }
0x17: {  	s4 =	simm.s32 $0x1BF5;
	[smem:$0x3FB1] =	sst s0  }
0x18: {  	s0 =	sld [smem:$0x3F94];
	_ =	swait.ge [sflag:s4], $0x0  }
0x19: {  	s7 =	sld [smem:$0x3F95]  }
0x1a: {  	s8 =	sadd.s32 $0xFFFFE003, lr  }
0x1b: {  	s9 =	sadd.s32 $0xFFFFFEF7, lr;
	s5 =	simm.s32 $0xFFFFFFFF;
	p2 =	slt.u32 s8, $0xFFFFF086  }
0x1c: {  	p1 =	slt.u32 s9, $0xF7A;
	s5 =	simm.s32 @!p2 $0x0  }
0x1d: {  	s5 =	simm.s32 @p1 $0x1;
	p0 =	seq.s32 s7, s2  }
0x1e: {  	s7 =	smul.u32 @!p0 $0xF7A, s2;
	p2 =	seq.s32 @!p0 s5, $0x0  }
0x1f: {  	s9 =	smul.u32 $0xF7A, s1;
	s8 =	simm.s32 @!p0 $0x1BF5;
	p2 =	por !p2, p0  }
0x20: {  	[sflag:s8] =	ssyncset.s32 @!p0 $0xFFFFF086;
	s6 =	sadd.s32 @!p0 s3, s7;
	s7 =	simm.s32 @!p0 $0x108  }
0x21: {  	s3 =	sadd.s32 s3, s9;
	s6 =	sadd.s32 @!p0 $0x88, s6;
	s7 =	simm.s32 @p2 $0x1082  }
0x22: {  	[simem:s7], [sflag:s8] =	dma.local @!p0 [hbm:s6], $0xF7A  }
0x23: {  	s9 =	sor.u32 $0xD0000000, s2;
	s6 =	simm.s32 $0x108;
	_ =	swait.ge @!p0 [sflag:s8], $0x0  }
0x24: {  	s3 =	sadd.s32 $0x88, s3;
	s6 =	simm.s32 @!p1 $0x1082;
	[sflag:s4] =	ssyncset.s32 $0xFFFFF086  }
0x25: {  	[simem:s6], [sflag:s4] =	dma.local [hbm:s3], $0xF7A  }
0x26: {  	[smem:$0x3F95] =	sst s1;
	(tag) =	ssettag s2;
	_ =	strace s9  }
0x27: {  	s1 =	sld [smem:$0x3FA5]  }
0x28: {  	s2 =	sld [smem:$0x3FA6]  }
0x29: {  	s4 =	sld [smem:$0x3FA8]  }
0x2a: {  	p0 =	seq.s32 s5, $0x0;
	s5 =	sld [smem:$0x3FA9]  }
0x2b: {  	s6 =	sld [smem:$0x3FAA]  }
0x2c: {  	s7 =	sld [smem:$0x3FAB]  }
0x2d: {  	s3 =	simm.s32 $0x108;
	s8 =	sld [smem:$0x3FAC]  }
0x2e: {  	s3 =	simm.s32 @!p0 $0x1082;
	s9 =	sld [smem:$0x3FAD]  }
0x2f: {  	lr =	sadd.s32 s0, s3;
	s0 =	sld [smem:$0x3FA4]  }
0x30: {  	s3 =	sld [smem:$0x3FA7]  }
0x31: {  	[smem:$0x3FB0] =	sst s10  }
0x32: {  	s10 =	sld [smem:$0x3FAE];
	_ =	sdelay $0x3  }
0x33: {  	p0 =	seq.s32 s10, $0x1;
	s10 =	sld [smem:$0x3FB0];
	_ =	sdelay $0x3  }
0x34: {  	[smem:$0x3FB0] =	sst s10  }
0x35: {  	s10 =	sld [smem:$0x3FAF];
	_ =	sdelay $0x3  }
0x36: {  	p1 =	seq.s32 s10, $0x1;
	s10 =	sld [smem:$0x3FB0];
	_ =	sdelay $0x3  }
0x37: {  	[smem:$0x3FB0] =	sst s10  }
0x38: {  	s10 =	sld [smem:$0x3FB1]  }
0x39: {  	_ = 	snop;
	(pc) =	sbr.ind lr, $3  }
0x3a: {  	_ = 	snop  }
0x3b: {  	_ = 	snop  }
0x3c: {  	p2 =	seq.s32 s10, $0x1;
	s10 =	sld [smem:$0x3FB0]  }
0x3d: {  	_ =	shalt  }
0x3e: {  	_ =	shalt  }
0x3f: {  	_ =	shalt  }
0x40: {  	_ =	shalt  }
0x41: {  	_ =	shalt  }
0x42: {  	_ =	shalt  }
0x43: {  	_ =	shalt  }
0x44: {  	_ =	shalt  }
0x45: {  	_ =	shalt  }
0x46: {  	_ =	shalt  }
0x47: {  	_ =	shalt  }
0x48: {  	_ =	shalt  }
0x49: {  	_ =	shalt  }
0x4a: {  	_ =	shalt  }
0x4b: {  	_ =	shalt  }
0x4c: {  	_ =	shalt  }
0x4d: {  	_ =	shalt  }
0x4e: {  	_ =	shalt  }
0x4f: {  	_ =	shalt  }
0x50: {  	_ =	shalt  }
0x51: {  	_ =	shalt  }
0x52: {  	_ =	shalt  }
0x53: {  	_ =	shalt  }
0x54: {  	_ =	shalt  }
0x55: {  	_ =	shalt  }
0x56: {  	_ =	shalt  }
0x57: {  	_ =	shalt  }
0x58: {  	_ =	shalt  }
0x59: {  	_ =	shalt  }
0x5a: {  	_ =	shalt  }
0x5b: {  	_ =	shalt  }
0x5c: {  	_ =	shalt  }
0x5d: {  	_ =	shalt  }
0x5e: {  	_ =	shalt  }
0x5f: {  	_ =	shalt  }
0x60: {  	_ =	shalt  }
0x61: {  	_ =	shalt  }
0x62: {  	_ =	shalt  }
0x63: {  	_ =	shalt  }
0x64: {  	_ =	shalt  }
0x65: {  	_ =	shalt  }
0x66: {  	_ =	shalt  }
0x67: {  	_ =	shalt  }
0x68: {  	_ =	shalt  }
0x69: {  	_ =	shalt  }
0x6a: {  	_ =	shalt  }
0x6b: {  	_ =	shalt  }
0x6c: {  	_ =	shalt  }
0x6d: {  	_ =	shalt  }
0x6e: {  	_ =	shalt  }
0x6f: {  	_ =	shalt  }
0x70: {  	_ =	shalt  }
0x71: {  	_ =	shalt  }
0x72: {  	_ =	shalt  }
0x73: {  	_ =	shalt  }
0x74: {  	_ =	shalt  }
0x75: {  	_ =	shalt  }
0x76: {  	_ =	shalt  }
0x77: {  	_ =	shalt  }
0x78: {  	_ =	shalt  }
0x79: {  	_ =	shalt  }
0x7a: {  	_ =	shalt  }
0x7b: {  	_ =	shalt  }
0x7c: {  	_ =	shalt  }
0x7d: {  	_ =	shalt  }
0x7e: {  	_ =	shalt  }
0x7f: {  	_ =	shalt  }
0x80: {  	_ =	shalt  }
0x81: {  	_ =	shalt  }
0x82: {  	_ =	shalt  }
0x83: {  	_ =	shalt  }
0x84: {  	_ =	shalt  }
0x85: {  	_ =	shalt  }
0x86: {  	_ =	shalt  }
0x87: {  	_ =	shalt  }
.Lfunc_end0:
.L_simem_size_0:
called_computation_lowered:
.L_overlay_start_0:
0x88: {  	s2 =	sld [smem:$0x3FD9]  }
0x89: {  	s3 =	sld [smem:$0x3FFE];
	_ =	sdelay $0x1  }
0x8a: {  	s1 =	srdreg.scid  }
0x8b: {  	s0 =	sand.u32 $0x1, s1  }
0x8c: {  	s15 =	sshll.u32 s0, $0xA;
	s2 =	sadd.s32 s3, s2  }
0x8d: {  	s2 =	sadd.s32 s2, s15  }
0x8e: {  	[smem:$0x3FBC] =	sst s2  }
0x8f: {  	_ = 	snop  }
0x90: {  	s16 =	sld [smem:$0x3FD0];
	_ =	sdelay $0x1  }
0x91: {  	s2 =	sld [smem:$0x3FC9]  }
0x92: {  	s5 =	simm.s32 $0xC;
	s6 =	simm.s32 $0x10;
	s4 =	sld [smem:$0x3FC3]  }
0x93: {  	[smem:s6], [sflag:s5] =	dma.local [hbm:s16], $0x1  }
0x94: {  	_ =	swait.eq [sflag:s5], $0x1  }
0x95: {  	[sflag:s5] =	ssyncset.done $0x0  }
0x96: {  	[sflag:s5] =	ssyncadd.s32 $0xFFFFFFFF  }
0x97: {  	s17 =	sld [smem:$0x10];
	(tm) =	ssettm $0x1  }
0x98: {  	s18 =	sld [smem:$0x3FFB];
	_ =	sdelay $0x3  }
0x99: {  	_ =	strace s18  }
0x9a: {  	s3 =	sld [smem:$0x3FFC];
	_ =	sdelay $0x3  }
0x9b: {  	_ =	strace s3  }
0x9c: {  	s3 =	sld [smem:$0x3FFD];
	_ =	sdelay $0x3  }
0x9d: {  	_ =	strace s3  }
0x9e: {  	_ =	strace $0x8FFFFFFF  }
0x9f: {  	s19 =	sld [smem:$0x3FDB];
	_ =	sdelay $0x1  }
0xa0: {  	s20 =	simm.s32 $_scs_section_size  }
0xa1: {  	s7 =	simm.s32 $_size__tile_overlayer_lowered;
	s8 =	simm.s32 $_tile_overlayer_lowered  }
0xa2: {  	s9 =	simm.s32 $0x1BFF;
	s21 =	sshll.u32 s8, $0x1;
	s6 =	sadd.s32 s20, s19  }
0xa3: {  	s22 =	simm.s32 $0x0;
	s7 =	sshll.u32 s7, $0x1;
	s8 =	sadd.s32 s21, s6  }
0xa4: {  	[timem:s22], [sflag:s9] =	dma.local [hbm:s8], s7  }
0xa5: {  	_ =	swait.ge [sflag:s9], s7  }
0xa6: {  	s7 =	ssub.s32 $0x0, s7;
	[sflag:s9] =	ssyncset.done $0x0  }
0xa7: {  	[sflag:s9] =	ssyncadd.s32 s7;
	_ =	sdelay $0x1  }
0xa8: {  	s23 =	simm.s32 $0x1B8B  }
0xa9: {  	_ =	swait.ge [sflag:s23], $0x1  }
0xaa: {  	[sflag:s23] =	ssyncset.done $0x0  }
0xab: {  	[sflag:s23] =	ssyncadd.s32 $0xFFFFFFFF  }
0xac: {  	s7 =	sld [smem:$0x0]  }
0xad: {  	s8 =	sand.u32 $0xFFFFFFFE, s1  }
0xae: {  	p0 =	sne.s32 s1, s8  }
0xaf: {  	s8 =	sshll.u32 @p0 s8, $0xE  }
0xb0: {  	s8 =	sadd.s32 @p0 $0x11B8D, s8;
	s9 =	sshll.u32 @p0 s7, $0x11  }
0xb1: {  	s8 =	sor.u32 @p0 s9, s8  }
0xb2: {  	[sflag:s8] =	ssyncadd.remote.s32 @p0 $0x1;
	_ =	sdelay $0x1  }
0xb3: {  	s8 =	simm.s32 @p0 $0x1B8D  }
0xb4: {  	_ =	swait.eq @p0 [sflag:s8], $0x1  }
0xb5: {  	[sflag:s8] =	ssyncadd.s32 @p0 $0xFFFFFFFF  }
0xb6: {  	s9 =	sshll.u32 @!p0 s1, $0xE  }
0xb7: {  	s9 =	sor.u32 @!p0 $0x4000, s9;
	s8 =	simm.s32 @!p0 $0x1B8D  }
0xb8: {  	s7 =	sshll.u32 @!p0 s7, $0x11;
	s9 =	sadd.s32 @!p0 $0x11B8D, s9;
	_ =	swait.eq @!p0 [sflag:s8], $0x1  }
0xb9: {  	s7 =	sor.u32 @!p0 s7, s9;
	[sflag:s8] =	ssyncadd.s32 @!p0 $0xFFFFFFFF  }
0xba: {  	s25 =	simm.s32 $0x1B8E;
	s24 =	sld [smem:$0x3FFE];
	[sflag:s7] =	ssyncadd.remote.s32 @!p0 $0x1  }
0xbb: {  	s26 =	simm.s32 $execute0_lowered;
	[smem:$0x3FD2] =	sst s25  }
0xbc: {  	s8 =	sshll.u32 s26, $0x1;
	_ =	strace $0x8000004C;
	[dreg:$0x1] =	wrdreg $0xFFFFFFFF  }
0xbd: {  	s28 =	simm.s32 $_size_execute0_lowered;
	s6 =	sadd.s32 s6, s8;
	[dreg:$0x0] =	wrdreg $0x0  }
0xbe: {  	s8 =	sshll.u32 s28, $0x1;
	[dreg:$0x2] =	wrdreg s6  }
0xbf: {  	[dreg:$0x3] =	wrdreg s8  }
0xc0: {  	[dreg:$0x4] =	wrdreg $0xC0  }
0xc1: {  	_ =	task [dreg:s22], $0x5FFFF  }
0xc2: {  	[dreg:$0x1] =	wrdreg $0xFFFFFFFF  }
0xc3: {  	[dreg:$0x0] =	wrdreg $0x60  }
0xc4: {  	[dreg:$0x2] =	wrdreg s4  }
0xc5: {  	[dreg:$0x3] =	wrdreg s2  }
0xc6: {  	[dreg:$0x4] =	wrdreg s24  }
0xc7: {  	[dreg:$0x5] =	wrdreg s17  }
0xc8: {  	[dreg:$0x6] =	wrdreg $0x9  }
0xc9: {  	_ =	task.clear_ibuf [dreg:s22], $0x7FFFF;
	_ =	strace $0x9000004C  }
0xca: {  	s29 =	simm.s32 $0x9;
	_ =	strace $0x8000004E  }
0xcb: {  	_ =	swait.ge [sflag:s29], $0x1  }
0xcc: {  	[sflag:s29] =	ssyncadd.s32 $0xFFFFFFFF  }
0xcd: {  	_ =	strace $0x9000004E  }
0xce: {  	_ =	sfence  }
0xcf: {  	s30 =	sld [smem:$0x0];
	_ =	sdelay $0x2  }
0xd0: {  	s31 =	sshll.u32 s1, $0xD;
	s1 =	sshrl.u32 s1, $0x2  }
0xd1: {  	s4 =	sand.u32 $0x4000, s31;
	s1 =	sadd.s32 s1, s30  }
0xd2: {  	s0 =	sor.u32 s4, s0;
	s1 =	sshll.u32 s1, $0x11  }
0xd3: {  	s0 =	sor.u32 s1, s0  }
0xd4: {  	s0 =	sadd.s32 $0x8F2B, s0  }
0xd5: {  	[sflag:s0] =	ssyncadd.remote.s32 $0x1  }
0xd6: {  	_ =	sfence.sel $0xFFFF  }
0xd7: {  	[dreg:$0x0] =	wrdreg $0xFFFFFFFF;
	(pc) =	sbr.abs _section_cstart, $3  }
0xd8: {  	[dreg:$0x1] =	wrdreg $0xFFFFFFFF  }
0xd9: {  	_ =	task.clear_ibuf [dreg:s22], $0x2FFFF;
	_ =	strace $0x9FFFFFFF  }
0xda: {  	(tm) =	ssettm $0x7FFFFFFF  }
0xdb: {  	_ =	shalt  }
tec
execute0_lowered:
.L_overlay_start_1:
0x0: {  	(tag) =	ssettag $0x1  }
0x1: {  	s2 =	rddreg [dreg:$0x0]  }
0x2: {  	s4 =	rddreg [dreg:$0x1]  }
0x3: {  	s5 =	rddreg [dreg:$0x2]  }
0x4: {  	s6 =	srdreg.scid;
	s0 =	stileid.u32  }
0x5: {  	s3 =	simm.s32 $0x0;
	s30 =	sand.u32 $0x1, s6;
	s8 =	sshll.u32 s0, $0x1  }
0x6: {  	[smem:$0x7FF] =	sst s3;
	s31 =	sor.u32 s30, s8  }
0x7: {  	s26 =	sadd.s32 $0x1E7200, s5;
	s6 =	sshll.u32 s31, $0x2;
	s28 =	smul.u32 $0x780, s31  }
0x8: {  	s29 =	sadd.s32 $0x1E9000, s5;
	s7 =	smul.u32 $0x7800, s31;
	s4 =	sadd.s32 s4, s6  }
0x9: {  	_ =	strace $0x8000004D;
	[dreg:$0x5] =	wrdreg s4;
	s9 =	sshrl.u32 s28, $0x3  }
0xa: {  	s10 =	sadd.s32 $0x80, s28;
	s13 =	sadd.s32 $0x100, s28;
	s14 =	sadd.s32 s29, s7  }
0xb: {  	s18 =	sadd.s32 $0x180, s28;
	s20 =	sadd.s32 $0x200, s28;
	s25 =	sadd.s32 $0x280, s28  }
0xc: {  	s4 =	sadd.s32 s26, s9;
	s11 =	sshrl.u32 s10, $0x3;
	[dreg:$0x8] =	wrdreg s14  }
0xd: {  	s15 =	sshrl.u32 s13, $0x3;
	s5 =	sshll.u32 s10, $0x4;
	[dreg:$0x6] =	wrdreg s4  }
0xe: {  	s19 =	sshrl.u32 s18, $0x3;
	s12 =	sadd.s32 s26, s11;
	s11 =	rddreg [dreg:$0x5]  }
0xf: {  	s6 =	sshll.u32 s13, $0x4;
	s16 =	sadd.s32 s26, s15;
	[dreg:$0x7] =	wrdreg s12  }
0x10: {  	s22 =	sshrl.u32 s20, $0x3;
	s17 =	sadd.s32 s29, s5;
	[dreg:$0x9] =	wrdreg s16  }
0x11: {  	s0 =	sshrl.u32 s25, $0x3;
	s4 =	sadd.s32 s26, s19;
	[dreg:$0xa] =	wrdreg s17  }
0x12: {  	s1 =	sshll.u32 s20, $0x4;
	s21 =	sadd.s32 s29, s6;
	[dreg:$0xb] =	wrdreg s4  }
0x13: {  	s13 =	sadd.s32 $0x300, s28;
	s23 =	sadd.s32 s26, s22;
	[dreg:$0xc] =	wrdreg s21  }
0x14: {  	s5 =	sshll.u32 s18, $0x4;
	s6 =	sadd.s32 s29, s1;
	[dreg:$0xd] =	wrdreg s23  }
0x15: {  	s9 =	sshll.u32 s25, $0x4;
	s24 =	sadd.s32 s29, s5;
	[dreg:$0x10] =	wrdreg s6  }
0x16: {  	[tilespmem:s3], [sflag:$0x4] =	stream.linear.gather [hbm4b:s11+s3], $0x20, $0x38;
	[tilespmem:$0x9180] =	vst v63  }
0x17: {  	s7 =	sshrl.u32 s13, $0x3;
	s4 =	sadd.s32 s26, s0;
	[dreg:$0xe] =	wrdreg s24  }
0x18: {  	s15 =	sadd.s32 $0x380, s28;
	s8 =	sadd.s32 s26, s7;
	[dreg:$0xf] =	wrdreg s4  }
0x19: {  	s10 =	sshrl.u32 s15, $0x3;
	[dreg:$0x11] =	wrdreg s8;
	s4 =	sadd.s32 s29, s9  }
0x1a: {  	s12 =	sadd.s32 s26, s10;
	[dreg:$0x12] =	wrdreg s4  }
0x1b: {  	[dreg:$0x13] =	wrdreg s12;
	s4 =	simm.s32 $0x4  }
0x1c: {  	_ =	swait.ge [sflag:s4], $0x20  }
0x1d: {  	[sflag:s4] =	ssyncset.done $0x0  }
0x1e: {  	s5 =	simm.s32 $0x20;
	s6 =	simm.s32 $0x80;
	[sflag:s4] =	ssyncadd.s32 $0xFFFFFFE0  }
0x1f: {  	[tilespmem:s6], [sflag:$0x1] =	stream.indirect.gather [hbm4b:s2+s5], $0x80, s3, s5, $0xb8;
	[tilespmem:$0x9180] =	vst v63  }
0x20: {  	s7 =	simm.s32 $0x1080;
	s8 =	rddreg [dreg:$0x6]  }
0x21: {  	[tilespmem:s7], [sflag:$0x4] =	stream.linear.gather [hbm4b:s8+s3], $0x80, $0x38;
	[tilespmem:$0x9180] =	vst v63  }
0x22: {  	_ =	swait.ge [sflag:s4], $0x80  }
0x23: {  	[sflag:s4] =	ssyncset.done $0x0  }
0x24: {  	s8 =	simm.s32 $0x1180;
	[sflag:s4] =	ssyncadd.s32 $0xFFFFFF80  }
0x25: {  	[tilespmem:s8], [sflag:$0x2] =	stream.indirect.gather [hbm4b:s2+s6], $0x80, s7, s6, $0xb8;
	[tilespmem:$0x9180] =	vst v63  }
0x26: {  	s9 =	simm.s32 $0x1100;
	s10 =	rddreg [dreg:$0x7]  }
0x27: {  	[tilespmem:s9], [sflag:$0x4] =	stream.linear.gather [hbm4b:s10+s3], $0x80, $0x38;
	[tilespmem:$0x9180] =	vst v63  }
0x28: {  	_ =	swait.ge [sflag:s4], $0x80  }
0x29: {  	[sflag:s4] =	ssyncset.done $0x0  }
0x2a: {  	s11 =	simm.s32 $0x2;
	s10 =	simm.s32 $0x5180;
	[sflag:s4] =	ssyncadd.s32 $0xFFFFFF80  }
0x2b: {  	[tilespmem:s10], [sflag:$0x3] =	stream.indirect.gather [hbm4b:s2+s6], $0x80, s9, s6, $0xb8;
	[tilespmem:$0x9180] =	vst v63  }
0x2c: {  	_ =	swait.ge [sflag:s11], $0x4000  }
0x2d: {  	[sflag:s11] =	ssyncset.done $0x0  }
0x2e: {  	s12 =	rddreg [dreg:$0x8];
	[sflag:s11] =	ssyncadd.s32 $0xFFFFC000  }
0x2f: {  	[hbm4b:s12+s3] =	stream.linear.scatter [tilespmem:s8], [sflag:$0x4], $0x4000, $0x38;
	[tilespmem:$0x9180] =	vst v63  }
0x30: {  	_ =	swait.ge [sflag:s4], $0x4000  }
0x31: {  	[sflag:s4] =	ssyncset.done $0x0  }
0x32: {  	s14 =	rddreg [dreg:$0x9];
	[sflag:s4] =	ssyncadd.s32 $0xFFFFC000  }
0x33: {  	[tilespmem:s7], [sflag:$0x4] =	stream.linear.gather [hbm4b:s14+s3], $0x80, $0x38;
	[tilespmem:$0x9180] =	vst v63  }
0x34: {  	_ =	swait.ge [sflag:s4], $0x80  }
0x35: {  	[sflag:s4] =	ssyncset.done $0x0  }
0x36: {  	s12 =	simm.s32 $0x3;
	[sflag:s4] =	ssyncadd.s32 $0xFFFFFF80  }
0x37: {  	[tilespmem:s8], [sflag:$0x2] =	stream.indirect.gather [hbm4b:s2+s6], $0x80, s7, s6, $0xb8;
	[tilespmem:$0x9180] =	vst v63  }
0x38: {  	_ =	swait.ge [sflag:s12], $0x4000  }
0x39: {  	[sflag:s12] =	ssyncset.done $0x0  }
0x3a: {  	s14 =	rddreg [dreg:$0xa];
	[sflag:s12] =	ssyncadd.s32 $0xFFFFC000  }
0x3b: {  	[hbm4b:s14+s3] =	stream.linear.scatter [tilespmem:s10], [sflag:$0x4], $0x4000, $0x38;
	[tilespmem:$0x9180] =	vst v63  }
0x3c: {  	_ =	swait.ge [sflag:s4], $0x4000  }
0x3d: {  	[sflag:s4] =	ssyncset.done $0x0  }
0x3e: {  	s16 =	rddreg [dreg:$0xb];
	[sflag:s4] =	ssyncadd.s32 $0xFFFFC000  }
0x3f: {  	[tilespmem:s9], [sflag:$0x4] =	stream.linear.gather [hbm4b:s16+s3], $0x80, $0x38;
	[tilespmem:$0x9180] =	vst v63  }
0x40: {  	_ =	swait.ge [sflag:s4], $0x80  }
0x41: {  	[sflag:s4] =	ssyncset.done $0x0  }
0x42: {  	[sflag:s4] =	ssyncadd.s32 $0xFFFFFF80  }
0x43: {  	[tilespmem:s10], [sflag:$0x3] =	stream.indirect.gather [hbm4b:s2+s6], $0x80, s9, s6, $0xb8;
	[tilespmem:$0x9180] =	vst v63  }
0x44: {  	_ =	swait.ge [sflag:s11], $0x4000  }
0x45: {  	[sflag:s11] =	ssyncset.done $0x0  }
0x46: {  	s17 =	rddreg [dreg:$0xc];
	[sflag:s11] =	ssyncadd.s32 $0xFFFFC000  }
0x47: {  	[hbm4b:s17+s3] =	stream.linear.scatter [tilespmem:s8], [sflag:$0x4], $0x4000, $0x38;
	[tilespmem:$0x9180] =	vst v63  }
0x48: {  	_ =	swait.ge [sflag:s4], $0x4000  }
0x49: {  	[sflag:s4] =	ssyncset.done $0x0  }
0x4a: {  	s18 =	rddreg [dreg:$0xd];
	[sflag:s4] =	ssyncadd.s32 $0xFFFFC000  }
0x4b: {  	[tilespmem:s7], [sflag:$0x4] =	stream.linear.gather [hbm4b:s18+s3], $0x80, $0x38;
	[tilespmem:$0x9180] =	vst v63  }
0x4c: {  	_ =	swait.ge [sflag:s4], $0x80  }
0x4d: {  	[sflag:s4] =	ssyncset.done $0x0  }
0x4e: {  	[sflag:s4] =	ssyncadd.s32 $0xFFFFFF80  }
0x4f: {  	[tilespmem:s8], [sflag:$0x2] =	stream.indirect.gather [hbm4b:s2+s6], $0x80, s7, s6, $0xb8;
	[tilespmem:$0x9180] =	vst v63  }
0x50: {  	_ =	swait.ge [sflag:s12], $0x4000  }
0x51: {  	[sflag:s12] =	ssyncset.done $0x0  }
0x52: {  	s19 =	rddreg [dreg:$0xe];
	[sflag:s12] =	ssyncadd.s32 $0xFFFFC000  }
0x53: {  	[hbm4b:s19+s3] =	stream.linear.scatter [tilespmem:s10], [sflag:$0x4], $0x4000, $0x38;
	[tilespmem:$0x9180] =	vst v63  }
0x54: {  	_ =	swait.ge [sflag:s4], $0x4000  }
0x55: {  	[sflag:s4] =	ssyncset.done $0x0  }
0x56: {  	s20 =	rddreg [dreg:$0xf];
	[sflag:s4] =	ssyncadd.s32 $0xFFFFC000  }
0x57: {  	[tilespmem:s9], [sflag:$0x4] =	stream.linear.gather [hbm4b:s20+s3], $0x80, $0x38;
	[tilespmem:$0x9180] =	vst v63  }
0x58: {  	_ =	swait.ge [sflag:s4], $0x80  }
0x59: {  	[sflag:s4] =	ssyncset.done $0x0  }
0x5a: {  	[sflag:s4] =	ssyncadd.s32 $0xFFFFFF80  }
0x5b: {  	[tilespmem:s10], [sflag:$0x3] =	stream.indirect.gather [hbm4b:s2+s6], $0x80, s9, s6, $0xb8;
	[tilespmem:$0x9180] =	vst v63  }
0x5c: {  	_ =	swait.ge [sflag:s11], $0x4000  }
0x5d: {  	[sflag:s11] =	ssyncset.done $0x0  }
0x5e: {  	s21 =	rddreg [dreg:$0x10];
	[sflag:s11] =	ssyncadd.s32 $0xFFFFC000  }
0x5f: {  	[hbm4b:s21+s3] =	stream.linear.scatter [tilespmem:s8], [sflag:$0x4], $0x4000, $0x38;
	[tilespmem:$0x9180] =	vst v63  }
0x60: {  	_ =	swait.ge [sflag:s4], $0x4000  }
0x61: {  	[sflag:s4] =	ssyncset.done $0x0  }
0x62: {  	s22 =	rddreg [dreg:$0x11];
	[sflag:s4] =	ssyncadd.s32 $0xFFFFC000  }
0x63: {  	[tilespmem:s7], [sflag:$0x4] =	stream.linear.gather [hbm4b:s22+s3], $0x80, $0x38;
	[tilespmem:$0x9180] =	vst v63  }
0x64: {  	_ =	swait.ge [sflag:s4], $0x80  }
0x65: {  	[sflag:s4] =	ssyncset.done $0x0  }
0x66: {  	[sflag:s4] =	ssyncadd.s32 $0xFFFFFF80  }
0x67: {  	[tilespmem:s8], [sflag:$0x2] =	stream.indirect.gather [hbm4b:s2+s6], $0x80, s7, s6, $0xb8;
	[tilespmem:$0x9180] =	vst v63  }
0x68: {  	_ =	swait.ge [sflag:s12], $0x4000  }
0x69: {  	[sflag:s12] =	ssyncset.done $0x0  }
0x6a: {  	s23 =	rddreg [dreg:$0x12];
	[sflag:s12] =	ssyncadd.s32 $0xFFFFC000  }
0x6b: {  	[hbm4b:s23+s3] =	stream.linear.scatter [tilespmem:s10], [sflag:$0x4], $0x4000, $0x38;
	[tilespmem:$0x9180] =	vst v63  }
0x6c: {  	_ =	swait.ge [sflag:s4], $0x4000  }
0x6d: {  	[sflag:s4] =	ssyncset.done $0x0  }
0x6e: {  	s24 =	rddreg [dreg:$0x13];
	[sflag:s4] =	ssyncadd.s32 $0xFFFFC000  }
0x6f: {  	[tilespmem:s9], [sflag:$0x4] =	stream.linear.gather [hbm4b:s24+s3], $0x80, $0x38;
	[tilespmem:$0x9180] =	vst v63  }
0x70: {  	_ =	swait.ge [sflag:s4], $0x80  }
0x71: {  	[sflag:s4] =	ssyncset.done $0x0  }
0x72: {  	[sflag:s4] =	ssyncadd.s32 $0xFFFFFF80  }
0x73: {  	[tilespmem:s10], [sflag:$0x3] =	stream.indirect.gather [hbm4b:s2+s6], $0x80, s9, s6, $0xb8;
	[tilespmem:$0x9180] =	vst v63  }
0x74: {  	_ =	swait.ge [sflag:s11], $0x4000  }
0x75: {  	s13 =	sshll.u32 s13, $0x4;
	[sflag:s11] =	ssyncset.done $0x0  }
0x76: {  	s13 =	sadd.s32 s29, s13;
	[sflag:s11] =	ssyncadd.s32 $0xFFFFC000  }
0x77: {  	[hbm4b:s13+s3] =	stream.linear.scatter [tilespmem:s8], [sflag:$0x4], $0x4000, $0x38;
	[tilespmem:$0x9180] =	vst v63  }
0x78: {  	s17 =	sadd.s32 $0x400, s28;
	_ =	swait.ge [sflag:s4], $0x4000  }
0x79: {  	s25 =	sshrl.u32 s17, $0x3;
	[sflag:s4] =	ssyncset.done $0x0  }
0x7a: {  	s14 =	sadd.s32 s26, s25;
	[sflag:s4] =	ssyncadd.s32 $0xFFFFC000  }
0x7b: {  	[tilespmem:s7], [sflag:$0x4] =	stream.linear.gather [hbm4b:s14+s3], $0x80, $0x38;
	[tilespmem:$0x9180] =	vst v63  }
0x7c: {  	_ =	swait.ge [sflag:s4], $0x80  }
0x7d: {  	[sflag:s4] =	ssyncset.done $0x0  }
0x7e: {  	[sflag:s4] =	ssyncadd.s32 $0xFFFFFF80  }
0x7f: {  	[tilespmem:s8], [sflag:$0x2] =	stream.indirect.gather [hbm4b:s2+s6], $0x80, s7, s6, $0xb8;
	[tilespmem:$0x9180] =	vst v63  }
0x80: {  	_ =	swait.ge [sflag:s12], $0x4000  }
0x81: {  	s15 =	sshll.u32 s15, $0x4;
	[sflag:s12] =	ssyncset.done $0x0  }
0x82: {  	s15 =	sadd.s32 s29, s15;
	[sflag:s12] =	ssyncadd.s32 $0xFFFFC000  }
0x83: {  	[hbm4b:s15+s3] =	stream.linear.scatter [tilespmem:s10], [sflag:$0x4], $0x4000, $0x38;
	[tilespmem:$0x9180] =	vst v63  }
0x84: {  	s19 =	sadd.s32 $0x480, s28;
	_ =	swait.ge [sflag:s4], $0x4000  }
0x85: {  	s16 =	sshrl.u32 s19, $0x3;
	[sflag:s4] =	ssyncset.done $0x0  }
0x86: {  	s16 =	sadd.s32 s26, s16;
	[sflag:s4] =	ssyncadd.s32 $0xFFFFC000  }
0x87: {  	[tilespmem:s9], [sflag:$0x4] =	stream.linear.gather [hbm4b:s16+s3], $0x80, $0x38;
	[tilespmem:$0x9180] =	vst v63  }
0x88: {  	_ =	swait.ge [sflag:s4], $0x80  }
0x89: {  	[sflag:s4] =	ssyncset.done $0x0  }
0x8a: {  	[sflag:s4] =	ssyncadd.s32 $0xFFFFFF80  }
0x8b: {  	[tilespmem:s10], [sflag:$0x3] =	stream.indirect.gather [hbm4b:s2+s6], $0x80, s9, s6, $0xb8;
	[tilespmem:$0x9180] =	vst v63  }
0x8c: {  	_ =	swait.ge [sflag:s11], $0x4000  }
0x8d: {  	s17 =	sshll.u32 s17, $0x4;
	[sflag:s11] =	ssyncset.done $0x0  }
0x8e: {  	s17 =	sadd.s32 s29, s17;
	[sflag:s11] =	ssyncadd.s32 $0xFFFFC000  }
0x8f: {  	[hbm4b:s17+s3] =	stream.linear.scatter [tilespmem:s8], [sflag:$0x4], $0x4000, $0x38;
	[tilespmem:$0x9180] =	vst v63  }
0x90: {  	s21 =	sadd.s32 $0x500, s28;
	_ =	swait.ge [sflag:s4], $0x4000  }
0x91: {  	s18 =	sshrl.u32 s21, $0x3;
	[sflag:s4] =	ssyncset.done $0x0  }
0x92: {  	s18 =	sadd.s32 s26, s18;
	[sflag:s4] =	ssyncadd.s32 $0xFFFFC000  }
0x93: {  	[tilespmem:s7], [sflag:$0x4] =	stream.linear.gather [hbm4b:s18+s3], $0x80, $0x38;
	[tilespmem:$0x9180] =	vst v63  }
0x94: {  	_ =	swait.ge [sflag:s4], $0x80  }
0x95: {  	[sflag:s4] =	ssyncset.done $0x0  }
0x96: {  	[sflag:s4] =	ssyncadd.s32 $0xFFFFFF80  }
0x97: {  	[tilespmem:s8], [sflag:$0x2] =	stream.indirect.gather [hbm4b:s2+s6], $0x80, s7, s6, $0xb8;
	[tilespmem:$0x9180] =	vst v63  }
0x98: {  	_ =	swait.ge [sflag:s12], $0x4000  }
0x99: {  	s19 =	sshll.u32 s19, $0x4;
	[sflag:s12] =	ssyncset.done $0x0  }
0x9a: {  	s19 =	sadd.s32 s29, s19;
	[sflag:s12] =	ssyncadd.s32 $0xFFFFC000  }
0x9b: {  	[hbm4b:s19+s3] =	stream.linear.scatter [tilespmem:s10], [sflag:$0x4], $0x4000, $0x38;
	[tilespmem:$0x9180] =	vst v63  }
0x9c: {  	s23 =	sadd.s32 $0x580, s28;
	_ =	swait.ge [sflag:s4], $0x4000  }
0x9d: {  	s20 =	sshrl.u32 s23, $0x3;
	[sflag:s4] =	ssyncset.done $0x0  }
0x9e: {  	s20 =	sadd.s32 s26, s20;
	[sflag:s4] =	ssyncadd.s32 $0xFFFFC000  }
0x9f: {  	[tilespmem:s9], [sflag:$0x4] =	stream.linear.gather [hbm4b:s20+s3], $0x80, $0x38;
	[tilespmem:$0x9180] =	vst v63  }
0xa0: {  	_ =	swait.ge [sflag:s4], $0x80  }
0xa1: {  	[sflag:s4] =	ssyncset.done $0x0  }
0xa2: {  	[sflag:s4] =	ssyncadd.s32 $0xFFFFFF80  }
0xa3: {  	[tilespmem:s10], [sflag:$0x3] =	stream.indirect.gather [hbm4b:s2+s6], $0x80, s9, s6, $0xb8;
	[tilespmem:$0x9180] =	vst v63  }
0xa4: {  	_ =	swait.ge [sflag:s11], $0x4000  }
0xa5: {  	s21 =	sshll.u32 s21, $0x4;
	[sflag:s11] =	ssyncset.done $0x0  }
0xa6: {  	s21 =	sadd.s32 s29, s21;
	[sflag:s11] =	ssyncadd.s32 $0xFFFFC000  }
0xa7: {  	[hbm4b:s21+s3] =	stream.linear.scatter [tilespmem:s8], [sflag:$0x4], $0x4000, $0x38;
	[tilespmem:$0x9180] =	vst v63  }
0xa8: {  	s25 =	sadd.s32 $0x600, s28;
	_ =	swait.ge [sflag:s4], $0x4000  }
0xa9: {  	s22 =	sshrl.u32 s25, $0x3;
	[sflag:s4] =	ssyncset.done $0x0  }
0xaa: {  	s22 =	sadd.s32 s26, s22;
	[sflag:s4] =	ssyncadd.s32 $0xFFFFC000  }
0xab: {  	[tilespmem:s7], [sflag:$0x4] =	stream.linear.gather [hbm4b:s22+s3], $0x80, $0x38;
	[tilespmem:$0x9180] =	vst v63  }
0xac: {  	_ =	swait.ge [sflag:s4], $0x80  }
0xad: {  	[sflag:s4] =	ssyncset.done $0x0  }
0xae: {  	[sflag:s4] =	ssyncadd.s32 $0xFFFFFF80  }
0xaf: {  	[tilespmem:s8], [sflag:$0x2] =	stream.indirect.gather [hbm4b:s2+s6], $0x80, s7, s6, $0xb8;
	[tilespmem:$0x9180] =	vst v63  }
0xb0: {  	_ =	swait.ge [sflag:s12], $0x4000  }
0xb1: {  	s23 =	sshll.u32 s23, $0x4;
	[sflag:s12] =	ssyncset.done $0x0  }
0xb2: {  	s23 =	sadd.s32 s29, s23;
	[sflag:s12] =	ssyncadd.s32 $0xFFFFC000  }
0xb3: {  	[hbm4b:s23+s3] =	stream.linear.scatter [tilespmem:s10], [sflag:$0x4], $0x4000, $0x38;
	[tilespmem:$0x9180] =	vst v63  }
0xb4: {  	s1 =	sadd.s32 $0x680, s28;
	_ =	swait.ge [sflag:s4], $0x4000  }
0xb5: {  	s24 =	sshrl.u32 s1, $0x3;
	[sflag:s4] =	ssyncset.done $0x0  }
0xb6: {  	s24 =	sadd.s32 s26, s24;
	[sflag:s4] =	ssyncadd.s32 $0xFFFFC000  }
0xb7: {  	[tilespmem:s9], [sflag:$0x4] =	stream.linear.gather [hbm4b:s24+s3], $0x80, $0x38;
	[tilespmem:$0x9180] =	vst v63  }
0xb8: {  	_ =	swait.ge [sflag:s4], $0x80  }
0xb9: {  	[sflag:s4] =	ssyncset.done $0x0  }
0xba: {  	[sflag:s4] =	ssyncadd.s32 $0xFFFFFF80  }
0xbb: {  	[tilespmem:s10], [sflag:$0x3] =	stream.indirect.gather [hbm4b:s2+s6], $0x80, s9, s6, $0xb8;
	[tilespmem:$0x9180] =	vst v63  }
0xbc: {  	_ =	swait.ge [sflag:s11], $0x4000  }
0xbd: {  	s25 =	sshll.u32 s25, $0x4;
	[sflag:s11] =	ssyncset.done $0x0  }
0xbe: {  	s25 =	sadd.s32 s29, s25;
	[sflag:s11] =	ssyncadd.s32 $0xFFFFC000  }
0xbf: {  	[hbm4b:s25+s3] =	stream.linear.scatter [tilespmem:s8], [sflag:$0x4], $0x4000, $0x38;
	[tilespmem:$0x9180] =	vst v63  }
0xc0: {  	s0 =	sadd.s32 $0x700, s28;
	_ =	swait.ge [sflag:s4], $0x4000  }
0xc1: {  	s28 =	sshrl.u32 s0, $0x3;
	[sflag:s4] =	ssyncset.done $0x0  }
0xc2: {  	s26 =	sadd.s32 s26, s28;
	[sflag:s4] =	ssyncadd.s32 $0xFFFFC000  }
0xc3: {  	[tilespmem:s7], [sflag:$0x4] =	stream.linear.gather [hbm4b:s26+s3], $0x80, $0x38;
	[tilespmem:$0x9180] =	vst v63  }
0xc4: {  	_ =	swait.ge [sflag:s4], $0x80  }
0xc5: {  	[sflag:s4] =	ssyncset.done $0x0  }
0xc6: {  	[sflag:s4] =	ssyncadd.s32 $0xFFFFFF80  }
0xc7: {  	[tilespmem:s8], [sflag:$0x2] =	stream.indirect.gather [hbm4b:s2+s6], $0x80, s7, s6, $0xb8;
	[tilespmem:$0x9180] =	vst v63  }
0xc8: {  	_ =	swait.ge [sflag:s12], $0x4000  }
0xc9: {  	s1 =	sshll.u32 s1, $0x4;
	[sflag:s12] =	ssyncset.done $0x0  }
0xca: {  	s28 =	sadd.s32 s29, s1;
	[sflag:s12] =	ssyncadd.s32 $0xFFFFC000  }
0xcb: {  	[hbm4b:s28+s3] =	stream.linear.scatter [tilespmem:s10], [sflag:$0x4], $0x4000, $0x38;
	[tilespmem:$0x9180] =	vst v63  }
0xcc: {  	_ =	swait.ge [sflag:s4], $0x4000  }
0xcd: {  	[sflag:s4] =	ssyncset.done $0x0  }
0xce: {  	[sflag:s4] =	ssyncadd.s32 $0xFFFFC000  }
0xcf: {  	_ =	swait.ge [sflag:s11], $0x4000  }
0xd0: {  	s0 =	sshll.u32 s0, $0x4;
	[sflag:s11] =	ssyncset.done $0x0  }
0xd1: {  	s29 =	sadd.s32 s29, s0;
	s0 =	ssub.s32 $0x2, s30;
	[sflag:s11] =	ssyncadd.s32 $0xFFFFC000  }
0xd2: {  	[hbm4b:s29+s3] =	stream.linear.scatter [tilespmem:s8], [sflag:$0x4], $0x4000, $0x38;
	[tilespmem:$0x9180] =	vst v63  }
0xd3: {  	s1 =	sshrl.u32 s0, $0x1;
	_ =	swait.ge [sflag:s4], $0x4000  }
0xd4: {  	s0 =	ssub.s32 s0, s1;
	[sflag:s4] =	ssyncset.done $0x0  }
0xd5: {  	s30 =	simm.s32 $0x1;
	s0 =	smax.u32 s0, $0x1;
	[sflag:s4] =	ssyncadd.s32 $0xFFFFC000  }
0xd6: {  	p0 =	sne.s32 s0, $0x1;
	_ =	swait.ge [sflag:s30], $0x1000  }
.Ltmp0:
0xd7: {  	[sflag:s30] =	ssyncset.done $0x0;
	(pc) =	sbr.rel @!p0 .LBB2_2-.Ltmp0, $4  }
0xd8: {  	s1 =	sshll.u32 s31, $0x9;
	s31 =	rddreg [dreg:$0x3]  }
0xd9: {  	[sflag:s30] =	ssyncadd.s32 $0xFFFFF000;
	s31 =	sadd.s32 s31, s1  }
0xda: {  	[hbm4b:s31+s3] =	stream.linear.scatter [tilespmem:s6], [sflag:$0x4], $0x1000, $0x38;
	[tilespmem:$0x9180] =	vst v63  }
0xdb: {  	s0 =	sadd.s32 $0xFFFFFFFF, s0;
	_ =	swait.ge [sflag:s4], $0x1000  }
.LBB2_1:
0xdc: {  	[sflag:s4] =	ssyncset.done $0x0  }
0xdd: {  	s1 =	rddreg [dreg:$0x5];
	[sflag:s4] =	ssyncadd.s32 $0xFFFFF000  }
0xde: {  	[tilespmem:s3], [sflag:$0x4] =	stream.linear.gather [hbm4b:s1+s3], $0x20, $0x38;
	[tilespmem:$0x9180] =	vst v63  }
0xdf: {  	_ =	swait.ge [sflag:s4], $0x20  }
0xe0: {  	[sflag:s4] =	ssyncset.done $0x0  }
0xe1: {  	[sflag:s4] =	ssyncadd.s32 $0xFFFFFFE0  }
0xe2: {  	[tilespmem:s6], [sflag:$0x1] =	stream.indirect.gather [hbm4b:s2+s5], $0x80, s3, s5, $0xb8;
	[tilespmem:$0x9180] =	vst v63  }
0xe3: {  	s1 =	rddreg [dreg:$0x6]  }
0xe4: {  	[tilespmem:s7], [sflag:$0x4] =	stream.linear.gather [hbm4b:s1+s3], $0x80, $0x38;
	[tilespmem:$0x9180] =	vst v63  }
0xe5: {  	_ =	swait.ge [sflag:s4], $0x80  }
0xe6: {  	[sflag:s4] =	ssyncset.done $0x0  }
0xe7: {  	[sflag:s4] =	ssyncadd.s32 $0xFFFFFF80  }
0xe8: {  	[tilespmem:s8], [sflag:$0x2] =	stream.indirect.gather [hbm4b:s2+s6], $0x80, s7, s6, $0xb8;
	[tilespmem:$0x9180] =	vst v63  }
0xe9: {  	s1 =	rddreg [dreg:$0x7]  }
0xea: {  	[tilespmem:s9], [sflag:$0x4] =	stream.linear.gather [hbm4b:s1+s3], $0x80, $0x38;
	[tilespmem:$0x9180] =	vst v63  }
0xeb: {  	_ =	swait.ge [sflag:s4], $0x80  }
0xec: {  	[sflag:s4] =	ssyncset.done $0x0  }
0xed: {  	[sflag:s4] =	ssyncadd.s32 $0xFFFFFF80  }
0xee: {  	[tilespmem:s10], [sflag:$0x3] =	stream.indirect.gather [hbm4b:s2+s6], $0x80, s9, s6, $0xb8;
	[tilespmem:$0x9180] =	vst v63  }
0xef: {  	_ =	swait.ge [sflag:s11], $0x4000  }
0xf0: {  	[sflag:s11] =	ssyncset.done $0x0  }
0xf1: {  	s1 =	rddreg [dreg:$0x8];
	[sflag:s11] =	ssyncadd.s32 $0xFFFFC000  }
0xf2: {  	[hbm4b:s1+s3] =	stream.linear.scatter [tilespmem:s8], [sflag:$0x4], $0x4000, $0x38;
	[tilespmem:$0x9180] =	vst v63  }
0xf3: {  	_ =	swait.ge [sflag:s4], $0x4000  }
0xf4: {  	[sflag:s4] =	ssyncset.done $0x0  }
0xf5: {  	s1 =	rddreg [dreg:$0x9];
	[sflag:s4] =	ssyncadd.s32 $0xFFFFC000  }
0xf6: {  	[tilespmem:s7], [sflag:$0x4] =	stream.linear.gather [hbm4b:s1+s3], $0x80, $0x38;
	[tilespmem:$0x9180] =	vst v63  }
0xf7: {  	_ =	swait.ge [sflag:s4], $0x80  }
0xf8: {  	[sflag:s4] =	ssyncset.done $0x0  }
0xf9: {  	[sflag:s4] =	ssyncadd.s32 $0xFFFFFF80  }
0xfa: {  	[tilespmem:s8], [sflag:$0x2] =	stream.indirect.gather [hbm4b:s2+s6], $0x80, s7, s6, $0xb8;
	[tilespmem:$0x9180] =	vst v63  }
0xfb: {  	_ =	swait.ge [sflag:s12], $0x4000  }
0xfc: {  	[sflag:s12] =	ssyncset.done $0x0  }
0xfd: {  	s1 =	rddreg [dreg:$0xa];
	[sflag:s12] =	ssyncadd.s32 $0xFFFFC000  }
0xfe: {  	[hbm4b:s1+s3] =	stream.linear.scatter [tilespmem:s10], [sflag:$0x4], $0x4000, $0x38;
	[tilespmem:$0x9180] =	vst v63  }
0xff: {  	_ =	swait.ge [sflag:s4], $0x4000  }
0x100: {  	[sflag:s4] =	ssyncset.done $0x0  }
0x101: {  	s1 =	rddreg [dreg:$0xb];
	[sflag:s4] =	ssyncadd.s32 $0xFFFFC000  }
0x102: {  	[tilespmem:s9], [sflag:$0x4] =	stream.linear.gather [hbm4b:s1+s3], $0x80, $0x38;
	[tilespmem:$0x9180] =	vst v63  }
0x103: {  	_ =	swait.ge [sflag:s4], $0x80  }
0x104: {  	[sflag:s4] =	ssyncset.done $0x0  }
0x105: {  	[sflag:s4] =	ssyncadd.s32 $0xFFFFFF80  }
0x106: {  	[tilespmem:s10], [sflag:$0x3] =	stream.indirect.gather [hbm4b:s2+s6], $0x80, s9, s6, $0xb8;
	[tilespmem:$0x9180] =	vst v63  }
0x107: {  	_ =	swait.ge [sflag:s11], $0x4000  }
0x108: {  	[sflag:s11] =	ssyncset.done $0x0  }
0x109: {  	s1 =	rddreg [dreg:$0xc];
	[sflag:s11] =	ssyncadd.s32 $0xFFFFC000  }
0x10a: {  	[hbm4b:s1+s3] =	stream.linear.scatter [tilespmem:s8], [sflag:$0x4], $0x4000, $0x38;
	[tilespmem:$0x9180] =	vst v63  }
0x10b: {  	_ =	swait.ge [sflag:s4], $0x4000  }
0x10c: {  	[sflag:s4] =	ssyncset.done $0x0  }
0x10d: {  	s1 =	rddreg [dreg:$0xd];
	[sflag:s4] =	ssyncadd.s32 $0xFFFFC000  }
0x10e: {  	[tilespmem:s7], [sflag:$0x4] =	stream.linear.gather [hbm4b:s1+s3], $0x80, $0x38;
	[tilespmem:$0x9180] =	vst v63  }
0x10f: {  	_ =	swait.ge [sflag:s4], $0x80  }
0x110: {  	[sflag:s4] =	ssyncset.done $0x0  }
0x111: {  	[sflag:s4] =	ssyncadd.s32 $0xFFFFFF80  }
0x112: {  	[tilespmem:s8], [sflag:$0x2] =	stream.indirect.gather [hbm4b:s2+s6], $0x80, s7, s6, $0xb8;
	[tilespmem:$0x9180] =	vst v63  }
0x113: {  	_ =	swait.ge [sflag:s12], $0x4000  }
0x114: {  	[sflag:s12] =	ssyncset.done $0x0  }
0x115: {  	s1 =	rddreg [dreg:$0xe];
	[sflag:s12] =	ssyncadd.s32 $0xFFFFC000  }
0x116: {  	[hbm4b:s1+s3] =	stream.linear.scatter [tilespmem:s10], [sflag:$0x4], $0x4000, $0x38;
	[tilespmem:$0x9180] =	vst v63  }
0x117: {  	_ =	swait.ge [sflag:s4], $0x4000  }
0x118: {  	[sflag:s4] =	ssyncset.done $0x0  }
0x119: {  	s1 =	rddreg [dreg:$0xf];
	[sflag:s4] =	ssyncadd.s32 $0xFFFFC000  }
0x11a: {  	[tilespmem:s9], [sflag:$0x4] =	stream.linear.gather [hbm4b:s1+s3], $0x80, $0x38;
	[tilespmem:$0x9180] =	vst v63  }
0x11b: {  	_ =	swait.ge [sflag:s4], $0x80  }
0x11c: {  	[sflag:s4] =	ssyncset.done $0x0  }
0x11d: {  	[sflag:s4] =	ssyncadd.s32 $0xFFFFFF80  }
0x11e: {  	[tilespmem:s10], [sflag:$0x3] =	stream.indirect.gather [hbm4b:s2+s6], $0x80, s9, s6, $0xb8;
	[tilespmem:$0x9180] =	vst v63  }
0x11f: {  	_ =	swait.ge [sflag:s11], $0x4000  }
0x120: {  	[sflag:s11] =	ssyncset.done $0x0  }
0x121: {  	s1 =	rddreg [dreg:$0x10];
	[sflag:s11] =	ssyncadd.s32 $0xFFFFC000  }
0x122: {  	[hbm4b:s1+s3] =	stream.linear.scatter [tilespmem:s8], [sflag:$0x4], $0x4000, $0x38;
	[tilespmem:$0x9180] =	vst v63  }
0x123: {  	_ =	swait.ge [sflag:s4], $0x4000  }
0x124: {  	[sflag:s4] =	ssyncset.done $0x0  }
0x125: {  	s1 =	rddreg [dreg:$0x11];
	[sflag:s4] =	ssyncadd.s32 $0xFFFFC000  }
0x126: {  	[tilespmem:s7], [sflag:$0x4] =	stream.linear.gather [hbm4b:s1+s3], $0x80, $0x38;
	[tilespmem:$0x9180] =	vst v63  }
0x127: {  	_ =	swait.ge [sflag:s4], $0x80  }
0x128: {  	[sflag:s4] =	ssyncset.done $0x0  }
0x129: {  	[sflag:s4] =	ssyncadd.s32 $0xFFFFFF80  }
0x12a: {  	[tilespmem:s8], [sflag:$0x2] =	stream.indirect.gather [hbm4b:s2+s6], $0x80, s7, s6, $0xb8;
	[tilespmem:$0x9180] =	vst v63  }
0x12b: {  	_ =	swait.ge [sflag:s12], $0x4000  }
0x12c: {  	[sflag:s12] =	ssyncset.done $0x0  }
0x12d: {  	s1 =	rddreg [dreg:$0x12];
	[sflag:s12] =	ssyncadd.s32 $0xFFFFC000  }
0x12e: {  	[hbm4b:s1+s3] =	stream.linear.scatter [tilespmem:s10], [sflag:$0x4], $0x4000, $0x38;
	[tilespmem:$0x9180] =	vst v63  }
0x12f: {  	_ =	swait.ge [sflag:s4], $0x4000  }
0x130: {  	[sflag:s4] =	ssyncset.done $0x0  }
0x131: {  	s1 =	rddreg [dreg:$0x13];
	[sflag:s4] =	ssyncadd.s32 $0xFFFFC000  }
0x132: {  	[tilespmem:s9], [sflag:$0x4] =	stream.linear.gather [hbm4b:s1+s3], $0x80, $0x38;
	[tilespmem:$0x9180] =	vst v63  }
0x133: {  	_ =	swait.ge [sflag:s4], $0x80  }
0x134: {  	[sflag:s4] =	ssyncset.done $0x0  }
0x135: {  	[sflag:s4] =	ssyncadd.s32 $0xFFFFFF80  }
0x136: {  	[tilespmem:s10], [sflag:$0x3] =	stream.indirect.gather [hbm4b:s2+s6], $0x80, s9, s6, $0xb8;
	[tilespmem:$0x9180] =	vst v63  }
0x137: {  	_ =	swait.ge [sflag:s11], $0x4000  }
0x138: {  	[sflag:s11] =	ssyncset.done $0x0  }
0x139: {  	[sflag:s11] =	ssyncadd.s32 $0xFFFFC000  }
0x13a: {  	[hbm4b:s13+s3] =	stream.linear.scatter [tilespmem:s8], [sflag:$0x4], $0x4000, $0x38;
	[tilespmem:$0x9180] =	vst v63  }
0x13b: {  	_ =	swait.ge [sflag:s4], $0x4000  }
0x13c: {  	[sflag:s4] =	ssyncset.done $0x0  }
0x13d: {  	[sflag:s4] =	ssyncadd.s32 $0xFFFFC000  }
0x13e: {  	[tilespmem:s7], [sflag:$0x4] =	stream.linear.gather [hbm4b:s14+s3], $0x80, $0x38;
	[tilespmem:$0x9180] =	vst v63  }
0x13f: {  	_ =	swait.ge [sflag:s4], $0x80  }
0x140: {  	[sflag:s4] =	ssyncset.done $0x0  }
0x141: {  	[sflag:s4] =	ssyncadd.s32 $0xFFFFFF80  }
0x142: {  	[tilespmem:s8], [sflag:$0x2] =	stream.indirect.gather [hbm4b:s2+s6], $0x80, s7, s6, $0xb8;
	[tilespmem:$0x9180] =	vst v63  }
0x143: {  	_ =	swait.ge [sflag:s12], $0x4000  }
0x144: {  	[sflag:s12] =	ssyncset.done $0x0  }
0x145: {  	[sflag:s12] =	ssyncadd.s32 $0xFFFFC000  }
0x146: {  	[hbm4b:s15+s3] =	stream.linear.scatter [tilespmem:s10], [sflag:$0x4], $0x4000, $0x38;
	[tilespmem:$0x9180] =	vst v63  }
0x147: {  	_ =	swait.ge [sflag:s4], $0x4000  }
0x148: {  	[sflag:s4] =	ssyncset.done $0x0  }
0x149: {  	[sflag:s4] =	ssyncadd.s32 $0xFFFFC000  }
0x14a: {  	[tilespmem:s9], [sflag:$0x4] =	stream.linear.gather [hbm4b:s16+s3], $0x80, $0x38;
	[tilespmem:$0x9180] =	vst v63  }
0x14b: {  	_ =	swait.ge [sflag:s4], $0x80  }
0x14c: {  	[sflag:s4] =	ssyncset.done $0x0  }
0x14d: {  	[sflag:s4] =	ssyncadd.s32 $0xFFFFFF80  }
0x14e: {  	[tilespmem:s10], [sflag:$0x3] =	stream.indirect.gather [hbm4b:s2+s6], $0x80, s9, s6, $0xb8;
	[tilespmem:$0x9180] =	vst v63  }
0x14f: {  	_ =	swait.ge [sflag:s11], $0x4000  }
0x150: {  	[sflag:s11] =	ssyncset.done $0x0  }
0x151: {  	[sflag:s11] =	ssyncadd.s32 $0xFFFFC000  }
0x152: {  	[hbm4b:s17+s3] =	stream.linear.scatter [tilespmem:s8], [sflag:$0x4], $0x4000, $0x38;
	[tilespmem:$0x9180] =	vst v63  }
0x153: {  	_ =	swait.ge [sflag:s4], $0x4000  }
0x154: {  	[sflag:s4] =	ssyncset.done $0x0  }
0x155: {  	[sflag:s4] =	ssyncadd.s32 $0xFFFFC000  }
0x156: {  	[tilespmem:s7], [sflag:$0x4] =	stream.linear.gather [hbm4b:s18+s3], $0x80, $0x38;
	[tilespmem:$0x9180] =	vst v63  }
0x157: {  	_ =	swait.ge [sflag:s4], $0x80  }
0x158: {  	[sflag:s4] =	ssyncset.done $0x0  }
0x159: {  	[sflag:s4] =	ssyncadd.s32 $0xFFFFFF80  }
0x15a: {  	[tilespmem:s8], [sflag:$0x2] =	stream.indirect.gather [hbm4b:s2+s6], $0x80, s7, s6, $0xb8;
	[tilespmem:$0x9180] =	vst v63  }
0x15b: {  	_ =	swait.ge [sflag:s12], $0x4000  }
0x15c: {  	[sflag:s12] =	ssyncset.done $0x0  }
0x15d: {  	[sflag:s12] =	ssyncadd.s32 $0xFFFFC000  }
0x15e: {  	[hbm4b:s19+s3] =	stream.linear.scatter [tilespmem:s10], [sflag:$0x4], $0x4000, $0x38;
	[tilespmem:$0x9180] =	vst v63  }
0x15f: {  	_ =	swait.ge [sflag:s4], $0x4000  }
0x160: {  	[sflag:s4] =	ssyncset.done $0x0  }
0x161: {  	[sflag:s4] =	ssyncadd.s32 $0xFFFFC000  }
0x162: {  	[tilespmem:s9], [sflag:$0x4] =	stream.linear.gather [hbm4b:s20+s3], $0x80, $0x38;
	[tilespmem:$0x9180] =	vst v63  }
0x163: {  	_ =	swait.ge [sflag:s4], $0x80  }
0x164: {  	[sflag:s4] =	ssyncset.done $0x0  }
0x165: {  	[sflag:s4] =	ssyncadd.s32 $0xFFFFFF80  }
0x166: {  	[tilespmem:s10], [sflag:$0x3] =	stream.indirect.gather [hbm4b:s2+s6], $0x80, s9, s6, $0xb8;
	[tilespmem:$0x9180] =	vst v63  }
0x167: {  	_ =	swait.ge [sflag:s11], $0x4000  }
0x168: {  	[sflag:s11] =	ssyncset.done $0x0  }
0x169: {  	[sflag:s11] =	ssyncadd.s32 $0xFFFFC000  }
0x16a: {  	[hbm4b:s21+s3] =	stream.linear.scatter [tilespmem:s8], [sflag:$0x4], $0x4000, $0x38;
	[tilespmem:$0x9180] =	vst v63  }
0x16b: {  	_ =	swait.ge [sflag:s4], $0x4000  }
0x16c: {  	[sflag:s4] =	ssyncset.done $0x0  }
0x16d: {  	[sflag:s4] =	ssyncadd.s32 $0xFFFFC000  }
0x16e: {  	[tilespmem:s7], [sflag:$0x4] =	stream.linear.gather [hbm4b:s22+s3], $0x80, $0x38;
	[tilespmem:$0x9180] =	vst v63  }
0x16f: {  	_ =	swait.ge [sflag:s4], $0x80  }
0x170: {  	[sflag:s4] =	ssyncset.done $0x0  }
0x171: {  	[sflag:s4] =	ssyncadd.s32 $0xFFFFFF80  }
0x172: {  	[tilespmem:s8], [sflag:$0x2] =	stream.indirect.gather [hbm4b:s2+s6], $0x80, s7, s6, $0xb8;
	[tilespmem:$0x9180] =	vst v63  }
0x173: {  	_ =	swait.ge [sflag:s12], $0x4000  }
0x174: {  	[sflag:s12] =	ssyncset.done $0x0  }
0x175: {  	[sflag:s12] =	ssyncadd.s32 $0xFFFFC000  }
0x176: {  	[hbm4b:s23+s3] =	stream.linear.scatter [tilespmem:s10], [sflag:$0x4], $0x4000, $0x38;
	[tilespmem:$0x9180] =	vst v63  }
0x177: {  	_ =	swait.ge [sflag:s4], $0x4000  }
0x178: {  	[sflag:s4] =	ssyncset.done $0x0  }
0x179: {  	[sflag:s4] =	ssyncadd.s32 $0xFFFFC000  }
0x17a: {  	[tilespmem:s9], [sflag:$0x4] =	stream.linear.gather [hbm4b:s24+s3], $0x80, $0x38;
	[tilespmem:$0x9180] =	vst v63  }
0x17b: {  	_ =	swait.ge [sflag:s4], $0x80  }
0x17c: {  	[sflag:s4] =	ssyncset.done $0x0  }
0x17d: {  	[sflag:s4] =	ssyncadd.s32 $0xFFFFFF80  }
0x17e: {  	[tilespmem:s10], [sflag:$0x3] =	stream.indirect.gather [hbm4b:s2+s6], $0x80, s9, s6, $0xb8;
	[tilespmem:$0x9180] =	vst v63  }
0x17f: {  	_ =	swait.ge [sflag:s11], $0x4000  }
0x180: {  	[sflag:s11] =	ssyncset.done $0x0  }
0x181: {  	[sflag:s11] =	ssyncadd.s32 $0xFFFFC000  }
0x182: {  	[hbm4b:s25+s3] =	stream.linear.scatter [tilespmem:s8], [sflag:$0x4], $0x4000, $0x38;
	[tilespmem:$0x9180] =	vst v63  }
0x183: {  	_ =	swait.ge [sflag:s4], $0x4000  }
0x184: {  	[sflag:s4] =	ssyncset.done $0x0  }
0x185: {  	[sflag:s4] =	ssyncadd.s32 $0xFFFFC000  }
0x186: {  	[tilespmem:s7], [sflag:$0x4] =	stream.linear.gather [hbm4b:s26+s3], $0x80, $0x38;
	[tilespmem:$0x9180] =	vst v63  }
0x187: {  	_ =	swait.ge [sflag:s4], $0x80  }
0x188: {  	[sflag:s4] =	ssyncset.done $0x0  }
0x189: {  	[sflag:s4] =	ssyncadd.s32 $0xFFFFFF80  }
0x18a: {  	[tilespmem:s8], [sflag:$0x2] =	stream.indirect.gather [hbm4b:s2+s6], $0x80, s7, s6, $0xb8;
	[tilespmem:$0x9180] =	vst v63  }
0x18b: {  	_ =	swait.ge [sflag:s12], $0x4000  }
0x18c: {  	[sflag:s12] =	ssyncset.done $0x0  }
0x18d: {  	[sflag:s12] =	ssyncadd.s32 $0xFFFFC000  }
0x18e: {  	[hbm4b:s28+s3] =	stream.linear.scatter [tilespmem:s10], [sflag:$0x4], $0x4000, $0x38;
	[tilespmem:$0x9180] =	vst v63  }
0x18f: {  	_ =	swait.ge [sflag:s4], $0x4000  }
0x190: {  	[sflag:s4] =	ssyncset.done $0x0  }
0x191: {  	[sflag:s4] =	ssyncadd.s32 $0xFFFFC000  }
0x192: {  	_ =	swait.ge [sflag:s11], $0x4000  }
0x193: {  	[sflag:s11] =	ssyncset.done $0x0  }
0x194: {  	[sflag:s11] =	ssyncadd.s32 $0xFFFFC000  }
0x195: {  	[hbm4b:s29+s3] =	stream.linear.scatter [tilespmem:s8], [sflag:$0x4], $0x4000, $0x38;
	[tilespmem:$0x9180] =	vst v63  }
0x196: {  	_ =	swait.ge [sflag:s4], $0x4000  }
0x197: {  	[sflag:s4] =	ssyncset.done $0x0  }
0x198: {  	p0 =	sne.s32 s0, $0x1;
	[sflag:s4] =	ssyncadd.s32 $0xFFFFC000  }
.Ltmp1:
0x199: {  	_ =	swait.ge [sflag:s30], $0x1000;
	(pc) =	sbr.rel @p0 .LBB2_1-.Ltmp1, $4  }
0x19a: {  	[sflag:s30] =	ssyncset.done $0x0  }
0x19b: {  	[sflag:s30] =	ssyncadd.s32 $0xFFFFF000  }
0x19c: {  	[hbm4b:s31+s3] =	stream.linear.scatter [tilespmem:s6], [sflag:$0x4], $0x1000, $0x38;
	[tilespmem:$0x9180] =	vst v63  }
0x19d: {  	s0 =	sadd.s32 $0xFFFFFFFF, s0;
	_ =	swait.ge [sflag:s4], $0x1000  }
.LBB2_2:
0x19e: {  	[sflag:s4] =	ssyncset.done $0x0  }
0x19f: {  	[sflag:s4] =	ssyncadd.s32 $0xFFFFF000  }
0x1a0: {  	_ =	sfence.sel $0x180000  }
0x1a1: {  	[bflag:$0x0] =	sbarrier.arrive $0xFFFF  }
0x1a2: {  	_ =	strace $0x9000004D  }
0x1a3: {  	s0 =	stileid.u32;
	[bflag:$0x2] =	sbarrier.arrive $0xFFFF  }
0x1a4: {  	p0 =	sne.s32 s0, $0x0;
	s0 =	rddreg [dreg:$0x4]  }
0x1a5: {  	s0 =	sadd.s32 @!p0 $0x100000, s0  }
0x1a6: {  	[sflag:s0] =	ssyncadd.tile.s32 @!p0 $0x1;
	_ =	shalt  }
.Lfunc_end2:
_tile_overlayer_lowered:
.L_overlay_start_2:
0x1a7: {  	(tag) =	ssettag $0x2  }
0x1a8: {  	s0 =	rddreg [dreg:$0x0];
	s2 =	stileid.u32  }
0x1a9: {  	s1 =	rddreg [dreg:$0x1];
	p0 =	sne.s32 s2, $0x0  }
0x1aa: {  	s3 =	rddreg [dreg:$0x2];
	[bflag:$0x3] =	sbarrier.arrive $0xFFFF;
	s2 =	simm.s32 @!p0 $0x1C04  }
0x1ab: {  	[timem:s3], [sflag:s2] =	dma.local @!p0 [hbm:s0], s1  }
0x1ac: {  	s0 =	simm.s32 @!p0 $0x4  }
0x1ad: {  	_ =	swait.ge @!p0 [sflag:s0], s1  }
0x1ae: {  	s1 =	ssub.s32 @!p0 $0x0, s1;
	[sflag:s0] =	ssyncset.done @!p0 $0x0  }
0x1af: {  	[sflag:s0] =	ssyncadd.s32 @!p0 s1  }
0x1b0: {  	[bflag:$0x3] =	sbarrier.arrive $0xFFFF  }
0x1b1: {  	_ =	shalt  }

</sc_bundles>
